<compile_context>
chip_gen: v7x
topology: tpu7x:2x2x1
jax: 0.10.2.dev20260603
libtpu: 0.0.44.dev20260713+nightly
codegen_flags: <defaults>
</compile_context>

<pallas_src>
import functools

import jax
import jax.numpy as jnp
import numpy as np
from jax import lax
from jax.experimental import pallas as pl
from jax.experimental.pallas import tpu as pltpu
from jax.experimental.pallas import tpu_sc as plsc

B = 16384
F = 26
D = 16
OBS = 32
FIELD = 100000
R = 2600000
_OFFSETS = np.arange(F, dtype=np.int32) * FIELD

NC = 2
NS = 16
NW = NC * NS
SPW = B // NW
C = 64
CF = C * F
NCHUNK = SPW // C


def _body(xi_hbm, x0_hbm, x1_hbm, xio_hbm, xuo_hbm,
          emb_hbm, lin_hbm, item_hbm, user_hbm, out_hbm,
          idx_v, i0_v, i1_v, i0w_v, i0so_v, i1w_v, i1so_v,
          emb_v, ldst_v, ow_it, ow_us, xio_v, xuo_v, out_v, stage_v,
          sem1, sem2, sem3, sem4):
  wid = lax.axis_index("s") * NC + lax.axis_index("c")
  base = wid * SPW
  lane = jnp.arange(16, dtype=jnp.int32)
  zcol = jnp.zeros((16,), jnp.int32)

  def chunk_body(c, _):
    off = base + c * C
    pltpu.sync_copy(xi_hbm.at[pl.ds(off * F, CF)], idx_v)
    pltpu.sync_copy(x0_hbm.at[pl.ds(off, C)], i0_v)
    pltpu.sync_copy(x1_hbm.at[pl.ds(off, C)], i1_v)
    pltpu.sync_copy(xio_hbm.at[pl.ds(off * OBS, C * OBS)], xio_v)
    pltpu.sync_copy(xuo_hbm.at[pl.ds(off * OBS, C * OBS)], xuo_v)

    for q in range(C // 16):
      v0 = i0_v[pl.ds(q * 16, 16)]
      i0w_v[pl.ds(q * 16, 16)] = v0 >> 2
      i0so_v[pl.ds(q * 16, 16)] = (v0 & 3) << 5
      v1 = i1_v[pl.ds(q * 16, 16)]
      i1w_v[pl.ds(q * 16, 16)] = v1 >> 2
      i1so_v[pl.ds(q * 16, 16)] = (v1 & 3) << 5

    cp1 = pltpu.async_copy(emb_hbm.at[idx_v], emb_v, sem1)
    cp2 = pltpu.async_copy(lin_hbm.at[idx_v], ldst_v, sem2)
    cp3 = pltpu.async_copy(item_hbm.at[i0w_v], ow_it, sem3)
    cp4 = pltpu.async_copy(user_hbm.at[i1w_v], ow_us, sem4)
    cp1.wait()
    cp2.wait()
    cp3.wait()
    cp4.wait()

    def group_body(g, _):
      o0v = i0so_v[pl.ds(g * 16, 16)]
      o1v = i1so_v[pl.ds(g * 16, 16)]
      for s in range(16):
        i = g * 16 + s
        k = i * F
        r0 = emb_v[k, :]
        acc = r0
        acc2 = r0 * r0
        for f in range(1, F):
          r = emb_v[k + f, :]
          acc = acc + r
          acc2 = acc2 + r * r
        val = 0.5 * (acc * acc - acc2)
        o0 = o0v[s]
        o1 = o1v[s]
        val = val + ow_it[i, pl.ds(o0, 16)] * xio_v[pl.ds(i * OBS, 16)]
        val = val + ow_it[i, pl.ds(o0 + 16, 16)] * xio_v[pl.ds(i * OBS + 16, 16)]
        val = val + ow_us[i, pl.ds(o1, 16)] * xuo_v[pl.ds(i * OBS, 16)]
        val = val + ow_us[i, pl.ds(o1 + 16, 16)] * xuo_v[pl.ds(i * OBS + 16, 16)]
        stage_v[s, :] = val

      tv = plsc.load_gather(stage_v, [lane, zcol])
      for d in range(1, D):
        tv = tv + plsc.load_gather(stage_v, [lane, zcol + d])
      row = (g * 16 + lane) * F
      for f in range(F):
        tv = tv + plsc.load_gather(ldst_v, [row + f])
      out_v[pl.ds(g * 16, 16)] = 1.0 / (1.0 + jnp.exp(-tv))
      return 0

    lax.fori_loop(0, C // 16, group_body, 0)
    pltpu.sync_copy(out_v, out_hbm.at[pl.ds(off, C)])
    return 0

  lax.fori_loop(0, NCHUNK, chunk_body, 0)


@jax.jit
def _sc_call(xi, x0, x1, xiof, xuof, emb_rm, lin_t, item_rm, user_rm):
  mesh = plsc.VectorSubcoreMesh(core_axis_name="c", subcore_axis_name="s",
                                num_cores=NC, num_subcores=NS)
  return pl.kernel(
      _body,
      out_type=jax.ShapeDtypeStruct((B,), jnp.float32),
      mesh=mesh,
      compiler_params=pltpu.CompilerParams(needs_layout_passes=False,
                                           use_tc_tiling_on_sc=False),
      scratch_types=[
          pltpu.VMEM((CF,), jnp.int32),
          pltpu.VMEM((C,), jnp.int32),
          pltpu.VMEM((C,), jnp.int32),
          pltpu.VMEM((C,), jnp.int32),
          pltpu.VMEM((C,), jnp.int32),
          pltpu.VMEM((C,), jnp.int32),
          pltpu.VMEM((C,), jnp.int32),
          pltpu.VMEM((CF, D), jnp.float32),
          pltpu.VMEM((CF,), jnp.float32),
          pltpu.VMEM((C, 128), jnp.float32),
          pltpu.VMEM((C, 128), jnp.float32),
          pltpu.VMEM((C * OBS,), jnp.float32),
          pltpu.VMEM((C * OBS,), jnp.float32),
          pltpu.VMEM((C,), jnp.float32),
          pltpu.VMEM((16, 16), jnp.float32),
          pltpu.SemaphoreType.DMA,
          pltpu.SemaphoreType.DMA,
          pltpu.SemaphoreType.DMA,
          pltpu.SemaphoreType.DMA,
      ],
  )(xi, x0, x1, xiof, xuof, emb_rm, lin_t, item_rm, user_rm)


_TBLK = 16384


def _tr_body(in_ref, out_ref, *, d):
  t = jnp.transpose(in_ref[...])
  g = 128 // d
  t3 = t.reshape(_TBLK // g, g, d)
  out_ref[...] = jnp.concatenate([t3[:, j, :] for j in range(g)], axis=1)


def _to_wide(table_t, d, rows):
  g = 128 // d
  nblk = -(-rows // _TBLK)
  return pl.pallas_call(
      functools.partial(_tr_body, d=d),
      grid=(nblk,),
      in_specs=[pl.BlockSpec((d, _TBLK), lambda i: (0, i))],
      out_specs=pl.BlockSpec((_TBLK // g, 128), lambda i: (i, 0)),
      out_shape=jax.ShapeDtypeStruct((rows * d // 128, 128), jnp.float32),
  )(table_t)


def _to_rowmajor(table_t, d, rows):
  return _to_wide(table_t, d, rows).reshape(rows, d)


def _sq_body(in_ref, out_ref):
  out_ref[...] = jnp.squeeze(in_ref[...], 0)


def _lin_flat(lin_t):
  nblk = -(-R // _TBLK)
  return pl.pallas_call(
      _sq_body,
      grid=(nblk,),
      in_specs=[pl.BlockSpec((1, _TBLK), lambda i: (0, i))],
      out_specs=pl.BlockSpec((_TBLK,), lambda i: (i,)),
      out_shape=jax.ShapeDtypeStruct((R,), jnp.float32),
  )(lin_t)


def kernel(x, x_item_obs, x_user_obs, emb_table, lin_table,
           obs_item_table, obs_user_table):
  xi = (x + _OFFSETS[None, :]).reshape(-1)
  return _sc_call(xi, x[:, 0], x[:, 1],
                  x_item_obs.reshape(-1), x_user_obs.reshape(-1),
                  _to_rowmajor(emb_table.T, D, R),
                  _lin_flat(lin_table.T),
                  _to_wide(obs_item_table.T, OBS, FIELD),
                  _to_wide(obs_user_table.T, OBS, FIELD))

# --- scband reference (transcript-rebuilt; emitter-appended) ---
"""Pipeline reference for scband-embeddings-model-60705067761976 (READ-ONLY COPY).

The authoritative reference and input builder live on the scoring server;
editing this copy changes nothing except your own understanding.
"""

import jax, jax.numpy as jnp
import numpy as np

FIELD_DIMS = [100000] * 26
EMBED_DIM = 16
OBS_ITEM_DIMS = 32
OBS_USER_DIMS = 32
BATCH = 16384
TOTAL_ROWS = int(np.sum(FIELD_DIMS))
OFFSETS = jnp.asarray(np.concatenate(([0], np.cumsum(FIELD_DIMS)[:-1])).astype(np.int32))


def setup_inputs(seed: int = 0) -> dict:
    key = jax.random.key(seed)
    k1, k2, k3, k4, k5, k6, k7 = jax.random.split(key, 7)
    x = jax.random.randint(k1, (BATCH, 26), 0, 100000, dtype=jnp.int32)
    x_item_obs = jax.random.normal(k2, (BATCH, OBS_ITEM_DIMS), dtype=jnp.float32)
    x_user_obs = jax.random.normal(k3, (BATCH, OBS_USER_DIMS), dtype=jnp.float32)
    emb_table = jax.random.normal(k4, (TOTAL_ROWS, EMBED_DIM), dtype=jnp.float32) * 0.01
    lin_table = jax.random.normal(k5, (TOTAL_ROWS, 1), dtype=jnp.float32) * 0.01
    obs_item_table = jax.random.normal(k6, (FIELD_DIMS[0], OBS_ITEM_DIMS), dtype=jnp.float32) * 0.01
    obs_user_table = jax.random.normal(k7, (FIELD_DIMS[1], OBS_USER_DIMS), dtype=jnp.float32) * 0.01
    return {"x": x, "x_item_obs": x_item_obs, "x_user_obs": x_user_obs,
            "emb_table": emb_table, "lin_table": lin_table,
            "obs_item_table": obs_item_table, "obs_user_table": obs_user_table}


def reference(x, x_item_obs, x_user_obs, emb_table, lin_table, obs_item_table, obs_user_table):
    # FeaturesEmbedding: add per-field offsets, gather rows
    xi = x + OFFSETS[None, :]                      # (B, 26)
    emb = jnp.take(emb_table, xi, axis=0)          # (B, 26, 16)
    # FeaturesLinear (bias=False): sum of per-field scalar weights
    lin = jnp.sum(jnp.take(lin_table, xi, axis=0), axis=1)   # (B, 1)
    # FactorizationMachine with reduce_sum=True
    sum_of_emb = jnp.sum(emb, axis=1)              # (B, 16)
    sum_of_sq = jnp.sum(emb * emb, axis=1)         # (B, 16)
    fm = 0.5 * jnp.sum(sum_of_emb * sum_of_emb - sum_of_sq, axis=1, keepdims=True)  # (B, 1)
    y = lin + fm
    # obs part: field 0 (item) and field 1 (user); their sub-embeddings have offset 0
    item_coeff = jnp.take(obs_item_table, x[:, 0], axis=0)   # (B, 32)
    user_coeff = jnp.take(obs_user_table, x[:, 1], axis=0)   # (B, 32)
    z = (jnp.sum(item_coeff * x_item_obs, axis=1, keepdims=True)
         + jnp.sum(user_coeff * x_user_obs, axis=1, keepdims=True))  # (B, 1)
    ans = y + z
    return jax.nn.sigmoid(jnp.squeeze(ans, axis=1))           # (B,)


if False:  # reference __main__ guard neutralized (emitter)
    out = reference(**setup_inputs())
    print(out.shape, out.dtype)

if __name__ == "__main__":
    import jax
    _d = setup_inputs()
    print(jax.jit(kernel)(*tuple(_d.values())))

</pallas_src>

<mosaic_0001>
#map = affine_map<(d0, d1) -> (0)>
#map1 = affine_map<(d0, d1) -> (0, 0)>
module attributes {stable_mosaic.version = 14 : i64} {
  func.func @_body(%arg0: i32, %arg1: i32, %arg2: memref<425984xi32, #tpu.memory_space<hbm>>, %arg3: memref<16384xi32, #tpu.memory_space<hbm>>, %arg4: memref<16384xi32, #tpu.memory_space<hbm>>, %arg5: memref<524288xf32, #tpu.memory_space<hbm>>, %arg6: memref<524288xf32, #tpu.memory_space<hbm>>, %arg7: memref<2600000x16xf32, #tpu.memory_space<hbm>>, %arg8: memref<2600000xf32, #tpu.memory_space<hbm>>, %arg9: memref<25000x128xf32, #tpu.memory_space<hbm>>, %arg10: memref<25000x128xf32, #tpu.memory_space<hbm>>, %arg11: memref<16384xf32, #tpu.memory_space<hbm>>, %arg12: memref<1664xi32, #tpu.memory_space<vmem>>, %arg13: memref<64xi32, #tpu.memory_space<vmem>>, %arg14: memref<64xi32, #tpu.memory_space<vmem>>, %arg15: memref<64xi32, #tpu.memory_space<vmem>>, %arg16: memref<64xi32, #tpu.memory_space<vmem>>, %arg17: memref<64xi32, #tpu.memory_space<vmem>>, %arg18: memref<64xi32, #tpu.memory_space<vmem>>, %arg19: memref<1664x16xf32, #tpu.memory_space<vmem>>, %arg20: memref<1664xf32, #tpu.memory_space<vmem>>, %arg21: memref<64x128xf32, #tpu.memory_space<vmem>>, %arg22: memref<64x128xf32, #tpu.memory_space<vmem>>, %arg23: memref<2048xf32, #tpu.memory_space<vmem>>, %arg24: memref<2048xf32, #tpu.memory_space<vmem>>, %arg25: memref<64xf32, #tpu.memory_space<vmem>>, %arg26: memref<16x16xf32, #tpu.memory_space<vmem>>, %arg27: memref<!tpu.dma_semaphore, #tpu.memory_space<semaphore_mem>>, %arg28: memref<!tpu.dma_semaphore, #tpu.memory_space<semaphore_mem>>, %arg29: memref<!tpu.dma_semaphore, #tpu.memory_space<semaphore_mem>>, %arg30: memref<!tpu.dma_semaphore, #tpu.memory_space<semaphore_mem>>) attributes {dimension_semantics = [#tpu.dimension_semantics<core_parallel>, #tpu.dimension_semantics<subcore_parallel>], iteration_bounds = array<i64: 2, 16>, scalar_prefetch = 0 : i64, scratch_operands = 19 : i64, tpu.core_type = #tpu.core_type<sc_vector_subcore>, window_params = [{transform_indices = #map}, {transform_indices = #map}, {transform_indices = #map}, {transform_indices = #map}, {transform_indices = #map}, {transform_indices = #map1}, {transform_indices = #map}, {transform_indices = #map1}, {transform_indices = #map1}, {transform_indices = #map}]} {
    %mul3A = arith.constant 2 : i32
    %mul3A_0 = arith.muli %arg1, %mul3A : i32
    %add3A = arith.addi %mul3A_0, %arg0 : i32
    %mul3A_1 = arith.constant 512 : i32
    %mul3A_2 = arith.muli %add3A, %mul3A_1 : i32
    %iota3A = tpu.iota {dimensions = array<i32: 0>} : vector<16xi32>
    %broadcast_in_dim3A = arith.constant 0 : i32
    %broadcast_in_dim3A_3 = vector.broadcast %broadcast_in_dim3A : i32 to vector<16xi32>
    %scan3A = arith.constant 0 : i32
    %scan3A_4 = arith.constant 0 : i32
    %scan3A_5 = arith.constant 8 : i32
    %scan3A_6 = arith.addi %scan3A_4, %scan3A_5 : i32
    %scan3A_7 = arith.constant 1 : i32
    %scan3A_8 = scf.for %scan3A_10 = %scan3A_4 to %scan3A_6 step %scan3A_7 iter_args(%scan3A_11 = %scan3A) -> (i32)  : i32 {
      %mul3A_12 = arith.constant 64 : i32
      %mul3A_13 = arith.muli %scan3A_10, %mul3A_12 : i32
      %add3A_14 = arith.addi %mul3A_2, %mul3A_13 : i32
      %mul3A_15 = arith.constant 26 : i32
      %mul3A_16 = arith.muli %add3A_14, %mul3A_15 : i32
      "tpu.region"() ({
        %run_scoped3A = tpu.sem_alloc : memref<!tpu.dma_semaphore, #tpu.memory_space<semaphore_mem>>
        %dma_start3A_164 = tpu.memref_slice %arg2[%mul3A_16] : memref<425984xi32, #tpu.memory_space<hbm>> -> memref<1664xi32, #tpu.memory_space<hbm>>
        %dma_start3A_165 = tpu.memref_slice %arg2[%mul3A_16] : memref<425984xi32, #tpu.memory_space<hbm>> -> memref<1664xi32, #tpu.memory_space<hbm>>
        tpu.enqueue_dma source(%dma_start3A_165 : memref<1664xi32, #tpu.memory_space<hbm>>) target(%arg12 : memref<1664xi32, #tpu.memory_space<vmem>>) target_semaphore(%run_scoped3A : memref<!tpu.dma_semaphore, #tpu.memory_space<semaphore_mem>>)
        %dma_wait3A_166 = tpu.memref_slice %arg2[%mul3A_16] : memref<425984xi32, #tpu.memory_space<hbm>> -> memref<1664xi32, #tpu.memory_space<hbm>>
        %dma_wait3A_167 = tpu.memref_slice %arg2[%mul3A_16] : memref<425984xi32, #tpu.memory_space<hbm>> -> memref<1664xi32, #tpu.memory_space<hbm>>
        tpu.wait_dma2 semaphore(%run_scoped3A : memref<!tpu.dma_semaphore, #tpu.memory_space<semaphore_mem>>) src(%dma_wait3A_167 : memref<1664xi32, #tpu.memory_space<hbm>>) dst(%arg12 : memref<1664xi32, #tpu.memory_space<vmem>>)
        tpu.yield
      }) : () -> ()
      "tpu.region"() ({
        %run_scoped3A = tpu.sem_alloc : memref<!tpu.dma_semaphore, #tpu.memory_space<semaphore_mem>>
        %dma_start3A_164 = tpu.memref_slice %arg3[%add3A_14] : memref<16384xi32, #tpu.memory_space<hbm>> -> memref<64xi32, #tpu.memory_space<hbm>>
        %dma_start3A_165 = tpu.memref_slice %arg3[%add3A_14] : memref<16384xi32, #tpu.memory_space<hbm>> -> memref<64xi32, #tpu.memory_space<hbm>>
        tpu.enqueue_dma source(%dma_start3A_165 : memref<64xi32, #tpu.memory_space<hbm>>) target(%arg13 : memref<64xi32, #tpu.memory_space<vmem>>) target_semaphore(%run_scoped3A : memref<!tpu.dma_semaphore, #tpu.memory_space<semaphore_mem>>)
        %dma_wait3A_166 = tpu.memref_slice %arg3[%add3A_14] : memref<16384xi32, #tpu.memory_space<hbm>> -> memref<64xi32, #tpu.memory_space<hbm>>
        %dma_wait3A_167 = tpu.memref_slice %arg3[%add3A_14] : memref<16384xi32, #tpu.memory_space<hbm>> -> memref<64xi32, #tpu.memory_space<hbm>>
        tpu.wait_dma2 semaphore(%run_scoped3A : memref<!tpu.dma_semaphore, #tpu.memory_space<semaphore_mem>>) src(%dma_wait3A_167 : memref<64xi32, #tpu.memory_space<hbm>>) dst(%arg13 : memref<64xi32, #tpu.memory_space<vmem>>)
        tpu.yield
      }) : () -> ()
      "tpu.region"() ({
        %run_scoped3A = tpu.sem_alloc : memref<!tpu.dma_semaphore, #tpu.memory_space<semaphore_mem>>
        %dma_start3A_164 = tpu.memref_slice %arg4[%add3A_14] : memref<16384xi32, #tpu.memory_space<hbm>> -> memref<64xi32, #tpu.memory_space<hbm>>
        %dma_start3A_165 = tpu.memref_slice %arg4[%add3A_14] : memref<16384xi32, #tpu.memory_space<hbm>> -> memref<64xi32, #tpu.memory_space<hbm>>
        tpu.enqueue_dma source(%dma_start3A_165 : memref<64xi32, #tpu.memory_space<hbm>>) target(%arg14 : memref<64xi32, #tpu.memory_space<vmem>>) target_semaphore(%run_scoped3A : memref<!tpu.dma_semaphore, #tpu.memory_space<semaphore_mem>>)
        %dma_wait3A_166 = tpu.memref_slice %arg4[%add3A_14] : memref<16384xi32, #tpu.memory_space<hbm>> -> memref<64xi32, #tpu.memory_space<hbm>>
        %dma_wait3A_167 = tpu.memref_slice %arg4[%add3A_14] : memref<16384xi32, #tpu.memory_space<hbm>> -> memref<64xi32, #tpu.memory_space<hbm>>
        tpu.wait_dma2 semaphore(%run_scoped3A : memref<!tpu.dma_semaphore, #tpu.memory_space<semaphore_mem>>) src(%dma_wait3A_167 : memref<64xi32, #tpu.memory_space<hbm>>) dst(%arg14 : memref<64xi32, #tpu.memory_space<vmem>>)
        tpu.yield
      }) : () -> ()
      %mul3A_17 = arith.constant 32 : i32
      %mul3A_18 = arith.muli %add3A_14, %mul3A_17 : i32
      "tpu.region"() ({
        %run_scoped3A = tpu.sem_alloc : memref<!tpu.dma_semaphore, #tpu.memory_space<semaphore_mem>>
        %dma_start3A_164 = tpu.memref_slice %arg5[%mul3A_18] : memref<524288xf32, #tpu.memory_space<hbm>> -> memref<2048xf32, #tpu.memory_space<hbm>>
        %dma_start3A_165 = tpu.memref_slice %arg5[%mul3A_18] : memref<524288xf32, #tpu.memory_space<hbm>> -> memref<2048xf32, #tpu.memory_space<hbm>>
        tpu.enqueue_dma source(%dma_start3A_165 : memref<2048xf32, #tpu.memory_space<hbm>>) target(%arg23 : memref<2048xf32, #tpu.memory_space<vmem>>) target_semaphore(%run_scoped3A : memref<!tpu.dma_semaphore, #tpu.memory_space<semaphore_mem>>)
        %dma_wait3A_166 = tpu.memref_slice %arg5[%mul3A_18] : memref<524288xf32, #tpu.memory_space<hbm>> -> memref<2048xf32, #tpu.memory_space<hbm>>
        %dma_wait3A_167 = tpu.memref_slice %arg5[%mul3A_18] : memref<524288xf32, #tpu.memory_space<hbm>> -> memref<2048xf32, #tpu.memory_space<hbm>>
        tpu.wait_dma2 semaphore(%run_scoped3A : memref<!tpu.dma_semaphore, #tpu.memory_space<semaphore_mem>>) src(%dma_wait3A_167 : memref<2048xf32, #tpu.memory_space<hbm>>) dst(%arg23 : memref<2048xf32, #tpu.memory_space<vmem>>)
        tpu.yield
      }) : () -> ()
      %mul3A_19 = arith.constant 32 : i32
      %mul3A_20 = arith.muli %add3A_14, %mul3A_19 : i32
      "tpu.region"() ({
        %run_scoped3A = tpu.sem_alloc : memref<!tpu.dma_semaphore, #tpu.memory_space<semaphore_mem>>
        %dma_start3A_164 = tpu.memref_slice %arg6[%mul3A_20] : memref<524288xf32, #tpu.memory_space<hbm>> -> memref<2048xf32, #tpu.memory_space<hbm>>
        %dma_start3A_165 = tpu.memref_slice %arg6[%mul3A_20] : memref<524288xf32, #tpu.memory_space<hbm>> -> memref<2048xf32, #tpu.memory_space<hbm>>
        tpu.enqueue_dma source(%dma_start3A_165 : memref<2048xf32, #tpu.memory_space<hbm>>) target(%arg24 : memref<2048xf32, #tpu.memory_space<vmem>>) target_semaphore(%run_scoped3A : memref<!tpu.dma_semaphore, #tpu.memory_space<semaphore_mem>>)
        %dma_wait3A_166 = tpu.memref_slice %arg6[%mul3A_20] : memref<524288xf32, #tpu.memory_space<hbm>> -> memref<2048xf32, #tpu.memory_space<hbm>>
        %dma_wait3A_167 = tpu.memref_slice %arg6[%mul3A_20] : memref<524288xf32, #tpu.memory_space<hbm>> -> memref<2048xf32, #tpu.memory_space<hbm>>
        tpu.wait_dma2 semaphore(%run_scoped3A : memref<!tpu.dma_semaphore, #tpu.memory_space<semaphore_mem>>) src(%dma_wait3A_167 : memref<2048xf32, #tpu.memory_space<hbm>>) dst(%arg24 : memref<2048xf32, #tpu.memory_space<vmem>>)
        tpu.yield
      }) : () -> ()
      %get3A = arith.constant 0 : index
      %get3A_21 = tpu.vector_load %arg13[%get3A] {strides = array<i32>} : memref<64xi32, #tpu.memory_space<vmem>>, vector<16xi32>,
      %shift_right_arithmetic3A = arith.constant 2 : i32
      %shift_right_arithmetic3A_22 = vector.broadcast %shift_right_arithmetic3A : i32 to vector<16xi32>
      %shift_right_arithmetic3A_23 = arith.shrsi %get3A_21, %shift_right_arithmetic3A_22 : vector<16xi32>
      %swap3A = arith.constant 0 : index
      %swap3A_24 = tpu.vector_load %arg15[%swap3A] {strides = array<i32>} : memref<64xi32, #tpu.memory_space<vmem>>, vector<16xi32>,
      tpu.vector_store %arg15[%swap3A], %shift_right_arithmetic3A_23 {strides = array<i32>} : memref<64xi32, #tpu.memory_space<vmem>>, vector<16xi32>,
      %and3A = arith.constant 3 : i32
      %and3A_25 = vector.broadcast %and3A : i32 to vector<16xi32>
      %and3A_26 = arith.andi %get3A_21, %and3A_25 : vector<16xi32>
      %shift_left3A = arith.constant 5 : i32
      %shift_left3A_27 = vector.broadcast %shift_left3A : i32 to vector<16xi32>
      %shift_left3A_28 = arith.shli %and3A_26, %shift_left3A_27 : vector<16xi32>
      %swap3A_29 = arith.constant 0 : index
      %swap3A_30 = tpu.vector_load %arg16[%swap3A_29] {strides = array<i32>} : memref<64xi32, #tpu.memory_space<vmem>>, vector<16xi32>,
      tpu.vector_store %arg16[%swap3A_29], %shift_left3A_28 {strides = array<i32>} : memref<64xi32, #tpu.memory_space<vmem>>, vector<16xi32>,
      %get3A_31 = arith.constant 0 : index
      %get3A_32 = tpu.vector_load %arg14[%get3A_31] {strides = array<i32>} : memref<64xi32, #tpu.memory_space<vmem>>, vector<16xi32>,
      %shift_right_arithmetic3A_33 = arith.constant 2 : i32
      %shift_right_arithmetic3A_34 = vector.broadcast %shift_right_arithmetic3A_33 : i32 to vector<16xi32>
      %shift_right_arithmetic3A_35 = arith.shrsi %get3A_32, %shift_right_arithmetic3A_34 : vector<16xi32>
      %swap3A_36 = arith.constant 0 : index
      %swap3A_37 = tpu.vector_load %arg17[%swap3A_36] {strides = array<i32>} : memref<64xi32, #tpu.memory_space<vmem>>, vector<16xi32>,
      tpu.vector_store %arg17[%swap3A_36], %shift_right_arithmetic3A_35 {strides = array<i32>} : memref<64xi32, #tpu.memory_space<vmem>>, vector<16xi32>,
      %and3A_38 = arith.constant 3 : i32
      %and3A_39 = vector.broadcast %and3A_38 : i32 to vector<16xi32>
      %and3A_40 = arith.andi %get3A_32, %and3A_39 : vector<16xi32>
      %shift_left3A_41 = arith.constant 5 : i32
      %shift_left3A_42 = vector.broadcast %shift_left3A_41 : i32 to vector<16xi32>
      %shift_left3A_43 = arith.shli %and3A_40, %shift_left3A_42 : vector<16xi32>
      %swap3A_44 = arith.constant 0 : index
      %swap3A_45 = tpu.vector_load %arg18[%swap3A_44] {strides = array<i32>} : memref<64xi32, #tpu.memory_space<vmem>>, vector<16xi32>,
      tpu.vector_store %arg18[%swap3A_44], %shift_left3A_43 {strides = array<i32>} : memref<64xi32, #tpu.memory_space<vmem>>, vector<16xi32>,
      %get3A_46 = arith.constant 16 : index
      %get3A_47 = tpu.vector_load %arg13[%get3A_46] {strides = array<i32>} : memref<64xi32, #tpu.memory_space<vmem>>, vector<16xi32>,
      %shift_right_arithmetic3A_48 = arith.constant 2 : i32
      %shift_right_arithmetic3A_49 = vector.broadcast %shift_right_arithmetic3A_48 : i32 to vector<16xi32>
      %shift_right_arithmetic3A_50 = arith.shrsi %get3A_47, %shift_right_arithmetic3A_49 : vector<16xi32>
      %swap3A_51 = arith.constant 16 : index
      %swap3A_52 = tpu.vector_load %arg15[%swap3A_51] {strides = array<i32>} : memref<64xi32, #tpu.memory_space<vmem>>, vector<16xi32>,
      tpu.vector_store %arg15[%swap3A_51], %shift_right_arithmetic3A_50 {strides = array<i32>} : memref<64xi32, #tpu.memory_space<vmem>>, vector<16xi32>,
      %and3A_53 = arith.constant 3 : i32
      %and3A_54 = vector.broadcast %and3A_53 : i32 to vector<16xi32>
      %and3A_55 = arith.andi %get3A_47, %and3A_54 : vector<16xi32>
      %shift_left3A_56 = arith.constant 5 : i32
      %shift_left3A_57 = vector.broadcast %shift_left3A_56 : i32 to vector<16xi32>
      %shift_left3A_58 = arith.shli %and3A_55, %shift_left3A_57 : vector<16xi32>
      %swap3A_59 = arith.constant 16 : index
      %swap3A_60 = tpu.vector_load %arg16[%swap3A_59] {strides = array<i32>} : memref<64xi32, #tpu.memory_space<vmem>>, vector<16xi32>,
      tpu.vector_store %arg16[%swap3A_59], %shift_left3A_58 {strides = array<i32>} : memref<64xi32, #tpu.memory_space<vmem>>, vector<16xi32>,
      %get3A_61 = arith.constant 16 : index
      %get3A_62 = tpu.vector_load %arg14[%get3A_61] {strides = array<i32>} : memref<64xi32, #tpu.memory_space<vmem>>, vector<16xi32>,
      %shift_right_arithmetic3A_63 = arith.constant 2 : i32
      %shift_right_arithmetic3A_64 = vector.broadcast %shift_right_arithmetic3A_63 : i32 to vector<16xi32>
      %shift_right_arithmetic3A_65 = arith.shrsi %get3A_62, %shift_right_arithmetic3A_64 : vector<16xi32>
      %swap3A_66 = arith.constant 16 : index
      %swap3A_67 = tpu.vector_load %arg17[%swap3A_66] {strides = array<i32>} : memref<64xi32, #tpu.memory_space<vmem>>, vector<16xi32>,
      tpu.vector_store %arg17[%swap3A_66], %shift_right_arithmetic3A_65 {strides = array<i32>} : memref<64xi32, #tpu.memory_space<vmem>>, vector<16xi32>,
      %and3A_68 = arith.constant 3 : i32
      %and3A_69 = vector.broadcast %and3A_68 : i32 to vector<16xi32>
      %and3A_70 = arith.andi %get3A_62, %and3A_69 : vector<16xi32>
      %shift_left3A_71 = arith.constant 5 : i32
      %shift_left3A_72 = vector.broadcast %shift_left3A_71 : i32 to vector<16xi32>
      %shift_left3A_73 = arith.shli %and3A_70, %shift_left3A_72 : vector<16xi32>
      %swap3A_74 = arith.constant 16 : index
      %swap3A_75 = tpu.vector_load %arg18[%swap3A_74] {strides = array<i32>} : memref<64xi32, #tpu.memory_space<vmem>>, vector<16xi32>,
      tpu.vector_store %arg18[%swap3A_74], %shift_left3A_73 {strides = array<i32>} : memref<64xi32, #tpu.memory_space<vmem>>, vector<16xi32>,
      %get3A_76 = arith.constant 32 : index
      %get3A_77 = tpu.vector_load %arg13[%get3A_76] {strides = array<i32>} : memref<64xi32, #tpu.memory_space<vmem>>, vector<16xi32>,
      %shift_right_arithmetic3A_78 = arith.constant 2 : i32
      %shift_right_arithmetic3A_79 = vector.broadcast %shift_right_arithmetic3A_78 : i32 to vector<16xi32>
      %shift_right_arithmetic3A_80 = arith.shrsi %get3A_77, %shift_right_arithmetic3A_79 : vector<16xi32>
      %swap3A_81 = arith.constant 32 : index
      %swap3A_82 = tpu.vector_load %arg15[%swap3A_81] {strides = array<i32>} : memref<64xi32, #tpu.memory_space<vmem>>, vector<16xi32>,
      tpu.vector_store %arg15[%swap3A_81], %shift_right_arithmetic3A_80 {strides = array<i32>} : memref<64xi32, #tpu.memory_space<vmem>>, vector<16xi32>,
      %and3A_83 = arith.constant 3 : i32
      %and3A_84 = vector.broadcast %and3A_83 : i32 to vector<16xi32>
      %and3A_85 = arith.andi %get3A_77, %and3A_84 : vector<16xi32>
      %shift_left3A_86 = arith.constant 5 : i32
      %shift_left3A_87 = vector.broadcast %shift_left3A_86 : i32 to vector<16xi32>
      %shift_left3A_88 = arith.shli %and3A_85, %shift_left3A_87 : vector<16xi32>
      %swap3A_89 = arith.constant 32 : index
      %swap3A_90 = tpu.vector_load %arg16[%swap3A_89] {strides = array<i32>} : memref<64xi32, #tpu.memory_space<vmem>>, vector<16xi32>,
      tpu.vector_store %arg16[%swap3A_89], %shift_left3A_88 {strides = array<i32>} : memref<64xi32, #tpu.memory_space<vmem>>, vector<16xi32>,
      %get3A_91 = arith.constant 32 : index
      %get3A_92 = tpu.vector_load %arg14[%get3A_91] {strides = array<i32>} : memref<64xi32, #tpu.memory_space<vmem>>, vector<16xi32>,
      %shift_right_arithmetic3A_93 = arith.constant 2 : i32
      %shift_right_arithmetic3A_94 = vector.broadcast %shift_right_arithmetic3A_93 : i32 to vector<16xi32>
      %shift_right_arithmetic3A_95 = arith.shrsi %get3A_92, %shift_right_arithmetic3A_94 : vector<16xi32>
      %swap3A_96 = arith.constant 32 : index
      %swap3A_97 = tpu.vector_load %arg17[%swap3A_96] {strides = array<i32>} : memref<64xi32, #tpu.memory_space<vmem>>, vector<16xi32>,
      tpu.vector_store %arg17[%swap3A_96], %shift_right_arithmetic3A_95 {strides = array<i32>} : memref<64xi32, #tpu.memory_space<vmem>>, vector<16xi32>,
      %and3A_98 = arith.constant 3 : i32
      %and3A_99 = vector.broadcast %and3A_98 : i32 to vector<16xi32>
      %and3A_100 = arith.andi %get3A_92, %and3A_99 : vector<16xi32>
      %shift_left3A_101 = arith.constant 5 : i32
      %shift_left3A_102 = vector.broadcast %shift_left3A_101 : i32 to vector<16xi32>
      %shift_left3A_103 = arith.shli %and3A_100, %shift_left3A_102 : vector<16xi32>
      %swap3A_104 = arith.constant 32 : index
      %swap3A_105 = tpu.vector_load %arg18[%swap3A_104] {strides = array<i32>} : memref<64xi32, #tpu.memory_space<vmem>>, vector<16xi32>,
      tpu.vector_store %arg18[%swap3A_104], %shift_left3A_103 {strides = array<i32>} : memref<64xi32, #tpu.memory_space<vmem>>, vector<16xi32>,
      %get3A_106 = arith.constant 48 : index
      %get3A_107 = tpu.vector_load %arg13[%get3A_106] {strides = array<i32>} : memref<64xi32, #tpu.memory_space<vmem>>, vector<16xi32>,
      %shift_right_arithmetic3A_108 = arith.constant 2 : i32
      %shift_right_arithmetic3A_109 = vector.broadcast %shift_right_arithmetic3A_108 : i32 to vector<16xi32>
      %shift_right_arithmetic3A_110 = arith.shrsi %get3A_107, %shift_right_arithmetic3A_109 : vector<16xi32>
      %swap3A_111 = arith.constant 48 : index
      %swap3A_112 = tpu.vector_load %arg15[%swap3A_111] {strides = array<i32>} : memref<64xi32, #tpu.memory_space<vmem>>, vector<16xi32>,
      tpu.vector_store %arg15[%swap3A_111], %shift_right_arithmetic3A_110 {strides = array<i32>} : memref<64xi32, #tpu.memory_space<vmem>>, vector<16xi32>,
      %and3A_113 = arith.constant 3 : i32
      %and3A_114 = vector.broadcast %and3A_113 : i32 to vector<16xi32>
      %and3A_115 = arith.andi %get3A_107, %and3A_114 : vector<16xi32>
      %shift_left3A_116 = arith.constant 5 : i32
      %shift_left3A_117 = vector.broadcast %shift_left3A_116 : i32 to vector<16xi32>
      %shift_left3A_118 = arith.shli %and3A_115, %shift_left3A_117 : vector<16xi32>
      %swap3A_119 = arith.constant 48 : index
      %swap3A_120 = tpu.vector_load %arg16[%swap3A_119] {strides = array<i32>} : memref<64xi32, #tpu.memory_space<vmem>>, vector<16xi32>,
      tpu.vector_store %arg16[%swap3A_119], %shift_left3A_118 {strides = array<i32>} : memref<64xi32, #tpu.memory_space<vmem>>, vector<16xi32>,
      %get3A_121 = arith.constant 48 : index
      %get3A_122 = tpu.vector_load %arg14[%get3A_121] {strides = array<i32>} : memref<64xi32, #tpu.memory_space<vmem>>, vector<16xi32>,
      %shift_right_arithmetic3A_123 = arith.constant 2 : i32
      %shift_right_arithmetic3A_124 = vector.broadcast %shift_right_arithmetic3A_123 : i32 to vector<16xi32>
      %shift_right_arithmetic3A_125 = arith.shrsi %get3A_122, %shift_right_arithmetic3A_124 : vector<16xi32>
      %swap3A_126 = arith.constant 48 : index
      %swap3A_127 = tpu.vector_load %arg17[%swap3A_126] {strides = array<i32>} : memref<64xi32, #tpu.memory_space<vmem>>, vector<16xi32>,
      tpu.vector_store %arg17[%swap3A_126], %shift_right_arithmetic3A_125 {strides = array<i32>} : memref<64xi32, #tpu.memory_space<vmem>>, vector<16xi32>,
      %and3A_128 = arith.constant 3 : i32
      %and3A_129 = vector.broadcast %and3A_128 : i32 to vector<16xi32>
      %and3A_130 = arith.andi %get3A_122, %and3A_129 : vector<16xi32>
      %shift_left3A_131 = arith.constant 5 : i32
      %shift_left3A_132 = vector.broadcast %shift_left3A_131 : i32 to vector<16xi32>
      %shift_left3A_133 = arith.shli %and3A_130, %shift_left3A_132 : vector<16xi32>
      %swap3A_134 = arith.constant 48 : index
      %swap3A_135 = tpu.vector_load %arg18[%swap3A_134] {strides = array<i32>} : memref<64xi32, #tpu.memory_space<vmem>>, vector<16xi32>,
      tpu.vector_store %arg18[%swap3A_134], %shift_left3A_133 {strides = array<i32>} : memref<64xi32, #tpu.memory_space<vmem>>, vector<16xi32>,
      %dma_start3A = arith.constant 0 : i32
      %dma_start3A_136 = arith.constant 0 : i32
      %dma_start3A_137 = tpu.memref_slice %arg7[%dma_start3A, %dma_start3A_136] : memref<2600000x16xf32, #tpu.memory_space<hbm>> -> memref<2600000x16xf32, #tpu.memory_space<hbm>>
      tpu.enqueue_indirect_dma source(%dma_start3A_137 : memref<2600000x16xf32, #tpu.memory_space<hbm>>) target(%arg19 : memref<1664x16xf32, #tpu.memory_space<vmem>>) offsets(%arg12 : memref<1664xi32, #tpu.memory_space<vmem>>) semaphore(%arg27 : memref<!tpu.dma_semaphore, #tpu.memory_space<semaphore_mem>>)
      %dma_start3A_138 = arith.constant 0 : i32
      %dma_start3A_139 = tpu.memref_slice %arg8[%dma_start3A_138] : memref<2600000xf32, #tpu.memory_space<hbm>> -> memref<2600000xf32, #tpu.memory_space<hbm>>
      tpu.enqueue_indirect_dma source(%dma_start3A_139 : memref<2600000xf32, #tpu.memory_space<hbm>>) target(%arg20 : memref<1664xf32, #tpu.memory_space<vmem>>) offsets(%arg12 : memref<1664xi32, #tpu.memory_space<vmem>>) semaphore(%arg28 : memref<!tpu.dma_semaphore, #tpu.memory_space<semaphore_mem>>)
      %dma_start3A_140 = arith.constant 0 : i32
      %dma_start3A_141 = arith.constant 0 : i32
      %dma_start3A_142 = tpu.memref_slice %arg9[%dma_start3A_140, %dma_start3A_141] : memref<25000x128xf32, #tpu.memory_space<hbm>> -> memref<25000x128xf32, #tpu.memory_space<hbm>>
      tpu.enqueue_indirect_dma source(%dma_start3A_142 : memref<25000x128xf32, #tpu.memory_space<hbm>>) target(%arg21 : memref<64x128xf32, #tpu.memory_space<vmem>>) offsets(%arg15 : memref<64xi32, #tpu.memory_space<vmem>>) semaphore(%arg29 : memref<!tpu.dma_semaphore, #tpu.memory_space<semaphore_mem>>)
      %dma_start3A_143 = arith.constant 0 : i32
      %dma_start3A_144 = arith.constant 0 : i32
      %dma_start3A_145 = tpu.memref_slice %arg10[%dma_start3A_143, %dma_start3A_144] : memref<25000x128xf32, #tpu.memory_space<hbm>> -> memref<25000x128xf32, #tpu.memory_space<hbm>>
      tpu.enqueue_indirect_dma source(%dma_start3A_145 : memref<25000x128xf32, #tpu.memory_space<hbm>>) target(%arg22 : memref<64x128xf32, #tpu.memory_space<vmem>>) offsets(%arg17 : memref<64xi32, #tpu.memory_space<vmem>>) semaphore(%arg30 : memref<!tpu.dma_semaphore, #tpu.memory_space<semaphore_mem>>)
      %dma_wait3A = arith.constant 0 : i32
      %dma_wait3A_146 = arith.constant 0 : i32
      %dma_wait3A_147 = tpu.memref_slice %arg7[%dma_wait3A, %dma_wait3A_146] : memref<2600000x16xf32, #tpu.memory_space<hbm>> -> memref<2600000x16xf32, #tpu.memory_space<hbm>>
      tpu.wait_indirect_dma semaphore(%arg27 : memref<!tpu.dma_semaphore, #tpu.memory_space<semaphore_mem>>) src(%dma_wait3A_147 : memref<2600000x16xf32, #tpu.memory_space<hbm>>) dst(%arg19 : memref<1664x16xf32, #tpu.memory_space<vmem>>)
      %dma_wait3A_148 = arith.constant 0 : i32
      %dma_wait3A_149 = tpu.memref_slice %arg8[%dma_wait3A_148] : memref<2600000xf32, #tpu.memory_space<hbm>> -> memref<2600000xf32, #tpu.memory_space<hbm>>
      tpu.wait_indirect_dma semaphore(%arg28 : memref<!tpu.dma_semaphore, #tpu.memory_space<semaphore_mem>>) src(%dma_wait3A_149 : memref<2600000xf32, #tpu.memory_space<hbm>>) dst(%arg20 : memref<1664xf32, #tpu.memory_space<vmem>>)
      %dma_wait3A_150 = arith.constant 0 : i32
      %dma_wait3A_151 = arith.constant 0 : i32
      %dma_wait3A_152 = tpu.memref_slice %arg9[%dma_wait3A_150, %dma_wait3A_151] : memref<25000x128xf32, #tpu.memory_space<hbm>> -> memref<25000x128xf32, #tpu.memory_space<hbm>>
      tpu.wait_indirect_dma semaphore(%arg29 : memref<!tpu.dma_semaphore, #tpu.memory_space<semaphore_mem>>) src(%dma_wait3A_152 : memref<25000x128xf32, #tpu.memory_space<hbm>>) dst(%arg21 : memref<64x128xf32, #tpu.memory_space<vmem>>)
      %dma_wait3A_153 = arith.constant 0 : i32
      %dma_wait3A_154 = arith.constant 0 : i32
      %dma_wait3A_155 = tpu.memref_slice %arg10[%dma_wait3A_153, %dma_wait3A_154] : memref<25000x128xf32, #tpu.memory_space<hbm>> -> memref<25000x128xf32, #tpu.memory_space<hbm>>
      tpu.wait_indirect_dma semaphore(%arg30 : memref<!tpu.dma_semaphore, #tpu.memory_space<semaphore_mem>>) src(%dma_wait3A_155 : memref<25000x128xf32, #tpu.memory_space<hbm>>) dst(%arg22 : memref<64x128xf32, #tpu.memory_space<vmem>>)
      %scan3A_156 = arith.constant 0 : i32
      %scan3A_157 = arith.constant 0 : i32
      %scan3A_158 = arith.constant 4 : i32
      %scan3A_159 = arith.addi %scan3A_157, %scan3A_158 : i32
      %scan3A_160 = arith.constant 1 : i32
      %scan3A_161 = scf.for %scan3A_164 = %scan3A_157 to %scan3A_159 step %scan3A_160 iter_args(%scan3A_165 = %scan3A_156) -> (i32)  : i32 {
        %mul3A_166 = arith.constant 16 : i32
        %mul3A_167 = arith.muli %scan3A_164, %mul3A_166 : i32
        %get3A_168 = arith.index_cast %mul3A_167 : i32 to index
        %get3A_169 = tpu.vector_load %arg16[%get3A_168] {strides = array<i32>} : memref<64xi32, #tpu.memory_space<vmem>>, vector<16xi32>,
        %mul3A_170 = arith.constant 16 : i32
        %mul3A_171 = arith.muli %scan3A_164, %mul3A_170 : i32
        %get3A_172 = arith.index_cast %mul3A_171 : i32 to index
        %get3A_173 = tpu.vector_load %arg18[%get3A_172] {strides = array<i32>} : memref<64xi32, #tpu.memory_space<vmem>>, vector<16xi32>,
        %mul3A_174 = arith.constant 16 : i32
        %mul3A_175 = arith.muli %scan3A_164, %mul3A_174 : i32
        %add3A_176 = arith.constant 0 : i32
        %add3A_177 = arith.addi %mul3A_175, %add3A_176 : i32
        %mul3A_178 = arith.constant 26 : i32
        %mul3A_179 = arith.muli %add3A_177, %mul3A_178 : i32
        %get3A_180 = arith.index_cast %mul3A_179 : i32 to index
        %get3A_181 = arith.constant 0 : index
        %get3A_182 = tpu.vector_load %arg19[%get3A_180, %get3A_181] {strides = array<i32>} : memref<1664x16xf32, #tpu.memory_space<vmem>>, vector<16xf32>,
        %mul3A_183 = arith.mulf %get3A_182, %get3A_182 : vector<16xf32>
        %add3A_184 = arith.constant 1 : i32
        %add3A_185 = arith.addi %mul3A_179, %add3A_184 : i32
        %get3A_186 = arith.index_cast %add3A_185 : i32 to index
        %get3A_187 = arith.constant 0 : index
        %get3A_188 = tpu.vector_load %arg19[%get3A_186, %get3A_187] {strides = array<i32>} : memref<1664x16xf32, #tpu.memory_space<vmem>>, vector<16xf32>,
        %add3A_189 = arith.addf %get3A_182, %get3A_188 : vector<16xf32>
        %mul3A_190 = arith.mulf %get3A_188, %get3A_188 : vector<16xf32>
        %add3A_191 = arith.addf %mul3A_183, %mul3A_190 : vector<16xf32>
        %add3A_192 = arith.constant 2 : i32
        %add3A_193 = arith.addi %mul3A_179, %add3A_192 : i32
        %get3A_194 = arith.index_cast %add3A_193 : i32 to index
        %get3A_195 = arith.constant 0 : index
        %get3A_196 = tpu.vector_load %arg19[%get3A_194, %get3A_195] {strides = array<i32>} : memref<1664x16xf32, #tpu.memory_space<vmem>>, vector<16xf32>,
        %add3A_197 = arith.addf %add3A_189, %get3A_196 : vector<16xf32>
        %mul3A_198 = arith.mulf %get3A_196, %get3A_196 : vector<16xf32>
        %add3A_199 = arith.addf %add3A_191, %mul3A_198 : vector<16xf32>
        %add3A_200 = arith.constant 3 : i32
        %add3A_201 = arith.addi %mul3A_179, %add3A_200 : i32
        %get3A_202 = arith.index_cast %add3A_201 : i32 to index
        %get3A_203 = arith.constant 0 : index
        %get3A_204 = tpu.vector_load %arg19[%get3A_202, %get3A_203] {strides = array<i32>} : memref<1664x16xf32, #tpu.memory_space<vmem>>, vector<16xf32>,
        %add3A_205 = arith.addf %add3A_197, %get3A_204 : vector<16xf32>
        %mul3A_206 = arith.mulf %get3A_204, %get3A_204 : vector<16xf32>
        %add3A_207 = arith.addf %add3A_199, %mul3A_206 : vector<16xf32>
        %add3A_208 = arith.constant 4 : i32
        %add3A_209 = arith.addi %mul3A_179, %add3A_208 : i32
        %get3A_210 = arith.index_cast %add3A_209 : i32 to index
        %get3A_211 = arith.constant 0 : index
        %get3A_212 = tpu.vector_load %arg19[%get3A_210, %get3A_211] {strides = array<i32>} : memref<1664x16xf32, #tpu.memory_space<vmem>>, vector<16xf32>,
        %add3A_213 = arith.addf %add3A_205, %get3A_212 : vector<16xf32>
        %mul3A_214 = arith.mulf %get3A_212, %get3A_212 : vector<16xf32>
        %add3A_215 = arith.addf %add3A_207, %mul3A_214 : vector<16xf32>
        %add3A_216 = arith.constant 5 : i32
        %add3A_217 = arith.addi %mul3A_179, %add3A_216 : i32
        %get3A_218 = arith.index_cast %add3A_217 : i32 to index
        %get3A_219 = arith.constant 0 : index
        %get3A_220 = tpu.vector_load %arg19[%get3A_218, %get3A_219] {strides = array<i32>} : memref<1664x16xf32, #tpu.memory_space<vmem>>, vector<16xf32>,
        %add3A_221 = arith.addf %add3A_213, %get3A_220 : vector<16xf32>
        %mul3A_222 = arith.mulf %get3A_220, %get3A_220 : vector<16xf32>
        %add3A_223 = arith.addf %add3A_215, %mul3A_222 : vector<16xf32>
        %add3A_224 = arith.constant 6 : i32
        %add3A_225 = arith.addi %mul3A_179, %add3A_224 : i32
        %get3A_226 = arith.index_cast %add3A_225 : i32 to index
        %get3A_227 = arith.constant 0 : index
        %get3A_228 = tpu.vector_load %arg19[%get3A_226, %get3A_227] {strides = array<i32>} : memref<1664x16xf32, #tpu.memory_space<vmem>>, vector<16xf32>,
        %add3A_229 = arith.addf %add3A_221, %get3A_228 : vector<16xf32>
        %mul3A_230 = arith.mulf %get3A_228, %get3A_228 : vector<16xf32>
        %add3A_231 = arith.addf %add3A_223, %mul3A_230 : vector<16xf32>
        %add3A_232 = arith.constant 7 : i32
        %add3A_233 = arith.addi %mul3A_179, %add3A_232 : i32
        %get3A_234 = arith.index_cast %add3A_233 : i32 to index
        %get3A_235 = arith.constant 0 : index
        %get3A_236 = tpu.vector_load %arg19[%get3A_234, %get3A_235] {strides = array<i32>} : memref<1664x16xf32, #tpu.memory_space<vmem>>, vector<16xf32>,
        %add3A_237 = arith.addf %add3A_229, %get3A_236 : vector<16xf32>
        %mul3A_238 = arith.mulf %get3A_236, %get3A_236 : vector<16xf32>
        %add3A_239 = arith.addf %add3A_231, %mul3A_238 : vector<16xf32>
        %add3A_240 = arith.constant 8 : i32
        %add3A_241 = arith.addi %mul3A_179, %add3A_240 : i32
        %get3A_242 = arith.index_cast %add3A_241 : i32 to index
        %get3A_243 = arith.constant 0 : index
        %get3A_244 = tpu.vector_load %arg19[%get3A_242, %get3A_243] {strides = array<i32>} : memref<1664x16xf32, #tpu.memory_space<vmem>>, vector<16xf32>,
        %add3A_245 = arith.addf %add3A_237, %get3A_244 : vector<16xf32>
        %mul3A_246 = arith.mulf %get3A_244, %get3A_244 : vector<16xf32>
        %add3A_247 = arith.addf %add3A_239, %mul3A_246 : vector<16xf32>
        %add3A_248 = arith.constant 9 : i32
        %add3A_249 = arith.addi %mul3A_179, %add3A_248 : i32
        %get3A_250 = arith.index_cast %add3A_249 : i32 to index
        %get3A_251 = arith.constant 0 : index
        %get3A_252 = tpu.vector_load %arg19[%get3A_250, %get3A_251] {strides = array<i32>} : memref<1664x16xf32, #tpu.memory_space<vmem>>, vector<16xf32>,
        %add3A_253 = arith.addf %add3A_245, %get3A_252 : vector<16xf32>
        %mul3A_254 = arith.mulf %get3A_252, %get3A_252 : vector<16xf32>
        %add3A_255 = arith.addf %add3A_247, %mul3A_254 : vector<16xf32>
        %add3A_256 = arith.constant 10 : i32
        %add3A_257 = arith.addi %mul3A_179, %add3A_256 : i32
        %get3A_258 = arith.index_cast %add3A_257 : i32 to index
        %get3A_259 = arith.constant 0 : index
        %get3A_260 = tpu.vector_load %arg19[%get3A_258, %get3A_259] {strides = array<i32>} : memref<1664x16xf32, #tpu.memory_space<vmem>>, vector<16xf32>,
        %add3A_261 = arith.addf %add3A_253, %get3A_260 : vector<16xf32>
        %mul3A_262 = arith.mulf %get3A_260, %get3A_260 : vector<16xf32>
        %add3A_263 = arith.addf %add3A_255, %mul3A_262 : vector<16xf32>
        %add3A_264 = arith.constant 11 : i32
        %add3A_265 = arith.addi %mul3A_179, %add3A_264 : i32
        %get3A_266 = arith.index_cast %add3A_265 : i32 to index
        %get3A_267 = arith.constant 0 : index
        %get3A_268 = tpu.vector_load %arg19[%get3A_266, %get3A_267] {strides = array<i32>} : memref<1664x16xf32, #tpu.memory_space<vmem>>, vector<16xf32>,
        %add3A_269 = arith.addf %add3A_261, %get3A_268 : vector<16xf32>
        %mul3A_270 = arith.mulf %get3A_268, %get3A_268 : vector<16xf32>
        %add3A_271 = arith.addf %add3A_263, %mul3A_270 : vector<16xf32>
        %add3A_272 = arith.constant 12 : i32
        %add3A_273 = arith.addi %mul3A_179, %add3A_272 : i32
        %get3A_274 = arith.index_cast %add3A_273 : i32 to index
        %get3A_275 = arith.constant 0 : index
        %get3A_276 = tpu.vector_load %arg19[%get3A_274, %get3A_275] {strides = array<i32>} : memref<1664x16xf32, #tpu.memory_space<vmem>>, vector<16xf32>,
        %add3A_277 = arith.addf %add3A_269, %get3A_276 : vector<16xf32>
        %mul3A_278 = arith.mulf %get3A_276, %get3A_276 : vector<16xf32>
        %add3A_279 = arith.addf %add3A_271, %mul3A_278 : vector<16xf32>
        %add3A_280 = arith.constant 13 : i32
        %add3A_281 = arith.addi %mul3A_179, %add3A_280 : i32
        %get3A_282 = arith.index_cast %add3A_281 : i32 to index
        %get3A_283 = arith.constant 0 : index
        %get3A_284 = tpu.vector_load %arg19[%get3A_282, %get3A_283] {strides = array<i32>} : memref<1664x16xf32, #tpu.memory_space<vmem>>, vector<16xf32>,
        %add3A_285 = arith.addf %add3A_277, %get3A_284 : vector<16xf32>
        %mul3A_286 = arith.mulf %get3A_284, %get3A_284 : vector<16xf32>
        %add3A_287 = arith.addf %add3A_279, %mul3A_286 : vector<16xf32>
        %add3A_288 = arith.constant 14 : i32
        %add3A_289 = arith.addi %mul3A_179, %add3A_288 : i32
        %get3A_290 = arith.index_cast %add3A_289 : i32 to index
        %get3A_291 = arith.constant 0 : index
        %get3A_292 = tpu.vector_load %arg19[%get3A_290, %get3A_291] {strides = array<i32>} : memref<1664x16xf32, #tpu.memory_space<vmem>>, vector<16xf32>,
        %add3A_293 = arith.addf %add3A_285, %get3A_292 : vector<16xf32>
        %mul3A_294 = arith.mulf %get3A_292, %get3A_292 : vector<16xf32>
        %add3A_295 = arith.addf %add3A_287, %mul3A_294 : vector<16xf32>
        %add3A_296 = arith.constant 15 : i32
        %add3A_297 = arith.addi %mul3A_179, %add3A_296 : i32
        %get3A_298 = arith.index_cast %add3A_297 : i32 to index
        %get3A_299 = arith.constant 0 : index
        %get3A_300 = tpu.vector_load %arg19[%get3A_298, %get3A_299] {strides = array<i32>} : memref<1664x16xf32, #tpu.memory_space<vmem>>, vector<16xf32>,
        %add3A_301 = arith.addf %add3A_293, %get3A_300 : vector<16xf32>
        %mul3A_302 = arith.mulf %get3A_300, %get3A_300 : vector<16xf32>
        %add3A_303 = arith.addf %add3A_295, %mul3A_302 : vector<16xf32>
        %add3A_304 = arith.constant 16 : i32
        %add3A_305 = arith.addi %mul3A_179, %add3A_304 : i32
        %get3A_306 = arith.index_cast %add3A_305 : i32 to index
        %get3A_307 = arith.constant 0 : index
        %get3A_308 = tpu.vector_load %arg19[%get3A_306, %get3A_307] {strides = array<i32>} : memref<1664x16xf32, #tpu.memory_space<vmem>>, vector<16xf32>,
        %add3A_309 = arith.addf %add3A_301, %get3A_308 : vector<16xf32>
        %mul3A_310 = arith.mulf %get3A_308, %get3A_308 : vector<16xf32>
        %add3A_311 = arith.addf %add3A_303, %mul3A_310 : vector<16xf32>
        %add3A_312 = arith.constant 17 : i32
        %add3A_313 = arith.addi %mul3A_179, %add3A_312 : i32
        %get3A_314 = arith.index_cast %add3A_313 : i32 to index
        %get3A_315 = arith.constant 0 : index
        %get3A_316 = tpu.vector_load %arg19[%get3A_314, %get3A_315] {strides = array<i32>} : memref<1664x16xf32, #tpu.memory_space<vmem>>, vector<16xf32>,
        %add3A_317 = arith.addf %add3A_309, %get3A_316 : vector<16xf32>
        %mul3A_318 = arith.mulf %get3A_316, %get3A_316 : vector<16xf32>
        %add3A_319 = arith.addf %add3A_311, %mul3A_318 : vector<16xf32>
        %add3A_320 = arith.constant 18 : i32
        %add3A_321 = arith.addi %mul3A_179, %add3A_320 : i32
        %get3A_322 = arith.index_cast %add3A_321 : i32 to index
        %get3A_323 = arith.constant 0 : index
        %get3A_324 = tpu.vector_load %arg19[%get3A_322, %get3A_323] {strides = array<i32>} : memref<1664x16xf32, #tpu.memory_space<vmem>>, vector<16xf32>,
        %add3A_325 = arith.addf %add3A_317, %get3A_324 : vector<16xf32>
        %mul3A_326 = arith.mulf %get3A_324, %get3A_324 : vector<16xf32>
        %add3A_327 = arith.addf %add3A_319, %mul3A_326 : vector<16xf32>
        %add3A_328 = arith.constant 19 : i32
        %add3A_329 = arith.addi %mul3A_179, %add3A_328 : i32
        %get3A_330 = arith.index_cast %add3A_329 : i32 to index
        %get3A_331 = arith.constant 0 : index
        %get3A_332 = tpu.vector_load %arg19[%get3A_330, %get3A_331] {strides = array<i32>} : memref<1664x16xf32, #tpu.memory_space<vmem>>, vector<16xf32>,
        %add3A_333 = arith.addf %add3A_325, %get3A_332 : vector<16xf32>
        %mul3A_334 = arith.mulf %get3A_332, %get3A_332 : vector<16xf32>
        %add3A_335 = arith.addf %add3A_327, %mul3A_334 : vector<16xf32>
        %add3A_336 = arith.constant 20 : i32
        %add3A_337 = arith.addi %mul3A_179, %add3A_336 : i32
        %get3A_338 = arith.index_cast %add3A_337 : i32 to index
        %get3A_339 = arith.constant 0 : index
        %get3A_340 = tpu.vector_load %arg19[%get3A_338, %get3A_339] {strides = array<i32>} : memref<1664x16xf32, #tpu.memory_space<vmem>>, vector<16xf32>,
        %add3A_341 = arith.addf %add3A_333, %get3A_340 : vector<16xf32>
        %mul3A_342 = arith.mulf %get3A_340, %get3A_340 : vector<16xf32>
        %add3A_343 = arith.addf %add3A_335, %mul3A_342 : vector<16xf32>
        %add3A_344 = arith.constant 21 : i32
        %add3A_345 = arith.addi %mul3A_179, %add3A_344 : i32
        %get3A_346 = arith.index_cast %add3A_345 : i32 to index
        %get3A_347 = arith.constant 0 : index
        %get3A_348 = tpu.vector_load %arg19[%get3A_346, %get3A_347] {strides = array<i32>} : memref<1664x16xf32, #tpu.memory_space<vmem>>, vector<16xf32>,
        %add3A_349 = arith.addf %add3A_341, %get3A_348 : vector<16xf32>
        %mul3A_350 = arith.mulf %get3A_348, %get3A_348 : vector<16xf32>
        %add3A_351 = arith.addf %add3A_343, %mul3A_350 : vector<16xf32>
        %add3A_352 = arith.constant 22 : i32
        %add3A_353 = arith.addi %mul3A_179, %add3A_352 : i32
        %get3A_354 = arith.index_cast %add3A_353 : i32 to index
        %get3A_355 = arith.constant 0 : index
        %get3A_356 = tpu.vector_load %arg19[%get3A_354, %get3A_355] {strides = array<i32>} : memref<1664x16xf32, #tpu.memory_space<vmem>>, vector<16xf32>,
        %add3A_357 = arith.addf %add3A_349, %get3A_356 : vector<16xf32>
        %mul3A_358 = arith.mulf %get3A_356, %get3A_356 : vector<16xf32>
        %add3A_359 = arith.addf %add3A_351, %mul3A_358 : vector<16xf32>
        %add3A_360 = arith.constant 23 : i32
        %add3A_361 = arith.addi %mul3A_179, %add3A_360 : i32
        %get3A_362 = arith.index_cast %add3A_361 : i32 to index
        %get3A_363 = arith.constant 0 : index
        %get3A_364 = tpu.vector_load %arg19[%get3A_362, %get3A_363] {strides = array<i32>} : memref<1664x16xf32, #tpu.memory_space<vmem>>, vector<16xf32>,
        %add3A_365 = arith.addf %add3A_357, %get3A_364 : vector<16xf32>
        %mul3A_366 = arith.mulf %get3A_364, %get3A_364 : vector<16xf32>
        %add3A_367 = arith.addf %add3A_359, %mul3A_366 : vector<16xf32>
        %add3A_368 = arith.constant 24 : i32
        %add3A_369 = arith.addi %mul3A_179, %add3A_368 : i32
        %get3A_370 = arith.index_cast %add3A_369 : i32 to index
        %get3A_371 = arith.constant 0 : index
        %get3A_372 = tpu.vector_load %arg19[%get3A_370, %get3A_371] {strides = array<i32>} : memref<1664x16xf32, #tpu.memory_space<vmem>>, vector<16xf32>,
        %add3A_373 = arith.addf %add3A_365, %get3A_372 : vector<16xf32>
        %mul3A_374 = arith.mulf %get3A_372, %get3A_372 : vector<16xf32>
        %add3A_375 = arith.addf %add3A_367, %mul3A_374 : vector<16xf32>
        %add3A_376 = arith.constant 25 : i32
        %add3A_377 = arith.addi %mul3A_179, %add3A_376 : i32
        %get3A_378 = arith.index_cast %add3A_377 : i32 to index
        %get3A_379 = arith.constant 0 : index
        %get3A_380 = tpu.vector_load %arg19[%get3A_378, %get3A_379] {strides = array<i32>} : memref<1664x16xf32, #tpu.memory_space<vmem>>, vector<16xf32>,
        %add3A_381 = arith.addf %add3A_373, %get3A_380 : vector<16xf32>
        %mul3A_382 = arith.mulf %get3A_380, %get3A_380 : vector<16xf32>
        %add3A_383 = arith.addf %add3A_375, %mul3A_382 : vector<16xf32>
        %mul3A_384 = arith.mulf %add3A_381, %add3A_381 : vector<16xf32>
        %sub3A = arith.subf %mul3A_384, %add3A_383 : vector<16xf32>
        %mul3A_385 = arith.constant 5.000000e-01 : f32
        %mul3A_386 = vector.broadcast %mul3A_385 : f32 to vector<16xf32>
        %mul3A_387 = arith.mulf %mul3A_386, %sub3A : vector<16xf32>
        %slice3A = vector.extract_strided_slice %get3A_169 {offsets = [0], sizes = [1], strides = [1]} : vector<16xi32> to vector<1xi32>
        %squeeze3A = vector.extract %slice3A[0] : i32 from vector<1xi32>
        %slice3A_388 = vector.extract_strided_slice %get3A_173 {offsets = [0], sizes = [1], strides = [1]} : vector<16xi32> to vector<1xi32>
        %squeeze3A_389 = vector.extract %slice3A_388[0] : i32 from vector<1xi32>
        %get3A_390 = arith.index_cast %add3A_177 : i32 to index
        %get3A_391 = arith.index_cast %squeeze3A : i32 to index
        %get3A_392 = tpu.vector_load %arg21[%get3A_390, %get3A_391] {strides = array<i32>} : memref<64x128xf32, #tpu.memory_space<vmem>>, vector<16xf32>,
        %mul3A_393 = arith.constant 32 : i32
        %mul3A_394 = arith.muli %add3A_177, %mul3A_393 : i32
        %get3A_395 = arith.index_cast %mul3A_394 : i32 to index
        %get3A_396 = tpu.vector_load %arg23[%get3A_395] {strides = array<i32>} : memref<2048xf32, #tpu.memory_space<vmem>>, vector<16xf32>,
        %mul3A_397 = arith.mulf %get3A_392, %get3A_396 : vector<16xf32>
        %add3A_398 = arith.addf %mul3A_387, %mul3A_397 : vector<16xf32>
        %add3A_399 = arith.constant 16 : i32
        %add3A_400 = arith.addi %squeeze3A, %add3A_399 : i32
        %get3A_401 = arith.index_cast %add3A_177 : i32 to index
        %get3A_402 = arith.index_cast %add3A_400 : i32 to index
        %get3A_403 = tpu.vector_load %arg21[%get3A_401, %get3A_402] {strides = array<i32>} : memref<64x128xf32, #tpu.memory_space<vmem>>, vector<16xf32>,
        %mul3A_404 = arith.constant 32 : i32
        %mul3A_405 = arith.muli %add3A_177, %mul3A_404 : i32
        %add3A_406 = arith.constant 16 : i32
        %add3A_407 = arith.addi %mul3A_405, %add3A_406 : i32
        %get3A_408 = arith.index_cast %add3A_407 : i32 to index
        %get3A_409 = tpu.vector_load %arg23[%get3A_408] {strides = array<i32>} : memref<2048xf32, #tpu.memory_space<vmem>>, vector<16xf32>,
        %mul3A_410 = arith.mulf %get3A_403, %get3A_409 : vector<16xf32>
        %add3A_411 = arith.addf %add3A_398, %mul3A_410 : vector<16xf32>
        %get3A_412 = arith.index_cast %add3A_177 : i32 to index
        %get3A_413 = arith.index_cast %squeeze3A_389 : i32 to index
        %get3A_414 = tpu.vector_load %arg22[%get3A_412, %get3A_413] {strides = array<i32>} : memref<64x128xf32, #tpu.memory_space<vmem>>, vector<16xf32>,
        %mul3A_415 = arith.constant 32 : i32
        %mul3A_416 = arith.muli %add3A_177, %mul3A_415 : i32
        %get3A_417 = arith.index_cast %mul3A_416 : i32 to index
        %get3A_418 = tpu.vector_load %arg24[%get3A_417] {strides = array<i32>} : memref<2048xf32, #tpu.memory_space<vmem>>, vector<16xf32>,
        %mul3A_419 = arith.mulf %get3A_414, %get3A_418 : vector<16xf32>
        %add3A_420 = arith.addf %add3A_411, %mul3A_419 : vector<16xf32>
        %add3A_421 = arith.constant 16 : i32
        %add3A_422 = arith.addi %squeeze3A_389, %add3A_421 : i32
        %get3A_423 = arith.index_cast %add3A_177 : i32 to index
        %get3A_424 = arith.index_cast %add3A_422 : i32 to index
        %get3A_425 = tpu.vector_load %arg22[%get3A_423, %get3A_424] {strides = array<i32>} : memref<64x128xf32, #tpu.memory_space<vmem>>, vector<16xf32>,
        %mul3A_426 = arith.constant 32 : i32
        %mul3A_427 = arith.muli %add3A_177, %mul3A_426 : i32
        %add3A_428 = arith.constant 16 : i32
        %add3A_429 = arith.addi %mul3A_427, %add3A_428 : i32
        %get3A_430 = arith.index_cast %add3A_429 : i32 to index
        %get3A_431 = tpu.vector_load %arg24[%get3A_430] {strides = array<i32>} : memref<2048xf32, #tpu.memory_space<vmem>>, vector<16xf32>,
        %mul3A_432 = arith.mulf %get3A_425, %get3A_431 : vector<16xf32>
        %add3A_433 = arith.addf %add3A_420, %mul3A_432 : vector<16xf32>
        %swap3A_434 = arith.constant 0 : i32
        %swap3A_435 = arith.index_cast %swap3A_434 : i32 to index
        %swap3A_436 = arith.constant 0 : index
        %swap3A_437 = tpu.vector_load %arg26[%swap3A_435, %swap3A_436] {strides = array<i32>} : memref<16x16xf32, #tpu.memory_space<vmem>>, vector<16xf32>,
        tpu.vector_store %arg26[%swap3A_435, %swap3A_436], %add3A_433 {strides = array<i32>} : memref<16x16xf32, #tpu.memory_space<vmem>>, vector<16xf32>,
        %mul3A_438 = arith.constant 16 : i32
        %mul3A_439 = arith.muli %scan3A_164, %mul3A_438 : i32
        %add3A_440 = arith.constant 1 : i32
        %add3A_441 = arith.addi %mul3A_439, %add3A_440 : i32
        %mul3A_442 = arith.constant 26 : i32
        %mul3A_443 = arith.muli %add3A_441, %mul3A_442 : i32
        %get3A_444 = arith.index_cast %mul3A_443 : i32 to index
        %get3A_445 = arith.constant 0 : index
        %get3A_446 = tpu.vector_load %arg19[%get3A_444, %get3A_445] {strides = array<i32>} : memref<1664x16xf32, #tpu.memory_space<vmem>>, vector<16xf32>,
        %mul3A_447 = arith.mulf %get3A_446, %get3A_446 : vector<16xf32>
        %add3A_448 = arith.constant 1 : i32
        %add3A_449 = arith.addi %mul3A_443, %add3A_448 : i32
        %get3A_450 = arith.index_cast %add3A_449 : i32 to index
        %get3A_451 = arith.constant 0 : index
        %get3A_452 = tpu.vector_load %arg19[%get3A_450, %get3A_451] {strides = array<i32>} : memref<1664x16xf32, #tpu.memory_space<vmem>>, vector<16xf32>,
        %add3A_453 = arith.addf %get3A_446, %get3A_452 : vector<16xf32>
        %mul3A_454 = arith.mulf %get3A_452, %get3A_452 : vector<16xf32>
        %add3A_455 = arith.addf %mul3A_447, %mul3A_454 : vector<16xf32>
        %add3A_456 = arith.constant 2 : i32
        %add3A_457 = arith.addi %mul3A_443, %add3A_456 : i32
        %get3A_458 = arith.index_cast %add3A_457 : i32 to index
        %get3A_459 = arith.constant 0 : index
        %get3A_460 = tpu.vector_load %arg19[%get3A_458, %get3A_459] {strides = array<i32>} : memref<1664x16xf32, #tpu.memory_space<vmem>>, vector<16xf32>,
        %add3A_461 = arith.addf %add3A_453, %get3A_460 : vector<16xf32>
        %mul3A_462 = arith.mulf %get3A_460, %get3A_460 : vector<16xf32>
        %add3A_463 = arith.addf %add3A_455, %mul3A_462 : vector<16xf32>
        %add3A_464 = arith.constant 3 : i32
        %add3A_465 = arith.addi %mul3A_443, %add3A_464 : i32
        %get3A_466 = arith.index_cast %add3A_465 : i32 to index
        %get3A_467 = arith.constant 0 : index
        %get3A_468 = tpu.vector_load %arg19[%get3A_466, %get3A_467] {strides = array<i32>} : memref<1664x16xf32, #tpu.memory_space<vmem>>, vector<16xf32>,
        %add3A_469 = arith.addf %add3A_461, %get3A_468 : vector<16xf32>
        %mul3A_470 = arith.mulf %get3A_468, %get3A_468 : vector<16xf32>
        %add3A_471 = arith.addf %add3A_463, %mul3A_470 : vector<16xf32>
        %add3A_472 = arith.constant 4 : i32
        %add3A_473 = arith.addi %mul3A_443, %add3A_472 : i32
        %get3A_474 = arith.index_cast %add3A_473 : i32 to index
        %get3A_475 = arith.constant 0 : index
        %get3A_476 = tpu.vector_load %arg19[%get3A_474, %get3A_475] {strides = array<i32>} : memref<1664x16xf32, #tpu.memory_space<vmem>>, vector<16xf32>,
        %add3A_477 = arith.addf %add3A_469, %get3A_476 : vector<16xf32>
        %mul3A_478 = arith.mulf %get3A_476, %get3A_476 : vector<16xf32>
        %add3A_479 = arith.addf %add3A_471, %mul3A_478 : vector<16xf32>
        %add3A_480 = arith.constant 5 : i32
        %add3A_481 = arith.addi %mul3A_443, %add3A_480 : i32
        %get3A_482 = arith.index_cast %add3A_481 : i32 to index
        %get3A_483 = arith.constant 0 : index
        %get3A_484 = tpu.vector_load %arg19[%get3A_482, %get3A_483] {strides = array<i32>} : memref<1664x16xf32, #tpu.memory_space<vmem>>, vector<16xf32>,
        %add3A_485 = arith.addf %add3A_477, %get3A_484 : vector<16xf32>
        %mul3A_486 = arith.mulf %get3A_484, %get3A_484 : vector<16xf32>
        %add3A_487 = arith.addf %add3A_479, %mul3A_486 : vector<16xf32>
        %add3A_488 = arith.constant 6 : i32
        %add3A_489 = arith.addi %mul3A_443, %add3A_488 : i32
        %get3A_490 = arith.index_cast %add3A_489 : i32 to index
        %get3A_491 = arith.constant 0 : index
        %get3A_492 = tpu.vector_load %arg19[%get3A_490, %get3A_491] {strides = array<i32>} : memref<1664x16xf32, #tpu.memory_space<vmem>>, vector<16xf32>,
        %add3A_493 = arith.addf %add3A_485, %get3A_492 : vector<16xf32>
        %mul3A_494 = arith.mulf %get3A_492, %get3A_492 : vector<16xf32>
        %add3A_495 = arith.addf %add3A_487, %mul3A_494 : vector<16xf32>
        %add3A_496 = arith.constant 7 : i32
        %add3A_497 = arith.addi %mul3A_443, %add3A_496 : i32
        %get3A_498 = arith.index_cast %add3A_497 : i32 to index
        %get3A_499 = arith.constant 0 : index
        %get3A_500 = tpu.vector_load %arg19[%get3A_498, %get3A_499] {strides = array<i32>} : memref<1664x16xf32, #tpu.memory_space<vmem>>, vector<16xf32>,
        %add3A_501 = arith.addf %add3A_493, %get3A_500 : vector<16xf32>
        %mul3A_502 = arith.mulf %get3A_500, %get3A_500 : vector<16xf32>
        %add3A_503 = arith.addf %add3A_495, %mul3A_502 : vector<16xf32>
        %add3A_504 = arith.constant 8 : i32
        %add3A_505 = arith.addi %mul3A_443, %add3A_504 : i32
        %get3A_506 = arith.index_cast %add3A_505 : i32 to index
        %get3A_507 = arith.constant 0 : index
        %get3A_508 = tpu.vector_load %arg19[%get3A_506, %get3A_507] {strides = array<i32>} : memref<1664x16xf32, #tpu.memory_space<vmem>>, vector<16xf32>,
        %add3A_509 = arith.addf %add3A_501, %get3A_508 : vector<16xf32>
        %mul3A_510 = arith.mulf %get3A_508, %get3A_508 : vector<16xf32>
        %add3A_511 = arith.addf %add3A_503, %mul3A_510 : vector<16xf32>
        %add3A_512 = arith.constant 9 : i32
        %add3A_513 = arith.addi %mul3A_443, %add3A_512 : i32
        %get3A_514 = arith.index_cast %add3A_513 : i32 to index
        %get3A_515 = arith.constant 0 : index
        %get3A_516 = tpu.vector_load %arg19[%get3A_514, %get3A_515] {strides = array<i32>} : memref<1664x16xf32, #tpu.memory_space<vmem>>, vector<16xf32>,
        %add3A_517 = arith.addf %add3A_509, %get3A_516 : vector<16xf32>
        %mul3A_518 = arith.mulf %get3A_516, %get3A_516 : vector<16xf32>
        %add3A_519 = arith.addf %add3A_511, %mul3A_518 : vector<16xf32>
        %add3A_520 = arith.constant 10 : i32
        %add3A_521 = arith.addi %mul3A_443, %add3A_520 : i32
        %get3A_522 = arith.index_cast %add3A_521 : i32 to index
        %get3A_523 = arith.constant 0 : index
        %get3A_524 = tpu.vector_load %arg19[%get3A_522, %get3A_523] {strides = array<i32>} : memref<1664x16xf32, #tpu.memory_space<vmem>>, vector<16xf32>,
        %add3A_525 = arith.addf %add3A_517, %get3A_524 : vector<16xf32>
        %mul3A_526 = arith.mulf %get3A_524, %get3A_524 : vector<16xf32>
        %add3A_527 = arith.addf %add3A_519, %mul3A_526 : vector<16xf32>
        %add3A_528 = arith.constant 11 : i32
        %add3A_529 = arith.addi %mul3A_443, %add3A_528 : i32
        %get3A_530 = arith.index_cast %add3A_529 : i32 to index
        %get3A_531 = arith.constant 0 : index
        %get3A_532 = tpu.vector_load %arg19[%get3A_530, %get3A_531] {strides = array<i32>} : memref<1664x16xf32, #tpu.memory_space<vmem>>, vector<16xf32>,
        %add3A_533 = arith.addf %add3A_525, %get3A_532 : vector<16xf32>
        %mul3A_534 = arith.mulf %get3A_532, %get3A_532 : vector<16xf32>
        %add3A_535 = arith.addf %add3A_527, %mul3A_534 : vector<16xf32>
        %add3A_536 = arith.constant 12 : i32
        %add3A_537 = arith.addi %mul3A_443, %add3A_536 : i32
        %get3A_538 = arith.index_cast %add3A_537 : i32 to index
        %get3A_539 = arith.constant 0 : index
        %get3A_540 = tpu.vector_load %arg19[%get3A_538, %get3A_539] {strides = array<i32>} : memref<1664x16xf32, #tpu.memory_space<vmem>>, vector<16xf32>,
        %add3A_541 = arith.addf %add3A_533, %get3A_540 : vector<16xf32>
        %mul3A_542 = arith.mulf %get3A_540, %get3A_540 : vector<16xf32>
        %add3A_543 = arith.addf %add3A_535, %mul3A_542 : vector<16xf32>
        %add3A_544 = arith.constant 13 : i32
        %add3A_545 = arith.addi %mul3A_443, %add3A_544 : i32
        %get3A_546 = arith.index_cast %add3A_545 : i32 to index
        %get3A_547 = arith.constant 0 : index
        %get3A_548 = tpu.vector_load %arg19[%get3A_546, %get3A_547] {strides = array<i32>} : memref<1664x16xf32, #tpu.memory_space<vmem>>, vector<16xf32>,
        %add3A_549 = arith.addf %add3A_541, %get3A_548 : vector<16xf32>
        %mul3A_550 = arith.mulf %get3A_548, %get3A_548 : vector<16xf32>
        %add3A_551 = arith.addf %add3A_543, %mul3A_550 : vector<16xf32>
        %add3A_552 = arith.constant 14 : i32
        %add3A_553 = arith.addi %mul3A_443, %add3A_552 : i32
        %get3A_554 = arith.index_cast %add3A_553 : i32 to index
        %get3A_555 = arith.constant 0 : index
        %get3A_556 = tpu.vector_load %arg19[%get3A_554, %get3A_555] {strides = array<i32>} : memref<1664x16xf32, #tpu.memory_space<vmem>>, vector<16xf32>,
        %add3A_557 = arith.addf %add3A_549, %get3A_556 : vector<16xf32>
        %mul3A_558 = arith.mulf %get3A_556, %get3A_556 : vector<16xf32>
        %add3A_559 = arith.addf %add3A_551, %mul3A_558 : vector<16xf32>
        %add3A_560 = arith.constant 15 : i32
        %add3A_561 = arith.addi %mul3A_443, %add3A_560 : i32
        %get3A_562 = arith.index_cast %add3A_561 : i32 to index
        %get3A_563 = arith.constant 0 : index
        %get3A_564 = tpu.vector_load %arg19[%get3A_562, %get3A_563] {strides = array<i32>} : memref<1664x16xf32, #tpu.memory_space<vmem>>, vector<16xf32>,
        %add3A_565 = arith.addf %add3A_557, %get3A_564 : vector<16xf32>
        %mul3A_566 = arith.mulf %get3A_564, %get3A_564 : vector<16xf32>
        %add3A_567 = arith.addf %add3A_559, %mul3A_566 : vector<16xf32>
        %add3A_568 = arith.constant 16 : i32
        %add3A_569 = arith.addi %mul3A_443, %add3A_568 : i32
        %get3A_570 = arith.index_cast %add3A_569 : i32 to index
        %get3A_571 = arith.constant 0 : index
        %get3A_572 = tpu.vector_load %arg19[%get3A_570, %get3A_571] {strides = array<i32>} : memref<1664x16xf32, #tpu.memory_space<vmem>>, vector<16xf32>,
        %add3A_573 = arith.addf %add3A_565, %get3A_572 : vector<16xf32>
        %mul3A_574 = arith.mulf %get3A_572, %get3A_572 : vector<16xf32>
        %add3A_575 = arith.addf %add3A_567, %mul3A_574 : vector<16xf32>
        %add3A_576 = arith.constant 17 : i32
        %add3A_577 = arith.addi %mul3A_443, %add3A_576 : i32
        %get3A_578 = arith.index_cast %add3A_577 : i32 to index
        %get3A_579 = arith.constant 0 : index
        %get3A_580 = tpu.vector_load %arg19[%get3A_578, %get3A_579] {strides = array<i32>} : memref<1664x16xf32, #tpu.memory_space<vmem>>, vector<16xf32>,
        %add3A_581 = arith.addf %add3A_573, %get3A_580 : vector<16xf32>
        %mul3A_582 = arith.mulf %get3A_580, %get3A_580 : vector<16xf32>
        %add3A_583 = arith.addf %add3A_575, %mul3A_582 : vector<16xf32>
        %add3A_584 = arith.constant 18 : i32
        %add3A_585 = arith.addi %mul3A_443, %add3A_584 : i32
        %get3A_586 = arith.index_cast %add3A_585 : i32 to index
        %get3A_587 = arith.constant 0 : index
        %get3A_588 = tpu.vector_load %arg19[%get3A_586, %get3A_587] {strides = array<i32>} : memref<1664x16xf32, #tpu.memory_space<vmem>>, vector<16xf32>,
        %add3A_589 = arith.addf %add3A_581, %get3A_588 : vector<16xf32>
        %mul3A_590 = arith.mulf %get3A_588, %get3A_588 : vector<16xf32>
        %add3A_591 = arith.addf %add3A_583, %mul3A_590 : vector<16xf32>
        %add3A_592 = arith.constant 19 : i32
        %add3A_593 = arith.addi %mul3A_443, %add3A_592 : i32
        %get3A_594 = arith.index_cast %add3A_593 : i32 to index
        %get3A_595 = arith.constant 0 : index
        %get3A_596 = tpu.vector_load %arg19[%get3A_594, %get3A_595] {strides = array<i32>} : memref<1664x16xf32, #tpu.memory_space<vmem>>, vector<16xf32>,
        %add3A_597 = arith.addf %add3A_589, %get3A_596 : vector<16xf32>
        %mul3A_598 = arith.mulf %get3A_596, %get3A_596 : vector<16xf32>
        %add3A_599 = arith.addf %add3A_591, %mul3A_598 : vector<16xf32>
        %add3A_600 = arith.constant 20 : i32
        %add3A_601 = arith.addi %mul3A_443, %add3A_600 : i32
        %get3A_602 = arith.index_cast %add3A_601 : i32 to index
        %get3A_603 = arith.constant 0 : index
        %get3A_604 = tpu.vector_load %arg19[%get3A_602, %get3A_603] {strides = array<i32>} : memref<1664x16xf32, #tpu.memory_space<vmem>>, vector<16xf32>,
        %add3A_605 = arith.addf %add3A_597, %get3A_604 : vector<16xf32>
        %mul3A_606 = arith.mulf %get3A_604, %get3A_604 : vector<16xf32>
        %add3A_607 = arith.addf %add3A_599, %mul3A_606 : vector<16xf32>
        %add3A_608 = arith.constant 21 : i32
        %add3A_609 = arith.addi %mul3A_443, %add3A_608 : i32
        %get3A_610 = arith.index_cast %add3A_609 : i32 to index
        %get3A_611 = arith.constant 0 : index
        %get3A_612 = tpu.vector_load %arg19[%get3A_610, %get3A_611] {strides = array<i32>} : memref<1664x16xf32, #tpu.memory_space<vmem>>, vector<16xf32>,
        %add3A_613 = arith.addf %add3A_605, %get3A_612 : vector<16xf32>
        %mul3A_614 = arith.mulf %get3A_612, %get3A_612 : vector<16xf32>
        %add3A_615 = arith.addf %add3A_607, %mul3A_614 : vector<16xf32>
        %add3A_616 = arith.constant 22 : i32
        %add3A_617 = arith.addi %mul3A_443, %add3A_616 : i32
        %get3A_618 = arith.index_cast %add3A_617 : i32 to index
        %get3A_619 = arith.constant 0 : index
        %get3A_620 = tpu.vector_load %arg19[%get3A_618, %get3A_619] {strides = array<i32>} : memref<1664x16xf32, #tpu.memory_space<vmem>>, vector<16xf32>,
        %add3A_621 = arith.addf %add3A_613, %get3A_620 : vector<16xf32>
        %mul3A_622 = arith.mulf %get3A_620, %get3A_620 : vector<16xf32>
        %add3A_623 = arith.addf %add3A_615, %mul3A_622 : vector<16xf32>
        %add3A_624 = arith.constant 23 : i32
        %add3A_625 = arith.addi %mul3A_443, %add3A_624 : i32
        %get3A_626 = arith.index_cast %add3A_625 : i32 to index
        %get3A_627 = arith.constant 0 : index
        %get3A_628 = tpu.vector_load %arg19[%get3A_626, %get3A_627] {strides = array<i32>} : memref<1664x16xf32, #tpu.memory_space<vmem>>, vector<16xf32>,
        %add3A_629 = arith.addf %add3A_621, %get3A_628 : vector<16xf32>
        %mul3A_630 = arith.mulf %get3A_628, %get3A_628 : vector<16xf32>
        %add3A_631 = arith.addf %add3A_623, %mul3A_630 : vector<16xf32>
        %add3A_632 = arith.constant 24 : i32
        %add3A_633 = arith.addi %mul3A_443, %add3A_632 : i32
        %get3A_634 = arith.index_cast %add3A_633 : i32 to index
        %get3A_635 = arith.constant 0 : index
        %get3A_636 = tpu.vector_load %arg19[%get3A_634, %get3A_635] {strides = array<i32>} : memref<1664x16xf32, #tpu.memory_space<vmem>>, vector<16xf32>,
        %add3A_637 = arith.addf %add3A_629, %get3A_636 : vector<16xf32>
        %mul3A_638 = arith.mulf %get3A_636, %get3A_636 : vector<16xf32>
        %add3A_639 = arith.addf %add3A_631, %mul3A_638 : vector<16xf32>
        %add3A_640 = arith.constant 25 : i32
        %add3A_641 = arith.addi %mul3A_443, %add3A_640 : i32
        %get3A_642 = arith.index_cast %add3A_641 : i32 to index
        %get3A_643 = arith.constant 0 : index
        %get3A_644 = tpu.vector_load %arg19[%get3A_642, %get3A_643] {strides = array<i32>} : memref<1664x16xf32, #tpu.memory_space<vmem>>, vector<16xf32>,
        %add3A_645 = arith.addf %add3A_637, %get3A_644 : vector<16xf32>
        %mul3A_646 = arith.mulf %get3A_644, %get3A_644 : vector<16xf32>
        %add3A_647 = arith.addf %add3A_639, %mul3A_646 : vector<16xf32>
        %mul3A_648 = arith.mulf %add3A_645, %add3A_645 : vector<16xf32>
        %sub3A_649 = arith.subf %mul3A_648, %add3A_647 : vector<16xf32>
        %mul3A_650 = arith.constant 5.000000e-01 : f32
        %mul3A_651 = vector.broadcast %mul3A_650 : f32 to vector<16xf32>
        %mul3A_652 = arith.mulf %mul3A_651, %sub3A_649 : vector<16xf32>
        %slice3A_653 = vector.extract_strided_slice %get3A_169 {offsets = [1], sizes = [1], strides = [1]} : vector<16xi32> to vector<1xi32>
        %squeeze3A_654 = vector.extract %slice3A_653[0] : i32 from vector<1xi32>
        %slice3A_655 = vector.extract_strided_slice %get3A_173 {offsets = [1], sizes = [1], strides = [1]} : vector<16xi32> to vector<1xi32>
        %squeeze3A_656 = vector.extract %slice3A_655[0] : i32 from vector<1xi32>
        %get3A_657 = arith.index_cast %add3A_441 : i32 to index
        %get3A_658 = arith.index_cast %squeeze3A_654 : i32 to index
        %get3A_659 = tpu.vector_load %arg21[%get3A_657, %get3A_658] {strides = array<i32>} : memref<64x128xf32, #tpu.memory_space<vmem>>, vector<16xf32>,
        %mul3A_660 = arith.constant 32 : i32
        %mul3A_661 = arith.muli %add3A_441, %mul3A_660 : i32
        %get3A_662 = arith.index_cast %mul3A_661 : i32 to index
        %get3A_663 = tpu.vector_load %arg23[%get3A_662] {strides = array<i32>} : memref<2048xf32, #tpu.memory_space<vmem>>, vector<16xf32>,
        %mul3A_664 = arith.mulf %get3A_659, %get3A_663 : vector<16xf32>
        %add3A_665 = arith.addf %mul3A_652, %mul3A_664 : vector<16xf32>
        %add3A_666 = arith.constant 16 : i32
        %add3A_667 = arith.addi %squeeze3A_654, %add3A_666 : i32
        %get3A_668 = arith.index_cast %add3A_441 : i32 to index
        %get3A_669 = arith.index_cast %add3A_667 : i32 to index
        %get3A_670 = tpu.vector_load %arg21[%get3A_668, %get3A_669] {strides = array<i32>} : memref<64x128xf32, #tpu.memory_space<vmem>>, vector<16xf32>,
        %mul3A_671 = arith.constant 32 : i32
        %mul3A_672 = arith.muli %add3A_441, %mul3A_671 : i32
        %add3A_673 = arith.constant 16 : i32
        %add3A_674 = arith.addi %mul3A_672, %add3A_673 : i32
        %get3A_675 = arith.index_cast %add3A_674 : i32 to index
        %get3A_676 = tpu.vector_load %arg23[%get3A_675] {strides = array<i32>} : memref<2048xf32, #tpu.memory_space<vmem>>, vector<16xf32>,
        %mul3A_677 = arith.mulf %get3A_670, %get3A_676 : vector<16xf32>
        %add3A_678 = arith.addf %add3A_665, %mul3A_677 : vector<16xf32>
        %get3A_679 = arith.index_cast %add3A_441 : i32 to index
        %get3A_680 = arith.index_cast %squeeze3A_656 : i32 to index
        %get3A_681 = tpu.vector_load %arg22[%get3A_679, %get3A_680] {strides = array<i32>} : memref<64x128xf32, #tpu.memory_space<vmem>>, vector<16xf32>,
        %mul3A_682 = arith.constant 32 : i32
        %mul3A_683 = arith.muli %add3A_441, %mul3A_682 : i32
        %get3A_684 = arith.index_cast %mul3A_683 : i32 to index
        %get3A_685 = tpu.vector_load %arg24[%get3A_684] {strides = array<i32>} : memref<2048xf32, #tpu.memory_space<vmem>>, vector<16xf32>,
        %mul3A_686 = arith.mulf %get3A_681, %get3A_685 : vector<16xf32>
        %add3A_687 = arith.addf %add3A_678, %mul3A_686 : vector<16xf32>
        %add3A_688 = arith.constant 16 : i32
        %add3A_689 = arith.addi %squeeze3A_656, %add3A_688 : i32
        %get3A_690 = arith.index_cast %add3A_441 : i32 to index
        %get3A_691 = arith.index_cast %add3A_689 : i32 to index
        %get3A_692 = tpu.vector_load %arg22[%get3A_690, %get3A_691] {strides = array<i32>} : memref<64x128xf32, #tpu.memory_space<vmem>>, vector<16xf32>,
        %mul3A_693 = arith.constant 32 : i32
        %mul3A_694 = arith.muli %add3A_441, %mul3A_693 : i32
        %add3A_695 = arith.constant 16 : i32
        %add3A_696 = arith.addi %mul3A_694, %add3A_695 : i32
        %get3A_697 = arith.index_cast %add3A_696 : i32 to index
        %get3A_698 = tpu.vector_load %arg24[%get3A_697] {strides = array<i32>} : memref<2048xf32, #tpu.memory_space<vmem>>, vector<16xf32>,
        %mul3A_699 = arith.mulf %get3A_692, %get3A_698 : vector<16xf32>
        %add3A_700 = arith.addf %add3A_687, %mul3A_699 : vector<16xf32>
        %swap3A_701 = arith.constant 1 : i32
        %swap3A_702 = arith.index_cast %swap3A_701 : i32 to index
        %swap3A_703 = arith.constant 0 : index
        %swap3A_704 = tpu.vector_load %arg26[%swap3A_702, %swap3A_703] {strides = array<i32>} : memref<16x16xf32, #tpu.memory_space<vmem>>, vector<16xf32>,
        tpu.vector_store %arg26[%swap3A_702, %swap3A_703], %add3A_700 {strides = array<i32>} : memref<16x16xf32, #tpu.memory_space<vmem>>, vector<16xf32>,
        %mul3A_705 = arith.constant 16 : i32
        %mul3A_706 = arith.muli %scan3A_164, %mul3A_705 : i32
        %add3A_707 = arith.constant 2 : i32
        %add3A_708 = arith.addi %mul3A_706, %add3A_707 : i32
        %mul3A_709 = arith.constant 26 : i32
        %mul3A_710 = arith.muli %add3A_708, %mul3A_709 : i32
        %get3A_711 = arith.index_cast %mul3A_710 : i32 to index
        %get3A_712 = arith.constant 0 : index
        %get3A_713 = tpu.vector_load %arg19[%get3A_711, %get3A_712] {strides = array<i32>} : memref<1664x16xf32, #tpu.memory_space<vmem>>, vector<16xf32>,
        %mul3A_714 = arith.mulf %get3A_713, %get3A_713 : vector<16xf32>
        %add3A_715 = arith.constant 1 : i32
        %add3A_716 = arith.addi %mul3A_710, %add3A_715 : i32
        %get3A_717 = arith.index_cast %add3A_716 : i32 to index
        %get3A_718 = arith.constant 0 : index
        %get3A_719 = tpu.vector_load %arg19[%get3A_717, %get3A_718] {strides = array<i32>} : memref<1664x16xf32, #tpu.memory_space<vmem>>, vector<16xf32>,
        %add3A_720 = arith.addf %get3A_713, %get3A_719 : vector<16xf32>
        %mul3A_721 = arith.mulf %get3A_719, %get3A_719 : vector<16xf32>
        %add3A_722 = arith.addf %mul3A_714, %mul3A_721 : vector<16xf32>
        %add3A_723 = arith.constant 2 : i32
        %add3A_724 = arith.addi %mul3A_710, %add3A_723 : i32
        %get3A_725 = arith.index_cast %add3A_724 : i32 to index
        %get3A_726 = arith.constant 0 : index
        %get3A_727 = tpu.vector_load %arg19[%get3A_725, %get3A_726] {strides = array<i32>} : memref<1664x16xf32, #tpu.memory_space<vmem>>, vector<16xf32>,
        %add3A_728 = arith.addf %add3A_720, %get3A_727 : vector<16xf32>
        %mul3A_729 = arith.mulf %get3A_727, %get3A_727 : vector<16xf32>
        %add3A_730 = arith.addf %add3A_722, %mul3A_729 : vector<16xf32>
        %add3A_731 = arith.constant 3 : i32
        %add3A_732 = arith.addi %mul3A_710, %add3A_731 : i32
        %get3A_733 = arith.index_cast %add3A_732 : i32 to index
        %get3A_734 = arith.constant 0 : index
        %get3A_735 = tpu.vector_load %arg19[%get3A_733, %get3A_734] {strides = array<i32>} : memref<1664x16xf32, #tpu.memory_space<vmem>>, vector<16xf32>,
        %add3A_736 = arith.addf %add3A_728, %get3A_735 : vector<16xf32>
        %mul3A_737 = arith.mulf %get3A_735, %get3A_735 : vector<16xf32>
        %add3A_738 = arith.addf %add3A_730, %mul3A_737 : vector<16xf32>
        %add3A_739 = arith.constant 4 : i32
        %add3A_740 = arith.addi %mul3A_710, %add3A_739 : i32
        %get3A_741 = arith.index_cast %add3A_740 : i32 to index
        %get3A_742 = arith.constant 0 : index
        %get3A_743 = tpu.vector_load %arg19[%get3A_741, %get3A_742] {strides = array<i32>} : memref<1664x16xf32, #tpu.memory_space<vmem>>, vector<16xf32>,
        %add3A_744 = arith.addf %add3A_736, %get3A_743 : vector<16xf32>
        %mul3A_745 = arith.mulf %get3A_743, %get3A_743 : vector<16xf32>
        %add3A_746 = arith.addf %add3A_738, %mul3A_745 : vector<16xf32>
        %add3A_747 = arith.constant 5 : i32
        %add3A_748 = arith.addi %mul3A_710, %add3A_747 : i32
        %get3A_749 = arith.index_cast %add3A_748 : i32 to index
        %get3A_750 = arith.constant 0 : index
        %get3A_751 = tpu.vector_load %arg19[%get3A_749, %get3A_750] {strides = array<i32>} : memref<1664x16xf32, #tpu.memory_space<vmem>>, vector<16xf32>,
        %add3A_752 = arith.addf %add3A_744, %get3A_751 : vector<16xf32>
        %mul3A_753 = arith.mulf %get3A_751, %get3A_751 : vector<16xf32>
        %add3A_754 = arith.addf %add3A_746, %mul3A_753 : vector<16xf32>
        %add3A_755 = arith.constant 6 : i32
        %add3A_756 = arith.addi %mul3A_710, %add3A_755 : i32
        %get3A_757 = arith.index_cast %add3A_756 : i32 to index
        %get3A_758 = arith.constant 0 : index
        %get3A_759 = tpu.vector_load %arg19[%get3A_757, %get3A_758] {strides = array<i32>} : memref<1664x16xf32, #tpu.memory_space<vmem>>, vector<16xf32>,
        %add3A_760 = arith.addf %add3A_752, %get3A_759 : vector<16xf32>
        %mul3A_761 = arith.mulf %get3A_759, %get3A_759 : vector<16xf32>
        %add3A_762 = arith.addf %add3A_754, %mul3A_761 : vector<16xf32>
        %add3A_763 = arith.constant 7 : i32
        %add3A_764 = arith.addi %mul3A_710, %add3A_763 : i32
        %get3A_765 = arith.index_cast %add3A_764 : i32 to index
        %get3A_766 = arith.constant 0 : index
        %get3A_767 = tpu.vector_load %arg19[%get3A_765, %get3A_766] {strides = array<i32>} : memref<1664x16xf32, #tpu.memory_space<vmem>>, vector<16xf32>,
        %add3A_768 = arith.addf %add3A_760, %get3A_767 : vector<16xf32>
        %mul3A_769 = arith.mulf %get3A_767, %get3A_767 : vector<16xf32>
        %add3A_770 = arith.addf %add3A_762, %mul3A_769 : vector<16xf32>
        %add3A_771 = arith.constant 8 : i32
        %add3A_772 = arith.addi %mul3A_710, %add3A_771 : i32
        %get3A_773 = arith.index_cast %add3A_772 : i32 to index
        %get3A_774 = arith.constant 0 : index
        %get3A_775 = tpu.vector_load %arg19[%get3A_773, %get3A_774] {strides = array<i32>} : memref<1664x16xf32, #tpu.memory_space<vmem>>, vector<16xf32>,
        %add3A_776 = arith.addf %add3A_768, %get3A_775 : vector<16xf32>
        %mul3A_777 = arith.mulf %get3A_775, %get3A_775 : vector<16xf32>
        %add3A_778 = arith.addf %add3A_770, %mul3A_777 : vector<16xf32>
        %add3A_779 = arith.constant 9 : i32
        %add3A_780 = arith.addi %mul3A_710, %add3A_779 : i32
        %get3A_781 = arith.index_cast %add3A_780 : i32 to index
        %get3A_782 = arith.constant 0 : index
        %get3A_783 = tpu.vector_load %arg19[%get3A_781, %get3A_782] {strides = array<i32>} : memref<1664x16xf32, #tpu.memory_space<vmem>>, vector<16xf32>,
        %add3A_784 = arith.addf %add3A_776, %get3A_783 : vector<16xf32>
        %mul3A_785 = arith.mulf %get3A_783, %get3A_783 : vector<16xf32>
        %add3A_786 = arith.addf %add3A_778, %mul3A_785 : vector<16xf32>
        %add3A_787 = arith.constant 10 : i32
        %add3A_788 = arith.addi %mul3A_710, %add3A_787 : i32
        %get3A_789 = arith.index_cast %add3A_788 : i32 to index
        %get3A_790 = arith.constant 0 : index
        %get3A_791 = tpu.vector_load %arg19[%get3A_789, %get3A_790] {strides = array<i32>} : memref<1664x16xf32, #tpu.memory_space<vmem>>, vector<16xf32>,
        %add3A_792 = arith.addf %add3A_784, %get3A_791 : vector<16xf32>
        %mul3A_793 = arith.mulf %get3A_791, %get3A_791 : vector<16xf32>
        %add3A_794 = arith.addf %add3A_786, %mul3A_793 : vector<16xf32>
        %add3A_795 = arith.constant 11 : i32
        %add3A_796 = arith.addi %mul3A_710, %add3A_795 : i32
        %get3A_797 = arith.index_cast %add3A_796 : i32 to index
        %get3A_798 = arith.constant 0 : index
        %get3A_799 = tpu.vector_load %arg19[%get3A_797, %get3A_798] {strides = array<i32>} : memref<1664x16xf32, #tpu.memory_space<vmem>>, vector<16xf32>,
        %add3A_800 = arith.addf %add3A_792, %get3A_799 : vector<16xf32>
        %mul3A_801 = arith.mulf %get3A_799, %get3A_799 : vector<16xf32>
        %add3A_802 = arith.addf %add3A_794, %mul3A_801 : vector<16xf32>
        %add3A_803 = arith.constant 12 : i32
        %add3A_804 = arith.addi %mul3A_710, %add3A_803 : i32
        %get3A_805 = arith.index_cast %add3A_804 : i32 to index
        %get3A_806 = arith.constant 0 : index
        %get3A_807 = tpu.vector_load %arg19[%get3A_805, %get3A_806] {strides = array<i32>} : memref<1664x16xf32, #tpu.memory_space<vmem>>, vector<16xf32>,
        %add3A_808 = arith.addf %add3A_800, %get3A_807 : vector<16xf32>
        %mul3A_809 = arith.mulf %get3A_807, %get3A_807 : vector<16xf32>
        %add3A_810 = arith.addf %add3A_802, %mul3A_809 : vector<16xf32>
        %add3A_811 = arith.constant 13 : i32
        %add3A_812 = arith.addi %mul3A_710, %add3A_811 : i32
        %get3A_813 = arith.index_cast %add3A_812 : i32 to index
        %get3A_814 = arith.constant 0 : index
        %get3A_815 = tpu.vector_load %arg19[%get3A_813, %get3A_814] {strides = array<i32>} : memref<1664x16xf32, #tpu.memory_space<vmem>>, vector<16xf32>,
        %add3A_816 = arith.addf %add3A_808, %get3A_815 : vector<16xf32>
        %mul3A_817 = arith.mulf %get3A_815, %get3A_815 : vector<16xf32>
        %add3A_818 = arith.addf %add3A_810, %mul3A_817 : vector<16xf32>
        %add3A_819 = arith.constant 14 : i32
        %add3A_820 = arith.addi %mul3A_710, %add3A_819 : i32
        %get3A_821 = arith.index_cast %add3A_820 : i32 to index
        %get3A_822 = arith.constant 0 : index
        %get3A_823 = tpu.vector_load %arg19[%get3A_821, %get3A_822] {strides = array<i32>} : memref<1664x16xf32, #tpu.memory_space<vmem>>, vector<16xf32>,
        %add3A_824 = arith.addf %add3A_816, %get3A_823 : vector<16xf32>
        %mul3A_825 = arith.mulf %get3A_823, %get3A_823 : vector<16xf32>
        %add3A_826 = arith.addf %add3A_818, %mul3A_825 : vector<16xf32>
        %add3A_827 = arith.constant 15 : i32
        %add3A_828 = arith.addi %mul3A_710, %add3A_827 : i32
        %get3A_829 = arith.index_cast %add3A_828 : i32 to index
        %get3A_830 = arith.constant 0 : index
        %get3A_831 = tpu.vector_load %arg19[%get3A_829, %get3A_830] {strides = array<i32>} : memref<1664x16xf32, #tpu.memory_space<vmem>>, vector<16xf32>,
        %add3A_832 = arith.addf %add3A_824, %get3A_831 : vector<16xf32>
        %mul3A_833 = arith.mulf %get3A_831, %get3A_831 : vector<16xf32>
        %add3A_834 = arith.addf %add3A_826, %mul3A_833 : vector<16xf32>
        %add3A_835 = arith.constant 16 : i32
        %add3A_836 = arith.addi %mul3A_710, %add3A_835 : i32
        %get3A_837 = arith.index_cast %add3A_836 : i32 to index
        %get3A_838 = arith.constant 0 : index
        %get3A_839 = tpu.vector_load %arg19[%get3A_837, %get3A_838] {strides = array<i32>} : memref<1664x16xf32, #tpu.memory_space<vmem>>, vector<16xf32>,
        %add3A_840 = arith.addf %add3A_832, %get3A_839 : vector<16xf32>
        %mul3A_841 = arith.mulf %get3A_839, %get3A_839 : vector<16xf32>
        %add3A_842 = arith.addf %add3A_834, %mul3A_841 : vector<16xf32>
        %add3A_843 = arith.constant 17 : i32
        %add3A_844 = arith.addi %mul3A_710, %add3A_843 : i32
        %get3A_845 = arith.index_cast %add3A_844 : i32 to index
        %get3A_846 = arith.constant 0 : index
        %get3A_847 = tpu.vector_load %arg19[%get3A_845, %get3A_846] {strides = array<i32>} : memref<1664x16xf32, #tpu.memory_space<vmem>>, vector<16xf32>,
        %add3A_848 = arith.addf %add3A_840, %get3A_847 : vector<16xf32>
        %mul3A_849 = arith.mulf %get3A_847, %get3A_847 : vector<16xf32>
        %add3A_850 = arith.addf %add3A_842, %mul3A_849 : vector<16xf32>
        %add3A_851 = arith.constant 18 : i32
        %add3A_852 = arith.addi %mul3A_710, %add3A_851 : i32
        %get3A_853 = arith.index_cast %add3A_852 : i32 to index
        %get3A_854 = arith.constant 0 : index
        %get3A_855 = tpu.vector_load %arg19[%get3A_853, %get3A_854] {strides = array<i32>} : memref<1664x16xf32, #tpu.memory_space<vmem>>, vector<16xf32>,
        %add3A_856 = arith.addf %add3A_848, %get3A_855 : vector<16xf32>
        %mul3A_857 = arith.mulf %get3A_855, %get3A_855 : vector<16xf32>
        %add3A_858 = arith.addf %add3A_850, %mul3A_857 : vector<16xf32>
        %add3A_859 = arith.constant 19 : i32
        %add3A_860 = arith.addi %mul3A_710, %add3A_859 : i32
        %get3A_861 = arith.index_cast %add3A_860 : i32 to index
        %get3A_862 = arith.constant 0 : index
        %get3A_863 = tpu.vector_load %arg19[%get3A_861, %get3A_862] {strides = array<i32>} : memref<1664x16xf32, #tpu.memory_space<vmem>>, vector<16xf32>,
        %add3A_864 = arith.addf %add3A_856, %get3A_863 : vector<16xf32>
        %mul3A_865 = arith.mulf %get3A_863, %get3A_863 : vector<16xf32>
        %add3A_866 = arith.addf %add3A_858, %mul3A_865 : vector<16xf32>
        %add3A_867 = arith.constant 20 : i32
        %add3A_868 = arith.addi %mul3A_710, %add3A_867 : i32
        %get3A_869 = arith.index_cast %add3A_868 : i32 to index
        %get3A_870 = arith.constant 0 : index
        %get3A_871 = tpu.vector_load %arg19[%get3A_869, %get3A_870] {strides = array<i32>} : memref<1664x16xf32, #tpu.memory_space<vmem>>, vector<16xf32>,
        %add3A_872 = arith.addf %add3A_864, %get3A_871 : vector<16xf32>
        %mul3A_873 = arith.mulf %get3A_871, %get3A_871 : vector<16xf32>
        %add3A_874 = arith.addf %add3A_866, %mul3A_873 : vector<16xf32>
        %add3A_875 = arith.constant 21 : i32
        %add3A_876 = arith.addi %mul3A_710, %add3A_875 : i32
        %get3A_877 = arith.index_cast %add3A_876 : i32 to index
        %get3A_878 = arith.constant 0 : index
        %get3A_879 = tpu.vector_load %arg19[%get3A_877, %get3A_878] {strides = array<i32>} : memref<1664x16xf32, #tpu.memory_space<vmem>>, vector<16xf32>,
        %add3A_880 = arith.addf %add3A_872, %get3A_879 : vector<16xf32>
        %mul3A_881 = arith.mulf %get3A_879, %get3A_879 : vector<16xf32>
        %add3A_882 = arith.addf %add3A_874, %mul3A_881 : vector<16xf32>
        %add3A_883 = arith.constant 22 : i32
        %add3A_884 = arith.addi %mul3A_710, %add3A_883 : i32
        %get3A_885 = arith.index_cast %add3A_884 : i32 to index
        %get3A_886 = arith.constant 0 : index
        %get3A_887 = tpu.vector_load %arg19[%get3A_885, %get3A_886] {strides = array<i32>} : memref<1664x16xf32, #tpu.memory_space<vmem>>, vector<16xf32>,
        %add3A_888 = arith.addf %add3A_880, %get3A_887 : vector<16xf32>
        %mul3A_889 = arith.mulf %get3A_887, %get3A_887 : vector<16xf32>
        %add3A_890 = arith.addf %add3A_882, %mul3A_889 : vector<16xf32>
        %add3A_891 = arith.constant 23 : i32
        %add3A_892 = arith.addi %mul3A_710, %add3A_891 : i32
        %get3A_893 = arith.index_cast %add3A_892 : i32 to index
        %get3A_894 = arith.constant 0 : index
        %get3A_895 = tpu.vector_load %arg19[%get3A_893, %get3A_894] {strides = array<i32>} : memref<1664x16xf32, #tpu.memory_space<vmem>>, vector<16xf32>,
        %add3A_896 = arith.addf %add3A_888, %get3A_895 : vector<16xf32>
        %mul3A_897 = arith.mulf %get3A_895, %get3A_895 : vector<16xf32>
        %add3A_898 = arith.addf %add3A_890, %mul3A_897 : vector<16xf32>
        %add3A_899 = arith.constant 24 : i32
        %add3A_900 = arith.addi %mul3A_710, %add3A_899 : i32
        %get3A_901 = arith.index_cast %add3A_900 : i32 to index
        %get3A_902 = arith.constant 0 : index
        %get3A_903 = tpu.vector_load %arg19[%get3A_901, %get3A_902] {strides = array<i32>} : memref<1664x16xf32, #tpu.memory_space<vmem>>, vector<16xf32>,
        %add3A_904 = arith.addf %add3A_896, %get3A_903 : vector<16xf32>
        %mul3A_905 = arith.mulf %get3A_903, %get3A_903 : vector<16xf32>
        %add3A_906 = arith.addf %add3A_898, %mul3A_905 : vector<16xf32>
        %add3A_907 = arith.constant 25 : i32
        %add3A_908 = arith.addi %mul3A_710, %add3A_907 : i32
        %get3A_909 = arith.index_cast %add3A_908 : i32 to index
        %get3A_910 = arith.constant 0 : index
        %get3A_911 = tpu.vector_load %arg19[%get3A_909, %get3A_910] {strides = array<i32>} : memref<1664x16xf32, #tpu.memory_space<vmem>>, vector<16xf32>,
        %add3A_912 = arith.addf %add3A_904, %get3A_911 : vector<16xf32>
        %mul3A_913 = arith.mulf %get3A_911, %get3A_911 : vector<16xf32>
        %add3A_914 = arith.addf %add3A_906, %mul3A_913 : vector<16xf32>
        %mul3A_915 = arith.mulf %add3A_912, %add3A_912 : vector<16xf32>
        %sub3A_916 = arith.subf %mul3A_915, %add3A_914 : vector<16xf32>
        %mul3A_917 = arith.constant 5.000000e-01 : f32
        %mul3A_918 = vector.broadcast %mul3A_917 : f32 to vector<16xf32>
        %mul3A_919 = arith.mulf %mul3A_918, %sub3A_916 : vector<16xf32>
        %slice3A_920 = vector.extract_strided_slice %get3A_169 {offsets = [2], sizes = [1], strides = [1]} : vector<16xi32> to vector<1xi32>
        %squeeze3A_921 = vector.extract %slice3A_920[0] : i32 from vector<1xi32>
        %slice3A_922 = vector.extract_strided_slice %get3A_173 {offsets = [2], sizes = [1], strides = [1]} : vector<16xi32> to vector<1xi32>
        %squeeze3A_923 = vector.extract %slice3A_922[0] : i32 from vector<1xi32>
        %get3A_924 = arith.index_cast %add3A_708 : i32 to index
        %get3A_925 = arith.index_cast %squeeze3A_921 : i32 to index
        %get3A_926 = tpu.vector_load %arg21[%get3A_924, %get3A_925] {strides = array<i32>} : memref<64x128xf32, #tpu.memory_space<vmem>>, vector<16xf32>,
        %mul3A_927 = arith.constant 32 : i32
        %mul3A_928 = arith.muli %add3A_708, %mul3A_927 : i32
        %get3A_929 = arith.index_cast %mul3A_928 : i32 to index
        %get3A_930 = tpu.vector_load %arg23[%get3A_929] {strides = array<i32>} : memref<2048xf32, #tpu.memory_space<vmem>>, vector<16xf32>,
        %mul3A_931 = arith.mulf %get3A_926, %get3A_930 : vector<16xf32>
        %add3A_932 = arith.addf %mul3A_919, %mul3A_931 : vector<16xf32>
        %add3A_933 = arith.constant 16 : i32
        %add3A_934 = arith.addi %squeeze3A_921, %add3A_933 : i32
        %get3A_935 = arith.index_cast %add3A_708 : i32 to index
        %get3A_936 = arith.index_cast %add3A_934 : i32 to index
        %get3A_937 = tpu.vector_load %arg21[%get3A_935, %get3A_936] {strides = array<i32>} : memref<64x128xf32, #tpu.memory_space<vmem>>, vector<16xf32>,
        %mul3A_938 = arith.constant 32 : i32
        %mul3A_939 = arith.muli %add3A_708, %mul3A_938 : i32
        %add3A_940 = arith.constant 16 : i32
        %add3A_941 = arith.addi %mul3A_939, %add3A_940 : i32
        %get3A_942 = arith.index_cast %add3A_941 : i32 to index
        %get3A_943 = tpu.vector_load %arg23[%get3A_942] {strides = array<i32>} : memref<2048xf32, #tpu.memory_space<vmem>>, vector<16xf32>,
        %mul3A_944 = arith.mulf %get3A_937, %get3A_943 : vector<16xf32>
        %add3A_945 = arith.addf %add3A_932, %mul3A_944 : vector<16xf32>
        %get3A_946 = arith.index_cast %add3A_708 : i32 to index
        %get3A_947 = arith.index_cast %squeeze3A_923 : i32 to index
        %get3A_948 = tpu.vector_load %arg22[%get3A_946, %get3A_947] {strides = array<i32>} : memref<64x128xf32, #tpu.memory_space<vmem>>, vector<16xf32>,
        %mul3A_949 = arith.constant 32 : i32
        %mul3A_950 = arith.muli %add3A_708, %mul3A_949 : i32
        %get3A_951 = arith.index_cast %mul3A_950 : i32 to index
        %get3A_952 = tpu.vector_load %arg24[%get3A_951] {strides = array<i32>} : memref<2048xf32, #tpu.memory_space<vmem>>, vector<16xf32>,
        %mul3A_953 = arith.mulf %get3A_948, %get3A_952 : vector<16xf32>
        %add3A_954 = arith.addf %add3A_945, %mul3A_953 : vector<16xf32>
        %add3A_955 = arith.constant 16 : i32
        %add3A_956 = arith.addi %squeeze3A_923, %add3A_955 : i32
        %get3A_957 = arith.index_cast %add3A_708 : i32 to index
        %get3A_958 = arith.index_cast %add3A_956 : i32 to index
        %get3A_959 = tpu.vector_load %arg22[%get3A_957, %get3A_958] {strides = array<i32>} : memref<64x128xf32, #tpu.memory_space<vmem>>, vector<16xf32>,
        %mul3A_960 = arith.constant 32 : i32
        %mul3A_961 = arith.muli %add3A_708, %mul3A_960 : i32
        %add3A_962 = arith.constant 16 : i32
        %add3A_963 = arith.addi %mul3A_961, %add3A_962 : i32
        %get3A_964 = arith.index_cast %add3A_963 : i32 to index
        %get3A_965 = tpu.vector_load %arg24[%get3A_964] {strides = array<i32>} : memref<2048xf32, #tpu.memory_space<vmem>>, vector<16xf32>,
        %mul3A_966 = arith.mulf %get3A_959, %get3A_965 : vector<16xf32>
        %add3A_967 = arith.addf %add3A_954, %mul3A_966 : vector<16xf32>
        %swap3A_968 = arith.constant 2 : i32
        %swap3A_969 = arith.index_cast %swap3A_968 : i32 to index
        %swap3A_970 = arith.constant 0 : index
        %swap3A_971 = tpu.vector_load %arg26[%swap3A_969, %swap3A_970] {strides = array<i32>} : memref<16x16xf32, #tpu.memory_space<vmem>>, vector<16xf32>,
        tpu.vector_store %arg26[%swap3A_969, %swap3A_970], %add3A_967 {strides = array<i32>} : memref<16x16xf32, #tpu.memory_space<vmem>>, vector<16xf32>,
        %mul3A_972 = arith.constant 16 : i32
        %mul3A_973 = arith.muli %scan3A_164, %mul3A_972 : i32
        %add3A_974 = arith.constant 3 : i32
        %add3A_975 = arith.addi %mul3A_973, %add3A_974 : i32
        %mul3A_976 = arith.constant 26 : i32
        %mul3A_977 = arith.muli %add3A_975, %mul3A_976 : i32
        %get3A_978 = arith.index_cast %mul3A_977 : i32 to index
        %get3A_979 = arith.constant 0 : index
        %get3A_980 = tpu.vector_load %arg19[%get3A_978, %get3A_979] {strides = array<i32>} : memref<1664x16xf32, #tpu.memory_space<vmem>>, vector<16xf32>,
        %mul3A_981 = arith.mulf %get3A_980, %get3A_980 : vector<16xf32>
        %add3A_982 = arith.constant 1 : i32
        %add3A_983 = arith.addi %mul3A_977, %add3A_982 : i32
        %get3A_984 = arith.index_cast %add3A_983 : i32 to index
        %get3A_985 = arith.constant 0 : index
        %get3A_986 = tpu.vector_load %arg19[%get3A_984, %get3A_985] {strides = array<i32>} : memref<1664x16xf32, #tpu.memory_space<vmem>>, vector<16xf32>,
        %add3A_987 = arith.addf %get3A_980, %get3A_986 : vector<16xf32>
        %mul3A_988 = arith.mulf %get3A_986, %get3A_986 : vector<16xf32>
        %add3A_989 = arith.addf %mul3A_981, %mul3A_988 : vector<16xf32>
        %add3A_990 = arith.constant 2 : i32
        %add3A_991 = arith.addi %mul3A_977, %add3A_990 : i32
        %get3A_992 = arith.index_cast %add3A_991 : i32 to index
        %get3A_993 = arith.constant 0 : index
        %get3A_994 = tpu.vector_load %arg19[%get3A_992, %get3A_993] {strides = array<i32>} : memref<1664x16xf32, #tpu.memory_space<vmem>>, vector<16xf32>,
        %add3A_995 = arith.addf %add3A_987, %get3A_994 : vector<16xf32>
        %mul3A_996 = arith.mulf %get3A_994, %get3A_994 : vector<16xf32>
        %add3A_997 = arith.addf %add3A_989, %mul3A_996 : vector<16xf32>
        %add3A_998 = arith.constant 3 : i32
        %add3A_999 = arith.addi %mul3A_977, %add3A_998 : i32
        %get3A_1000 = arith.index_cast %add3A_999 : i32 to index
        %get3A_1001 = arith.constant 0 : index
        %get3A_1002 = tpu.vector_load %arg19[%get3A_1000, %get3A_1001] {strides = array<i32>} : memref<1664x16xf32, #tpu.memory_space<vmem>>, vector<16xf32>,
        %add3A_1003 = arith.addf %add3A_995, %get3A_1002 : vector<16xf32>
        %mul3A_1004 = arith.mulf %get3A_1002, %get3A_1002 : vector<16xf32>
        %add3A_1005 = arith.addf %add3A_997, %mul3A_1004 : vector<16xf32>
        %add3A_1006 = arith.constant 4 : i32
        %add3A_1007 = arith.addi %mul3A_977, %add3A_1006 : i32
        %get3A_1008 = arith.index_cast %add3A_1007 : i32 to index
        %get3A_1009 = arith.constant 0 : index
        %get3A_1010 = tpu.vector_load %arg19[%get3A_1008, %get3A_1009] {strides = array<i32>} : memref<1664x16xf32, #tpu.memory_space<vmem>>, vector<16xf32>,
        %add3A_1011 = arith.addf %add3A_1003, %get3A_1010 : vector<16xf32>
        %mul3A_1012 = arith.mulf %get3A_1010, %get3A_1010 : vector<16xf32>
        %add3A_1013 = arith.addf %add3A_1005, %mul3A_1012 : vector<16xf32>
        %add3A_1014 = arith.constant 5 : i32
        %add3A_1015 = arith.addi %mul3A_977, %add3A_1014 : i32
        %get3A_1016 = arith.index_cast %add3A_1015 : i32 to index
        %get3A_1017 = arith.constant 0 : index
        %get3A_1018 = tpu.vector_load %arg19[%get3A_1016, %get3A_1017] {strides = array<i32>} : memref<1664x16xf32, #tpu.memory_space<vmem>>, vector<16xf32>,
        %add3A_1019 = arith.addf %add3A_1011, %get3A_1018 : vector<16xf32>
        %mul3A_1020 = arith.mulf %get3A_1018, %get3A_1018 : vector<16xf32>
        %add3A_1021 = arith.addf %add3A_1013, %mul3A_1020 : vector<16xf32>
        %add3A_1022 = arith.constant 6 : i32
        %add3A_1023 = arith.addi %mul3A_977, %add3A_1022 : i32
        %get3A_1024 = arith.index_cast %add3A_1023 : i32 to index
        %get3A_1025 = arith.constant 0 : index
        %get3A_1026 = tpu.vector_load %arg19[%get3A_1024, %get3A_1025] {strides = array<i32>} : memref<1664x16xf32, #tpu.memory_space<vmem>>, vector<16xf32>,
        %add3A_1027 = arith.addf %add3A_1019, %get3A_1026 : vector<16xf32>
        %mul3A_1028 = arith.mulf %get3A_1026, %get3A_1026 : vector<16xf32>
        %add3A_1029 = arith.addf %add3A_1021, %mul3A_1028 : vector<16xf32>
        %add3A_1030 = arith.constant 7 : i32
        %add3A_1031 = arith.addi %mul3A_977, %add3A_1030 : i32
        %get3A_1032 = arith.index_cast %add3A_1031 : i32 to index
        %get3A_1033 = arith.constant 0 : index
        %get3A_1034 = tpu.vector_load %arg19[%get3A_1032, %get3A_1033] {strides = array<i32>} : memref<1664x16xf32, #tpu.memory_space<vmem>>, vector<16xf32>,
        %add3A_1035 = arith.addf %add3A_1027, %get3A_1034 : vector<16xf32>
        %mul3A_1036 = arith.mulf %get3A_1034, %get3A_1034 : vector<16xf32>
        %add3A_1037 = arith.addf %add3A_1029, %mul3A_1036 : vector<16xf32>
        %add3A_1038 = arith.constant 8 : i32
        %add3A_1039 = arith.addi %mul3A_977, %add3A_1038 : i32
        %get3A_1040 = arith.index_cast %add3A_1039 : i32 to index
        %get3A_1041 = arith.constant 0 : index
        %get3A_1042 = tpu.vector_load %arg19[%get3A_1040, %get3A_1041] {strides = array<i32>} : memref<1664x16xf32, #tpu.memory_space<vmem>>, vector<16xf32>,
        %add3A_1043 = arith.addf %add3A_1035, %get3A_1042 : vector<16xf32>
        %mul3A_1044 = arith.mulf %get3A_1042, %get3A_1042 : vector<16xf32>
        %add3A_1045 = arith.addf %add3A_1037, %mul3A_1044 : vector<16xf32>
        %add3A_1046 = arith.constant 9 : i32
        %add3A_1047 = arith.addi %mul3A_977, %add3A_1046 : i32
        %get3A_1048 = arith.index_cast %add3A_1047 : i32 to index
        %get3A_1049 = arith.constant 0 : index
        %get3A_1050 = tpu.vector_load %arg19[%get3A_1048, %get3A_1049] {strides = array<i32>} : memref<1664x16xf32, #tpu.memory_space<vmem>>, vector<16xf32>,
        %add3A_1051 = arith.addf %add3A_1043, %get3A_1050 : vector<16xf32>
        %mul3A_1052 = arith.mulf %get3A_1050, %get3A_1050 : vector<16xf32>
        %add3A_1053 = arith.addf %add3A_1045, %mul3A_1052 : vector<16xf32>
        %add3A_1054 = arith.constant 10 : i32
        %add3A_1055 = arith.addi %mul3A_977, %add3A_1054 : i32
        %get3A_1056 = arith.index_cast %add3A_1055 : i32 to index
        %get3A_1057 = arith.constant 0 : index
        %get3A_1058 = tpu.vector_load %arg19[%get3A_1056, %get3A_1057] {strides = array<i32>} : memref<1664x16xf32, #tpu.memory_space<vmem>>, vector<16xf32>,
        %add3A_1059 = arith.addf %add3A_1051, %get3A_1058 : vector<16xf32>
        %mul3A_1060 = arith.mulf %get3A_1058, %get3A_1058 : vector<16xf32>
        %add3A_1061 = arith.addf %add3A_1053, %mul3A_1060 : vector<16xf32>
        %add3A_1062 = arith.constant 11 : i32
        %add3A_1063 = arith.addi %mul3A_977, %add3A_1062 : i32
        %get3A_1064 = arith.index_cast %add3A_1063 : i32 to index
        %get3A_1065 = arith.constant 0 : index
        %get3A_1066 = tpu.vector_load %arg19[%get3A_1064, %get3A_1065] {strides = array<i32>} : memref<1664x16xf32, #tpu.memory_space<vmem>>, vector<16xf32>,
        %add3A_1067 = arith.addf %add3A_1059, %get3A_1066 : vector<16xf32>
        %mul3A_1068 = arith.mulf %get3A_1066, %get3A_1066 : vector<16xf32>
        %add3A_1069 = arith.addf %add3A_1061, %mul3A_1068 : vector<16xf32>
        %add3A_1070 = arith.constant 12 : i32
        %add3A_1071 = arith.addi %mul3A_977, %add3A_1070 : i32
        %get3A_1072 = arith.index_cast %add3A_1071 : i32 to index
        %get3A_1073 = arith.constant 0 : index
        %get3A_1074 = tpu.vector_load %arg19[%get3A_1072, %get3A_1073] {strides = array<i32>} : memref<1664x16xf32, #tpu.memory_space<vmem>>, vector<16xf32>,
        %add3A_1075 = arith.addf %add3A_1067, %get3A_1074 : vector<16xf32>
        %mul3A_1076 = arith.mulf %get3A_1074, %get3A_1074 : vector<16xf32>
        %add3A_1077 = arith.addf %add3A_1069, %mul3A_1076 : vector<16xf32>
        %add3A_1078 = arith.constant 13 : i32
        %add3A_1079 = arith.addi %mul3A_977, %add3A_1078 : i32
        %get3A_1080 = arith.index_cast %add3A_1079 : i32 to index
        %get3A_1081 = arith.constant 0 : index
        %get3A_1082 = tpu.vector_load %arg19[%get3A_1080, %get3A_1081] {strides = array<i32>} : memref<1664x16xf32, #tpu.memory_space<vmem>>, vector<16xf32>,
        %add3A_1083 = arith.addf %add3A_1075, %get3A_1082 : vector<16xf32>
        %mul3A_1084 = arith.mulf %get3A_1082, %get3A_1082 : vector<16xf32>
        %add3A_1085 = arith.addf %add3A_1077, %mul3A_1084 : vector<16xf32>
        %add3A_1086 = arith.constant 14 : i32
        %add3A_1087 = arith.addi %mul3A_977, %add3A_1086 : i32
        %get3A_1088 = arith.index_cast %add3A_1087 : i32 to index
        %get3A_1089 = arith.constant 0 : index
        %get3A_1090 = tpu.vector_load %arg19[%get3A_1088, %get3A_1089] {strides = array<i32>} : memref<1664x16xf32, #tpu.memory_space<vmem>>, vector<16xf32>,
        %add3A_1091 = arith.addf %add3A_1083, %get3A_1090 : vector<16xf32>
        %mul3A_1092 = arith.mulf %get3A_1090, %get3A_1090 : vector<16xf32>
        %add3A_1093 = arith.addf %add3A_1085, %mul3A_1092 : vector<16xf32>
        %add3A_1094 = arith.constant 15 : i32
        %add3A_1095 = arith.addi %mul3A_977, %add3A_1094 : i32
        %get3A_1096 = arith.index_cast %add3A_1095 : i32 to index
        %get3A_1097 = arith.constant 0 : index
        %get3A_1098 = tpu.vector_load %arg19[%get3A_1096, %get3A_1097] {strides = array<i32>} : memref<1664x16xf32, #tpu.memory_space<vmem>>, vector<16xf32>,
        %add3A_1099 = arith.addf %add3A_1091, %get3A_1098 : vector<16xf32>
        %mul3A_1100 = arith.mulf %get3A_1098, %get3A_1098 : vector<16xf32>
        %add3A_1101 = arith.addf %add3A_1093, %mul3A_1100 : vector<16xf32>
        %add3A_1102 = arith.constant 16 : i32
        %add3A_1103 = arith.addi %mul3A_977, %add3A_1102 : i32
        %get3A_1104 = arith.index_cast %add3A_1103 : i32 to index
        %get3A_1105 = arith.constant 0 : index
        %get3A_1106 = tpu.vector_load %arg19[%get3A_1104, %get3A_1105] {strides = array<i32>} : memref<1664x16xf32, #tpu.memory_space<vmem>>, vector<16xf32>,
        %add3A_1107 = arith.addf %add3A_1099, %get3A_1106 : vector<16xf32>
        %mul3A_1108 = arith.mulf %get3A_1106, %get3A_1106 : vector<16xf32>
        %add3A_1109 = arith.addf %add3A_1101, %mul3A_1108 : vector<16xf32>
        %add3A_1110 = arith.constant 17 : i32
        %add3A_1111 = arith.addi %mul3A_977, %add3A_1110 : i32
        %get3A_1112 = arith.index_cast %add3A_1111 : i32 to index
        %get3A_1113 = arith.constant 0 : index
        %get3A_1114 = tpu.vector_load %arg19[%get3A_1112, %get3A_1113] {strides = array<i32>} : memref<1664x16xf32, #tpu.memory_space<vmem>>, vector<16xf32>,
        %add3A_1115 = arith.addf %add3A_1107, %get3A_1114 : vector<16xf32>
        %mul3A_1116 = arith.mulf %get3A_1114, %get3A_1114 : vector<16xf32>
        %add3A_1117 = arith.addf %add3A_1109, %mul3A_1116 : vector<16xf32>
        %add3A_1118 = arith.constant 18 : i32
        %add3A_1119 = arith.addi %mul3A_977, %add3A_1118 : i32
        %get3A_1120 = arith.index_cast %add3A_1119 : i32 to index
        %get3A_1121 = arith.constant 0 : index
        %get3A_1122 = tpu.vector_load %arg19[%get3A_1120, %get3A_1121] {strides = array<i32>} : memref<1664x16xf32, #tpu.memory_space<vmem>>, vector<16xf32>,
        %add3A_1123 = arith.addf %add3A_1115, %get3A_1122 : vector<16xf32>
        %mul3A_1124 = arith.mulf %get3A_1122, %get3A_1122 : vector<16xf32>
        %add3A_1125 = arith.addf %add3A_1117, %mul3A_1124 : vector<16xf32>
        %add3A_1126 = arith.constant 19 : i32
        %add3A_1127 = arith.addi %mul3A_977, %add3A_1126 : i32
        %get3A_1128 = arith.index_cast %add3A_1127 : i32 to index
        %get3A_1129 = arith.constant 0 : index
        %get3A_1130 = tpu.vector_load %arg19[%get3A_1128, %get3A_1129] {strides = array<i32>} : memref<1664x16xf32, #tpu.memory_space<vmem>>, vector<16xf32>,
        %add3A_1131 = arith.addf %add3A_1123, %get3A_1130 : vector<16xf32>
        %mul3A_1132 = arith.mulf %get3A_1130, %get3A_1130 : vector<16xf32>
        %add3A_1133 = arith.addf %add3A_1125, %mul3A_1132 : vector<16xf32>
        %add3A_1134 = arith.constant 20 : i32
        %add3A_1135 = arith.addi %mul3A_977, %add3A_1134 : i32
        %get3A_1136 = arith.index_cast %add3A_1135 : i32 to index
        %get3A_1137 = arith.constant 0 : index
        %get3A_1138 = tpu.vector_load %arg19[%get3A_1136, %get3A_1137] {strides = array<i32>} : memref<1664x16xf32, #tpu.memory_space<vmem>>, vector<16xf32>,
        %add3A_1139 = arith.addf %add3A_1131, %get3A_1138 : vector<16xf32>
        %mul3A_1140 = arith.mulf %get3A_1138, %get3A_1138 : vector<16xf32>
        %add3A_1141 = arith.addf %add3A_1133, %mul3A_1140 : vector<16xf32>
        %add3A_1142 = arith.constant 21 : i32
        %add3A_1143 = arith.addi %mul3A_977, %add3A_1142 : i32
        %get3A_1144 = arith.index_cast %add3A_1143 : i32 to index
        %get3A_1145 = arith.constant 0 : index
        %get3A_1146 = tpu.vector_load %arg19[%get3A_1144, %get3A_1145] {strides = array<i32>} : memref<1664x16xf32, #tpu.memory_space<vmem>>, vector<16xf32>,
        %add3A_1147 = arith.addf %add3A_1139, %get3A_1146 : vector<16xf32>
        %mul3A_1148 = arith.mulf %get3A_1146, %get3A_1146 : vector<16xf32>
        %add3A_1149 = arith.addf %add3A_1141, %mul3A_1148 : vector<16xf32>
        %add3A_1150 = arith.constant 22 : i32
        %add3A_1151 = arith.addi %mul3A_977, %add3A_1150 : i32
        %get3A_1152 = arith.index_cast %add3A_1151 : i32 to index
        %get3A_1153 = arith.constant 0 : index
        %get3A_1154 = tpu.vector_load %arg19[%get3A_1152, %get3A_1153] {strides = array<i32>} : memref<1664x16xf32, #tpu.memory_space<vmem>>, vector<16xf32>,
        %add3A_1155 = arith.addf %add3A_1147, %get3A_1154 : vector<16xf32>
        %mul3A_1156 = arith.mulf %get3A_1154, %get3A_1154 : vector<16xf32>
        %add3A_1157 = arith.addf %add3A_1149, %mul3A_1156 : vector<16xf32>
        %add3A_1158 = arith.constant 23 : i32
        %add3A_1159 = arith.addi %mul3A_977, %add3A_1158 : i32
        %get3A_1160 = arith.index_cast %add3A_1159 : i32 to index
        %get3A_1161 = arith.constant 0 : index
        %get3A_1162 = tpu.vector_load %arg19[%get3A_1160, %get3A_1161] {strides = array<i32>} : memref<1664x16xf32, #tpu.memory_space<vmem>>, vector<16xf32>,
        %add3A_1163 = arith.addf %add3A_1155, %get3A_1162 : vector<16xf32>
        %mul3A_1164 = arith.mulf %get3A_1162, %get3A_1162 : vector<16xf32>
        %add3A_1165 = arith.addf %add3A_1157, %mul3A_1164 : vector<16xf32>
        %add3A_1166 = arith.constant 24 : i32
        %add3A_1167 = arith.addi %mul3A_977, %add3A_1166 : i32
        %get3A_1168 = arith.index_cast %add3A_1167 : i32 to index
        %get3A_1169 = arith.constant 0 : index
        %get3A_1170 = tpu.vector_load %arg19[%get3A_1168, %get3A_1169] {strides = array<i32>} : memref<1664x16xf32, #tpu.memory_space<vmem>>, vector<16xf32>,
        %add3A_1171 = arith.addf %add3A_1163, %get3A_1170 : vector<16xf32>
        %mul3A_1172 = arith.mulf %get3A_1170, %get3A_1170 : vector<16xf32>
        %add3A_1173 = arith.addf %add3A_1165, %mul3A_1172 : vector<16xf32>
        %add3A_1174 = arith.constant 25 : i32
        %add3A_1175 = arith.addi %mul3A_977, %add3A_1174 : i32
        %get3A_1176 = arith.index_cast %add3A_1175 : i32 to index
        %get3A_1177 = arith.constant 0 : index
        %get3A_1178 = tpu.vector_load %arg19[%get3A_1176, %get3A_1177] {strides = array<i32>} : memref<1664x16xf32, #tpu.memory_space<vmem>>, vector<16xf32>,
        %add3A_1179 = arith.addf %add3A_1171, %get3A_1178 : vector<16xf32>
        %mul3A_1180 = arith.mulf %get3A_1178, %get3A_1178 : vector<16xf32>
        %add3A_1181 = arith.addf %add3A_1173, %mul3A_1180 : vector<16xf32>
        %mul3A_1182 = arith.mulf %add3A_1179, %add3A_1179 : vector<16xf32>
        %sub3A_1183 = arith.subf %mul3A_1182, %add3A_1181 : vector<16xf32>
        %mul3A_1184 = arith.constant 5.000000e-01 : f32
        %mul3A_1185 = vector.broadcast %mul3A_1184 : f32 to vector<16xf32>
        %mul3A_1186 = arith.mulf %mul3A_1185, %sub3A_1183 : vector<16xf32>
        %slice3A_1187 = vector.extract_strided_slice %get3A_169 {offsets = [3], sizes = [1], strides = [1]} : vector<16xi32> to vector<1xi32>
        %squeeze3A_1188 = vector.extract %slice3A_1187[0] : i32 from vector<1xi32>
        %slice3A_1189 = vector.extract_strided_slice %get3A_173 {offsets = [3], sizes = [1], strides = [1]} : vector<16xi32> to vector<1xi32>
        %squeeze3A_1190 = vector.extract %slice3A_1189[0] : i32 from vector<1xi32>
        %get3A_1191 = arith.index_cast %add3A_975 : i32 to index
        %get3A_1192 = arith.index_cast %squeeze3A_1188 : i32 to index
        %get3A_1193 = tpu.vector_load %arg21[%get3A_1191, %get3A_1192] {strides = array<i32>} : memref<64x128xf32, #tpu.memory_space<vmem>>, vector<16xf32>,
        %mul3A_1194 = arith.constant 32 : i32
        %mul3A_1195 = arith.muli %add3A_975, %mul3A_1194 : i32
        %get3A_1196 = arith.index_cast %mul3A_1195 : i32 to index
        %get3A_1197 = tpu.vector_load %arg23[%get3A_1196] {strides = array<i32>} : memref<2048xf32, #tpu.memory_space<vmem>>, vector<16xf32>,
        %mul3A_1198 = arith.mulf %get3A_1193, %get3A_1197 : vector<16xf32>
        %add3A_1199 = arith.addf %mul3A_1186, %mul3A_1198 : vector<16xf32>
        %add3A_1200 = arith.constant 16 : i32
        %add3A_1201 = arith.addi %squeeze3A_1188, %add3A_1200 : i32
        %get3A_1202 = arith.index_cast %add3A_975 : i32 to index
        %get3A_1203 = arith.index_cast %add3A_1201 : i32 to index
        %get3A_1204 = tpu.vector_load %arg21[%get3A_1202, %get3A_1203] {strides = array<i32>} : memref<64x128xf32, #tpu.memory_space<vmem>>, vector<16xf32>,
        %mul3A_1205 = arith.constant 32 : i32
        %mul3A_1206 = arith.muli %add3A_975, %mul3A_1205 : i32
        %add3A_1207 = arith.constant 16 : i32
        %add3A_1208 = arith.addi %mul3A_1206, %add3A_1207 : i32
        %get3A_1209 = arith.index_cast %add3A_1208 : i32 to index
        %get3A_1210 = tpu.vector_load %arg23[%get3A_1209] {strides = array<i32>} : memref<2048xf32, #tpu.memory_space<vmem>>, vector<16xf32>,
        %mul3A_1211 = arith.mulf %get3A_1204, %get3A_1210 : vector<16xf32>
        %add3A_1212 = arith.addf %add3A_1199, %mul3A_1211 : vector<16xf32>
        %get3A_1213 = arith.index_cast %add3A_975 : i32 to index
        %get3A_1214 = arith.index_cast %squeeze3A_1190 : i32 to index
        %get3A_1215 = tpu.vector_load %arg22[%get3A_1213, %get3A_1214] {strides = array<i32>} : memref<64x128xf32, #tpu.memory_space<vmem>>, vector<16xf32>,
        %mul3A_1216 = arith.constant 32 : i32
        %mul3A_1217 = arith.muli %add3A_975, %mul3A_1216 : i32
        %get3A_1218 = arith.index_cast %mul3A_1217 : i32 to index
        %get3A_1219 = tpu.vector_load %arg24[%get3A_1218] {strides = array<i32>} : memref<2048xf32, #tpu.memory_space<vmem>>, vector<16xf32>,
        %mul3A_1220 = arith.mulf %get3A_1215, %get3A_1219 : vector<16xf32>
        %add3A_1221 = arith.addf %add3A_1212, %mul3A_1220 : vector<16xf32>
        %add3A_1222 = arith.constant 16 : i32
        %add3A_1223 = arith.addi %squeeze3A_1190, %add3A_1222 : i32
        %get3A_1224 = arith.index_cast %add3A_975 : i32 to index
        %get3A_1225 = arith.index_cast %add3A_1223 : i32 to index
        %get3A_1226 = tpu.vector_load %arg22[%get3A_1224, %get3A_1225] {strides = array<i32>} : memref<64x128xf32, #tpu.memory_space<vmem>>, vector<16xf32>,
        %mul3A_1227 = arith.constant 32 : i32
        %mul3A_1228 = arith.muli %add3A_975, %mul3A_1227 : i32
        %add3A_1229 = arith.constant 16 : i32
        %add3A_1230 = arith.addi %mul3A_1228, %add3A_1229 : i32
        %get3A_1231 = arith.index_cast %add3A_1230 : i32 to index
        %get3A_1232 = tpu.vector_load %arg24[%get3A_1231] {strides = array<i32>} : memref<2048xf32, #tpu.memory_space<vmem>>, vector<16xf32>,
        %mul3A_1233 = arith.mulf %get3A_1226, %get3A_1232 : vector<16xf32>
        %add3A_1234 = arith.addf %add3A_1221, %mul3A_1233 : vector<16xf32>
        %swap3A_1235 = arith.constant 3 : i32
        %swap3A_1236 = arith.index_cast %swap3A_1235 : i32 to index
        %swap3A_1237 = arith.constant 0 : index
        %swap3A_1238 = tpu.vector_load %arg26[%swap3A_1236, %swap3A_1237] {strides = array<i32>} : memref<16x16xf32, #tpu.memory_space<vmem>>, vector<16xf32>,
        tpu.vector_store %arg26[%swap3A_1236, %swap3A_1237], %add3A_1234 {strides = array<i32>} : memref<16x16xf32, #tpu.memory_space<vmem>>, vector<16xf32>,
        %mul3A_1239 = arith.constant 16 : i32
        %mul3A_1240 = arith.muli %scan3A_164, %mul3A_1239 : i32
        %add3A_1241 = arith.constant 4 : i32
        %add3A_1242 = arith.addi %mul3A_1240, %add3A_1241 : i32
        %mul3A_1243 = arith.constant 26 : i32
        %mul3A_1244 = arith.muli %add3A_1242, %mul3A_1243 : i32
        %get3A_1245 = arith.index_cast %mul3A_1244 : i32 to index
        %get3A_1246 = arith.constant 0 : index
        %get3A_1247 = tpu.vector_load %arg19[%get3A_1245, %get3A_1246] {strides = array<i32>} : memref<1664x16xf32, #tpu.memory_space<vmem>>, vector<16xf32>,
        %mul3A_1248 = arith.mulf %get3A_1247, %get3A_1247 : vector<16xf32>
        %add3A_1249 = arith.constant 1 : i32
        %add3A_1250 = arith.addi %mul3A_1244, %add3A_1249 : i32
        %get3A_1251 = arith.index_cast %add3A_1250 : i32 to index
        %get3A_1252 = arith.constant 0 : index
        %get3A_1253 = tpu.vector_load %arg19[%get3A_1251, %get3A_1252] {strides = array<i32>} : memref<1664x16xf32, #tpu.memory_space<vmem>>, vector<16xf32>,
        %add3A_1254 = arith.addf %get3A_1247, %get3A_1253 : vector<16xf32>
        %mul3A_1255 = arith.mulf %get3A_1253, %get3A_1253 : vector<16xf32>
        %add3A_1256 = arith.addf %mul3A_1248, %mul3A_1255 : vector<16xf32>
        %add3A_1257 = arith.constant 2 : i32
        %add3A_1258 = arith.addi %mul3A_1244, %add3A_1257 : i32
        %get3A_1259 = arith.index_cast %add3A_1258 : i32 to index
        %get3A_1260 = arith.constant 0 : index
        %get3A_1261 = tpu.vector_load %arg19[%get3A_1259, %get3A_1260] {strides = array<i32>} : memref<1664x16xf32, #tpu.memory_space<vmem>>, vector<16xf32>,
        %add3A_1262 = arith.addf %add3A_1254, %get3A_1261 : vector<16xf32>
        %mul3A_1263 = arith.mulf %get3A_1261, %get3A_1261 : vector<16xf32>
        %add3A_1264 = arith.addf %add3A_1256, %mul3A_1263 : vector<16xf32>
        %add3A_1265 = arith.constant 3 : i32
        %add3A_1266 = arith.addi %mul3A_1244, %add3A_1265 : i32
        %get3A_1267 = arith.index_cast %add3A_1266 : i32 to index
        %get3A_1268 = arith.constant 0 : index
        %get3A_1269 = tpu.vector_load %arg19[%get3A_1267, %get3A_1268] {strides = array<i32>} : memref<1664x16xf32, #tpu.memory_space<vmem>>, vector<16xf32>,
        %add3A_1270 = arith.addf %add3A_1262, %get3A_1269 : vector<16xf32>
        %mul3A_1271 = arith.mulf %get3A_1269, %get3A_1269 : vector<16xf32>
        %add3A_1272 = arith.addf %add3A_1264, %mul3A_1271 : vector<16xf32>
        %add3A_1273 = arith.constant 4 : i32
        %add3A_1274 = arith.addi %mul3A_1244, %add3A_1273 : i32
        %get3A_1275 = arith.index_cast %add3A_1274 : i32 to index
        %get3A_1276 = arith.constant 0 : index
        %get3A_1277 = tpu.vector_load %arg19[%get3A_1275, %get3A_1276] {strides = array<i32>} : memref<1664x16xf32, #tpu.memory_space<vmem>>, vector<16xf32>,
        %add3A_1278 = arith.addf %add3A_1270, %get3A_1277 : vector<16xf32>
        %mul3A_1279 = arith.mulf %get3A_1277, %get3A_1277 : vector<16xf32>
        %add3A_1280 = arith.addf %add3A_1272, %mul3A_1279 : vector<16xf32>
        %add3A_1281 = arith.constant 5 : i32
        %add3A_1282 = arith.addi %mul3A_1244, %add3A_1281 : i32
        %get3A_1283 = arith.index_cast %add3A_1282 : i32 to index
        %get3A_1284 = arith.constant 0 : index
        %get3A_1285 = tpu.vector_load %arg19[%get3A_1283, %get3A_1284] {strides = array<i32>} : memref<1664x16xf32, #tpu.memory_space<vmem>>, vector<16xf32>,
        %add3A_1286 = arith.addf %add3A_1278, %get3A_1285 : vector<16xf32>
        %mul3A_1287 = arith.mulf %get3A_1285, %get3A_1285 : vector<16xf32>
        %add3A_1288 = arith.addf %add3A_1280, %mul3A_1287 : vector<16xf32>
        %add3A_1289 = arith.constant 6 : i32
        %add3A_1290 = arith.addi %mul3A_1244, %add3A_1289 : i32
        %get3A_1291 = arith.index_cast %add3A_1290 : i32 to index
        %get3A_1292 = arith.constant 0 : index
        %get3A_1293 = tpu.vector_load %arg19[%get3A_1291, %get3A_1292] {strides = array<i32>} : memref<1664x16xf32, #tpu.memory_space<vmem>>, vector<16xf32>,
        %add3A_1294 = arith.addf %add3A_1286, %get3A_1293 : vector<16xf32>
        %mul3A_1295 = arith.mulf %get3A_1293, %get3A_1293 : vector<16xf32>
        %add3A_1296 = arith.addf %add3A_1288, %mul3A_1295 : vector<16xf32>
        %add3A_1297 = arith.constant 7 : i32
        %add3A_1298 = arith.addi %mul3A_1244, %add3A_1297 : i32
        %get3A_1299 = arith.index_cast %add3A_1298 : i32 to index
        %get3A_1300 = arith.constant 0 : index
        %get3A_1301 = tpu.vector_load %arg19[%get3A_1299, %get3A_1300] {strides = array<i32>} : memref<1664x16xf32, #tpu.memory_space<vmem>>, vector<16xf32>,
        %add3A_1302 = arith.addf %add3A_1294, %get3A_1301 : vector<16xf32>
        %mul3A_1303 = arith.mulf %get3A_1301, %get3A_1301 : vector<16xf32>
        %add3A_1304 = arith.addf %add3A_1296, %mul3A_1303 : vector<16xf32>
        %add3A_1305 = arith.constant 8 : i32
        %add3A_1306 = arith.addi %mul3A_1244, %add3A_1305 : i32
        %get3A_1307 = arith.index_cast %add3A_1306 : i32 to index
        %get3A_1308 = arith.constant 0 : index
        %get3A_1309 = tpu.vector_load %arg19[%get3A_1307, %get3A_1308] {strides = array<i32>} : memref<1664x16xf32, #tpu.memory_space<vmem>>, vector<16xf32>,
        %add3A_1310 = arith.addf %add3A_1302, %get3A_1309 : vector<16xf32>
        %mul3A_1311 = arith.mulf %get3A_1309, %get3A_1309 : vector<16xf32>
        %add3A_1312 = arith.addf %add3A_1304, %mul3A_1311 : vector<16xf32>
        %add3A_1313 = arith.constant 9 : i32
        %add3A_1314 = arith.addi %mul3A_1244, %add3A_1313 : i32
        %get3A_1315 = arith.index_cast %add3A_1314 : i32 to index
        %get3A_1316 = arith.constant 0 : index
        %get3A_1317 = tpu.vector_load %arg19[%get3A_1315, %get3A_1316] {strides = array<i32>} : memref<1664x16xf32, #tpu.memory_space<vmem>>, vector<16xf32>,
        %add3A_1318 = arith.addf %add3A_1310, %get3A_1317 : vector<16xf32>
        %mul3A_1319 = arith.mulf %get3A_1317, %get3A_1317 : vector<16xf32>
        %add3A_1320 = arith.addf %add3A_1312, %mul3A_1319 : vector<16xf32>
        %add3A_1321 = arith.constant 10 : i32
        %add3A_1322 = arith.addi %mul3A_1244, %add3A_1321 : i32
        %get3A_1323 = arith.index_cast %add3A_1322 : i32 to index
        %get3A_1324 = arith.constant 0 : index
        %get3A_1325 = tpu.vector_load %arg19[%get3A_1323, %get3A_1324] {strides = array<i32>} : memref<1664x16xf32, #tpu.memory_space<vmem>>, vector<16xf32>,
        %add3A_1326 = arith.addf %add3A_1318, %get3A_1325 : vector<16xf32>
        %mul3A_1327 = arith.mulf %get3A_1325, %get3A_1325 : vector<16xf32>
        %add3A_1328 = arith.addf %add3A_1320, %mul3A_1327 : vector<16xf32>
        %add3A_1329 = arith.constant 11 : i32
        %add3A_1330 = arith.addi %mul3A_1244, %add3A_1329 : i32
        %get3A_1331 = arith.index_cast %add3A_1330 : i32 to index
        %get3A_1332 = arith.constant 0 : index
        %get3A_1333 = tpu.vector_load %arg19[%get3A_1331, %get3A_1332] {strides = array<i32>} : memref<1664x16xf32, #tpu.memory_space<vmem>>, vector<16xf32>,
        %add3A_1334 = arith.addf %add3A_1326, %get3A_1333 : vector<16xf32>
        %mul3A_1335 = arith.mulf %get3A_1333, %get3A_1333 : vector<16xf32>
        %add3A_1336 = arith.addf %add3A_1328, %mul3A_1335 : vector<16xf32>
        %add3A_1337 = arith.constant 12 : i32
        %add3A_1338 = arith.addi %mul3A_1244, %add3A_1337 : i32
        %get3A_1339 = arith.index_cast %add3A_1338 : i32 to index
        %get3A_1340 = arith.constant 0 : index
        %get3A_1341 = tpu.vector_load %arg19[%get3A_1339, %get3A_1340] {strides = array<i32>} : memref<1664x16xf32, #tpu.memory_space<vmem>>, vector<16xf32>,
        %add3A_1342 = arith.addf %add3A_1334, %get3A_1341 : vector<16xf32>
        %mul3A_1343 = arith.mulf %get3A_1341, %get3A_1341 : vector<16xf32>
        %add3A_1344 = arith.addf %add3A_1336, %mul3A_1343 : vector<16xf32>
        %add3A_1345 = arith.constant 13 : i32
        %add3A_1346 = arith.addi %mul3A_1244, %add3A_1345 : i32
        %get3A_1347 = arith.index_cast %add3A_1346 : i32 to index
        %get3A_1348 = arith.constant 0 : index
        %get3A_1349 = tpu.vector_load %arg19[%get3A_1347, %get3A_1348] {strides = array<i32>} : memref<1664x16xf32, #tpu.memory_space<vmem>>, vector<16xf32>,
        %add3A_1350 = arith.addf %add3A_1342, %get3A_1349 : vector<16xf32>
        %mul3A_1351 = arith.mulf %get3A_1349, %get3A_1349 : vector<16xf32>
        %add3A_1352 = arith.addf %add3A_1344, %mul3A_1351 : vector<16xf32>
        %add3A_1353 = arith.constant 14 : i32
        %add3A_1354 = arith.addi %mul3A_1244, %add3A_1353 : i32
        %get3A_1355 = arith.index_cast %add3A_1354 : i32 to index
        %get3A_1356 = arith.constant 0 : index
        %get3A_1357 = tpu.vector_load %arg19[%get3A_1355, %get3A_1356] {strides = array<i32>} : memref<1664x16xf32, #tpu.memory_space<vmem>>, vector<16xf32>,
        %add3A_1358 = arith.addf %add3A_1350, %get3A_1357 : vector<16xf32>
        %mul3A_1359 = arith.mulf %get3A_1357, %get3A_1357 : vector<16xf32>
        %add3A_1360 = arith.addf %add3A_1352, %mul3A_1359 : vector<16xf32>
        %add3A_1361 = arith.constant 15 : i32
        %add3A_1362 = arith.addi %mul3A_1244, %add3A_1361 : i32
        %get3A_1363 = arith.index_cast %add3A_1362 : i32 to index
        %get3A_1364 = arith.constant 0 : index
        %get3A_1365 = tpu.vector_load %arg19[%get3A_1363, %get3A_1364] {strides = array<i32>} : memref<1664x16xf32, #tpu.memory_space<vmem>>, vector<16xf32>,
        %add3A_1366 = arith.addf %add3A_1358, %get3A_1365 : vector<16xf32>
        %mul3A_1367 = arith.mulf %get3A_1365, %get3A_1365 : vector<16xf32>
        %add3A_1368 = arith.addf %add3A_1360, %mul3A_1367 : vector<16xf32>
        %add3A_1369 = arith.constant 16 : i32
        %add3A_1370 = arith.addi %mul3A_1244, %add3A_1369 : i32
        %get3A_1371 = arith.index_cast %add3A_1370 : i32 to index
        %get3A_1372 = arith.constant 0 : index
        %get3A_1373 = tpu.vector_load %arg19[%get3A_1371, %get3A_1372] {strides = array<i32>} : memref<1664x16xf32, #tpu.memory_space<vmem>>, vector<16xf32>,
        %add3A_1374 = arith.addf %add3A_1366, %get3A_1373 : vector<16xf32>
        %mul3A_1375 = arith.mulf %get3A_1373, %get3A_1373 : vector<16xf32>
        %add3A_1376 = arith.addf %add3A_1368, %mul3A_1375 : vector<16xf32>
        %add3A_1377 = arith.constant 17 : i32
        %add3A_1378 = arith.addi %mul3A_1244, %add3A_1377 : i32
        %get3A_1379 = arith.index_cast %add3A_1378 : i32 to index
        %get3A_1380 = arith.constant 0 : index
        %get3A_1381 = tpu.vector_load %arg19[%get3A_1379, %get3A_1380] {strides = array<i32>} : memref<1664x16xf32, #tpu.memory_space<vmem>>, vector<16xf32>,
        %add3A_1382 = arith.addf %add3A_1374, %get3A_1381 : vector<16xf32>
        %mul3A_1383 = arith.mulf %get3A_1381, %get3A_1381 : vector<16xf32>
        %add3A_1384 = arith.addf %add3A_1376, %mul3A_1383 : vector<16xf32>
        %add3A_1385 = arith.constant 18 : i32
        %add3A_1386 = arith.addi %mul3A_1244, %add3A_1385 : i32
        %get3A_1387 = arith.index_cast %add3A_1386 : i32 to index
        %get3A_1388 = arith.constant 0 : index
        %get3A_1389 = tpu.vector_load %arg19[%get3A_1387, %get3A_1388] {strides = array<i32>} : memref<1664x16xf32, #tpu.memory_space<vmem>>, vector<16xf32>,
        %add3A_1390 = arith.addf %add3A_1382, %get3A_1389 : vector<16xf32>
        %mul3A_1391 = arith.mulf %get3A_1389, %get3A_1389 : vector<16xf32>
        %add3A_1392 = arith.addf %add3A_1384, %mul3A_1391 : vector<16xf32>
        %add3A_1393 = arith.constant 19 : i32
        %add3A_1394 = arith.addi %mul3A_1244, %add3A_1393 : i32
        %get3A_1395 = arith.index_cast %add3A_1394 : i32 to index
        %get3A_1396 = arith.constant 0 : index
        %get3A_1397 = tpu.vector_load %arg19[%get3A_1395, %get3A_1396] {strides = array<i32>} : memref<1664x16xf32, #tpu.memory_space<vmem>>, vector<16xf32>,
        %add3A_1398 = arith.addf %add3A_1390, %get3A_1397 : vector<16xf32>
        %mul3A_1399 = arith.mulf %get3A_1397, %get3A_1397 : vector<16xf32>
        %add3A_1400 = arith.addf %add3A_1392, %mul3A_1399 : vector<16xf32>
        %add3A_1401 = arith.constant 20 : i32
        %add3A_1402 = arith.addi %mul3A_1244, %add3A_1401 : i32
        %get3A_1403 = arith.index_cast %add3A_1402 : i32 to index
        %get3A_1404 = arith.constant 0 : index
        %get3A_1405 = tpu.vector_load %arg19[%get3A_1403, %get3A_1404] {strides = array<i32>} : memref<1664x16xf32, #tpu.memory_space<vmem>>, vector<16xf32>,
        %add3A_1406 = arith.addf %add3A_1398, %get3A_1405 : vector<16xf32>
        %mul3A_1407 = arith.mulf %get3A_1405, %get3A_1405 : vector<16xf32>
        %add3A_1408 = arith.addf %add3A_1400, %mul3A_1407 : vector<16xf32>
        %add3A_1409 = arith.constant 21 : i32
        %add3A_1410 = arith.addi %mul3A_1244, %add3A_1409 : i32
        %get3A_1411 = arith.index_cast %add3A_1410 : i32 to index
        %get3A_1412 = arith.constant 0 : index
        %get3A_1413 = tpu.vector_load %arg19[%get3A_1411, %get3A_1412] {strides = array<i32>} : memref<1664x16xf32, #tpu.memory_space<vmem>>, vector<16xf32>,
        %add3A_1414 = arith.addf %add3A_1406, %get3A_1413 : vector<16xf32>
        %mul3A_1415 = arith.mulf %get3A_1413, %get3A_1413 : vector<16xf32>
        %add3A_1416 = arith.addf %add3A_1408, %mul3A_1415 : vector<16xf32>
        %add3A_1417 = arith.constant 22 : i32
        %add3A_1418 = arith.addi %mul3A_1244, %add3A_1417 : i32
        %get3A_1419 = arith.index_cast %add3A_1418 : i32 to index
        %get3A_1420 = arith.constant 0 : index
        %get3A_1421 = tpu.vector_load %arg19[%get3A_1419, %get3A_1420] {strides = array<i32>} : memref<1664x16xf32, #tpu.memory_space<vmem>>, vector<16xf32>,
        %add3A_1422 = arith.addf %add3A_1414, %get3A_1421 : vector<16xf32>
        %mul3A_1423 = arith.mulf %get3A_1421, %get3A_1421 : vector<16xf32>
        %add3A_1424 = arith.addf %add3A_1416, %mul3A_1423 : vector<16xf32>
        %add3A_1425 = arith.constant 23 : i32
        %add3A_1426 = arith.addi %mul3A_1244, %add3A_1425 : i32
        %get3A_1427 = arith.index_cast %add3A_1426 : i32 to index
        %get3A_1428 = arith.constant 0 : index
        %get3A_1429 = tpu.vector_load %arg19[%get3A_1427, %get3A_1428] {strides = array<i32>} : memref<1664x16xf32, #tpu.memory_space<vmem>>, vector<16xf32>,
        %add3A_1430 = arith.addf %add3A_1422, %get3A_1429 : vector<16xf32>
        %mul3A_1431 = arith.mulf %get3A_1429, %get3A_1429 : vector<16xf32>
        %add3A_1432 = arith.addf %add3A_1424, %mul3A_1431 : vector<16xf32>
        %add3A_1433 = arith.constant 24 : i32
        %add3A_1434 = arith.addi %mul3A_1244, %add3A_1433 : i32
        %get3A_1435 = arith.index_cast %add3A_1434 : i32 to index
        %get3A_1436 = arith.constant 0 : index
        %get3A_1437 = tpu.vector_load %arg19[%get3A_1435, %get3A_1436] {strides = array<i32>} : memref<1664x16xf32, #tpu.memory_space<vmem>>, vector<16xf32>,
        %add3A_1438 = arith.addf %add3A_1430, %get3A_1437 : vector<16xf32>
        %mul3A_1439 = arith.mulf %get3A_1437, %get3A_1437 : vector<16xf32>
        %add3A_1440 = arith.addf %add3A_1432, %mul3A_1439 : vector<16xf32>
        %add3A_1441 = arith.constant 25 : i32
        %add3A_1442 = arith.addi %mul3A_1244, %add3A_1441 : i32
        %get3A_1443 = arith.index_cast %add3A_1442 : i32 to index
        %get3A_1444 = arith.constant 0 : index
        %get3A_1445 = tpu.vector_load %arg19[%get3A_1443, %get3A_1444] {strides = array<i32>} : memref<1664x16xf32, #tpu.memory_space<vmem>>, vector<16xf32>,
        %add3A_1446 = arith.addf %add3A_1438, %get3A_1445 : vector<16xf32>
        %mul3A_1447 = arith.mulf %get3A_1445, %get3A_1445 : vector<16xf32>
        %add3A_1448 = arith.addf %add3A_1440, %mul3A_1447 : vector<16xf32>
        %mul3A_1449 = arith.mulf %add3A_1446, %add3A_1446 : vector<16xf32>
        %sub3A_1450 = arith.subf %mul3A_1449, %add3A_1448 : vector<16xf32>
        %mul3A_1451 = arith.constant 5.000000e-01 : f32
        %mul3A_1452 = vector.broadcast %mul3A_1451 : f32 to vector<16xf32>
        %mul3A_1453 = arith.mulf %mul3A_1452, %sub3A_1450 : vector<16xf32>
        %slice3A_1454 = vector.extract_strided_slice %get3A_169 {offsets = [4], sizes = [1], strides = [1]} : vector<16xi32> to vector<1xi32>
        %squeeze3A_1455 = vector.extract %slice3A_1454[0] : i32 from vector<1xi32>
        %slice3A_1456 = vector.extract_strided_slice %get3A_173 {offsets = [4], sizes = [1], strides = [1]} : vector<16xi32> to vector<1xi32>
        %squeeze3A_1457 = vector.extract %slice3A_1456[0] : i32 from vector<1xi32>
        %get3A_1458 = arith.index_cast %add3A_1242 : i32 to index
        %get3A_1459 = arith.index_cast %squeeze3A_1455 : i32 to index
        %get3A_1460 = tpu.vector_load %arg21[%get3A_1458, %get3A_1459] {strides = array<i32>} : memref<64x128xf32, #tpu.memory_space<vmem>>, vector<16xf32>,
        %mul3A_1461 = arith.constant 32 : i32
        %mul3A_1462 = arith.muli %add3A_1242, %mul3A_1461 : i32
        %get3A_1463 = arith.index_cast %mul3A_1462 : i32 to index
        %get3A_1464 = tpu.vector_load %arg23[%get3A_1463] {strides = array<i32>} : memref<2048xf32, #tpu.memory_space<vmem>>, vector<16xf32>,
        %mul3A_1465 = arith.mulf %get3A_1460, %get3A_1464 : vector<16xf32>
        %add3A_1466 = arith.addf %mul3A_1453, %mul3A_1465 : vector<16xf32>
        %add3A_1467 = arith.constant 16 : i32
        %add3A_1468 = arith.addi %squeeze3A_1455, %add3A_1467 : i32
        %get3A_1469 = arith.index_cast %add3A_1242 : i32 to index
        %get3A_1470 = arith.index_cast %add3A_1468 : i32 to index
        %get3A_1471 = tpu.vector_load %arg21[%get3A_1469, %get3A_1470] {strides = array<i32>} : memref<64x128xf32, #tpu.memory_space<vmem>>, vector<16xf32>,
        %mul3A_1472 = arith.constant 32 : i32
        %mul3A_1473 = arith.muli %add3A_1242, %mul3A_1472 : i32
        %add3A_1474 = arith.constant 16 : i32
        %add3A_1475 = arith.addi %mul3A_1473, %add3A_1474 : i32
        %get3A_1476 = arith.index_cast %add3A_1475 : i32 to index
        %get3A_1477 = tpu.vector_load %arg23[%get3A_1476] {strides = array<i32>} : memref<2048xf32, #tpu.memory_space<vmem>>, vector<16xf32>,
        %mul3A_1478 = arith.mulf %get3A_1471, %get3A_1477 : vector<16xf32>
        %add3A_1479 = arith.addf %add3A_1466, %mul3A_1478 : vector<16xf32>
        %get3A_1480 = arith.index_cast %add3A_1242 : i32 to index
        %get3A_1481 = arith.index_cast %squeeze3A_1457 : i32 to index
        %get3A_1482 = tpu.vector_load %arg22[%get3A_1480, %get3A_1481] {strides = array<i32>} : memref<64x128xf32, #tpu.memory_space<vmem>>, vector<16xf32>,
        %mul3A_1483 = arith.constant 32 : i32
        %mul3A_1484 = arith.muli %add3A_1242, %mul3A_1483 : i32
        %get3A_1485 = arith.index_cast %mul3A_1484 : i32 to index
        %get3A_1486 = tpu.vector_load %arg24[%get3A_1485] {strides = array<i32>} : memref<2048xf32, #tpu.memory_space<vmem>>, vector<16xf32>,
        %mul3A_1487 = arith.mulf %get3A_1482, %get3A_1486 : vector<16xf32>
        %add3A_1488 = arith.addf %add3A_1479, %mul3A_1487 : vector<16xf32>
        %add3A_1489 = arith.constant 16 : i32
        %add3A_1490 = arith.addi %squeeze3A_1457, %add3A_1489 : i32
        %get3A_1491 = arith.index_cast %add3A_1242 : i32 to index
        %get3A_1492 = arith.index_cast %add3A_1490 : i32 to index
        %get3A_1493 = tpu.vector_load %arg22[%get3A_1491, %get3A_1492] {strides = array<i32>} : memref<64x128xf32, #tpu.memory_space<vmem>>, vector<16xf32>,
        %mul3A_1494 = arith.constant 32 : i32
        %mul3A_1495 = arith.muli %add3A_1242, %mul3A_1494 : i32
        %add3A_1496 = arith.constant 16 : i32
        %add3A_1497 = arith.addi %mul3A_1495, %add3A_1496 : i32
        %get3A_1498 = arith.index_cast %add3A_1497 : i32 to index
        %get3A_1499 = tpu.vector_load %arg24[%get3A_1498] {strides = array<i32>} : memref<2048xf32, #tpu.memory_space<vmem>>, vector<16xf32>,
        %mul3A_1500 = arith.mulf %get3A_1493, %get3A_1499 : vector<16xf32>
        %add3A_1501 = arith.addf %add3A_1488, %mul3A_1500 : vector<16xf32>
        %swap3A_1502 = arith.constant 4 : i32
        %swap3A_1503 = arith.index_cast %swap3A_1502 : i32 to index
        %swap3A_1504 = arith.constant 0 : index
        %swap3A_1505 = tpu.vector_load %arg26[%swap3A_1503, %swap3A_1504] {strides = array<i32>} : memref<16x16xf32, #tpu.memory_space<vmem>>, vector<16xf32>,
        tpu.vector_store %arg26[%swap3A_1503, %swap3A_1504], %add3A_1501 {strides = array<i32>} : memref<16x16xf32, #tpu.memory_space<vmem>>, vector<16xf32>,
        %mul3A_1506 = arith.constant 16 : i32
        %mul3A_1507 = arith.muli %scan3A_164, %mul3A_1506 : i32
        %add3A_1508 = arith.constant 5 : i32
        %add3A_1509 = arith.addi %mul3A_1507, %add3A_1508 : i32
        %mul3A_1510 = arith.constant 26 : i32
        %mul3A_1511 = arith.muli %add3A_1509, %mul3A_1510 : i32
        %get3A_1512 = arith.index_cast %mul3A_1511 : i32 to index
        %get3A_1513 = arith.constant 0 : index
        %get3A_1514 = tpu.vector_load %arg19[%get3A_1512, %get3A_1513] {strides = array<i32>} : memref<1664x16xf32, #tpu.memory_space<vmem>>, vector<16xf32>,
        %mul3A_1515 = arith.mulf %get3A_1514, %get3A_1514 : vector<16xf32>
        %add3A_1516 = arith.constant 1 : i32
        %add3A_1517 = arith.addi %mul3A_1511, %add3A_1516 : i32
        %get3A_1518 = arith.index_cast %add3A_1517 : i32 to index
        %get3A_1519 = arith.constant 0 : index
        %get3A_1520 = tpu.vector_load %arg19[%get3A_1518, %get3A_1519] {strides = array<i32>} : memref<1664x16xf32, #tpu.memory_space<vmem>>, vector<16xf32>,
        %add3A_1521 = arith.addf %get3A_1514, %get3A_1520 : vector<16xf32>
        %mul3A_1522 = arith.mulf %get3A_1520, %get3A_1520 : vector<16xf32>
        %add3A_1523 = arith.addf %mul3A_1515, %mul3A_1522 : vector<16xf32>
        %add3A_1524 = arith.constant 2 : i32
        %add3A_1525 = arith.addi %mul3A_1511, %add3A_1524 : i32
        %get3A_1526 = arith.index_cast %add3A_1525 : i32 to index
        %get3A_1527 = arith.constant 0 : index
        %get3A_1528 = tpu.vector_load %arg19[%get3A_1526, %get3A_1527] {strides = array<i32>} : memref<1664x16xf32, #tpu.memory_space<vmem>>, vector<16xf32>,
        %add3A_1529 = arith.addf %add3A_1521, %get3A_1528 : vector<16xf32>
        %mul3A_1530 = arith.mulf %get3A_1528, %get3A_1528 : vector<16xf32>
        %add3A_1531 = arith.addf %add3A_1523, %mul3A_1530 : vector<16xf32>
        %add3A_1532 = arith.constant 3 : i32
        %add3A_1533 = arith.addi %mul3A_1511, %add3A_1532 : i32
        %get3A_1534 = arith.index_cast %add3A_1533 : i32 to index
        %get3A_1535 = arith.constant 0 : index
        %get3A_1536 = tpu.vector_load %arg19[%get3A_1534, %get3A_1535] {strides = array<i32>} : memref<1664x16xf32, #tpu.memory_space<vmem>>, vector<16xf32>,
        %add3A_1537 = arith.addf %add3A_1529, %get3A_1536 : vector<16xf32>
        %mul3A_1538 = arith.mulf %get3A_1536, %get3A_1536 : vector<16xf32>
        %add3A_1539 = arith.addf %add3A_1531, %mul3A_1538 : vector<16xf32>
        %add3A_1540 = arith.constant 4 : i32
        %add3A_1541 = arith.addi %mul3A_1511, %add3A_1540 : i32
        %get3A_1542 = arith.index_cast %add3A_1541 : i32 to index
        %get3A_1543 = arith.constant 0 : index
        %get3A_1544 = tpu.vector_load %arg19[%get3A_1542, %get3A_1543] {strides = array<i32>} : memref<1664x16xf32, #tpu.memory_space<vmem>>, vector<16xf32>,
        %add3A_1545 = arith.addf %add3A_1537, %get3A_1544 : vector<16xf32>
        %mul3A_1546 = arith.mulf %get3A_1544, %get3A_1544 : vector<16xf32>
        %add3A_1547 = arith.addf %add3A_1539, %mul3A_1546 : vector<16xf32>
        %add3A_1548 = arith.constant 5 : i32
        %add3A_1549 = arith.addi %mul3A_1511, %add3A_1548 : i32
        %get3A_1550 = arith.index_cast %add3A_1549 : i32 to index
        %get3A_1551 = arith.constant 0 : index
        %get3A_1552 = tpu.vector_load %arg19[%get3A_1550, %get3A_1551] {strides = array<i32>} : memref<1664x16xf32, #tpu.memory_space<vmem>>, vector<16xf32>,
        %add3A_1553 = arith.addf %add3A_1545, %get3A_1552 : vector<16xf32>
        %mul3A_1554 = arith.mulf %get3A_1552, %get3A_1552 : vector<16xf32>
        %add3A_1555 = arith.addf %add3A_1547, %mul3A_1554 : vector<16xf32>
        %add3A_1556 = arith.constant 6 : i32
        %add3A_1557 = arith.addi %mul3A_1511, %add3A_1556 : i32
        %get3A_1558 = arith.index_cast %add3A_1557 : i32 to index
        %get3A_1559 = arith.constant 0 : index
        %get3A_1560 = tpu.vector_load %arg19[%get3A_1558, %get3A_1559] {strides = array<i32>} : memref<1664x16xf32, #tpu.memory_space<vmem>>, vector<16xf32>,
        %add3A_1561 = arith.addf %add3A_1553, %get3A_1560 : vector<16xf32>
        %mul3A_1562 = arith.mulf %get3A_1560, %get3A_1560 : vector<16xf32>
        %add3A_1563 = arith.addf %add3A_1555, %mul3A_1562 : vector<16xf32>
        %add3A_1564 = arith.constant 7 : i32
        %add3A_1565 = arith.addi %mul3A_1511, %add3A_1564 : i32
        %get3A_1566 = arith.index_cast %add3A_1565 : i32 to index
        %get3A_1567 = arith.constant 0 : index
        %get3A_1568 = tpu.vector_load %arg19[%get3A_1566, %get3A_1567] {strides = array<i32>} : memref<1664x16xf32, #tpu.memory_space<vmem>>, vector<16xf32>,
        %add3A_1569 = arith.addf %add3A_1561, %get3A_1568 : vector<16xf32>
        %mul3A_1570 = arith.mulf %get3A_1568, %get3A_1568 : vector<16xf32>
        %add3A_1571 = arith.addf %add3A_1563, %mul3A_1570 : vector<16xf32>
        %add3A_1572 = arith.constant 8 : i32
        %add3A_1573 = arith.addi %mul3A_1511, %add3A_1572 : i32
        %get3A_1574 = arith.index_cast %add3A_1573 : i32 to index
        %get3A_1575 = arith.constant 0 : index
        %get3A_1576 = tpu.vector_load %arg19[%get3A_1574, %get3A_1575] {strides = array<i32>} : memref<1664x16xf32, #tpu.memory_space<vmem>>, vector<16xf32>,
        %add3A_1577 = arith.addf %add3A_1569, %get3A_1576 : vector<16xf32>
        %mul3A_1578 = arith.mulf %get3A_1576, %get3A_1576 : vector<16xf32>
        %add3A_1579 = arith.addf %add3A_1571, %mul3A_1578 : vector<16xf32>
        %add3A_1580 = arith.constant 9 : i32
        %add3A_1581 = arith.addi %mul3A_1511, %add3A_1580 : i32
        %get3A_1582 = arith.index_cast %add3A_1581 : i32 to index
        %get3A_1583 = arith.constant 0 : index
        %get3A_1584 = tpu.vector_load %arg19[%get3A_1582, %get3A_1583] {strides = array<i32>} : memref<1664x16xf32, #tpu.memory_space<vmem>>, vector<16xf32>,
        %add3A_1585 = arith.addf %add3A_1577, %get3A_1584 : vector<16xf32>
        %mul3A_1586 = arith.mulf %get3A_1584, %get3A_1584 : vector<16xf32>
        %add3A_1587 = arith.addf %add3A_1579, %mul3A_1586 : vector<16xf32>
        %add3A_1588 = arith.constant 10 : i32
        %add3A_1589 = arith.addi %mul3A_1511, %add3A_1588 : i32
        %get3A_1590 = arith.index_cast %add3A_1589 : i32 to index
        %get3A_1591 = arith.constant 0 : index
        %get3A_1592 = tpu.vector_load %arg19[%get3A_1590, %get3A_1591] {strides = array<i32>} : memref<1664x16xf32, #tpu.memory_space<vmem>>, vector<16xf32>,
        %add3A_1593 = arith.addf %add3A_1585, %get3A_1592 : vector<16xf32>
        %mul3A_1594 = arith.mulf %get3A_1592, %get3A_1592 : vector<16xf32>
        %add3A_1595 = arith.addf %add3A_1587, %mul3A_1594 : vector<16xf32>
        %add3A_1596 = arith.constant 11 : i32
        %add3A_1597 = arith.addi %mul3A_1511, %add3A_1596 : i32
        %get3A_1598 = arith.index_cast %add3A_1597 : i32 to index
        %get3A_1599 = arith.constant 0 : index
        %get3A_1600 = tpu.vector_load %arg19[%get3A_1598, %get3A_1599] {strides = array<i32>} : memref<1664x16xf32, #tpu.memory_space<vmem>>, vector<16xf32>,
        %add3A_1601 = arith.addf %add3A_1593, %get3A_1600 : vector<16xf32>
        %mul3A_1602 = arith.mulf %get3A_1600, %get3A_1600 : vector<16xf32>
        %add3A_1603 = arith.addf %add3A_1595, %mul3A_1602 : vector<16xf32>
        %add3A_1604 = arith.constant 12 : i32
        %add3A_1605 = arith.addi %mul3A_1511, %add3A_1604 : i32
        %get3A_1606 = arith.index_cast %add3A_1605 : i32 to index
        %get3A_1607 = arith.constant 0 : index
        %get3A_1608 = tpu.vector_load %arg19[%get3A_1606, %get3A_1607] {strides = array<i32>} : memref<1664x16xf32, #tpu.memory_space<vmem>>, vector<16xf32>,
        %add3A_1609 = arith.addf %add3A_1601, %get3A_1608 : vector<16xf32>
        %mul3A_1610 = arith.mulf %get3A_1608, %get3A_1608 : vector<16xf32>
        %add3A_1611 = arith.addf %add3A_1603, %mul3A_1610 : vector<16xf32>
        %add3A_1612 = arith.constant 13 : i32
        %add3A_1613 = arith.addi %mul3A_1511, %add3A_1612 : i32
        %get3A_1614 = arith.index_cast %add3A_1613 : i32 to index
        %get3A_1615 = arith.constant 0 : index
        %get3A_1616 = tpu.vector_load %arg19[%get3A_1614, %get3A_1615] {strides = array<i32>} : memref<1664x16xf32, #tpu.memory_space<vmem>>, vector<16xf32>,
        %add3A_1617 = arith.addf %add3A_1609, %get3A_1616 : vector<16xf32>
        %mul3A_1618 = arith.mulf %get3A_1616, %get3A_1616 : vector<16xf32>
        %add3A_1619 = arith.addf %add3A_1611, %mul3A_1618 : vector<16xf32>
        %add3A_1620 = arith.constant 14 : i32
        %add3A_1621 = arith.addi %mul3A_1511, %add3A_1620 : i32
        %get3A_1622 = arith.index_cast %add3A_1621 : i32 to index
        %get3A_1623 = arith.constant 0 : index
        %get3A_1624 = tpu.vector_load %arg19[%get3A_1622, %get3A_1623] {strides = array<i32>} : memref<1664x16xf32, #tpu.memory_space<vmem>>, vector<16xf32>,
        %add3A_1625 = arith.addf %add3A_1617, %get3A_1624 : vector<16xf32>
        %mul3A_1626 = arith.mulf %get3A_1624, %get3A_1624 : vector<16xf32>
        %add3A_1627 = arith.addf %add3A_1619, %mul3A_1626 : vector<16xf32>
        %add3A_1628 = arith.constant 15 : i32
        %add3A_1629 = arith.addi %mul3A_1511, %add3A_1628 : i32
        %get3A_1630 = arith.index_cast %add3A_1629 : i32 to index
        %get3A_1631 = arith.constant 0 : index
        %get3A_1632 = tpu.vector_load %arg19[%get3A_1630, %get3A_1631] {strides = array<i32>} : memref<1664x16xf32, #tpu.memory_space<vmem>>, vector<16xf32>,
        %add3A_1633 = arith.addf %add3A_1625, %get3A_1632 : vector<16xf32>
        %mul3A_1634 = arith.mulf %get3A_1632, %get3A_1632 : vector<16xf32>
        %add3A_1635 = arith.addf %add3A_1627, %mul3A_1634 : vector<16xf32>
        %add3A_1636 = arith.constant 16 : i32
        %add3A_1637 = arith.addi %mul3A_1511, %add3A_1636 : i32
        %get3A_1638 = arith.index_cast %add3A_1637 : i32 to index
        %get3A_1639 = arith.constant 0 : index
        %get3A_1640 = tpu.vector_load %arg19[%get3A_1638, %get3A_1639] {strides = array<i32>} : memref<1664x16xf32, #tpu.memory_space<vmem>>, vector<16xf32>,
        %add3A_1641 = arith.addf %add3A_1633, %get3A_1640 : vector<16xf32>
        %mul3A_1642 = arith.mulf %get3A_1640, %get3A_1640 : vector<16xf32>
        %add3A_1643 = arith.addf %add3A_1635, %mul3A_1642 : vector<16xf32>
        %add3A_1644 = arith.constant 17 : i32
        %add3A_1645 = arith.addi %mul3A_1511, %add3A_1644 : i32
        %get3A_1646 = arith.index_cast %add3A_1645 : i32 to index
        %get3A_1647 = arith.constant 0 : index
        %get3A_1648 = tpu.vector_load %arg19[%get3A_1646, %get3A_1647] {strides = array<i32>} : memref<1664x16xf32, #tpu.memory_space<vmem>>, vector<16xf32>,
        %add3A_1649 = arith.addf %add3A_1641, %get3A_1648 : vector<16xf32>
        %mul3A_1650 = arith.mulf %get3A_1648, %get3A_1648 : vector<16xf32>
        %add3A_1651 = arith.addf %add3A_1643, %mul3A_1650 : vector<16xf32>
        %add3A_1652 = arith.constant 18 : i32
        %add3A_1653 = arith.addi %mul3A_1511, %add3A_1652 : i32
        %get3A_1654 = arith.index_cast %add3A_1653 : i32 to index
        %get3A_1655 = arith.constant 0 : index
        %get3A_1656 = tpu.vector_load %arg19[%get3A_1654, %get3A_1655] {strides = array<i32>} : memref<1664x16xf32, #tpu.memory_space<vmem>>, vector<16xf32>,
        %add3A_1657 = arith.addf %add3A_1649, %get3A_1656 : vector<16xf32>
        %mul3A_1658 = arith.mulf %get3A_1656, %get3A_1656 : vector<16xf32>
        %add3A_1659 = arith.addf %add3A_1651, %mul3A_1658 : vector<16xf32>
        %add3A_1660 = arith.constant 19 : i32
        %add3A_1661 = arith.addi %mul3A_1511, %add3A_1660 : i32
        %get3A_1662 = arith.index_cast %add3A_1661 : i32 to index
        %get3A_1663 = arith.constant 0 : index
        %get3A_1664 = tpu.vector_load %arg19[%get3A_1662, %get3A_1663] {strides = array<i32>} : memref<1664x16xf32, #tpu.memory_space<vmem>>, vector<16xf32>,
        %add3A_1665 = arith.addf %add3A_1657, %get3A_1664 : vector<16xf32>
        %mul3A_1666 = arith.mulf %get3A_1664, %get3A_1664 : vector<16xf32>
        %add3A_1667 = arith.addf %add3A_1659, %mul3A_1666 : vector<16xf32>
        %add3A_1668 = arith.constant 20 : i32
        %add3A_1669 = arith.addi %mul3A_1511, %add3A_1668 : i32
        %get3A_1670 = arith.index_cast %add3A_1669 : i32 to index
        %get3A_1671 = arith.constant 0 : index
        %get3A_1672 = tpu.vector_load %arg19[%get3A_1670, %get3A_1671] {strides = array<i32>} : memref<1664x16xf32, #tpu.memory_space<vmem>>, vector<16xf32>,
        %add3A_1673 = arith.addf %add3A_1665, %get3A_1672 : vector<16xf32>
        %mul3A_1674 = arith.mulf %get3A_1672, %get3A_1672 : vector<16xf32>
        %add3A_1675 = arith.addf %add3A_1667, %mul3A_1674 : vector<16xf32>
        %add3A_1676 = arith.constant 21 : i32
        %add3A_1677 = arith.addi %mul3A_1511, %add3A_1676 : i32
        %get3A_1678 = arith.index_cast %add3A_1677 : i32 to index
        %get3A_1679 = arith.constant 0 : index
        %get3A_1680 = tpu.vector_load %arg19[%get3A_1678, %get3A_1679] {strides = array<i32>} : memref<1664x16xf32, #tpu.memory_space<vmem>>, vector<16xf32>,
        %add3A_1681 = arith.addf %add3A_1673, %get3A_1680 : vector<16xf32>
        %mul3A_1682 = arith.mulf %get3A_1680, %get3A_1680 : vector<16xf32>
        %add3A_1683 = arith.addf %add3A_1675, %mul3A_1682 : vector<16xf32>
        %add3A_1684 = arith.constant 22 : i32
        %add3A_1685 = arith.addi %mul3A_1511, %add3A_1684 : i32
        %get3A_1686 = arith.index_cast %add3A_1685 : i32 to index
        %get3A_1687 = arith.constant 0 : index
        %get3A_1688 = tpu.vector_load %arg19[%get3A_1686, %get3A_1687] {strides = array<i32>} : memref<1664x16xf32, #tpu.memory_space<vmem>>, vector<16xf32>,
        %add3A_1689 = arith.addf %add3A_1681, %get3A_1688 : vector<16xf32>
        %mul3A_1690 = arith.mulf %get3A_1688, %get3A_1688 : vector<16xf32>
        %add3A_1691 = arith.addf %add3A_1683, %mul3A_1690 : vector<16xf32>
        %add3A_1692 = arith.constant 23 : i32
        %add3A_1693 = arith.addi %mul3A_1511, %add3A_1692 : i32
        %get3A_1694 = arith.index_cast %add3A_1693 : i32 to index
        %get3A_1695 = arith.constant 0 : index
        %get3A_1696 = tpu.vector_load %arg19[%get3A_1694, %get3A_1695] {strides = array<i32>} : memref<1664x16xf32, #tpu.memory_space<vmem>>, vector<16xf32>,
        %add3A_1697 = arith.addf %add3A_1689, %get3A_1696 : vector<16xf32>
        %mul3A_1698 = arith.mulf %get3A_1696, %get3A_1696 : vector<16xf32>
        %add3A_1699 = arith.addf %add3A_1691, %mul3A_1698 : vector<16xf32>
        %add3A_1700 = arith.constant 24 : i32
        %add3A_1701 = arith.addi %mul3A_1511, %add3A_1700 : i32
        %get3A_1702 = arith.index_cast %add3A_1701 : i32 to index
        %get3A_1703 = arith.constant 0 : index
        %get3A_1704 = tpu.vector_load %arg19[%get3A_1702, %get3A_1703] {strides = array<i32>} : memref<1664x16xf32, #tpu.memory_space<vmem>>, vector<16xf32>,
        %add3A_1705 = arith.addf %add3A_1697, %get3A_1704 : vector<16xf32>
        %mul3A_1706 = arith.mulf %get3A_1704, %get3A_1704 : vector<16xf32>
        %add3A_1707 = arith.addf %add3A_1699, %mul3A_1706 : vector<16xf32>
        %add3A_1708 = arith.constant 25 : i32
        %add3A_1709 = arith.addi %mul3A_1511, %add3A_1708 : i32
        %get3A_1710 = arith.index_cast %add3A_1709 : i32 to index
        %get3A_1711 = arith.constant 0 : index
        %get3A_1712 = tpu.vector_load %arg19[%get3A_1710, %get3A_1711] {strides = array<i32>} : memref<1664x16xf32, #tpu.memory_space<vmem>>, vector<16xf32>,
        %add3A_1713 = arith.addf %add3A_1705, %get3A_1712 : vector<16xf32>
        %mul3A_1714 = arith.mulf %get3A_1712, %get3A_1712 : vector<16xf32>
        %add3A_1715 = arith.addf %add3A_1707, %mul3A_1714 : vector<16xf32>
        %mul3A_1716 = arith.mulf %add3A_1713, %add3A_1713 : vector<16xf32>
        %sub3A_1717 = arith.subf %mul3A_1716, %add3A_1715 : vector<16xf32>
        %mul3A_1718 = arith.constant 5.000000e-01 : f32
        %mul3A_1719 = vector.broadcast %mul3A_1718 : f32 to vector<16xf32>
        %mul3A_1720 = arith.mulf %mul3A_1719, %sub3A_1717 : vector<16xf32>
        %slice3A_1721 = vector.extract_strided_slice %get3A_169 {offsets = [5], sizes = [1], strides = [1]} : vector<16xi32> to vector<1xi32>
        %squeeze3A_1722 = vector.extract %slice3A_1721[0] : i32 from vector<1xi32>
        %slice3A_1723 = vector.extract_strided_slice %get3A_173 {offsets = [5], sizes = [1], strides = [1]} : vector<16xi32> to vector<1xi32>
        %squeeze3A_1724 = vector.extract %slice3A_1723[0] : i32 from vector<1xi32>
        %get3A_1725 = arith.index_cast %add3A_1509 : i32 to index
        %get3A_1726 = arith.index_cast %squeeze3A_1722 : i32 to index
        %get3A_1727 = tpu.vector_load %arg21[%get3A_1725, %get3A_1726] {strides = array<i32>} : memref<64x128xf32, #tpu.memory_space<vmem>>, vector<16xf32>,
        %mul3A_1728 = arith.constant 32 : i32
        %mul3A_1729 = arith.muli %add3A_1509, %mul3A_1728 : i32
        %get3A_1730 = arith.index_cast %mul3A_1729 : i32 to index
        %get3A_1731 = tpu.vector_load %arg23[%get3A_1730] {strides = array<i32>} : memref<2048xf32, #tpu.memory_space<vmem>>, vector<16xf32>,
        %mul3A_1732 = arith.mulf %get3A_1727, %get3A_1731 : vector<16xf32>
        %add3A_1733 = arith.addf %mul3A_1720, %mul3A_1732 : vector<16xf32>
        %add3A_1734 = arith.constant 16 : i32
        %add3A_1735 = arith.addi %squeeze3A_1722, %add3A_1734 : i32
        %get3A_1736 = arith.index_cast %add3A_1509 : i32 to index
        %get3A_1737 = arith.index_cast %add3A_1735 : i32 to index
        %get3A_1738 = tpu.vector_load %arg21[%get3A_1736, %get3A_1737] {strides = array<i32>} : memref<64x128xf32, #tpu.memory_space<vmem>>, vector<16xf32>,
        %mul3A_1739 = arith.constant 32 : i32
        %mul3A_1740 = arith.muli %add3A_1509, %mul3A_1739 : i32
        %add3A_1741 = arith.constant 16 : i32
        %add3A_1742 = arith.addi %mul3A_1740, %add3A_1741 : i32
        %get3A_1743 = arith.index_cast %add3A_1742 : i32 to index
        %get3A_1744 = tpu.vector_load %arg23[%get3A_1743] {strides = array<i32>} : memref<2048xf32, #tpu.memory_space<vmem>>, vector<16xf32>,
        %mul3A_1745 = arith.mulf %get3A_1738, %get3A_1744 : vector<16xf32>
        %add3A_1746 = arith.addf %add3A_1733, %mul3A_1745 : vector<16xf32>
        %get3A_1747 = arith.index_cast %add3A_1509 : i32 to index
        %get3A_1748 = arith.index_cast %squeeze3A_1724 : i32 to index
        %get3A_1749 = tpu.vector_load %arg22[%get3A_1747, %get3A_1748] {strides = array<i32>} : memref<64x128xf32, #tpu.memory_space<vmem>>, vector<16xf32>,
        %mul3A_1750 = arith.constant 32 : i32
        %mul3A_1751 = arith.muli %add3A_1509, %mul3A_1750 : i32
        %get3A_1752 = arith.index_cast %mul3A_1751 : i32 to index
        %get3A_1753 = tpu.vector_load %arg24[%get3A_1752] {strides = array<i32>} : memref<2048xf32, #tpu.memory_space<vmem>>, vector<16xf32>,
        %mul3A_1754 = arith.mulf %get3A_1749, %get3A_1753 : vector<16xf32>
        %add3A_1755 = arith.addf %add3A_1746, %mul3A_1754 : vector<16xf32>
        %add3A_1756 = arith.constant 16 : i32
        %add3A_1757 = arith.addi %squeeze3A_1724, %add3A_1756 : i32
        %get3A_1758 = arith.index_cast %add3A_1509 : i32 to index
        %get3A_1759 = arith.index_cast %add3A_1757 : i32 to index
        %get3A_1760 = tpu.vector_load %arg22[%get3A_1758, %get3A_1759] {strides = array<i32>} : memref<64x128xf32, #tpu.memory_space<vmem>>, vector<16xf32>,
        %mul3A_1761 = arith.constant 32 : i32
        %mul3A_1762 = arith.muli %add3A_1509, %mul3A_1761 : i32
        %add3A_1763 = arith.constant 16 : i32
        %add3A_1764 = arith.addi %mul3A_1762, %add3A_1763 : i32
        %get3A_1765 = arith.index_cast %add3A_1764 : i32 to index
        %get3A_1766 = tpu.vector_load %arg24[%get3A_1765] {strides = array<i32>} : memref<2048xf32, #tpu.memory_space<vmem>>, vector<16xf32>,
        %mul3A_1767 = arith.mulf %get3A_1760, %get3A_1766 : vector<16xf32>
        %add3A_1768 = arith.addf %add3A_1755, %mul3A_1767 : vector<16xf32>
        %swap3A_1769 = arith.constant 5 : i32
        %swap3A_1770 = arith.index_cast %swap3A_1769 : i32 to index
        %swap3A_1771 = arith.constant 0 : index
        %swap3A_1772 = tpu.vector_load %arg26[%swap3A_1770, %swap3A_1771] {strides = array<i32>} : memref<16x16xf32, #tpu.memory_space<vmem>>, vector<16xf32>,
        tpu.vector_store %arg26[%swap3A_1770, %swap3A_1771], %add3A_1768 {strides = array<i32>} : memref<16x16xf32, #tpu.memory_space<vmem>>, vector<16xf32>,
        %mul3A_1773 = arith.constant 16 : i32
        %mul3A_1774 = arith.muli %scan3A_164, %mul3A_1773 : i32
        %add3A_1775 = arith.constant 6 : i32
        %add3A_1776 = arith.addi %mul3A_1774, %add3A_1775 : i32
        %mul3A_1777 = arith.constant 26 : i32
        %mul3A_1778 = arith.muli %add3A_1776, %mul3A_1777 : i32
        %get3A_1779 = arith.index_cast %mul3A_1778 : i32 to index
        %get3A_1780 = arith.constant 0 : index
        %get3A_1781 = tpu.vector_load %arg19[%get3A_1779, %get3A_1780] {strides = array<i32>} : memref<1664x16xf32, #tpu.memory_space<vmem>>, vector<16xf32>,
        %mul3A_1782 = arith.mulf %get3A_1781, %get3A_1781 : vector<16xf32>
        %add3A_1783 = arith.constant 1 : i32
        %add3A_1784 = arith.addi %mul3A_1778, %add3A_1783 : i32
        %get3A_1785 = arith.index_cast %add3A_1784 : i32 to index
        %get3A_1786 = arith.constant 0 : index
        %get3A_1787 = tpu.vector_load %arg19[%get3A_1785, %get3A_1786] {strides = array<i32>} : memref<1664x16xf32, #tpu.memory_space<vmem>>, vector<16xf32>,
        %add3A_1788 = arith.addf %get3A_1781, %get3A_1787 : vector<16xf32>
        %mul3A_1789 = arith.mulf %get3A_1787, %get3A_1787 : vector<16xf32>
        %add3A_1790 = arith.addf %mul3A_1782, %mul3A_1789 : vector<16xf32>
        %add3A_1791 = arith.constant 2 : i32
        %add3A_1792 = arith.addi %mul3A_1778, %add3A_1791 : i32
        %get3A_1793 = arith.index_cast %add3A_1792 : i32 to index
        %get3A_1794 = arith.constant 0 : index
        %get3A_1795 = tpu.vector_load %arg19[%get3A_1793, %get3A_1794] {strides = array<i32>} : memref<1664x16xf32, #tpu.memory_space<vmem>>, vector<16xf32>,
        %add3A_1796 = arith.addf %add3A_1788, %get3A_1795 : vector<16xf32>
        %mul3A_1797 = arith.mulf %get3A_1795, %get3A_1795 : vector<16xf32>
        %add3A_1798 = arith.addf %add3A_1790, %mul3A_1797 : vector<16xf32>
        %add3A_1799 = arith.constant 3 : i32
        %add3A_1800 = arith.addi %mul3A_1778, %add3A_1799 : i32
        %get3A_1801 = arith.index_cast %add3A_1800 : i32 to index
        %get3A_1802 = arith.constant 0 : index
        %get3A_1803 = tpu.vector_load %arg19[%get3A_1801, %get3A_1802] {strides = array<i32>} : memref<1664x16xf32, #tpu.memory_space<vmem>>, vector<16xf32>,
        %add3A_1804 = arith.addf %add3A_1796, %get3A_1803 : vector<16xf32>
        %mul3A_1805 = arith.mulf %get3A_1803, %get3A_1803 : vector<16xf32>
        %add3A_1806 = arith.addf %add3A_1798, %mul3A_1805 : vector<16xf32>
        %add3A_1807 = arith.constant 4 : i32
        %add3A_1808 = arith.addi %mul3A_1778, %add3A_1807 : i32
        %get3A_1809 = arith.index_cast %add3A_1808 : i32 to index
        %get3A_1810 = arith.constant 0 : index
        %get3A_1811 = tpu.vector_load %arg19[%get3A_1809, %get3A_1810] {strides = array<i32>} : memref<1664x16xf32, #tpu.memory_space<vmem>>, vector<16xf32>,
        %add3A_1812 = arith.addf %add3A_1804, %get3A_1811 : vector<16xf32>
        %mul3A_1813 = arith.mulf %get3A_1811, %get3A_1811 : vector<16xf32>
        %add3A_1814 = arith.addf %add3A_1806, %mul3A_1813 : vector<16xf32>
        %add3A_1815 = arith.constant 5 : i32
        %add3A_1816 = arith.addi %mul3A_1778, %add3A_1815 : i32
        %get3A_1817 = arith.index_cast %add3A_1816 : i32 to index
        %get3A_1818 = arith.constant 0 : index
        %get3A_1819 = tpu.vector_load %arg19[%get3A_1817, %get3A_1818] {strides = array<i32>} : memref<1664x16xf32, #tpu.memory_space<vmem>>, vector<16xf32>,
        %add3A_1820 = arith.addf %add3A_1812, %get3A_1819 : vector<16xf32>
        %mul3A_1821 = arith.mulf %get3A_1819, %get3A_1819 : vector<16xf32>
        %add3A_1822 = arith.addf %add3A_1814, %mul3A_1821 : vector<16xf32>
        %add3A_1823 = arith.constant 6 : i32
        %add3A_1824 = arith.addi %mul3A_1778, %add3A_1823 : i32
        %get3A_1825 = arith.index_cast %add3A_1824 : i32 to index
        %get3A_1826 = arith.constant 0 : index
        %get3A_1827 = tpu.vector_load %arg19[%get3A_1825, %get3A_1826] {strides = array<i32>} : memref<1664x16xf32, #tpu.memory_space<vmem>>, vector<16xf32>,
        %add3A_1828 = arith.addf %add3A_1820, %get3A_1827 : vector<16xf32>
        %mul3A_1829 = arith.mulf %get3A_1827, %get3A_1827 : vector<16xf32>
        %add3A_1830 = arith.addf %add3A_1822, %mul3A_1829 : vector<16xf32>
        %add3A_1831 = arith.constant 7 : i32
        %add3A_1832 = arith.addi %mul3A_1778, %add3A_1831 : i32
        %get3A_1833 = arith.index_cast %add3A_1832 : i32 to index
        %get3A_1834 = arith.constant 0 : index
        %get3A_1835 = tpu.vector_load %arg19[%get3A_1833, %get3A_1834] {strides = array<i32>} : memref<1664x16xf32, #tpu.memory_space<vmem>>, vector<16xf32>,
        %add3A_1836 = arith.addf %add3A_1828, %get3A_1835 : vector<16xf32>
        %mul3A_1837 = arith.mulf %get3A_1835, %get3A_1835 : vector<16xf32>
        %add3A_1838 = arith.addf %add3A_1830, %mul3A_1837 : vector<16xf32>
        %add3A_1839 = arith.constant 8 : i32
        %add3A_1840 = arith.addi %mul3A_1778, %add3A_1839 : i32
        %get3A_1841 = arith.index_cast %add3A_1840 : i32 to index
        %get3A_1842 = arith.constant 0 : index
        %get3A_1843 = tpu.vector_load %arg19[%get3A_1841, %get3A_1842] {strides = array<i32>} : memref<1664x16xf32, #tpu.memory_space<vmem>>, vector<16xf32>,
        %add3A_1844 = arith.addf %add3A_1836, %get3A_1843 : vector<16xf32>
        %mul3A_1845 = arith.mulf %get3A_1843, %get3A_1843 : vector<16xf32>
        %add3A_1846 = arith.addf %add3A_1838, %mul3A_1845 : vector<16xf32>
        %add3A_1847 = arith.constant 9 : i32
        %add3A_1848 = arith.addi %mul3A_1778, %add3A_1847 : i32
        %get3A_1849 = arith.index_cast %add3A_1848 : i32 to index
        %get3A_1850 = arith.constant 0 : index
        %get3A_1851 = tpu.vector_load %arg19[%get3A_1849, %get3A_1850] {strides = array<i32>} : memref<1664x16xf32, #tpu.memory_space<vmem>>, vector<16xf32>,
        %add3A_1852 = arith.addf %add3A_1844, %get3A_1851 : vector<16xf32>
        %mul3A_1853 = arith.mulf %get3A_1851, %get3A_1851 : vector<16xf32>
        %add3A_1854 = arith.addf %add3A_1846, %mul3A_1853 : vector<16xf32>
        %add3A_1855 = arith.constant 10 : i32
        %add3A_1856 = arith.addi %mul3A_1778, %add3A_1855 : i32
        %get3A_1857 = arith.index_cast %add3A_1856 : i32 to index
        %get3A_1858 = arith.constant 0 : index
        %get3A_1859 = tpu.vector_load %arg19[%get3A_1857, %get3A_1858] {strides = array<i32>} : memref<1664x16xf32, #tpu.memory_space<vmem>>, vector<16xf32>,
        %add3A_1860 = arith.addf %add3A_1852, %get3A_1859 : vector<16xf32>
        %mul3A_1861 = arith.mulf %get3A_1859, %get3A_1859 : vector<16xf32>
        %add3A_1862 = arith.addf %add3A_1854, %mul3A_1861 : vector<16xf32>
        %add3A_1863 = arith.constant 11 : i32
        %add3A_1864 = arith.addi %mul3A_1778, %add3A_1863 : i32
        %get3A_1865 = arith.index_cast %add3A_1864 : i32 to index
        %get3A_1866 = arith.constant 0 : index
        %get3A_1867 = tpu.vector_load %arg19[%get3A_1865, %get3A_1866] {strides = array<i32>} : memref<1664x16xf32, #tpu.memory_space<vmem>>, vector<16xf32>,
        %add3A_1868 = arith.addf %add3A_1860, %get3A_1867 : vector<16xf32>
        %mul3A_1869 = arith.mulf %get3A_1867, %get3A_1867 : vector<16xf32>
        %add3A_1870 = arith.addf %add3A_1862, %mul3A_1869 : vector<16xf32>
        %add3A_1871 = arith.constant 12 : i32
        %add3A_1872 = arith.addi %mul3A_1778, %add3A_1871 : i32
        %get3A_1873 = arith.index_cast %add3A_1872 : i32 to index
        %get3A_1874 = arith.constant 0 : index
        %get3A_1875 = tpu.vector_load %arg19[%get3A_1873, %get3A_1874] {strides = array<i32>} : memref<1664x16xf32, #tpu.memory_space<vmem>>, vector<16xf32>,
        %add3A_1876 = arith.addf %add3A_1868, %get3A_1875 : vector<16xf32>
        %mul3A_1877 = arith.mulf %get3A_1875, %get3A_1875 : vector<16xf32>
        %add3A_1878 = arith.addf %add3A_1870, %mul3A_1877 : vector<16xf32>
        %add3A_1879 = arith.constant 13 : i32
        %add3A_1880 = arith.addi %mul3A_1778, %add3A_1879 : i32
        %get3A_1881 = arith.index_cast %add3A_1880 : i32 to index
        %get3A_1882 = arith.constant 0 : index
        %get3A_1883 = tpu.vector_load %arg19[%get3A_1881, %get3A_1882] {strides = array<i32>} : memref<1664x16xf32, #tpu.memory_space<vmem>>, vector<16xf32>,
        %add3A_1884 = arith.addf %add3A_1876, %get3A_1883 : vector<16xf32>
        %mul3A_1885 = arith.mulf %get3A_1883, %get3A_1883 : vector<16xf32>
        %add3A_1886 = arith.addf %add3A_1878, %mul3A_1885 : vector<16xf32>
        %add3A_1887 = arith.constant 14 : i32
        %add3A_1888 = arith.addi %mul3A_1778, %add3A_1887 : i32
        %get3A_1889 = arith.index_cast %add3A_1888 : i32 to index
        %get3A_1890 = arith.constant 0 : index
        %get3A_1891 = tpu.vector_load %arg19[%get3A_1889, %get3A_1890] {strides = array<i32>} : memref<1664x16xf32, #tpu.memory_space<vmem>>, vector<16xf32>,
        %add3A_1892 = arith.addf %add3A_1884, %get3A_1891 : vector<16xf32>
        %mul3A_1893 = arith.mulf %get3A_1891, %get3A_1891 : vector<16xf32>
        %add3A_1894 = arith.addf %add3A_1886, %mul3A_1893 : vector<16xf32>
        %add3A_1895 = arith.constant 15 : i32
        %add3A_1896 = arith.addi %mul3A_1778, %add3A_1895 : i32
        %get3A_1897 = arith.index_cast %add3A_1896 : i32 to index
        %get3A_1898 = arith.constant 0 : index
        %get3A_1899 = tpu.vector_load %arg19[%get3A_1897, %get3A_1898] {strides = array<i32>} : memref<1664x16xf32, #tpu.memory_space<vmem>>, vector<16xf32>,
        %add3A_1900 = arith.addf %add3A_1892, %get3A_1899 : vector<16xf32>
        %mul3A_1901 = arith.mulf %get3A_1899, %get3A_1899 : vector<16xf32>
        %add3A_1902 = arith.addf %add3A_1894, %mul3A_1901 : vector<16xf32>
        %add3A_1903 = arith.constant 16 : i32
        %add3A_1904 = arith.addi %mul3A_1778, %add3A_1903 : i32
        %get3A_1905 = arith.index_cast %add3A_1904 : i32 to index
        %get3A_1906 = arith.constant 0 : index
        %get3A_1907 = tpu.vector_load %arg19[%get3A_1905, %get3A_1906] {strides = array<i32>} : memref<1664x16xf32, #tpu.memory_space<vmem>>, vector<16xf32>,
        %add3A_1908 = arith.addf %add3A_1900, %get3A_1907 : vector<16xf32>
        %mul3A_1909 = arith.mulf %get3A_1907, %get3A_1907 : vector<16xf32>
        %add3A_1910 = arith.addf %add3A_1902, %mul3A_1909 : vector<16xf32>
        %add3A_1911 = arith.constant 17 : i32
        %add3A_1912 = arith.addi %mul3A_1778, %add3A_1911 : i32
        %get3A_1913 = arith.index_cast %add3A_1912 : i32 to index
        %get3A_1914 = arith.constant 0 : index
        %get3A_1915 = tpu.vector_load %arg19[%get3A_1913, %get3A_1914] {strides = array<i32>} : memref<1664x16xf32, #tpu.memory_space<vmem>>, vector<16xf32>,
        %add3A_1916 = arith.addf %add3A_1908, %get3A_1915 : vector<16xf32>
        %mul3A_1917 = arith.mulf %get3A_1915, %get3A_1915 : vector<16xf32>
        %add3A_1918 = arith.addf %add3A_1910, %mul3A_1917 : vector<16xf32>
        %add3A_1919 = arith.constant 18 : i32
        %add3A_1920 = arith.addi %mul3A_1778, %add3A_1919 : i32
        %get3A_1921 = arith.index_cast %add3A_1920 : i32 to index
        %get3A_1922 = arith.constant 0 : index
        %get3A_1923 = tpu.vector_load %arg19[%get3A_1921, %get3A_1922] {strides = array<i32>} : memref<1664x16xf32, #tpu.memory_space<vmem>>, vector<16xf32>,
        %add3A_1924 = arith.addf %add3A_1916, %get3A_1923 : vector<16xf32>
        %mul3A_1925 = arith.mulf %get3A_1923, %get3A_1923 : vector<16xf32>
        %add3A_1926 = arith.addf %add3A_1918, %mul3A_1925 : vector<16xf32>
        %add3A_1927 = arith.constant 19 : i32
        %add3A_1928 = arith.addi %mul3A_1778, %add3A_1927 : i32
        %get3A_1929 = arith.index_cast %add3A_1928 : i32 to index
        %get3A_1930 = arith.constant 0 : index
        %get3A_1931 = tpu.vector_load %arg19[%get3A_1929, %get3A_1930] {strides = array<i32>} : memref<1664x16xf32, #tpu.memory_space<vmem>>, vector<16xf32>,
        %add3A_1932 = arith.addf %add3A_1924, %get3A_1931 : vector<16xf32>
        %mul3A_1933 = arith.mulf %get3A_1931, %get3A_1931 : vector<16xf32>
        %add3A_1934 = arith.addf %add3A_1926, %mul3A_1933 : vector<16xf32>
        %add3A_1935 = arith.constant 20 : i32
        %add3A_1936 = arith.addi %mul3A_1778, %add3A_1935 : i32
        %get3A_1937 = arith.index_cast %add3A_1936 : i32 to index
        %get3A_1938 = arith.constant 0 : index
        %get3A_1939 = tpu.vector_load %arg19[%get3A_1937, %get3A_1938] {strides = array<i32>} : memref<1664x16xf32, #tpu.memory_space<vmem>>, vector<16xf32>,
        %add3A_1940 = arith.addf %add3A_1932, %get3A_1939 : vector<16xf32>
        %mul3A_1941 = arith.mulf %get3A_1939, %get3A_1939 : vector<16xf32>
        %add3A_1942 = arith.addf %add3A_1934, %mul3A_1941 : vector<16xf32>
        %add3A_1943 = arith.constant 21 : i32
        %add3A_1944 = arith.addi %mul3A_1778, %add3A_1943 : i32
        %get3A_1945 = arith.index_cast %add3A_1944 : i32 to index
        %get3A_1946 = arith.constant 0 : index
        %get3A_1947 = tpu.vector_load %arg19[%get3A_1945, %get3A_1946] {strides = array<i32>} : memref<1664x16xf32, #tpu.memory_space<vmem>>, vector<16xf32>,
        %add3A_1948 = arith.addf %add3A_1940, %get3A_1947 : vector<16xf32>
        %mul3A_1949 = arith.mulf %get3A_1947, %get3A_1947 : vector<16xf32>
        %add3A_1950 = arith.addf %add3A_1942, %mul3A_1949 : vector<16xf32>
        %add3A_1951 = arith.constant 22 : i32
        %add3A_1952 = arith.addi %mul3A_1778, %add3A_1951 : i32
        %get3A_1953 = arith.index_cast %add3A_1952 : i32 to index
        %get3A_1954 = arith.constant 0 : index
        %get3A_1955 = tpu.vector_load %arg19[%get3A_1953, %get3A_1954] {strides = array<i32>} : memref<1664x16xf32, #tpu.memory_space<vmem>>, vector<16xf32>,
        %add3A_1956 = arith.addf %add3A_1948, %get3A_1955 : vector<16xf32>
        %mul3A_1957 = arith.mulf %get3A_1955, %get3A_1955 : vector<16xf32>
        %add3A_1958 = arith.addf %add3A_1950, %mul3A_1957 : vector<16xf32>
        %add3A_1959 = arith.constant 23 : i32
        %add3A_1960 = arith.addi %mul3A_1778, %add3A_1959 : i32
        %get3A_1961 = arith.index_cast %add3A_1960 : i32 to index
        %get3A_1962 = arith.constant 0 : index
        %get3A_1963 = tpu.vector_load %arg19[%get3A_1961, %get3A_1962] {strides = array<i32>} : memref<1664x16xf32, #tpu.memory_space<vmem>>, vector<16xf32>,
        %add3A_1964 = arith.addf %add3A_1956, %get3A_1963 : vector<16xf32>
        %mul3A_1965 = arith.mulf %get3A_1963, %get3A_1963 : vector<16xf32>
        %add3A_1966 = arith.addf %add3A_1958, %mul3A_1965 : vector<16xf32>
        %add3A_1967 = arith.constant 24 : i32
        %add3A_1968 = arith.addi %mul3A_1778, %add3A_1967 : i32
        %get3A_1969 = arith.index_cast %add3A_1968 : i32 to index
        %get3A_1970 = arith.constant 0 : index
        %get3A_1971 = tpu.vector_load %arg19[%get3A_1969, %get3A_1970] {strides = array<i32>} : memref<1664x16xf32, #tpu.memory_space<vmem>>, vector<16xf32>,
        %add3A_1972 = arith.addf %add3A_1964, %get3A_1971 : vector<16xf32>
        %mul3A_1973 = arith.mulf %get3A_1971, %get3A_1971 : vector<16xf32>
        %add3A_1974 = arith.addf %add3A_1966, %mul3A_1973 : vector<16xf32>
        %add3A_1975 = arith.constant 25 : i32
        %add3A_1976 = arith.addi %mul3A_1778, %add3A_1975 : i32
        %get3A_1977 = arith.index_cast %add3A_1976 : i32 to index
        %get3A_1978 = arith.constant 0 : index
        %get3A_1979 = tpu.vector_load %arg19[%get3A_1977, %get3A_1978] {strides = array<i32>} : memref<1664x16xf32, #tpu.memory_space<vmem>>, vector<16xf32>,
        %add3A_1980 = arith.addf %add3A_1972, %get3A_1979 : vector<16xf32>
        %mul3A_1981 = arith.mulf %get3A_1979, %get3A_1979 : vector<16xf32>
        %add3A_1982 = arith.addf %add3A_1974, %mul3A_1981 : vector<16xf32>
        %mul3A_1983 = arith.mulf %add3A_1980, %add3A_1980 : vector<16xf32>
        %sub3A_1984 = arith.subf %mul3A_1983, %add3A_1982 : vector<16xf32>
        %mul3A_1985 = arith.constant 5.000000e-01 : f32
        %mul3A_1986 = vector.broadcast %mul3A_1985 : f32 to vector<16xf32>
        %mul3A_1987 = arith.mulf %mul3A_1986, %sub3A_1984 : vector<16xf32>
        %slice3A_1988 = vector.extract_strided_slice %get3A_169 {offsets = [6], sizes = [1], strides = [1]} : vector<16xi32> to vector<1xi32>
        %squeeze3A_1989 = vector.extract %slice3A_1988[0] : i32 from vector<1xi32>
        %slice3A_1990 = vector.extract_strided_slice %get3A_173 {offsets = [6], sizes = [1], strides = [1]} : vector<16xi32> to vector<1xi32>
        %squeeze3A_1991 = vector.extract %slice3A_1990[0] : i32 from vector<1xi32>
        %get3A_1992 = arith.index_cast %add3A_1776 : i32 to index
        %get3A_1993 = arith.index_cast %squeeze3A_1989 : i32 to index
        %get3A_1994 = tpu.vector_load %arg21[%get3A_1992, %get3A_1993] {strides = array<i32>} : memref<64x128xf32, #tpu.memory_space<vmem>>, vector<16xf32>,
        %mul3A_1995 = arith.constant 32 : i32
        %mul3A_1996 = arith.muli %add3A_1776, %mul3A_1995 : i32
        %get3A_1997 = arith.index_cast %mul3A_1996 : i32 to index
        %get3A_1998 = tpu.vector_load %arg23[%get3A_1997] {strides = array<i32>} : memref<2048xf32, #tpu.memory_space<vmem>>, vector<16xf32>,
        %mul3A_1999 = arith.mulf %get3A_1994, %get3A_1998 : vector<16xf32>
        %add3A_2000 = arith.addf %mul3A_1987, %mul3A_1999 : vector<16xf32>
        %add3A_2001 = arith.constant 16 : i32
        %add3A_2002 = arith.addi %squeeze3A_1989, %add3A_2001 : i32
        %get3A_2003 = arith.index_cast %add3A_1776 : i32 to index
        %get3A_2004 = arith.index_cast %add3A_2002 : i32 to index
        %get3A_2005 = tpu.vector_load %arg21[%get3A_2003, %get3A_2004] {strides = array<i32>} : memref<64x128xf32, #tpu.memory_space<vmem>>, vector<16xf32>,
        %mul3A_2006 = arith.constant 32 : i32
        %mul3A_2007 = arith.muli %add3A_1776, %mul3A_2006 : i32
        %add3A_2008 = arith.constant 16 : i32
        %add3A_2009 = arith.addi %mul3A_2007, %add3A_2008 : i32
        %get3A_2010 = arith.index_cast %add3A_2009 : i32 to index
        %get3A_2011 = tpu.vector_load %arg23[%get3A_2010] {strides = array<i32>} : memref<2048xf32, #tpu.memory_space<vmem>>, vector<16xf32>,
        %mul3A_2012 = arith.mulf %get3A_2005, %get3A_2011 : vector<16xf32>
        %add3A_2013 = arith.addf %add3A_2000, %mul3A_2012 : vector<16xf32>
        %get3A_2014 = arith.index_cast %add3A_1776 : i32 to index
        %get3A_2015 = arith.index_cast %squeeze3A_1991 : i32 to index
        %get3A_2016 = tpu.vector_load %arg22[%get3A_2014, %get3A_2015] {strides = array<i32>} : memref<64x128xf32, #tpu.memory_space<vmem>>, vector<16xf32>,
        %mul3A_2017 = arith.constant 32 : i32
        %mul3A_2018 = arith.muli %add3A_1776, %mul3A_2017 : i32
        %get3A_2019 = arith.index_cast %mul3A_2018 : i32 to index
        %get3A_2020 = tpu.vector_load %arg24[%get3A_2019] {strides = array<i32>} : memref<2048xf32, #tpu.memory_space<vmem>>, vector<16xf32>,
        %mul3A_2021 = arith.mulf %get3A_2016, %get3A_2020 : vector<16xf32>
        %add3A_2022 = arith.addf %add3A_2013, %mul3A_2021 : vector<16xf32>
        %add3A_2023 = arith.constant 16 : i32
        %add3A_2024 = arith.addi %squeeze3A_1991, %add3A_2023 : i32
        %get3A_2025 = arith.index_cast %add3A_1776 : i32 to index
        %get3A_2026 = arith.index_cast %add3A_2024 : i32 to index
        %get3A_2027 = tpu.vector_load %arg22[%get3A_2025, %get3A_2026] {strides = array<i32>} : memref<64x128xf32, #tpu.memory_space<vmem>>, vector<16xf32>,
        %mul3A_2028 = arith.constant 32 : i32
        %mul3A_2029 = arith.muli %add3A_1776, %mul3A_2028 : i32
        %add3A_2030 = arith.constant 16 : i32
        %add3A_2031 = arith.addi %mul3A_2029, %add3A_2030 : i32
        %get3A_2032 = arith.index_cast %add3A_2031 : i32 to index
        %get3A_2033 = tpu.vector_load %arg24[%get3A_2032] {strides = array<i32>} : memref<2048xf32, #tpu.memory_space<vmem>>, vector<16xf32>,
        %mul3A_2034 = arith.mulf %get3A_2027, %get3A_2033 : vector<16xf32>
        %add3A_2035 = arith.addf %add3A_2022, %mul3A_2034 : vector<16xf32>
        %swap3A_2036 = arith.constant 6 : i32
        %swap3A_2037 = arith.index_cast %swap3A_2036 : i32 to index
        %swap3A_2038 = arith.constant 0 : index
        %swap3A_2039 = tpu.vector_load %arg26[%swap3A_2037, %swap3A_2038] {strides = array<i32>} : memref<16x16xf32, #tpu.memory_space<vmem>>, vector<16xf32>,
        tpu.vector_store %arg26[%swap3A_2037, %swap3A_2038], %add3A_2035 {strides = array<i32>} : memref<16x16xf32, #tpu.memory_space<vmem>>, vector<16xf32>,
        %mul3A_2040 = arith.constant 16 : i32
        %mul3A_2041 = arith.muli %scan3A_164, %mul3A_2040 : i32
        %add3A_2042 = arith.constant 7 : i32
        %add3A_2043 = arith.addi %mul3A_2041, %add3A_2042 : i32
        %mul3A_2044 = arith.constant 26 : i32
        %mul3A_2045 = arith.muli %add3A_2043, %mul3A_2044 : i32
        %get3A_2046 = arith.index_cast %mul3A_2045 : i32 to index
        %get3A_2047 = arith.constant 0 : index
        %get3A_2048 = tpu.vector_load %arg19[%get3A_2046, %get3A_2047] {strides = array<i32>} : memref<1664x16xf32, #tpu.memory_space<vmem>>, vector<16xf32>,
        %mul3A_2049 = arith.mulf %get3A_2048, %get3A_2048 : vector<16xf32>
        %add3A_2050 = arith.constant 1 : i32
        %add3A_2051 = arith.addi %mul3A_2045, %add3A_2050 : i32
        %get3A_2052 = arith.index_cast %add3A_2051 : i32 to index
        %get3A_2053 = arith.constant 0 : index
        %get3A_2054 = tpu.vector_load %arg19[%get3A_2052, %get3A_2053] {strides = array<i32>} : memref<1664x16xf32, #tpu.memory_space<vmem>>, vector<16xf32>,
        %add3A_2055 = arith.addf %get3A_2048, %get3A_2054 : vector<16xf32>
        %mul3A_2056 = arith.mulf %get3A_2054, %get3A_2054 : vector<16xf32>
        %add3A_2057 = arith.addf %mul3A_2049, %mul3A_2056 : vector<16xf32>
        %add3A_2058 = arith.constant 2 : i32
        %add3A_2059 = arith.addi %mul3A_2045, %add3A_2058 : i32
        %get3A_2060 = arith.index_cast %add3A_2059 : i32 to index
        %get3A_2061 = arith.constant 0 : index
        %get3A_2062 = tpu.vector_load %arg19[%get3A_2060, %get3A_2061] {strides = array<i32>} : memref<1664x16xf32, #tpu.memory_space<vmem>>, vector<16xf32>,
        %add3A_2063 = arith.addf %add3A_2055, %get3A_2062 : vector<16xf32>
        %mul3A_2064 = arith.mulf %get3A_2062, %get3A_2062 : vector<16xf32>
        %add3A_2065 = arith.addf %add3A_2057, %mul3A_2064 : vector<16xf32>
        %add3A_2066 = arith.constant 3 : i32
        %add3A_2067 = arith.addi %mul3A_2045, %add3A_2066 : i32
        %get3A_2068 = arith.index_cast %add3A_2067 : i32 to index
        %get3A_2069 = arith.constant 0 : index
        %get3A_2070 = tpu.vector_load %arg19[%get3A_2068, %get3A_2069] {strides = array<i32>} : memref<1664x16xf32, #tpu.memory_space<vmem>>, vector<16xf32>,
        %add3A_2071 = arith.addf %add3A_2063, %get3A_2070 : vector<16xf32>
        %mul3A_2072 = arith.mulf %get3A_2070, %get3A_2070 : vector<16xf32>
        %add3A_2073 = arith.addf %add3A_2065, %mul3A_2072 : vector<16xf32>
        %add3A_2074 = arith.constant 4 : i32
        %add3A_2075 = arith.addi %mul3A_2045, %add3A_2074 : i32
        %get3A_2076 = arith.index_cast %add3A_2075 : i32 to index
        %get3A_2077 = arith.constant 0 : index
        %get3A_2078 = tpu.vector_load %arg19[%get3A_2076, %get3A_2077] {strides = array<i32>} : memref<1664x16xf32, #tpu.memory_space<vmem>>, vector<16xf32>,
        %add3A_2079 = arith.addf %add3A_2071, %get3A_2078 : vector<16xf32>
        %mul3A_2080 = arith.mulf %get3A_2078, %get3A_2078 : vector<16xf32>
        %add3A_2081 = arith.addf %add3A_2073, %mul3A_2080 : vector<16xf32>
        %add3A_2082 = arith.constant 5 : i32
        %add3A_2083 = arith.addi %mul3A_2045, %add3A_2082 : i32
        %get3A_2084 = arith.index_cast %add3A_2083 : i32 to index
        %get3A_2085 = arith.constant 0 : index
        %get3A_2086 = tpu.vector_load %arg19[%get3A_2084, %get3A_2085] {strides = array<i32>} : memref<1664x16xf32, #tpu.memory_space<vmem>>, vector<16xf32>,
        %add3A_2087 = arith.addf %add3A_2079, %get3A_2086 : vector<16xf32>
        %mul3A_2088 = arith.mulf %get3A_2086, %get3A_2086 : vector<16xf32>
        %add3A_2089 = arith.addf %add3A_2081, %mul3A_2088 : vector<16xf32>
        %add3A_2090 = arith.constant 6 : i32
        %add3A_2091 = arith.addi %mul3A_2045, %add3A_2090 : i32
        %get3A_2092 = arith.index_cast %add3A_2091 : i32 to index
        %get3A_2093 = arith.constant 0 : index
        %get3A_2094 = tpu.vector_load %arg19[%get3A_2092, %get3A_2093] {strides = array<i32>} : memref<1664x16xf32, #tpu.memory_space<vmem>>, vector<16xf32>,
        %add3A_2095 = arith.addf %add3A_2087, %get3A_2094 : vector<16xf32>
        %mul3A_2096 = arith.mulf %get3A_2094, %get3A_2094 : vector<16xf32>
        %add3A_2097 = arith.addf %add3A_2089, %mul3A_2096 : vector<16xf32>
        %add3A_2098 = arith.constant 7 : i32
        %add3A_2099 = arith.addi %mul3A_2045, %add3A_2098 : i32
        %get3A_2100 = arith.index_cast %add3A_2099 : i32 to index
        %get3A_2101 = arith.constant 0 : index
        %get3A_2102 = tpu.vector_load %arg19[%get3A_2100, %get3A_2101] {strides = array<i32>} : memref<1664x16xf32, #tpu.memory_space<vmem>>, vector<16xf32>,
        %add3A_2103 = arith.addf %add3A_2095, %get3A_2102 : vector<16xf32>
        %mul3A_2104 = arith.mulf %get3A_2102, %get3A_2102 : vector<16xf32>
        %add3A_2105 = arith.addf %add3A_2097, %mul3A_2104 : vector<16xf32>
        %add3A_2106 = arith.constant 8 : i32
        %add3A_2107 = arith.addi %mul3A_2045, %add3A_2106 : i32
        %get3A_2108 = arith.index_cast %add3A_2107 : i32 to index
        %get3A_2109 = arith.constant 0 : index
        %get3A_2110 = tpu.vector_load %arg19[%get3A_2108, %get3A_2109] {strides = array<i32>} : memref<1664x16xf32, #tpu.memory_space<vmem>>, vector<16xf32>,
        %add3A_2111 = arith.addf %add3A_2103, %get3A_2110 : vector<16xf32>
        %mul3A_2112 = arith.mulf %get3A_2110, %get3A_2110 : vector<16xf32>
        %add3A_2113 = arith.addf %add3A_2105, %mul3A_2112 : vector<16xf32>
        %add3A_2114 = arith.constant 9 : i32
        %add3A_2115 = arith.addi %mul3A_2045, %add3A_2114 : i32
        %get3A_2116 = arith.index_cast %add3A_2115 : i32 to index
        %get3A_2117 = arith.constant 0 : index
        %get3A_2118 = tpu.vector_load %arg19[%get3A_2116, %get3A_2117] {strides = array<i32>} : memref<1664x16xf32, #tpu.memory_space<vmem>>, vector<16xf32>,
        %add3A_2119 = arith.addf %add3A_2111, %get3A_2118 : vector<16xf32>
        %mul3A_2120 = arith.mulf %get3A_2118, %get3A_2118 : vector<16xf32>
        %add3A_2121 = arith.addf %add3A_2113, %mul3A_2120 : vector<16xf32>
        %add3A_2122 = arith.constant 10 : i32
        %add3A_2123 = arith.addi %mul3A_2045, %add3A_2122 : i32
        %get3A_2124 = arith.index_cast %add3A_2123 : i32 to index
        %get3A_2125 = arith.constant 0 : index
        %get3A_2126 = tpu.vector_load %arg19[%get3A_2124, %get3A_2125] {strides = array<i32>} : memref<1664x16xf32, #tpu.memory_space<vmem>>, vector<16xf32>,
        %add3A_2127 = arith.addf %add3A_2119, %get3A_2126 : vector<16xf32>
        %mul3A_2128 = arith.mulf %get3A_2126, %get3A_2126 : vector<16xf32>
        %add3A_2129 = arith.addf %add3A_2121, %mul3A_2128 : vector<16xf32>
        %add3A_2130 = arith.constant 11 : i32
        %add3A_2131 = arith.addi %mul3A_2045, %add3A_2130 : i32
        %get3A_2132 = arith.index_cast %add3A_2131 : i32 to index
        %get3A_2133 = arith.constant 0 : index
        %get3A_2134 = tpu.vector_load %arg19[%get3A_2132, %get3A_2133] {strides = array<i32>} : memref<1664x16xf32, #tpu.memory_space<vmem>>, vector<16xf32>,
        %add3A_2135 = arith.addf %add3A_2127, %get3A_2134 : vector<16xf32>
        %mul3A_2136 = arith.mulf %get3A_2134, %get3A_2134 : vector<16xf32>
        %add3A_2137 = arith.addf %add3A_2129, %mul3A_2136 : vector<16xf32>
        %add3A_2138 = arith.constant 12 : i32
        %add3A_2139 = arith.addi %mul3A_2045, %add3A_2138 : i32
        %get3A_2140 = arith.index_cast %add3A_2139 : i32 to index
        %get3A_2141 = arith.constant 0 : index
        %get3A_2142 = tpu.vector_load %arg19[%get3A_2140, %get3A_2141] {strides = array<i32>} : memref<1664x16xf32, #tpu.memory_space<vmem>>, vector<16xf32>,
        %add3A_2143 = arith.addf %add3A_2135, %get3A_2142 : vector<16xf32>
        %mul3A_2144 = arith.mulf %get3A_2142, %get3A_2142 : vector<16xf32>
        %add3A_2145 = arith.addf %add3A_2137, %mul3A_2144 : vector<16xf32>
        %add3A_2146 = arith.constant 13 : i32
        %add3A_2147 = arith.addi %mul3A_2045, %add3A_2146 : i32
        %get3A_2148 = arith.index_cast %add3A_2147 : i32 to index
        %get3A_2149 = arith.constant 0 : index
        %get3A_2150 = tpu.vector_load %arg19[%get3A_2148, %get3A_2149] {strides = array<i32>} : memref<1664x16xf32, #tpu.memory_space<vmem>>, vector<16xf32>,
        %add3A_2151 = arith.addf %add3A_2143, %get3A_2150 : vector<16xf32>
        %mul3A_2152 = arith.mulf %get3A_2150, %get3A_2150 : vector<16xf32>
        %add3A_2153 = arith.addf %add3A_2145, %mul3A_2152 : vector<16xf32>
        %add3A_2154 = arith.constant 14 : i32
        %add3A_2155 = arith.addi %mul3A_2045, %add3A_2154 : i32
        %get3A_2156 = arith.index_cast %add3A_2155 : i32 to index
        %get3A_2157 = arith.constant 0 : index
        %get3A_2158 = tpu.vector_load %arg19[%get3A_2156, %get3A_2157] {strides = array<i32>} : memref<1664x16xf32, #tpu.memory_space<vmem>>, vector<16xf32>,
        %add3A_2159 = arith.addf %add3A_2151, %get3A_2158 : vector<16xf32>
        %mul3A_2160 = arith.mulf %get3A_2158, %get3A_2158 : vector<16xf32>
        %add3A_2161 = arith.addf %add3A_2153, %mul3A_2160 : vector<16xf32>
        %add3A_2162 = arith.constant 15 : i32
        %add3A_2163 = arith.addi %mul3A_2045, %add3A_2162 : i32
        %get3A_2164 = arith.index_cast %add3A_2163 : i32 to index
        %get3A_2165 = arith.constant 0 : index
        %get3A_2166 = tpu.vector_load %arg19[%get3A_2164, %get3A_2165] {strides = array<i32>} : memref<1664x16xf32, #tpu.memory_space<vmem>>, vector<16xf32>,
        %add3A_2167 = arith.addf %add3A_2159, %get3A_2166 : vector<16xf32>
        %mul3A_2168 = arith.mulf %get3A_2166, %get3A_2166 : vector<16xf32>
        %add3A_2169 = arith.addf %add3A_2161, %mul3A_2168 : vector<16xf32>
        %add3A_2170 = arith.constant 16 : i32
        %add3A_2171 = arith.addi %mul3A_2045, %add3A_2170 : i32
        %get3A_2172 = arith.index_cast %add3A_2171 : i32 to index
        %get3A_2173 = arith.constant 0 : index
        %get3A_2174 = tpu.vector_load %arg19[%get3A_2172, %get3A_2173] {strides = array<i32>} : memref<1664x16xf32, #tpu.memory_space<vmem>>, vector<16xf32>,
        %add3A_2175 = arith.addf %add3A_2167, %get3A_2174 : vector<16xf32>
        %mul3A_2176 = arith.mulf %get3A_2174, %get3A_2174 : vector<16xf32>
        %add3A_2177 = arith.addf %add3A_2169, %mul3A_2176 : vector<16xf32>
        %add3A_2178 = arith.constant 17 : i32
        %add3A_2179 = arith.addi %mul3A_2045, %add3A_2178 : i32
        %get3A_2180 = arith.index_cast %add3A_2179 : i32 to index
        %get3A_2181 = arith.constant 0 : index
        %get3A_2182 = tpu.vector_load %arg19[%get3A_2180, %get3A_2181] {strides = array<i32>} : memref<1664x16xf32, #tpu.memory_space<vmem>>, vector<16xf32>,
        %add3A_2183 = arith.addf %add3A_2175, %get3A_2182 : vector<16xf32>
        %mul3A_2184 = arith.mulf %get3A_2182, %get3A_2182 : vector<16xf32>
        %add3A_2185 = arith.addf %add3A_2177, %mul3A_2184 : vector<16xf32>
        %add3A_2186 = arith.constant 18 : i32
        %add3A_2187 = arith.addi %mul3A_2045, %add3A_2186 : i32
        %get3A_2188 = arith.index_cast %add3A_2187 : i32 to index
        %get3A_2189 = arith.constant 0 : index
        %get3A_2190 = tpu.vector_load %arg19[%get3A_2188, %get3A_2189] {strides = array<i32>} : memref<1664x16xf32, #tpu.memory_space<vmem>>, vector<16xf32>,
        %add3A_2191 = arith.addf %add3A_2183, %get3A_2190 : vector<16xf32>
        %mul3A_2192 = arith.mulf %get3A_2190, %get3A_2190 : vector<16xf32>
        %add3A_2193 = arith.addf %add3A_2185, %mul3A_2192 : vector<16xf32>
        %add3A_2194 = arith.constant 19 : i32
        %add3A_2195 = arith.addi %mul3A_2045, %add3A_2194 : i32
        %get3A_2196 = arith.index_cast %add3A_2195 : i32 to index
        %get3A_2197 = arith.constant 0 : index
        %get3A_2198 = tpu.vector_load %arg19[%get3A_2196, %get3A_2197] {strides = array<i32>} : memref<1664x16xf32, #tpu.memory_space<vmem>>, vector<16xf32>,
        %add3A_2199 = arith.addf %add3A_2191, %get3A_2198 : vector<16xf32>
        %mul3A_2200 = arith.mulf %get3A_2198, %get3A_2198 : vector<16xf32>
        %add3A_2201 = arith.addf %add3A_2193, %mul3A_2200 : vector<16xf32>
        %add3A_2202 = arith.constant 20 : i32
        %add3A_2203 = arith.addi %mul3A_2045, %add3A_2202 : i32
        %get3A_2204 = arith.index_cast %add3A_2203 : i32 to index
        %get3A_2205 = arith.constant 0 : index
        %get3A_2206 = tpu.vector_load %arg19[%get3A_2204, %get3A_2205] {strides = array<i32>} : memref<1664x16xf32, #tpu.memory_space<vmem>>, vector<16xf32>,
        %add3A_2207 = arith.addf %add3A_2199, %get3A_2206 : vector<16xf32>
        %mul3A_2208 = arith.mulf %get3A_2206, %get3A_2206 : vector<16xf32>
        %add3A_2209 = arith.addf %add3A_2201, %mul3A_2208 : vector<16xf32>
        %add3A_2210 = arith.constant 21 : i32
        %add3A_2211 = arith.addi %mul3A_2045, %add3A_2210 : i32
        %get3A_2212 = arith.index_cast %add3A_2211 : i32 to index
        %get3A_2213 = arith.constant 0 : index
        %get3A_2214 = tpu.vector_load %arg19[%get3A_2212, %get3A_2213] {strides = array<i32>} : memref<1664x16xf32, #tpu.memory_space<vmem>>, vector<16xf32>,
        %add3A_2215 = arith.addf %add3A_2207, %get3A_2214 : vector<16xf32>
        %mul3A_2216 = arith.mulf %get3A_2214, %get3A_2214 : vector<16xf32>
        %add3A_2217 = arith.addf %add3A_2209, %mul3A_2216 : vector<16xf32>
        %add3A_2218 = arith.constant 22 : i32
        %add3A_2219 = arith.addi %mul3A_2045, %add3A_2218 : i32
        %get3A_2220 = arith.index_cast %add3A_2219 : i32 to index
        %get3A_2221 = arith.constant 0 : index
        %get3A_2222 = tpu.vector_load %arg19[%get3A_2220, %get3A_2221] {strides = array<i32>} : memref<1664x16xf32, #tpu.memory_space<vmem>>, vector<16xf32>,
        %add3A_2223 = arith.addf %add3A_2215, %get3A_2222 : vector<16xf32>
        %mul3A_2224 = arith.mulf %get3A_2222, %get3A_2222 : vector<16xf32>
        %add3A_2225 = arith.addf %add3A_2217, %mul3A_2224 : vector<16xf32>
        %add3A_2226 = arith.constant 23 : i32
        %add3A_2227 = arith.addi %mul3A_2045, %add3A_2226 : i32
        %get3A_2228 = arith.index_cast %add3A_2227 : i32 to index
        %get3A_2229 = arith.constant 0 : index
        %get3A_2230 = tpu.vector_load %arg19[%get3A_2228, %get3A_2229] {strides = array<i32>} : memref<1664x16xf32, #tpu.memory_space<vmem>>, vector<16xf32>,
        %add3A_2231 = arith.addf %add3A_2223, %get3A_2230 : vector<16xf32>
        %mul3A_2232 = arith.mulf %get3A_2230, %get3A_2230 : vector<16xf32>
        %add3A_2233 = arith.addf %add3A_2225, %mul3A_2232 : vector<16xf32>
        %add3A_2234 = arith.constant 24 : i32
        %add3A_2235 = arith.addi %mul3A_2045, %add3A_2234 : i32
        %get3A_2236 = arith.index_cast %add3A_2235 : i32 to index
        %get3A_2237 = arith.constant 0 : index
        %get3A_2238 = tpu.vector_load %arg19[%get3A_2236, %get3A_2237] {strides = array<i32>} : memref<1664x16xf32, #tpu.memory_space<vmem>>, vector<16xf32>,
        %add3A_2239 = arith.addf %add3A_2231, %get3A_2238 : vector<16xf32>
        %mul3A_2240 = arith.mulf %get3A_2238, %get3A_2238 : vector<16xf32>
        %add3A_2241 = arith.addf %add3A_2233, %mul3A_2240 : vector<16xf32>
        %add3A_2242 = arith.constant 25 : i32
        %add3A_2243 = arith.addi %mul3A_2045, %add3A_2242 : i32
        %get3A_2244 = arith.index_cast %add3A_2243 : i32 to index
        %get3A_2245 = arith.constant 0 : index
        %get3A_2246 = tpu.vector_load %arg19[%get3A_2244, %get3A_2245] {strides = array<i32>} : memref<1664x16xf32, #tpu.memory_space<vmem>>, vector<16xf32>,
        %add3A_2247 = arith.addf %add3A_2239, %get3A_2246 : vector<16xf32>
        %mul3A_2248 = arith.mulf %get3A_2246, %get3A_2246 : vector<16xf32>
        %add3A_2249 = arith.addf %add3A_2241, %mul3A_2248 : vector<16xf32>
        %mul3A_2250 = arith.mulf %add3A_2247, %add3A_2247 : vector<16xf32>
        %sub3A_2251 = arith.subf %mul3A_2250, %add3A_2249 : vector<16xf32>
        %mul3A_2252 = arith.constant 5.000000e-01 : f32
        %mul3A_2253 = vector.broadcast %mul3A_2252 : f32 to vector<16xf32>
        %mul3A_2254 = arith.mulf %mul3A_2253, %sub3A_2251 : vector<16xf32>
        %slice3A_2255 = vector.extract_strided_slice %get3A_169 {offsets = [7], sizes = [1], strides = [1]} : vector<16xi32> to vector<1xi32>
        %squeeze3A_2256 = vector.extract %slice3A_2255[0] : i32 from vector<1xi32>
        %slice3A_2257 = vector.extract_strided_slice %get3A_173 {offsets = [7], sizes = [1], strides = [1]} : vector<16xi32> to vector<1xi32>
        %squeeze3A_2258 = vector.extract %slice3A_2257[0] : i32 from vector<1xi32>
        %get3A_2259 = arith.index_cast %add3A_2043 : i32 to index
        %get3A_2260 = arith.index_cast %squeeze3A_2256 : i32 to index
        %get3A_2261 = tpu.vector_load %arg21[%get3A_2259, %get3A_2260] {strides = array<i32>} : memref<64x128xf32, #tpu.memory_space<vmem>>, vector<16xf32>,
        %mul3A_2262 = arith.constant 32 : i32
        %mul3A_2263 = arith.muli %add3A_2043, %mul3A_2262 : i32
        %get3A_2264 = arith.index_cast %mul3A_2263 : i32 to index
        %get3A_2265 = tpu.vector_load %arg23[%get3A_2264] {strides = array<i32>} : memref<2048xf32, #tpu.memory_space<vmem>>, vector<16xf32>,
        %mul3A_2266 = arith.mulf %get3A_2261, %get3A_2265 : vector<16xf32>
        %add3A_2267 = arith.addf %mul3A_2254, %mul3A_2266 : vector<16xf32>
        %add3A_2268 = arith.constant 16 : i32
        %add3A_2269 = arith.addi %squeeze3A_2256, %add3A_2268 : i32
        %get3A_2270 = arith.index_cast %add3A_2043 : i32 to index
        %get3A_2271 = arith.index_cast %add3A_2269 : i32 to index
        %get3A_2272 = tpu.vector_load %arg21[%get3A_2270, %get3A_2271] {strides = array<i32>} : memref<64x128xf32, #tpu.memory_space<vmem>>, vector<16xf32>,
        %mul3A_2273 = arith.constant 32 : i32
        %mul3A_2274 = arith.muli %add3A_2043, %mul3A_2273 : i32
        %add3A_2275 = arith.constant 16 : i32
        %add3A_2276 = arith.addi %mul3A_2274, %add3A_2275 : i32
        %get3A_2277 = arith.index_cast %add3A_2276 : i32 to index
        %get3A_2278 = tpu.vector_load %arg23[%get3A_2277] {strides = array<i32>} : memref<2048xf32, #tpu.memory_space<vmem>>, vector<16xf32>,
        %mul3A_2279 = arith.mulf %get3A_2272, %get3A_2278 : vector<16xf32>
        %add3A_2280 = arith.addf %add3A_2267, %mul3A_2279 : vector<16xf32>
        %get3A_2281 = arith.index_cast %add3A_2043 : i32 to index
        %get3A_2282 = arith.index_cast %squeeze3A_2258 : i32 to index
        %get3A_2283 = tpu.vector_load %arg22[%get3A_2281, %get3A_2282] {strides = array<i32>} : memref<64x128xf32, #tpu.memory_space<vmem>>, vector<16xf32>,
        %mul3A_2284 = arith.constant 32 : i32
        %mul3A_2285 = arith.muli %add3A_2043, %mul3A_2284 : i32
        %get3A_2286 = arith.index_cast %mul3A_2285 : i32 to index
        %get3A_2287 = tpu.vector_load %arg24[%get3A_2286] {strides = array<i32>} : memref<2048xf32, #tpu.memory_space<vmem>>, vector<16xf32>,
        %mul3A_2288 = arith.mulf %get3A_2283, %get3A_2287 : vector<16xf32>
        %add3A_2289 = arith.addf %add3A_2280, %mul3A_2288 : vector<16xf32>
        %add3A_2290 = arith.constant 16 : i32
        %add3A_2291 = arith.addi %squeeze3A_2258, %add3A_2290 : i32
        %get3A_2292 = arith.index_cast %add3A_2043 : i32 to index
        %get3A_2293 = arith.index_cast %add3A_2291 : i32 to index
        %get3A_2294 = tpu.vector_load %arg22[%get3A_2292, %get3A_2293] {strides = array<i32>} : memref<64x128xf32, #tpu.memory_space<vmem>>, vector<16xf32>,
        %mul3A_2295 = arith.constant 32 : i32
        %mul3A_2296 = arith.muli %add3A_2043, %mul3A_2295 : i32
        %add3A_2297 = arith.constant 16 : i32
        %add3A_2298 = arith.addi %mul3A_2296, %add3A_2297 : i32
        %get3A_2299 = arith.index_cast %add3A_2298 : i32 to index
        %get3A_2300 = tpu.vector_load %arg24[%get3A_2299] {strides = array<i32>} : memref<2048xf32, #tpu.memory_space<vmem>>, vector<16xf32>,
        %mul3A_2301 = arith.mulf %get3A_2294, %get3A_2300 : vector<16xf32>
        %add3A_2302 = arith.addf %add3A_2289, %mul3A_2301 : vector<16xf32>
        %swap3A_2303 = arith.constant 7 : i32
        %swap3A_2304 = arith.index_cast %swap3A_2303 : i32 to index
        %swap3A_2305 = arith.constant 0 : index
        %swap3A_2306 = tpu.vector_load %arg26[%swap3A_2304, %swap3A_2305] {strides = array<i32>} : memref<16x16xf32, #tpu.memory_space<vmem>>, vector<16xf32>,
        tpu.vector_store %arg26[%swap3A_2304, %swap3A_2305], %add3A_2302 {strides = array<i32>} : memref<16x16xf32, #tpu.memory_space<vmem>>, vector<16xf32>,
        %mul3A_2307 = arith.constant 16 : i32
        %mul3A_2308 = arith.muli %scan3A_164, %mul3A_2307 : i32
        %add3A_2309 = arith.constant 8 : i32
        %add3A_2310 = arith.addi %mul3A_2308, %add3A_2309 : i32
        %mul3A_2311 = arith.constant 26 : i32
        %mul3A_2312 = arith.muli %add3A_2310, %mul3A_2311 : i32
        %get3A_2313 = arith.index_cast %mul3A_2312 : i32 to index
        %get3A_2314 = arith.constant 0 : index
        %get3A_2315 = tpu.vector_load %arg19[%get3A_2313, %get3A_2314] {strides = array<i32>} : memref<1664x16xf32, #tpu.memory_space<vmem>>, vector<16xf32>,
        %mul3A_2316 = arith.mulf %get3A_2315, %get3A_2315 : vector<16xf32>
        %add3A_2317 = arith.constant 1 : i32
        %add3A_2318 = arith.addi %mul3A_2312, %add3A_2317 : i32
        %get3A_2319 = arith.index_cast %add3A_2318 : i32 to index
        %get3A_2320 = arith.constant 0 : index
        %get3A_2321 = tpu.vector_load %arg19[%get3A_2319, %get3A_2320] {strides = array<i32>} : memref<1664x16xf32, #tpu.memory_space<vmem>>, vector<16xf32>,
        %add3A_2322 = arith.addf %get3A_2315, %get3A_2321 : vector<16xf32>
        %mul3A_2323 = arith.mulf %get3A_2321, %get3A_2321 : vector<16xf32>
        %add3A_2324 = arith.addf %mul3A_2316, %mul3A_2323 : vector<16xf32>
        %add3A_2325 = arith.constant 2 : i32
        %add3A_2326 = arith.addi %mul3A_2312, %add3A_2325 : i32
        %get3A_2327 = arith.index_cast %add3A_2326 : i32 to index
        %get3A_2328 = arith.constant 0 : index
        %get3A_2329 = tpu.vector_load %arg19[%get3A_2327, %get3A_2328] {strides = array<i32>} : memref<1664x16xf32, #tpu.memory_space<vmem>>, vector<16xf32>,
        %add3A_2330 = arith.addf %add3A_2322, %get3A_2329 : vector<16xf32>
        %mul3A_2331 = arith.mulf %get3A_2329, %get3A_2329 : vector<16xf32>
        %add3A_2332 = arith.addf %add3A_2324, %mul3A_2331 : vector<16xf32>
        %add3A_2333 = arith.constant 3 : i32
        %add3A_2334 = arith.addi %mul3A_2312, %add3A_2333 : i32
        %get3A_2335 = arith.index_cast %add3A_2334 : i32 to index
        %get3A_2336 = arith.constant 0 : index
        %get3A_2337 = tpu.vector_load %arg19[%get3A_2335, %get3A_2336] {strides = array<i32>} : memref<1664x16xf32, #tpu.memory_space<vmem>>, vector<16xf32>,
        %add3A_2338 = arith.addf %add3A_2330, %get3A_2337 : vector<16xf32>
        %mul3A_2339 = arith.mulf %get3A_2337, %get3A_2337 : vector<16xf32>
        %add3A_2340 = arith.addf %add3A_2332, %mul3A_2339 : vector<16xf32>
        %add3A_2341 = arith.constant 4 : i32
        %add3A_2342 = arith.addi %mul3A_2312, %add3A_2341 : i32
        %get3A_2343 = arith.index_cast %add3A_2342 : i32 to index
        %get3A_2344 = arith.constant 0 : index
        %get3A_2345 = tpu.vector_load %arg19[%get3A_2343, %get3A_2344] {strides = array<i32>} : memref<1664x16xf32, #tpu.memory_space<vmem>>, vector<16xf32>,
        %add3A_2346 = arith.addf %add3A_2338, %get3A_2345 : vector<16xf32>
        %mul3A_2347 = arith.mulf %get3A_2345, %get3A_2345 : vector<16xf32>
        %add3A_2348 = arith.addf %add3A_2340, %mul3A_2347 : vector<16xf32>
        %add3A_2349 = arith.constant 5 : i32
        %add3A_2350 = arith.addi %mul3A_2312, %add3A_2349 : i32
        %get3A_2351 = arith.index_cast %add3A_2350 : i32 to index
        %get3A_2352 = arith.constant 0 : index
        %get3A_2353 = tpu.vector_load %arg19[%get3A_2351, %get3A_2352] {strides = array<i32>} : memref<1664x16xf32, #tpu.memory_space<vmem>>, vector<16xf32>,
        %add3A_2354 = arith.addf %add3A_2346, %get3A_2353 : vector<16xf32>
        %mul3A_2355 = arith.mulf %get3A_2353, %get3A_2353 : vector<16xf32>
        %add3A_2356 = arith.addf %add3A_2348, %mul3A_2355 : vector<16xf32>
        %add3A_2357 = arith.constant 6 : i32
        %add3A_2358 = arith.addi %mul3A_2312, %add3A_2357 : i32
        %get3A_2359 = arith.index_cast %add3A_2358 : i32 to index
        %get3A_2360 = arith.constant 0 : index
        %get3A_2361 = tpu.vector_load %arg19[%get3A_2359, %get3A_2360] {strides = array<i32>} : memref<1664x16xf32, #tpu.memory_space<vmem>>, vector<16xf32>,
        %add3A_2362 = arith.addf %add3A_2354, %get3A_2361 : vector<16xf32>
        %mul3A_2363 = arith.mulf %get3A_2361, %get3A_2361 : vector<16xf32>
        %add3A_2364 = arith.addf %add3A_2356, %mul3A_2363 : vector<16xf32>
        %add3A_2365 = arith.constant 7 : i32
        %add3A_2366 = arith.addi %mul3A_2312, %add3A_2365 : i32
        %get3A_2367 = arith.index_cast %add3A_2366 : i32 to index
        %get3A_2368 = arith.constant 0 : index
        %get3A_2369 = tpu.vector_load %arg19[%get3A_2367, %get3A_2368] {strides = array<i32>} : memref<1664x16xf32, #tpu.memory_space<vmem>>, vector<16xf32>,
        %add3A_2370 = arith.addf %add3A_2362, %get3A_2369 : vector<16xf32>
        %mul3A_2371 = arith.mulf %get3A_2369, %get3A_2369 : vector<16xf32>
        %add3A_2372 = arith.addf %add3A_2364, %mul3A_2371 : vector<16xf32>
        %add3A_2373 = arith.constant 8 : i32
        %add3A_2374 = arith.addi %mul3A_2312, %add3A_2373 : i32
        %get3A_2375 = arith.index_cast %add3A_2374 : i32 to index
        %get3A_2376 = arith.constant 0 : index
        %get3A_2377 = tpu.vector_load %arg19[%get3A_2375, %get3A_2376] {strides = array<i32>} : memref<1664x16xf32, #tpu.memory_space<vmem>>, vector<16xf32>,
        %add3A_2378 = arith.addf %add3A_2370, %get3A_2377 : vector<16xf32>
        %mul3A_2379 = arith.mulf %get3A_2377, %get3A_2377 : vector<16xf32>
        %add3A_2380 = arith.addf %add3A_2372, %mul3A_2379 : vector<16xf32>
        %add3A_2381 = arith.constant 9 : i32
        %add3A_2382 = arith.addi %mul3A_2312, %add3A_2381 : i32
        %get3A_2383 = arith.index_cast %add3A_2382 : i32 to index
        %get3A_2384 = arith.constant 0 : index
        %get3A_2385 = tpu.vector_load %arg19[%get3A_2383, %get3A_2384] {strides = array<i32>} : memref<1664x16xf32, #tpu.memory_space<vmem>>, vector<16xf32>,
        %add3A_2386 = arith.addf %add3A_2378, %get3A_2385 : vector<16xf32>
        %mul3A_2387 = arith.mulf %get3A_2385, %get3A_2385 : vector<16xf32>
        %add3A_2388 = arith.addf %add3A_2380, %mul3A_2387 : vector<16xf32>
        %add3A_2389 = arith.constant 10 : i32
        %add3A_2390 = arith.addi %mul3A_2312, %add3A_2389 : i32
        %get3A_2391 = arith.index_cast %add3A_2390 : i32 to index
        %get3A_2392 = arith.constant 0 : index
        %get3A_2393 = tpu.vector_load %arg19[%get3A_2391, %get3A_2392] {strides = array<i32>} : memref<1664x16xf32, #tpu.memory_space<vmem>>, vector<16xf32>,
        %add3A_2394 = arith.addf %add3A_2386, %get3A_2393 : vector<16xf32>
        %mul3A_2395 = arith.mulf %get3A_2393, %get3A_2393 : vector<16xf32>
        %add3A_2396 = arith.addf %add3A_2388, %mul3A_2395 : vector<16xf32>
        %add3A_2397 = arith.constant 11 : i32
        %add3A_2398 = arith.addi %mul3A_2312, %add3A_2397 : i32
        %get3A_2399 = arith.index_cast %add3A_2398 : i32 to index
        %get3A_2400 = arith.constant 0 : index
        %get3A_2401 = tpu.vector_load %arg19[%get3A_2399, %get3A_2400] {strides = array<i32>} : memref<1664x16xf32, #tpu.memory_space<vmem>>, vector<16xf32>,
        %add3A_2402 = arith.addf %add3A_2394, %get3A_2401 : vector<16xf32>
        %mul3A_2403 = arith.mulf %get3A_2401, %get3A_2401 : vector<16xf32>
        %add3A_2404 = arith.addf %add3A_2396, %mul3A_2403 : vector<16xf32>
        %add3A_2405 = arith.constant 12 : i32
        %add3A_2406 = arith.addi %mul3A_2312, %add3A_2405 : i32
        %get3A_2407 = arith.index_cast %add3A_2406 : i32 to index
        %get3A_2408 = arith.constant 0 : index
        %get3A_2409 = tpu.vector_load %arg19[%get3A_2407, %get3A_2408] {strides = array<i32>} : memref<1664x16xf32, #tpu.memory_space<vmem>>, vector<16xf32>,
        %add3A_2410 = arith.addf %add3A_2402, %get3A_2409 : vector<16xf32>
        %mul3A_2411 = arith.mulf %get3A_2409, %get3A_2409 : vector<16xf32>
        %add3A_2412 = arith.addf %add3A_2404, %mul3A_2411 : vector<16xf32>
        %add3A_2413 = arith.constant 13 : i32
        %add3A_2414 = arith.addi %mul3A_2312, %add3A_2413 : i32
        %get3A_2415 = arith.index_cast %add3A_2414 : i32 to index
        %get3A_2416 = arith.constant 0 : index
        %get3A_2417 = tpu.vector_load %arg19[%get3A_2415, %get3A_2416] {strides = array<i32>} : memref<1664x16xf32, #tpu.memory_space<vmem>>, vector<16xf32>,
        %add3A_2418 = arith.addf %add3A_2410, %get3A_2417 : vector<16xf32>
        %mul3A_2419 = arith.mulf %get3A_2417, %get3A_2417 : vector<16xf32>
        %add3A_2420 = arith.addf %add3A_2412, %mul3A_2419 : vector<16xf32>
        %add3A_2421 = arith.constant 14 : i32
        %add3A_2422 = arith.addi %mul3A_2312, %add3A_2421 : i32
        %get3A_2423 = arith.index_cast %add3A_2422 : i32 to index
        %get3A_2424 = arith.constant 0 : index
        %get3A_2425 = tpu.vector_load %arg19[%get3A_2423, %get3A_2424] {strides = array<i32>} : memref<1664x16xf32, #tpu.memory_space<vmem>>, vector<16xf32>,
        %add3A_2426 = arith.addf %add3A_2418, %get3A_2425 : vector<16xf32>
        %mul3A_2427 = arith.mulf %get3A_2425, %get3A_2425 : vector<16xf32>
        %add3A_2428 = arith.addf %add3A_2420, %mul3A_2427 : vector<16xf32>
        %add3A_2429 = arith.constant 15 : i32
        %add3A_2430 = arith.addi %mul3A_2312, %add3A_2429 : i32
        %get3A_2431 = arith.index_cast %add3A_2430 : i32 to index
        %get3A_2432 = arith.constant 0 : index
        %get3A_2433 = tpu.vector_load %arg19[%get3A_2431, %get3A_2432] {strides = array<i32>} : memref<1664x16xf32, #tpu.memory_space<vmem>>, vector<16xf32>,
        %add3A_2434 = arith.addf %add3A_2426, %get3A_2433 : vector<16xf32>
        %mul3A_2435 = arith.mulf %get3A_2433, %get3A_2433 : vector<16xf32>
        %add3A_2436 = arith.addf %add3A_2428, %mul3A_2435 : vector<16xf32>
        %add3A_2437 = arith.constant 16 : i32
        %add3A_2438 = arith.addi %mul3A_2312, %add3A_2437 : i32
        %get3A_2439 = arith.index_cast %add3A_2438 : i32 to index
        %get3A_2440 = arith.constant 0 : index
        %get3A_2441 = tpu.vector_load %arg19[%get3A_2439, %get3A_2440] {strides = array<i32>} : memref<1664x16xf32, #tpu.memory_space<vmem>>, vector<16xf32>,
        %add3A_2442 = arith.addf %add3A_2434, %get3A_2441 : vector<16xf32>
        %mul3A_2443 = arith.mulf %get3A_2441, %get3A_2441 : vector<16xf32>
        %add3A_2444 = arith.addf %add3A_2436, %mul3A_2443 : vector<16xf32>
        %add3A_2445 = arith.constant 17 : i32
        %add3A_2446 = arith.addi %mul3A_2312, %add3A_2445 : i32
        %get3A_2447 = arith.index_cast %add3A_2446 : i32 to index
        %get3A_2448 = arith.constant 0 : index
        %get3A_2449 = tpu.vector_load %arg19[%get3A_2447, %get3A_2448] {strides = array<i32>} : memref<1664x16xf32, #tpu.memory_space<vmem>>, vector<16xf32>,
        %add3A_2450 = arith.addf %add3A_2442, %get3A_2449 : vector<16xf32>
        %mul3A_2451 = arith.mulf %get3A_2449, %get3A_2449 : vector<16xf32>
        %add3A_2452 = arith.addf %add3A_2444, %mul3A_2451 : vector<16xf32>
        %add3A_2453 = arith.constant 18 : i32
        %add3A_2454 = arith.addi %mul3A_2312, %add3A_2453 : i32
        %get3A_2455 = arith.index_cast %add3A_2454 : i32 to index
        %get3A_2456 = arith.constant 0 : index
        %get3A_2457 = tpu.vector_load %arg19[%get3A_2455, %get3A_2456] {strides = array<i32>} : memref<1664x16xf32, #tpu.memory_space<vmem>>, vector<16xf32>,
        %add3A_2458 = arith.addf %add3A_2450, %get3A_2457 : vector<16xf32>
        %mul3A_2459 = arith.mulf %get3A_2457, %get3A_2457 : vector<16xf32>
        %add3A_2460 = arith.addf %add3A_2452, %mul3A_2459 : vector<16xf32>
        %add3A_2461 = arith.constant 19 : i32
        %add3A_2462 = arith.addi %mul3A_2312, %add3A_2461 : i32
        %get3A_2463 = arith.index_cast %add3A_2462 : i32 to index
        %get3A_2464 = arith.constant 0 : index
        %get3A_2465 = tpu.vector_load %arg19[%get3A_2463, %get3A_2464] {strides = array<i32>} : memref<1664x16xf32, #tpu.memory_space<vmem>>, vector<16xf32>,
        %add3A_2466 = arith.addf %add3A_2458, %get3A_2465 : vector<16xf32>
        %mul3A_2467 = arith.mulf %get3A_2465, %get3A_2465 : vector<16xf32>
        %add3A_2468 = arith.addf %add3A_2460, %mul3A_2467 : vector<16xf32>
        %add3A_2469 = arith.constant 20 : i32
        %add3A_2470 = arith.addi %mul3A_2312, %add3A_2469 : i32
        %get3A_2471 = arith.index_cast %add3A_2470 : i32 to index
        %get3A_2472 = arith.constant 0 : index
        %get3A_2473 = tpu.vector_load %arg19[%get3A_2471, %get3A_2472] {strides = array<i32>} : memref<1664x16xf32, #tpu.memory_space<vmem>>, vector<16xf32>,
        %add3A_2474 = arith.addf %add3A_2466, %get3A_2473 : vector<16xf32>
        %mul3A_2475 = arith.mulf %get3A_2473, %get3A_2473 : vector<16xf32>
        %add3A_2476 = arith.addf %add3A_2468, %mul3A_2475 : vector<16xf32>
        %add3A_2477 = arith.constant 21 : i32
        %add3A_2478 = arith.addi %mul3A_2312, %add3A_2477 : i32
        %get3A_2479 = arith.index_cast %add3A_2478 : i32 to index
        %get3A_2480 = arith.constant 0 : index
        %get3A_2481 = tpu.vector_load %arg19[%get3A_2479, %get3A_2480] {strides = array<i32>} : memref<1664x16xf32, #tpu.memory_space<vmem>>, vector<16xf32>,
        %add3A_2482 = arith.addf %add3A_2474, %get3A_2481 : vector<16xf32>
        %mul3A_2483 = arith.mulf %get3A_2481, %get3A_2481 : vector<16xf32>
        %add3A_2484 = arith.addf %add3A_2476, %mul3A_2483 : vector<16xf32>
        %add3A_2485 = arith.constant 22 : i32
        %add3A_2486 = arith.addi %mul3A_2312, %add3A_2485 : i32
        %get3A_2487 = arith.index_cast %add3A_2486 : i32 to index
        %get3A_2488 = arith.constant 0 : index
        %get3A_2489 = tpu.vector_load %arg19[%get3A_2487, %get3A_2488] {strides = array<i32>} : memref<1664x16xf32, #tpu.memory_space<vmem>>, vector<16xf32>,
        %add3A_2490 = arith.addf %add3A_2482, %get3A_2489 : vector<16xf32>
        %mul3A_2491 = arith.mulf %get3A_2489, %get3A_2489 : vector<16xf32>
        %add3A_2492 = arith.addf %add3A_2484, %mul3A_2491 : vector<16xf32>
        %add3A_2493 = arith.constant 23 : i32
        %add3A_2494 = arith.addi %mul3A_2312, %add3A_2493 : i32
        %get3A_2495 = arith.index_cast %add3A_2494 : i32 to index
        %get3A_2496 = arith.constant 0 : index
        %get3A_2497 = tpu.vector_load %arg19[%get3A_2495, %get3A_2496] {strides = array<i32>} : memref<1664x16xf32, #tpu.memory_space<vmem>>, vector<16xf32>,
        %add3A_2498 = arith.addf %add3A_2490, %get3A_2497 : vector<16xf32>
        %mul3A_2499 = arith.mulf %get3A_2497, %get3A_2497 : vector<16xf32>
        %add3A_2500 = arith.addf %add3A_2492, %mul3A_2499 : vector<16xf32>
        %add3A_2501 = arith.constant 24 : i32
        %add3A_2502 = arith.addi %mul3A_2312, %add3A_2501 : i32
        %get3A_2503 = arith.index_cast %add3A_2502 : i32 to index
        %get3A_2504 = arith.constant 0 : index
        %get3A_2505 = tpu.vector_load %arg19[%get3A_2503, %get3A_2504] {strides = array<i32>} : memref<1664x16xf32, #tpu.memory_space<vmem>>, vector<16xf32>,
        %add3A_2506 = arith.addf %add3A_2498, %get3A_2505 : vector<16xf32>
        %mul3A_2507 = arith.mulf %get3A_2505, %get3A_2505 : vector<16xf32>
        %add3A_2508 = arith.addf %add3A_2500, %mul3A_2507 : vector<16xf32>
        %add3A_2509 = arith.constant 25 : i32
        %add3A_2510 = arith.addi %mul3A_2312, %add3A_2509 : i32
        %get3A_2511 = arith.index_cast %add3A_2510 : i32 to index
        %get3A_2512 = arith.constant 0 : index
        %get3A_2513 = tpu.vector_load %arg19[%get3A_2511, %get3A_2512] {strides = array<i32>} : memref<1664x16xf32, #tpu.memory_space<vmem>>, vector<16xf32>,
        %add3A_2514 = arith.addf %add3A_2506, %get3A_2513 : vector<16xf32>
        %mul3A_2515 = arith.mulf %get3A_2513, %get3A_2513 : vector<16xf32>
        %add3A_2516 = arith.addf %add3A_2508, %mul3A_2515 : vector<16xf32>
        %mul3A_2517 = arith.mulf %add3A_2514, %add3A_2514 : vector<16xf32>
        %sub3A_2518 = arith.subf %mul3A_2517, %add3A_2516 : vector<16xf32>
        %mul3A_2519 = arith.constant 5.000000e-01 : f32
        %mul3A_2520 = vector.broadcast %mul3A_2519 : f32 to vector<16xf32>
        %mul3A_2521 = arith.mulf %mul3A_2520, %sub3A_2518 : vector<16xf32>
        %slice3A_2522 = vector.extract_strided_slice %get3A_169 {offsets = [8], sizes = [1], strides = [1]} : vector<16xi32> to vector<1xi32>
        %squeeze3A_2523 = vector.extract %slice3A_2522[0] : i32 from vector<1xi32>
        %slice3A_2524 = vector.extract_strided_slice %get3A_173 {offsets = [8], sizes = [1], strides = [1]} : vector<16xi32> to vector<1xi32>
        %squeeze3A_2525 = vector.extract %slice3A_2524[0] : i32 from vector<1xi32>
        %get3A_2526 = arith.index_cast %add3A_2310 : i32 to index
        %get3A_2527 = arith.index_cast %squeeze3A_2523 : i32 to index
        %get3A_2528 = tpu.vector_load %arg21[%get3A_2526, %get3A_2527] {strides = array<i32>} : memref<64x128xf32, #tpu.memory_space<vmem>>, vector<16xf32>,
        %mul3A_2529 = arith.constant 32 : i32
        %mul3A_2530 = arith.muli %add3A_2310, %mul3A_2529 : i32
        %get3A_2531 = arith.index_cast %mul3A_2530 : i32 to index
        %get3A_2532 = tpu.vector_load %arg23[%get3A_2531] {strides = array<i32>} : memref<2048xf32, #tpu.memory_space<vmem>>, vector<16xf32>,
        %mul3A_2533 = arith.mulf %get3A_2528, %get3A_2532 : vector<16xf32>
        %add3A_2534 = arith.addf %mul3A_2521, %mul3A_2533 : vector<16xf32>
        %add3A_2535 = arith.constant 16 : i32
        %add3A_2536 = arith.addi %squeeze3A_2523, %add3A_2535 : i32
        %get3A_2537 = arith.index_cast %add3A_2310 : i32 to index
        %get3A_2538 = arith.index_cast %add3A_2536 : i32 to index
        %get3A_2539 = tpu.vector_load %arg21[%get3A_2537, %get3A_2538] {strides = array<i32>} : memref<64x128xf32, #tpu.memory_space<vmem>>, vector<16xf32>,
        %mul3A_2540 = arith.constant 32 : i32
        %mul3A_2541 = arith.muli %add3A_2310, %mul3A_2540 : i32
        %add3A_2542 = arith.constant 16 : i32
        %add3A_2543 = arith.addi %mul3A_2541, %add3A_2542 : i32
        %get3A_2544 = arith.index_cast %add3A_2543 : i32 to index
        %get3A_2545 = tpu.vector_load %arg23[%get3A_2544] {strides = array<i32>} : memref<2048xf32, #tpu.memory_space<vmem>>, vector<16xf32>,
        %mul3A_2546 = arith.mulf %get3A_2539, %get3A_2545 : vector<16xf32>
        %add3A_2547 = arith.addf %add3A_2534, %mul3A_2546 : vector<16xf32>
        %get3A_2548 = arith.index_cast %add3A_2310 : i32 to index
        %get3A_2549 = arith.index_cast %squeeze3A_2525 : i32 to index
        %get3A_2550 = tpu.vector_load %arg22[%get3A_2548, %get3A_2549] {strides = array<i32>} : memref<64x128xf32, #tpu.memory_space<vmem>>, vector<16xf32>,
        %mul3A_2551 = arith.constant 32 : i32
        %mul3A_2552 = arith.muli %add3A_2310, %mul3A_2551 : i32
        %get3A_2553 = arith.index_cast %mul3A_2552 : i32 to index
        %get3A_2554 = tpu.vector_load %arg24[%get3A_2553] {strides = array<i32>} : memref<2048xf32, #tpu.memory_space<vmem>>, vector<16xf32>,
        %mul3A_2555 = arith.mulf %get3A_2550, %get3A_2554 : vector<16xf32>
        %add3A_2556 = arith.addf %add3A_2547, %mul3A_2555 : vector<16xf32>
        %add3A_2557 = arith.constant 16 : i32
        %add3A_2558 = arith.addi %squeeze3A_2525, %add3A_2557 : i32
        %get3A_2559 = arith.index_cast %add3A_2310 : i32 to index
        %get3A_2560 = arith.index_cast %add3A_2558 : i32 to index
        %get3A_2561 = tpu.vector_load %arg22[%get3A_2559, %get3A_2560] {strides = array<i32>} : memref<64x128xf32, #tpu.memory_space<vmem>>, vector<16xf32>,
        %mul3A_2562 = arith.constant 32 : i32
        %mul3A_2563 = arith.muli %add3A_2310, %mul3A_2562 : i32
        %add3A_2564 = arith.constant 16 : i32
        %add3A_2565 = arith.addi %mul3A_2563, %add3A_2564 : i32
        %get3A_2566 = arith.index_cast %add3A_2565 : i32 to index
        %get3A_2567 = tpu.vector_load %arg24[%get3A_2566] {strides = array<i32>} : memref<2048xf32, #tpu.memory_space<vmem>>, vector<16xf32>,
        %mul3A_2568 = arith.mulf %get3A_2561, %get3A_2567 : vector<16xf32>
        %add3A_2569 = arith.addf %add3A_2556, %mul3A_2568 : vector<16xf32>
        %swap3A_2570 = arith.constant 8 : i32
        %swap3A_2571 = arith.index_cast %swap3A_2570 : i32 to index
        %swap3A_2572 = arith.constant 0 : index
        %swap3A_2573 = tpu.vector_load %arg26[%swap3A_2571, %swap3A_2572] {strides = array<i32>} : memref<16x16xf32, #tpu.memory_space<vmem>>, vector<16xf32>,
        tpu.vector_store %arg26[%swap3A_2571, %swap3A_2572], %add3A_2569 {strides = array<i32>} : memref<16x16xf32, #tpu.memory_space<vmem>>, vector<16xf32>,
        %mul3A_2574 = arith.constant 16 : i32
        %mul3A_2575 = arith.muli %scan3A_164, %mul3A_2574 : i32
        %add3A_2576 = arith.constant 9 : i32
        %add3A_2577 = arith.addi %mul3A_2575, %add3A_2576 : i32
        %mul3A_2578 = arith.constant 26 : i32
        %mul3A_2579 = arith.muli %add3A_2577, %mul3A_2578 : i32
        %get3A_2580 = arith.index_cast %mul3A_2579 : i32 to index
        %get3A_2581 = arith.constant 0 : index
        %get3A_2582 = tpu.vector_load %arg19[%get3A_2580, %get3A_2581] {strides = array<i32>} : memref<1664x16xf32, #tpu.memory_space<vmem>>, vector<16xf32>,
        %mul3A_2583 = arith.mulf %get3A_2582, %get3A_2582 : vector<16xf32>
        %add3A_2584 = arith.constant 1 : i32
        %add3A_2585 = arith.addi %mul3A_2579, %add3A_2584 : i32
        %get3A_2586 = arith.index_cast %add3A_2585 : i32 to index
        %get3A_2587 = arith.constant 0 : index
        %get3A_2588 = tpu.vector_load %arg19[%get3A_2586, %get3A_2587] {strides = array<i32>} : memref<1664x16xf32, #tpu.memory_space<vmem>>, vector<16xf32>,
        %add3A_2589 = arith.addf %get3A_2582, %get3A_2588 : vector<16xf32>
        %mul3A_2590 = arith.mulf %get3A_2588, %get3A_2588 : vector<16xf32>
        %add3A_2591 = arith.addf %mul3A_2583, %mul3A_2590 : vector<16xf32>
        %add3A_2592 = arith.constant 2 : i32
        %add3A_2593 = arith.addi %mul3A_2579, %add3A_2592 : i32
        %get3A_2594 = arith.index_cast %add3A_2593 : i32 to index
        %get3A_2595 = arith.constant 0 : index
        %get3A_2596 = tpu.vector_load %arg19[%get3A_2594, %get3A_2595] {strides = array<i32>} : memref<1664x16xf32, #tpu.memory_space<vmem>>, vector<16xf32>,
        %add3A_2597 = arith.addf %add3A_2589, %get3A_2596 : vector<16xf32>
        %mul3A_2598 = arith.mulf %get3A_2596, %get3A_2596 : vector<16xf32>
        %add3A_2599 = arith.addf %add3A_2591, %mul3A_2598 : vector<16xf32>
        %add3A_2600 = arith.constant 3 : i32
        %add3A_2601 = arith.addi %mul3A_2579, %add3A_2600 : i32
        %get3A_2602 = arith.index_cast %add3A_2601 : i32 to index
        %get3A_2603 = arith.constant 0 : index
        %get3A_2604 = tpu.vector_load %arg19[%get3A_2602, %get3A_2603] {strides = array<i32>} : memref<1664x16xf32, #tpu.memory_space<vmem>>, vector<16xf32>,
        %add3A_2605 = arith.addf %add3A_2597, %get3A_2604 : vector<16xf32>
        %mul3A_2606 = arith.mulf %get3A_2604, %get3A_2604 : vector<16xf32>
        %add3A_2607 = arith.addf %add3A_2599, %mul3A_2606 : vector<16xf32>
        %add3A_2608 = arith.constant 4 : i32
        %add3A_2609 = arith.addi %mul3A_2579, %add3A_2608 : i32
        %get3A_2610 = arith.index_cast %add3A_2609 : i32 to index
        %get3A_2611 = arith.constant 0 : index
        %get3A_2612 = tpu.vector_load %arg19[%get3A_2610, %get3A_2611] {strides = array<i32>} : memref<1664x16xf32, #tpu.memory_space<vmem>>, vector<16xf32>,
        %add3A_2613 = arith.addf %add3A_2605, %get3A_2612 : vector<16xf32>
        %mul3A_2614 = arith.mulf %get3A_2612, %get3A_2612 : vector<16xf32>
        %add3A_2615 = arith.addf %add3A_2607, %mul3A_2614 : vector<16xf32>
        %add3A_2616 = arith.constant 5 : i32
        %add3A_2617 = arith.addi %mul3A_2579, %add3A_2616 : i32
        %get3A_2618 = arith.index_cast %add3A_2617 : i32 to index
        %get3A_2619 = arith.constant 0 : index
        %get3A_2620 = tpu.vector_load %arg19[%get3A_2618, %get3A_2619] {strides = array<i32>} : memref<1664x16xf32, #tpu.memory_space<vmem>>, vector<16xf32>,
        %add3A_2621 = arith.addf %add3A_2613, %get3A_2620 : vector<16xf32>
        %mul3A_2622 = arith.mulf %get3A_2620, %get3A_2620 : vector<16xf32>
        %add3A_2623 = arith.addf %add3A_2615, %mul3A_2622 : vector<16xf32>
        %add3A_2624 = arith.constant 6 : i32
        %add3A_2625 = arith.addi %mul3A_2579, %add3A_2624 : i32
        %get3A_2626 = arith.index_cast %add3A_2625 : i32 to index
        %get3A_2627 = arith.constant 0 : index
        %get3A_2628 = tpu.vector_load %arg19[%get3A_2626, %get3A_2627] {strides = array<i32>} : memref<1664x16xf32, #tpu.memory_space<vmem>>, vector<16xf32>,
        %add3A_2629 = arith.addf %add3A_2621, %get3A_2628 : vector<16xf32>
        %mul3A_2630 = arith.mulf %get3A_2628, %get3A_2628 : vector<16xf32>
        %add3A_2631 = arith.addf %add3A_2623, %mul3A_2630 : vector<16xf32>
        %add3A_2632 = arith.constant 7 : i32
        %add3A_2633 = arith.addi %mul3A_2579, %add3A_2632 : i32
        %get3A_2634 = arith.index_cast %add3A_2633 : i32 to index
        %get3A_2635 = arith.constant 0 : index
        %get3A_2636 = tpu.vector_load %arg19[%get3A_2634, %get3A_2635] {strides = array<i32>} : memref<1664x16xf32, #tpu.memory_space<vmem>>, vector<16xf32>,
        %add3A_2637 = arith.addf %add3A_2629, %get3A_2636 : vector<16xf32>
        %mul3A_2638 = arith.mulf %get3A_2636, %get3A_2636 : vector<16xf32>
        %add3A_2639 = arith.addf %add3A_2631, %mul3A_2638 : vector<16xf32>
        %add3A_2640 = arith.constant 8 : i32
        %add3A_2641 = arith.addi %mul3A_2579, %add3A_2640 : i32
        %get3A_2642 = arith.index_cast %add3A_2641 : i32 to index
        %get3A_2643 = arith.constant 0 : index
        %get3A_2644 = tpu.vector_load %arg19[%get3A_2642, %get3A_2643] {strides = array<i32>} : memref<1664x16xf32, #tpu.memory_space<vmem>>, vector<16xf32>,
        %add3A_2645 = arith.addf %add3A_2637, %get3A_2644 : vector<16xf32>
        %mul3A_2646 = arith.mulf %get3A_2644, %get3A_2644 : vector<16xf32>
        %add3A_2647 = arith.addf %add3A_2639, %mul3A_2646 : vector<16xf32>
        %add3A_2648 = arith.constant 9 : i32
        %add3A_2649 = arith.addi %mul3A_2579, %add3A_2648 : i32
        %get3A_2650 = arith.index_cast %add3A_2649 : i32 to index
        %get3A_2651 = arith.constant 0 : index
        %get3A_2652 = tpu.vector_load %arg19[%get3A_2650, %get3A_2651] {strides = array<i32>} : memref<1664x16xf32, #tpu.memory_space<vmem>>, vector<16xf32>,
        %add3A_2653 = arith.addf %add3A_2645, %get3A_2652 : vector<16xf32>
        %mul3A_2654 = arith.mulf %get3A_2652, %get3A_2652 : vector<16xf32>
        %add3A_2655 = arith.addf %add3A_2647, %mul3A_2654 : vector<16xf32>
        %add3A_2656 = arith.constant 10 : i32
        %add3A_2657 = arith.addi %mul3A_2579, %add3A_2656 : i32
        %get3A_2658 = arith.index_cast %add3A_2657 : i32 to index
        %get3A_2659 = arith.constant 0 : index
        %get3A_2660 = tpu.vector_load %arg19[%get3A_2658, %get3A_2659] {strides = array<i32>} : memref<1664x16xf32, #tpu.memory_space<vmem>>, vector<16xf32>,
        %add3A_2661 = arith.addf %add3A_2653, %get3A_2660 : vector<16xf32>
        %mul3A_2662 = arith.mulf %get3A_2660, %get3A_2660 : vector<16xf32>
        %add3A_2663 = arith.addf %add3A_2655, %mul3A_2662 : vector<16xf32>
        %add3A_2664 = arith.constant 11 : i32
        %add3A_2665 = arith.addi %mul3A_2579, %add3A_2664 : i32
        %get3A_2666 = arith.index_cast %add3A_2665 : i32 to index
        %get3A_2667 = arith.constant 0 : index
        %get3A_2668 = tpu.vector_load %arg19[%get3A_2666, %get3A_2667] {strides = array<i32>} : memref<1664x16xf32, #tpu.memory_space<vmem>>, vector<16xf32>,
        %add3A_2669 = arith.addf %add3A_2661, %get3A_2668 : vector<16xf32>
        %mul3A_2670 = arith.mulf %get3A_2668, %get3A_2668 : vector<16xf32>
        %add3A_2671 = arith.addf %add3A_2663, %mul3A_2670 : vector<16xf32>
        %add3A_2672 = arith.constant 12 : i32
        %add3A_2673 = arith.addi %mul3A_2579, %add3A_2672 : i32
        %get3A_2674 = arith.index_cast %add3A_2673 : i32 to index
        %get3A_2675 = arith.constant 0 : index
        %get3A_2676 = tpu.vector_load %arg19[%get3A_2674, %get3A_2675] {strides = array<i32>} : memref<1664x16xf32, #tpu.memory_space<vmem>>, vector<16xf32>,
        %add3A_2677 = arith.addf %add3A_2669, %get3A_2676 : vector<16xf32>
        %mul3A_2678 = arith.mulf %get3A_2676, %get3A_2676 : vector<16xf32>
        %add3A_2679 = arith.addf %add3A_2671, %mul3A_2678 : vector<16xf32>
        %add3A_2680 = arith.constant 13 : i32
        %add3A_2681 = arith.addi %mul3A_2579, %add3A_2680 : i32
        %get3A_2682 = arith.index_cast %add3A_2681 : i32 to index
        %get3A_2683 = arith.constant 0 : index
        %get3A_2684 = tpu.vector_load %arg19[%get3A_2682, %get3A_2683] {strides = array<i32>} : memref<1664x16xf32, #tpu.memory_space<vmem>>, vector<16xf32>,
        %add3A_2685 = arith.addf %add3A_2677, %get3A_2684 : vector<16xf32>
        %mul3A_2686 = arith.mulf %get3A_2684, %get3A_2684 : vector<16xf32>
        %add3A_2687 = arith.addf %add3A_2679, %mul3A_2686 : vector<16xf32>
        %add3A_2688 = arith.constant 14 : i32
        %add3A_2689 = arith.addi %mul3A_2579, %add3A_2688 : i32
        %get3A_2690 = arith.index_cast %add3A_2689 : i32 to index
        %get3A_2691 = arith.constant 0 : index
        %get3A_2692 = tpu.vector_load %arg19[%get3A_2690, %get3A_2691] {strides = array<i32>} : memref<1664x16xf32, #tpu.memory_space<vmem>>, vector<16xf32>,
        %add3A_2693 = arith.addf %add3A_2685, %get3A_2692 : vector<16xf32>
        %mul3A_2694 = arith.mulf %get3A_2692, %get3A_2692 : vector<16xf32>
        %add3A_2695 = arith.addf %add3A_2687, %mul3A_2694 : vector<16xf32>
        %add3A_2696 = arith.constant 15 : i32
        %add3A_2697 = arith.addi %mul3A_2579, %add3A_2696 : i32
        %get3A_2698 = arith.index_cast %add3A_2697 : i32 to index
        %get3A_2699 = arith.constant 0 : index
        %get3A_2700 = tpu.vector_load %arg19[%get3A_2698, %get3A_2699] {strides = array<i32>} : memref<1664x16xf32, #tpu.memory_space<vmem>>, vector<16xf32>,
        %add3A_2701 = arith.addf %add3A_2693, %get3A_2700 : vector<16xf32>
        %mul3A_2702 = arith.mulf %get3A_2700, %get3A_2700 : vector<16xf32>
        %add3A_2703 = arith.addf %add3A_2695, %mul3A_2702 : vector<16xf32>
        %add3A_2704 = arith.constant 16 : i32
        %add3A_2705 = arith.addi %mul3A_2579, %add3A_2704 : i32
        %get3A_2706 = arith.index_cast %add3A_2705 : i32 to index
        %get3A_2707 = arith.constant 0 : index
        %get3A_2708 = tpu.vector_load %arg19[%get3A_2706, %get3A_2707] {strides = array<i32>} : memref<1664x16xf32, #tpu.memory_space<vmem>>, vector<16xf32>,
        %add3A_2709 = arith.addf %add3A_2701, %get3A_2708 : vector<16xf32>
        %mul3A_2710 = arith.mulf %get3A_2708, %get3A_2708 : vector<16xf32>
        %add3A_2711 = arith.addf %add3A_2703, %mul3A_2710 : vector<16xf32>
        %add3A_2712 = arith.constant 17 : i32
        %add3A_2713 = arith.addi %mul3A_2579, %add3A_2712 : i32
        %get3A_2714 = arith.index_cast %add3A_2713 : i32 to index
        %get3A_2715 = arith.constant 0 : index
        %get3A_2716 = tpu.vector_load %arg19[%get3A_2714, %get3A_2715] {strides = array<i32>} : memref<1664x16xf32, #tpu.memory_space<vmem>>, vector<16xf32>,
        %add3A_2717 = arith.addf %add3A_2709, %get3A_2716 : vector<16xf32>
        %mul3A_2718 = arith.mulf %get3A_2716, %get3A_2716 : vector<16xf32>
        %add3A_2719 = arith.addf %add3A_2711, %mul3A_2718 : vector<16xf32>
        %add3A_2720 = arith.constant 18 : i32
        %add3A_2721 = arith.addi %mul3A_2579, %add3A_2720 : i32
        %get3A_2722 = arith.index_cast %add3A_2721 : i32 to index
        %get3A_2723 = arith.constant 0 : index
        %get3A_2724 = tpu.vector_load %arg19[%get3A_2722, %get3A_2723] {strides = array<i32>} : memref<1664x16xf32, #tpu.memory_space<vmem>>, vector<16xf32>,
        %add3A_2725 = arith.addf %add3A_2717, %get3A_2724 : vector<16xf32>
        %mul3A_2726 = arith.mulf %get3A_2724, %get3A_2724 : vector<16xf32>
        %add3A_2727 = arith.addf %add3A_2719, %mul3A_2726 : vector<16xf32>
        %add3A_2728 = arith.constant 19 : i32
        %add3A_2729 = arith.addi %mul3A_2579, %add3A_2728 : i32
        %get3A_2730 = arith.index_cast %add3A_2729 : i32 to index
        %get3A_2731 = arith.constant 0 : index
        %get3A_2732 = tpu.vector_load %arg19[%get3A_2730, %get3A_2731] {strides = array<i32>} : memref<1664x16xf32, #tpu.memory_space<vmem>>, vector<16xf32>,
        %add3A_2733 = arith.addf %add3A_2725, %get3A_2732 : vector<16xf32>
        %mul3A_2734 = arith.mulf %get3A_2732, %get3A_2732 : vector<16xf32>
        %add3A_2735 = arith.addf %add3A_2727, %mul3A_2734 : vector<16xf32>
        %add3A_2736 = arith.constant 20 : i32
        %add3A_2737 = arith.addi %mul3A_2579, %add3A_2736 : i32
        %get3A_2738 = arith.index_cast %add3A_2737 : i32 to index
        %get3A_2739 = arith.constant 0 : index
        %get3A_2740 = tpu.vector_load %arg19[%get3A_2738, %get3A_2739] {strides = array<i32>} : memref<1664x16xf32, #tpu.memory_space<vmem>>, vector<16xf32>,
        %add3A_2741 = arith.addf %add3A_2733, %get3A_2740 : vector<16xf32>
        %mul3A_2742 = arith.mulf %get3A_2740, %get3A_2740 : vector<16xf32>
        %add3A_2743 = arith.addf %add3A_2735, %mul3A_2742 : vector<16xf32>
        %add3A_2744 = arith.constant 21 : i32
        %add3A_2745 = arith.addi %mul3A_2579, %add3A_2744 : i32
        %get3A_2746 = arith.index_cast %add3A_2745 : i32 to index
        %get3A_2747 = arith.constant 0 : index
        %get3A_2748 = tpu.vector_load %arg19[%get3A_2746, %get3A_2747] {strides = array<i32>} : memref<1664x16xf32, #tpu.memory_space<vmem>>, vector<16xf32>,
        %add3A_2749 = arith.addf %add3A_2741, %get3A_2748 : vector<16xf32>
        %mul3A_2750 = arith.mulf %get3A_2748, %get3A_2748 : vector<16xf32>
        %add3A_2751 = arith.addf %add3A_2743, %mul3A_2750 : vector<16xf32>
        %add3A_2752 = arith.constant 22 : i32
        %add3A_2753 = arith.addi %mul3A_2579, %add3A_2752 : i32
        %get3A_2754 = arith.index_cast %add3A_2753 : i32 to index
        %get3A_2755 = arith.constant 0 : index
        %get3A_2756 = tpu.vector_load %arg19[%get3A_2754, %get3A_2755] {strides = array<i32>} : memref<1664x16xf32, #tpu.memory_space<vmem>>, vector<16xf32>,
        %add3A_2757 = arith.addf %add3A_2749, %get3A_2756 : vector<16xf32>
        %mul3A_2758 = arith.mulf %get3A_2756, %get3A_2756 : vector<16xf32>
        %add3A_2759 = arith.addf %add3A_2751, %mul3A_2758 : vector<16xf32>
        %add3A_2760 = arith.constant 23 : i32
        %add3A_2761 = arith.addi %mul3A_2579, %add3A_2760 : i32
        %get3A_2762 = arith.index_cast %add3A_2761 : i32 to index
        %get3A_2763 = arith.constant 0 : index
        %get3A_2764 = tpu.vector_load %arg19[%get3A_2762, %get3A_2763] {strides = array<i32>} : memref<1664x16xf32, #tpu.memory_space<vmem>>, vector<16xf32>,
        %add3A_2765 = arith.addf %add3A_2757, %get3A_2764 : vector<16xf32>
        %mul3A_2766 = arith.mulf %get3A_2764, %get3A_2764 : vector<16xf32>
        %add3A_2767 = arith.addf %add3A_2759, %mul3A_2766 : vector<16xf32>
        %add3A_2768 = arith.constant 24 : i32
        %add3A_2769 = arith.addi %mul3A_2579, %add3A_2768 : i32
        %get3A_2770 = arith.index_cast %add3A_2769 : i32 to index
        %get3A_2771 = arith.constant 0 : index
        %get3A_2772 = tpu.vector_load %arg19[%get3A_2770, %get3A_2771] {strides = array<i32>} : memref<1664x16xf32, #tpu.memory_space<vmem>>, vector<16xf32>,
        %add3A_2773 = arith.addf %add3A_2765, %get3A_2772 : vector<16xf32>
        %mul3A_2774 = arith.mulf %get3A_2772, %get3A_2772 : vector<16xf32>
        %add3A_2775 = arith.addf %add3A_2767, %mul3A_2774 : vector<16xf32>
        %add3A_2776 = arith.constant 25 : i32
        %add3A_2777 = arith.addi %mul3A_2579, %add3A_2776 : i32
        %get3A_2778 = arith.index_cast %add3A_2777 : i32 to index
        %get3A_2779 = arith.constant 0 : index
        %get3A_2780 = tpu.vector_load %arg19[%get3A_2778, %get3A_2779] {strides = array<i32>} : memref<1664x16xf32, #tpu.memory_space<vmem>>, vector<16xf32>,
        %add3A_2781 = arith.addf %add3A_2773, %get3A_2780 : vector<16xf32>
        %mul3A_2782 = arith.mulf %get3A_2780, %get3A_2780 : vector<16xf32>
        %add3A_2783 = arith.addf %add3A_2775, %mul3A_2782 : vector<16xf32>
        %mul3A_2784 = arith.mulf %add3A_2781, %add3A_2781 : vector<16xf32>
        %sub3A_2785 = arith.subf %mul3A_2784, %add3A_2783 : vector<16xf32>
        %mul3A_2786 = arith.constant 5.000000e-01 : f32
        %mul3A_2787 = vector.broadcast %mul3A_2786 : f32 to vector<16xf32>
        %mul3A_2788 = arith.mulf %mul3A_2787, %sub3A_2785 : vector<16xf32>
        %slice3A_2789 = vector.extract_strided_slice %get3A_169 {offsets = [9], sizes = [1], strides = [1]} : vector<16xi32> to vector<1xi32>
        %squeeze3A_2790 = vector.extract %slice3A_2789[0] : i32 from vector<1xi32>
        %slice3A_2791 = vector.extract_strided_slice %get3A_173 {offsets = [9], sizes = [1], strides = [1]} : vector<16xi32> to vector<1xi32>
        %squeeze3A_2792 = vector.extract %slice3A_2791[0] : i32 from vector<1xi32>
        %get3A_2793 = arith.index_cast %add3A_2577 : i32 to index
        %get3A_2794 = arith.index_cast %squeeze3A_2790 : i32 to index
        %get3A_2795 = tpu.vector_load %arg21[%get3A_2793, %get3A_2794] {strides = array<i32>} : memref<64x128xf32, #tpu.memory_space<vmem>>, vector<16xf32>,
        %mul3A_2796 = arith.constant 32 : i32
        %mul3A_2797 = arith.muli %add3A_2577, %mul3A_2796 : i32
        %get3A_2798 = arith.index_cast %mul3A_2797 : i32 to index
        %get3A_2799 = tpu.vector_load %arg23[%get3A_2798] {strides = array<i32>} : memref<2048xf32, #tpu.memory_space<vmem>>, vector<16xf32>,
        %mul3A_2800 = arith.mulf %get3A_2795, %get3A_2799 : vector<16xf32>
        %add3A_2801 = arith.addf %mul3A_2788, %mul3A_2800 : vector<16xf32>
        %add3A_2802 = arith.constant 16 : i32
        %add3A_2803 = arith.addi %squeeze3A_2790, %add3A_2802 : i32
        %get3A_2804 = arith.index_cast %add3A_2577 : i32 to index
        %get3A_2805 = arith.index_cast %add3A_2803 : i32 to index
        %get3A_2806 = tpu.vector_load %arg21[%get3A_2804, %get3A_2805] {strides = array<i32>} : memref<64x128xf32, #tpu.memory_space<vmem>>, vector<16xf32>,
        %mul3A_2807 = arith.constant 32 : i32
        %mul3A_2808 = arith.muli %add3A_2577, %mul3A_2807 : i32
        %add3A_2809 = arith.constant 16 : i32
        %add3A_2810 = arith.addi %mul3A_2808, %add3A_2809 : i32
        %get3A_2811 = arith.index_cast %add3A_2810 : i32 to index
        %get3A_2812 = tpu.vector_load %arg23[%get3A_2811] {strides = array<i32>} : memref<2048xf32, #tpu.memory_space<vmem>>, vector<16xf32>,
        %mul3A_2813 = arith.mulf %get3A_2806, %get3A_2812 : vector<16xf32>
        %add3A_2814 = arith.addf %add3A_2801, %mul3A_2813 : vector<16xf32>
        %get3A_2815 = arith.index_cast %add3A_2577 : i32 to index
        %get3A_2816 = arith.index_cast %squeeze3A_2792 : i32 to index
        %get3A_2817 = tpu.vector_load %arg22[%get3A_2815, %get3A_2816] {strides = array<i32>} : memref<64x128xf32, #tpu.memory_space<vmem>>, vector<16xf32>,
        %mul3A_2818 = arith.constant 32 : i32
        %mul3A_2819 = arith.muli %add3A_2577, %mul3A_2818 : i32
        %get3A_2820 = arith.index_cast %mul3A_2819 : i32 to index
        %get3A_2821 = tpu.vector_load %arg24[%get3A_2820] {strides = array<i32>} : memref<2048xf32, #tpu.memory_space<vmem>>, vector<16xf32>,
        %mul3A_2822 = arith.mulf %get3A_2817, %get3A_2821 : vector<16xf32>
        %add3A_2823 = arith.addf %add3A_2814, %mul3A_2822 : vector<16xf32>
        %add3A_2824 = arith.constant 16 : i32
        %add3A_2825 = arith.addi %squeeze3A_2792, %add3A_2824 : i32
        %get3A_2826 = arith.index_cast %add3A_2577 : i32 to index
        %get3A_2827 = arith.index_cast %add3A_2825 : i32 to index
        %get3A_2828 = tpu.vector_load %arg22[%get3A_2826, %get3A_2827] {strides = array<i32>} : memref<64x128xf32, #tpu.memory_space<vmem>>, vector<16xf32>,
        %mul3A_2829 = arith.constant 32 : i32
        %mul3A_2830 = arith.muli %add3A_2577, %mul3A_2829 : i32
        %add3A_2831 = arith.constant 16 : i32
        %add3A_2832 = arith.addi %mul3A_2830, %add3A_2831 : i32
        %get3A_2833 = arith.index_cast %add3A_2832 : i32 to index
        %get3A_2834 = tpu.vector_load %arg24[%get3A_2833] {strides = array<i32>} : memref<2048xf32, #tpu.memory_space<vmem>>, vector<16xf32>,
        %mul3A_2835 = arith.mulf %get3A_2828, %get3A_2834 : vector<16xf32>
        %add3A_2836 = arith.addf %add3A_2823, %mul3A_2835 : vector<16xf32>
        %swap3A_2837 = arith.constant 9 : i32
        %swap3A_2838 = arith.index_cast %swap3A_2837 : i32 to index
        %swap3A_2839 = arith.constant 0 : index
        %swap3A_2840 = tpu.vector_load %arg26[%swap3A_2838, %swap3A_2839] {strides = array<i32>} : memref<16x16xf32, #tpu.memory_space<vmem>>, vector<16xf32>,
        tpu.vector_store %arg26[%swap3A_2838, %swap3A_2839], %add3A_2836 {strides = array<i32>} : memref<16x16xf32, #tpu.memory_space<vmem>>, vector<16xf32>,
        %mul3A_2841 = arith.constant 16 : i32
        %mul3A_2842 = arith.muli %scan3A_164, %mul3A_2841 : i32
        %add3A_2843 = arith.constant 10 : i32
        %add3A_2844 = arith.addi %mul3A_2842, %add3A_2843 : i32
        %mul3A_2845 = arith.constant 26 : i32
        %mul3A_2846 = arith.muli %add3A_2844, %mul3A_2845 : i32
        %get3A_2847 = arith.index_cast %mul3A_2846 : i32 to index
        %get3A_2848 = arith.constant 0 : index
        %get3A_2849 = tpu.vector_load %arg19[%get3A_2847, %get3A_2848] {strides = array<i32>} : memref<1664x16xf32, #tpu.memory_space<vmem>>, vector<16xf32>,
        %mul3A_2850 = arith.mulf %get3A_2849, %get3A_2849 : vector<16xf32>
        %add3A_2851 = arith.constant 1 : i32
        %add3A_2852 = arith.addi %mul3A_2846, %add3A_2851 : i32
        %get3A_2853 = arith.index_cast %add3A_2852 : i32 to index
        %get3A_2854 = arith.constant 0 : index
        %get3A_2855 = tpu.vector_load %arg19[%get3A_2853, %get3A_2854] {strides = array<i32>} : memref<1664x16xf32, #tpu.memory_space<vmem>>, vector<16xf32>,
        %add3A_2856 = arith.addf %get3A_2849, %get3A_2855 : vector<16xf32>
        %mul3A_2857 = arith.mulf %get3A_2855, %get3A_2855 : vector<16xf32>
        %add3A_2858 = arith.addf %mul3A_2850, %mul3A_2857 : vector<16xf32>
        %add3A_2859 = arith.constant 2 : i32
        %add3A_2860 = arith.addi %mul3A_2846, %add3A_2859 : i32
        %get3A_2861 = arith.index_cast %add3A_2860 : i32 to index
        %get3A_2862 = arith.constant 0 : index
        %get3A_2863 = tpu.vector_load %arg19[%get3A_2861, %get3A_2862] {strides = array<i32>} : memref<1664x16xf32, #tpu.memory_space<vmem>>, vector<16xf32>,
        %add3A_2864 = arith.addf %add3A_2856, %get3A_2863 : vector<16xf32>
        %mul3A_2865 = arith.mulf %get3A_2863, %get3A_2863 : vector<16xf32>
        %add3A_2866 = arith.addf %add3A_2858, %mul3A_2865 : vector<16xf32>
        %add3A_2867 = arith.constant 3 : i32
        %add3A_2868 = arith.addi %mul3A_2846, %add3A_2867 : i32
        %get3A_2869 = arith.index_cast %add3A_2868 : i32 to index
        %get3A_2870 = arith.constant 0 : index
        %get3A_2871 = tpu.vector_load %arg19[%get3A_2869, %get3A_2870] {strides = array<i32>} : memref<1664x16xf32, #tpu.memory_space<vmem>>, vector<16xf32>,
        %add3A_2872 = arith.addf %add3A_2864, %get3A_2871 : vector<16xf32>
        %mul3A_2873 = arith.mulf %get3A_2871, %get3A_2871 : vector<16xf32>
        %add3A_2874 = arith.addf %add3A_2866, %mul3A_2873 : vector<16xf32>
        %add3A_2875 = arith.constant 4 : i32
        %add3A_2876 = arith.addi %mul3A_2846, %add3A_2875 : i32
        %get3A_2877 = arith.index_cast %add3A_2876 : i32 to index
        %get3A_2878 = arith.constant 0 : index
        %get3A_2879 = tpu.vector_load %arg19[%get3A_2877, %get3A_2878] {strides = array<i32>} : memref<1664x16xf32, #tpu.memory_space<vmem>>, vector<16xf32>,
        %add3A_2880 = arith.addf %add3A_2872, %get3A_2879 : vector<16xf32>
        %mul3A_2881 = arith.mulf %get3A_2879, %get3A_2879 : vector<16xf32>
        %add3A_2882 = arith.addf %add3A_2874, %mul3A_2881 : vector<16xf32>
        %add3A_2883 = arith.constant 5 : i32
        %add3A_2884 = arith.addi %mul3A_2846, %add3A_2883 : i32
        %get3A_2885 = arith.index_cast %add3A_2884 : i32 to index
        %get3A_2886 = arith.constant 0 : index
        %get3A_2887 = tpu.vector_load %arg19[%get3A_2885, %get3A_2886] {strides = array<i32>} : memref<1664x16xf32, #tpu.memory_space<vmem>>, vector<16xf32>,
        %add3A_2888 = arith.addf %add3A_2880, %get3A_2887 : vector<16xf32>
        %mul3A_2889 = arith.mulf %get3A_2887, %get3A_2887 : vector<16xf32>
        %add3A_2890 = arith.addf %add3A_2882, %mul3A_2889 : vector<16xf32>
        %add3A_2891 = arith.constant 6 : i32
        %add3A_2892 = arith.addi %mul3A_2846, %add3A_2891 : i32
        %get3A_2893 = arith.index_cast %add3A_2892 : i32 to index
        %get3A_2894 = arith.constant 0 : index
        %get3A_2895 = tpu.vector_load %arg19[%get3A_2893, %get3A_2894] {strides = array<i32>} : memref<1664x16xf32, #tpu.memory_space<vmem>>, vector<16xf32>,
        %add3A_2896 = arith.addf %add3A_2888, %get3A_2895 : vector<16xf32>
        %mul3A_2897 = arith.mulf %get3A_2895, %get3A_2895 : vector<16xf32>
        %add3A_2898 = arith.addf %add3A_2890, %mul3A_2897 : vector<16xf32>
        %add3A_2899 = arith.constant 7 : i32
        %add3A_2900 = arith.addi %mul3A_2846, %add3A_2899 : i32
        %get3A_2901 = arith.index_cast %add3A_2900 : i32 to index
        %get3A_2902 = arith.constant 0 : index
        %get3A_2903 = tpu.vector_load %arg19[%get3A_2901, %get3A_2902] {strides = array<i32>} : memref<1664x16xf32, #tpu.memory_space<vmem>>, vector<16xf32>,
        %add3A_2904 = arith.addf %add3A_2896, %get3A_2903 : vector<16xf32>
        %mul3A_2905 = arith.mulf %get3A_2903, %get3A_2903 : vector<16xf32>
        %add3A_2906 = arith.addf %add3A_2898, %mul3A_2905 : vector<16xf32>
        %add3A_2907 = arith.constant 8 : i32
        %add3A_2908 = arith.addi %mul3A_2846, %add3A_2907 : i32
        %get3A_2909 = arith.index_cast %add3A_2908 : i32 to index
        %get3A_2910 = arith.constant 0 : index
        %get3A_2911 = tpu.vector_load %arg19[%get3A_2909, %get3A_2910] {strides = array<i32>} : memref<1664x16xf32, #tpu.memory_space<vmem>>, vector<16xf32>,
        %add3A_2912 = arith.addf %add3A_2904, %get3A_2911 : vector<16xf32>
        %mul3A_2913 = arith.mulf %get3A_2911, %get3A_2911 : vector<16xf32>
        %add3A_2914 = arith.addf %add3A_2906, %mul3A_2913 : vector<16xf32>
        %add3A_2915 = arith.constant 9 : i32
        %add3A_2916 = arith.addi %mul3A_2846, %add3A_2915 : i32
        %get3A_2917 = arith.index_cast %add3A_2916 : i32 to index
        %get3A_2918 = arith.constant 0 : index
        %get3A_2919 = tpu.vector_load %arg19[%get3A_2917, %get3A_2918] {strides = array<i32>} : memref<1664x16xf32, #tpu.memory_space<vmem>>, vector<16xf32>,
        %add3A_2920 = arith.addf %add3A_2912, %get3A_2919 : vector<16xf32>
        %mul3A_2921 = arith.mulf %get3A_2919, %get3A_2919 : vector<16xf32>
        %add3A_2922 = arith.addf %add3A_2914, %mul3A_2921 : vector<16xf32>
        %add3A_2923 = arith.constant 10 : i32
        %add3A_2924 = arith.addi %mul3A_2846, %add3A_2923 : i32
        %get3A_2925 = arith.index_cast %add3A_2924 : i32 to index
        %get3A_2926 = arith.constant 0 : index
        %get3A_2927 = tpu.vector_load %arg19[%get3A_2925, %get3A_2926] {strides = array<i32>} : memref<1664x16xf32, #tpu.memory_space<vmem>>, vector<16xf32>,
        %add3A_2928 = arith.addf %add3A_2920, %get3A_2927 : vector<16xf32>
        %mul3A_2929 = arith.mulf %get3A_2927, %get3A_2927 : vector<16xf32>
        %add3A_2930 = arith.addf %add3A_2922, %mul3A_2929 : vector<16xf32>
        %add3A_2931 = arith.constant 11 : i32
        %add3A_2932 = arith.addi %mul3A_2846, %add3A_2931 : i32
        %get3A_2933 = arith.index_cast %add3A_2932 : i32 to index
        %get3A_2934 = arith.constant 0 : index
        %get3A_2935 = tpu.vector_load %arg19[%get3A_2933, %get3A_2934] {strides = array<i32>} : memref<1664x16xf32, #tpu.memory_space<vmem>>, vector<16xf32>,
        %add3A_2936 = arith.addf %add3A_2928, %get3A_2935 : vector<16xf32>
        %mul3A_2937 = arith.mulf %get3A_2935, %get3A_2935 : vector<16xf32>
        %add3A_2938 = arith.addf %add3A_2930, %mul3A_2937 : vector<16xf32>
        %add3A_2939 = arith.constant 12 : i32
        %add3A_2940 = arith.addi %mul3A_2846, %add3A_2939 : i32
        %get3A_2941 = arith.index_cast %add3A_2940 : i32 to index
        %get3A_2942 = arith.constant 0 : index
        %get3A_2943 = tpu.vector_load %arg19[%get3A_2941, %get3A_2942] {strides = array<i32>} : memref<1664x16xf32, #tpu.memory_space<vmem>>, vector<16xf32>,
        %add3A_2944 = arith.addf %add3A_2936, %get3A_2943 : vector<16xf32>
        %mul3A_2945 = arith.mulf %get3A_2943, %get3A_2943 : vector<16xf32>
        %add3A_2946 = arith.addf %add3A_2938, %mul3A_2945 : vector<16xf32>
        %add3A_2947 = arith.constant 13 : i32
        %add3A_2948 = arith.addi %mul3A_2846, %add3A_2947 : i32
        %get3A_2949 = arith.index_cast %add3A_2948 : i32 to index
        %get3A_2950 = arith.constant 0 : index
        %get3A_2951 = tpu.vector_load %arg19[%get3A_2949, %get3A_2950] {strides = array<i32>} : memref<1664x16xf32, #tpu.memory_space<vmem>>, vector<16xf32>,
        %add3A_2952 = arith.addf %add3A_2944, %get3A_2951 : vector<16xf32>
        %mul3A_2953 = arith.mulf %get3A_2951, %get3A_2951 : vector<16xf32>
        %add3A_2954 = arith.addf %add3A_2946, %mul3A_2953 : vector<16xf32>
        %add3A_2955 = arith.constant 14 : i32
        %add3A_2956 = arith.addi %mul3A_2846, %add3A_2955 : i32
        %get3A_2957 = arith.index_cast %add3A_2956 : i32 to index
        %get3A_2958 = arith.constant 0 : index
        %get3A_2959 = tpu.vector_load %arg19[%get3A_2957, %get3A_2958] {strides = array<i32>} : memref<1664x16xf32, #tpu.memory_space<vmem>>, vector<16xf32>,
        %add3A_2960 = arith.addf %add3A_2952, %get3A_2959 : vector<16xf32>
        %mul3A_2961 = arith.mulf %get3A_2959, %get3A_2959 : vector<16xf32>
        %add3A_2962 = arith.addf %add3A_2954, %mul3A_2961 : vector<16xf32>
        %add3A_2963 = arith.constant 15 : i32
        %add3A_2964 = arith.addi %mul3A_2846, %add3A_2963 : i32
        %get3A_2965 = arith.index_cast %add3A_2964 : i32 to index
        %get3A_2966 = arith.constant 0 : index
        %get3A_2967 = tpu.vector_load %arg19[%get3A_2965, %get3A_2966] {strides = array<i32>} : memref<1664x16xf32, #tpu.memory_space<vmem>>, vector<16xf32>,
        %add3A_2968 = arith.addf %add3A_2960, %get3A_2967 : vector<16xf32>
        %mul3A_2969 = arith.mulf %get3A_2967, %get3A_2967 : vector<16xf32>
        %add3A_2970 = arith.addf %add3A_2962, %mul3A_2969 : vector<16xf32>
        %add3A_2971 = arith.constant 16 : i32
        %add3A_2972 = arith.addi %mul3A_2846, %add3A_2971 : i32
        %get3A_2973 = arith.index_cast %add3A_2972 : i32 to index
        %get3A_2974 = arith.constant 0 : index
        %get3A_2975 = tpu.vector_load %arg19[%get3A_2973, %get3A_2974] {strides = array<i32>} : memref<1664x16xf32, #tpu.memory_space<vmem>>, vector<16xf32>,
        %add3A_2976 = arith.addf %add3A_2968, %get3A_2975 : vector<16xf32>
        %mul3A_2977 = arith.mulf %get3A_2975, %get3A_2975 : vector<16xf32>
        %add3A_2978 = arith.addf %add3A_2970, %mul3A_2977 : vector<16xf32>
        %add3A_2979 = arith.constant 17 : i32
        %add3A_2980 = arith.addi %mul3A_2846, %add3A_2979 : i32
        %get3A_2981 = arith.index_cast %add3A_2980 : i32 to index
        %get3A_2982 = arith.constant 0 : index
        %get3A_2983 = tpu.vector_load %arg19[%get3A_2981, %get3A_2982] {strides = array<i32>} : memref<1664x16xf32, #tpu.memory_space<vmem>>, vector<16xf32>,
        %add3A_2984 = arith.addf %add3A_2976, %get3A_2983 : vector<16xf32>
        %mul3A_2985 = arith.mulf %get3A_2983, %get3A_2983 : vector<16xf32>
        %add3A_2986 = arith.addf %add3A_2978, %mul3A_2985 : vector<16xf32>
        %add3A_2987 = arith.constant 18 : i32
        %add3A_2988 = arith.addi %mul3A_2846, %add3A_2987 : i32
        %get3A_2989 = arith.index_cast %add3A_2988 : i32 to index
        %get3A_2990 = arith.constant 0 : index
        %get3A_2991 = tpu.vector_load %arg19[%get3A_2989, %get3A_2990] {strides = array<i32>} : memref<1664x16xf32, #tpu.memory_space<vmem>>, vector<16xf32>,
        %add3A_2992 = arith.addf %add3A_2984, %get3A_2991 : vector<16xf32>
        %mul3A_2993 = arith.mulf %get3A_2991, %get3A_2991 : vector<16xf32>
        %add3A_2994 = arith.addf %add3A_2986, %mul3A_2993 : vector<16xf32>
        %add3A_2995 = arith.constant 19 : i32
        %add3A_2996 = arith.addi %mul3A_2846, %add3A_2995 : i32
        %get3A_2997 = arith.index_cast %add3A_2996 : i32 to index
        %get3A_2998 = arith.constant 0 : index
        %get3A_2999 = tpu.vector_load %arg19[%get3A_2997, %get3A_2998] {strides = array<i32>} : memref<1664x16xf32, #tpu.memory_space<vmem>>, vector<16xf32>,
        %add3A_3000 = arith.addf %add3A_2992, %get3A_2999 : vector<16xf32>
        %mul3A_3001 = arith.mulf %get3A_2999, %get3A_2999 : vector<16xf32>
        %add3A_3002 = arith.addf %add3A_2994, %mul3A_3001 : vector<16xf32>
        %add3A_3003 = arith.constant 20 : i32
        %add3A_3004 = arith.addi %mul3A_2846, %add3A_3003 : i32
        %get3A_3005 = arith.index_cast %add3A_3004 : i32 to index
        %get3A_3006 = arith.constant 0 : index
        %get3A_3007 = tpu.vector_load %arg19[%get3A_3005, %get3A_3006] {strides = array<i32>} : memref<1664x16xf32, #tpu.memory_space<vmem>>, vector<16xf32>,
        %add3A_3008 = arith.addf %add3A_3000, %get3A_3007 : vector<16xf32>
        %mul3A_3009 = arith.mulf %get3A_3007, %get3A_3007 : vector<16xf32>
        %add3A_3010 = arith.addf %add3A_3002, %mul3A_3009 : vector<16xf32>
        %add3A_3011 = arith.constant 21 : i32
        %add3A_3012 = arith.addi %mul3A_2846, %add3A_3011 : i32
        %get3A_3013 = arith.index_cast %add3A_3012 : i32 to index
        %get3A_3014 = arith.constant 0 : index
        %get3A_3015 = tpu.vector_load %arg19[%get3A_3013, %get3A_3014] {strides = array<i32>} : memref<1664x16xf32, #tpu.memory_space<vmem>>, vector<16xf32>,
        %add3A_3016 = arith.addf %add3A_3008, %get3A_3015 : vector<16xf32>
        %mul3A_3017 = arith.mulf %get3A_3015, %get3A_3015 : vector<16xf32>
        %add3A_3018 = arith.addf %add3A_3010, %mul3A_3017 : vector<16xf32>
        %add3A_3019 = arith.constant 22 : i32
        %add3A_3020 = arith.addi %mul3A_2846, %add3A_3019 : i32
        %get3A_3021 = arith.index_cast %add3A_3020 : i32 to index
        %get3A_3022 = arith.constant 0 : index
        %get3A_3023 = tpu.vector_load %arg19[%get3A_3021, %get3A_3022] {strides = array<i32>} : memref<1664x16xf32, #tpu.memory_space<vmem>>, vector<16xf32>,
        %add3A_3024 = arith.addf %add3A_3016, %get3A_3023 : vector<16xf32>
        %mul3A_3025 = arith.mulf %get3A_3023, %get3A_3023 : vector<16xf32>
        %add3A_3026 = arith.addf %add3A_3018, %mul3A_3025 : vector<16xf32>
        %add3A_3027 = arith.constant 23 : i32
        %add3A_3028 = arith.addi %mul3A_2846, %add3A_3027 : i32
        %get3A_3029 = arith.index_cast %add3A_3028 : i32 to index
        %get3A_3030 = arith.constant 0 : index
        %get3A_3031 = tpu.vector_load %arg19[%get3A_3029, %get3A_3030] {strides = array<i32>} : memref<1664x16xf32, #tpu.memory_space<vmem>>, vector<16xf32>,
        %add3A_3032 = arith.addf %add3A_3024, %get3A_3031 : vector<16xf32>
        %mul3A_3033 = arith.mulf %get3A_3031, %get3A_3031 : vector<16xf32>
        %add3A_3034 = arith.addf %add3A_3026, %mul3A_3033 : vector<16xf32>
        %add3A_3035 = arith.constant 24 : i32
        %add3A_3036 = arith.addi %mul3A_2846, %add3A_3035 : i32
        %get3A_3037 = arith.index_cast %add3A_3036 : i32 to index
        %get3A_3038 = arith.constant 0 : index
        %get3A_3039 = tpu.vector_load %arg19[%get3A_3037, %get3A_3038] {strides = array<i32>} : memref<1664x16xf32, #tpu.memory_space<vmem>>, vector<16xf32>,
        %add3A_3040 = arith.addf %add3A_3032, %get3A_3039 : vector<16xf32>
        %mul3A_3041 = arith.mulf %get3A_3039, %get3A_3039 : vector<16xf32>
        %add3A_3042 = arith.addf %add3A_3034, %mul3A_3041 : vector<16xf32>
        %add3A_3043 = arith.constant 25 : i32
        %add3A_3044 = arith.addi %mul3A_2846, %add3A_3043 : i32
        %get3A_3045 = arith.index_cast %add3A_3044 : i32 to index
        %get3A_3046 = arith.constant 0 : index
        %get3A_3047 = tpu.vector_load %arg19[%get3A_3045, %get3A_3046] {strides = array<i32>} : memref<1664x16xf32, #tpu.memory_space<vmem>>, vector<16xf32>,
        %add3A_3048 = arith.addf %add3A_3040, %get3A_3047 : vector<16xf32>
        %mul3A_3049 = arith.mulf %get3A_3047, %get3A_3047 : vector<16xf32>
        %add3A_3050 = arith.addf %add3A_3042, %mul3A_3049 : vector<16xf32>
        %mul3A_3051 = arith.mulf %add3A_3048, %add3A_3048 : vector<16xf32>
        %sub3A_3052 = arith.subf %mul3A_3051, %add3A_3050 : vector<16xf32>
        %mul3A_3053 = arith.constant 5.000000e-01 : f32
        %mul3A_3054 = vector.broadcast %mul3A_3053 : f32 to vector<16xf32>
        %mul3A_3055 = arith.mulf %mul3A_3054, %sub3A_3052 : vector<16xf32>
        %slice3A_3056 = vector.extract_strided_slice %get3A_169 {offsets = [10], sizes = [1], strides = [1]} : vector<16xi32> to vector<1xi32>
        %squeeze3A_3057 = vector.extract %slice3A_3056[0] : i32 from vector<1xi32>
        %slice3A_3058 = vector.extract_strided_slice %get3A_173 {offsets = [10], sizes = [1], strides = [1]} : vector<16xi32> to vector<1xi32>
        %squeeze3A_3059 = vector.extract %slice3A_3058[0] : i32 from vector<1xi32>
        %get3A_3060 = arith.index_cast %add3A_2844 : i32 to index
        %get3A_3061 = arith.index_cast %squeeze3A_3057 : i32 to index
        %get3A_3062 = tpu.vector_load %arg21[%get3A_3060, %get3A_3061] {strides = array<i32>} : memref<64x128xf32, #tpu.memory_space<vmem>>, vector<16xf32>,
        %mul3A_3063 = arith.constant 32 : i32
        %mul3A_3064 = arith.muli %add3A_2844, %mul3A_3063 : i32
        %get3A_3065 = arith.index_cast %mul3A_3064 : i32 to index
        %get3A_3066 = tpu.vector_load %arg23[%get3A_3065] {strides = array<i32>} : memref<2048xf32, #tpu.memory_space<vmem>>, vector<16xf32>,
        %mul3A_3067 = arith.mulf %get3A_3062, %get3A_3066 : vector<16xf32>
        %add3A_3068 = arith.addf %mul3A_3055, %mul3A_3067 : vector<16xf32>
        %add3A_3069 = arith.constant 16 : i32
        %add3A_3070 = arith.addi %squeeze3A_3057, %add3A_3069 : i32
        %get3A_3071 = arith.index_cast %add3A_2844 : i32 to index
        %get3A_3072 = arith.index_cast %add3A_3070 : i32 to index
        %get3A_3073 = tpu.vector_load %arg21[%get3A_3071, %get3A_3072] {strides = array<i32>} : memref<64x128xf32, #tpu.memory_space<vmem>>, vector<16xf32>,
        %mul3A_3074 = arith.constant 32 : i32
        %mul3A_3075 = arith.muli %add3A_2844, %mul3A_3074 : i32
        %add3A_3076 = arith.constant 16 : i32
        %add3A_3077 = arith.addi %mul3A_3075, %add3A_3076 : i32
        %get3A_3078 = arith.index_cast %add3A_3077 : i32 to index
        %get3A_3079 = tpu.vector_load %arg23[%get3A_3078] {strides = array<i32>} : memref<2048xf32, #tpu.memory_space<vmem>>, vector<16xf32>,
        %mul3A_3080 = arith.mulf %get3A_3073, %get3A_3079 : vector<16xf32>
        %add3A_3081 = arith.addf %add3A_3068, %mul3A_3080 : vector<16xf32>
        %get3A_3082 = arith.index_cast %add3A_2844 : i32 to index
        %get3A_3083 = arith.index_cast %squeeze3A_3059 : i32 to index
        %get3A_3084 = tpu.vector_load %arg22[%get3A_3082, %get3A_3083] {strides = array<i32>} : memref<64x128xf32, #tpu.memory_space<vmem>>, vector<16xf32>,
        %mul3A_3085 = arith.constant 32 : i32
        %mul3A_3086 = arith.muli %add3A_2844, %mul3A_3085 : i32
        %get3A_3087 = arith.index_cast %mul3A_3086 : i32 to index
        %get3A_3088 = tpu.vector_load %arg24[%get3A_3087] {strides = array<i32>} : memref<2048xf32, #tpu.memory_space<vmem>>, vector<16xf32>,
        %mul3A_3089 = arith.mulf %get3A_3084, %get3A_3088 : vector<16xf32>
        %add3A_3090 = arith.addf %add3A_3081, %mul3A_3089 : vector<16xf32>
        %add3A_3091 = arith.constant 16 : i32
        %add3A_3092 = arith.addi %squeeze3A_3059, %add3A_3091 : i32
        %get3A_3093 = arith.index_cast %add3A_2844 : i32 to index
        %get3A_3094 = arith.index_cast %add3A_3092 : i32 to index
        %get3A_3095 = tpu.vector_load %arg22[%get3A_3093, %get3A_3094] {strides = array<i32>} : memref<64x128xf32, #tpu.memory_space<vmem>>, vector<16xf32>,
        %mul3A_3096 = arith.constant 32 : i32
        %mul3A_3097 = arith.muli %add3A_2844, %mul3A_3096 : i32
        %add3A_3098 = arith.constant 16 : i32
        %add3A_3099 = arith.addi %mul3A_3097, %add3A_3098 : i32
        %get3A_3100 = arith.index_cast %add3A_3099 : i32 to index
        %get3A_3101 = tpu.vector_load %arg24[%get3A_3100] {strides = array<i32>} : memref<2048xf32, #tpu.memory_space<vmem>>, vector<16xf32>,
        %mul3A_3102 = arith.mulf %get3A_3095, %get3A_3101 : vector<16xf32>
        %add3A_3103 = arith.addf %add3A_3090, %mul3A_3102 : vector<16xf32>
        %swap3A_3104 = arith.constant 10 : i32
        %swap3A_3105 = arith.index_cast %swap3A_3104 : i32 to index
        %swap3A_3106 = arith.constant 0 : index
        %swap3A_3107 = tpu.vector_load %arg26[%swap3A_3105, %swap3A_3106] {strides = array<i32>} : memref<16x16xf32, #tpu.memory_space<vmem>>, vector<16xf32>,
        tpu.vector_store %arg26[%swap3A_3105, %swap3A_3106], %add3A_3103 {strides = array<i32>} : memref<16x16xf32, #tpu.memory_space<vmem>>, vector<16xf32>,
        %mul3A_3108 = arith.constant 16 : i32
        %mul3A_3109 = arith.muli %scan3A_164, %mul3A_3108 : i32
        %add3A_3110 = arith.constant 11 : i32
        %add3A_3111 = arith.addi %mul3A_3109, %add3A_3110 : i32
        %mul3A_3112 = arith.constant 26 : i32
        %mul3A_3113 = arith.muli %add3A_3111, %mul3A_3112 : i32
        %get3A_3114 = arith.index_cast %mul3A_3113 : i32 to index
        %get3A_3115 = arith.constant 0 : index
        %get3A_3116 = tpu.vector_load %arg19[%get3A_3114, %get3A_3115] {strides = array<i32>} : memref<1664x16xf32, #tpu.memory_space<vmem>>, vector<16xf32>,
        %mul3A_3117 = arith.mulf %get3A_3116, %get3A_3116 : vector<16xf32>
        %add3A_3118 = arith.constant 1 : i32
        %add3A_3119 = arith.addi %mul3A_3113, %add3A_3118 : i32
        %get3A_3120 = arith.index_cast %add3A_3119 : i32 to index
        %get3A_3121 = arith.constant 0 : index
        %get3A_3122 = tpu.vector_load %arg19[%get3A_3120, %get3A_3121] {strides = array<i32>} : memref<1664x16xf32, #tpu.memory_space<vmem>>, vector<16xf32>,
        %add3A_3123 = arith.addf %get3A_3116, %get3A_3122 : vector<16xf32>
        %mul3A_3124 = arith.mulf %get3A_3122, %get3A_3122 : vector<16xf32>
        %add3A_3125 = arith.addf %mul3A_3117, %mul3A_3124 : vector<16xf32>
        %add3A_3126 = arith.constant 2 : i32
        %add3A_3127 = arith.addi %mul3A_3113, %add3A_3126 : i32
        %get3A_3128 = arith.index_cast %add3A_3127 : i32 to index
        %get3A_3129 = arith.constant 0 : index
        %get3A_3130 = tpu.vector_load %arg19[%get3A_3128, %get3A_3129] {strides = array<i32>} : memref<1664x16xf32, #tpu.memory_space<vmem>>, vector<16xf32>,
        %add3A_3131 = arith.addf %add3A_3123, %get3A_3130 : vector<16xf32>
        %mul3A_3132 = arith.mulf %get3A_3130, %get3A_3130 : vector<16xf32>
        %add3A_3133 = arith.addf %add3A_3125, %mul3A_3132 : vector<16xf32>
        %add3A_3134 = arith.constant 3 : i32
        %add3A_3135 = arith.addi %mul3A_3113, %add3A_3134 : i32
        %get3A_3136 = arith.index_cast %add3A_3135 : i32 to index
        %get3A_3137 = arith.constant 0 : index
        %get3A_3138 = tpu.vector_load %arg19[%get3A_3136, %get3A_3137] {strides = array<i32>} : memref<1664x16xf32, #tpu.memory_space<vmem>>, vector<16xf32>,
        %add3A_3139 = arith.addf %add3A_3131, %get3A_3138 : vector<16xf32>
        %mul3A_3140 = arith.mulf %get3A_3138, %get3A_3138 : vector<16xf32>
        %add3A_3141 = arith.addf %add3A_3133, %mul3A_3140 : vector<16xf32>
        %add3A_3142 = arith.constant 4 : i32
        %add3A_3143 = arith.addi %mul3A_3113, %add3A_3142 : i32
        %get3A_3144 = arith.index_cast %add3A_3143 : i32 to index
        %get3A_3145 = arith.constant 0 : index
        %get3A_3146 = tpu.vector_load %arg19[%get3A_3144, %get3A_3145] {strides = array<i32>} : memref<1664x16xf32, #tpu.memory_space<vmem>>, vector<16xf32>,
        %add3A_3147 = arith.addf %add3A_3139, %get3A_3146 : vector<16xf32>
        %mul3A_3148 = arith.mulf %get3A_3146, %get3A_3146 : vector<16xf32>
        %add3A_3149 = arith.addf %add3A_3141, %mul3A_3148 : vector<16xf32>
        %add3A_3150 = arith.constant 5 : i32
        %add3A_3151 = arith.addi %mul3A_3113, %add3A_3150 : i32
        %get3A_3152 = arith.index_cast %add3A_3151 : i32 to index
        %get3A_3153 = arith.constant 0 : index
        %get3A_3154 = tpu.vector_load %arg19[%get3A_3152, %get3A_3153] {strides = array<i32>} : memref<1664x16xf32, #tpu.memory_space<vmem>>, vector<16xf32>,
        %add3A_3155 = arith.addf %add3A_3147, %get3A_3154 : vector<16xf32>
        %mul3A_3156 = arith.mulf %get3A_3154, %get3A_3154 : vector<16xf32>
        %add3A_3157 = arith.addf %add3A_3149, %mul3A_3156 : vector<16xf32>
        %add3A_3158 = arith.constant 6 : i32
        %add3A_3159 = arith.addi %mul3A_3113, %add3A_3158 : i32
        %get3A_3160 = arith.index_cast %add3A_3159 : i32 to index
        %get3A_3161 = arith.constant 0 : index
        %get3A_3162 = tpu.vector_load %arg19[%get3A_3160, %get3A_3161] {strides = array<i32>} : memref<1664x16xf32, #tpu.memory_space<vmem>>, vector<16xf32>,
        %add3A_3163 = arith.addf %add3A_3155, %get3A_3162 : vector<16xf32>
        %mul3A_3164 = arith.mulf %get3A_3162, %get3A_3162 : vector<16xf32>
        %add3A_3165 = arith.addf %add3A_3157, %mul3A_3164 : vector<16xf32>
        %add3A_3166 = arith.constant 7 : i32
        %add3A_3167 = arith.addi %mul3A_3113, %add3A_3166 : i32
        %get3A_3168 = arith.index_cast %add3A_3167 : i32 to index
        %get3A_3169 = arith.constant 0 : index
        %get3A_3170 = tpu.vector_load %arg19[%get3A_3168, %get3A_3169] {strides = array<i32>} : memref<1664x16xf32, #tpu.memory_space<vmem>>, vector<16xf32>,
        %add3A_3171 = arith.addf %add3A_3163, %get3A_3170 : vector<16xf32>
        %mul3A_3172 = arith.mulf %get3A_3170, %get3A_3170 : vector<16xf32>
        %add3A_3173 = arith.addf %add3A_3165, %mul3A_3172 : vector<16xf32>
        %add3A_3174 = arith.constant 8 : i32
        %add3A_3175 = arith.addi %mul3A_3113, %add3A_3174 : i32
        %get3A_3176 = arith.index_cast %add3A_3175 : i32 to index
        %get3A_3177 = arith.constant 0 : index
        %get3A_3178 = tpu.vector_load %arg19[%get3A_3176, %get3A_3177] {strides = array<i32>} : memref<1664x16xf32, #tpu.memory_space<vmem>>, vector<16xf32>,
        %add3A_3179 = arith.addf %add3A_3171, %get3A_3178 : vector<16xf32>
        %mul3A_3180 = arith.mulf %get3A_3178, %get3A_3178 : vector<16xf32>
        %add3A_3181 = arith.addf %add3A_3173, %mul3A_3180 : vector<16xf32>
        %add3A_3182 = arith.constant 9 : i32
        %add3A_3183 = arith.addi %mul3A_3113, %add3A_3182 : i32
        %get3A_3184 = arith.index_cast %add3A_3183 : i32 to index
        %get3A_3185 = arith.constant 0 : index
        %get3A_3186 = tpu.vector_load %arg19[%get3A_3184, %get3A_3185] {strides = array<i32>} : memref<1664x16xf32, #tpu.memory_space<vmem>>, vector<16xf32>,
        %add3A_3187 = arith.addf %add3A_3179, %get3A_3186 : vector<16xf32>
        %mul3A_3188 = arith.mulf %get3A_3186, %get3A_3186 : vector<16xf32>
        %add3A_3189 = arith.addf %add3A_3181, %mul3A_3188 : vector<16xf32>
        %add3A_3190 = arith.constant 10 : i32
        %add3A_3191 = arith.addi %mul3A_3113, %add3A_3190 : i32
        %get3A_3192 = arith.index_cast %add3A_3191 : i32 to index
        %get3A_3193 = arith.constant 0 : index
        %get3A_3194 = tpu.vector_load %arg19[%get3A_3192, %get3A_3193] {strides = array<i32>} : memref<1664x16xf32, #tpu.memory_space<vmem>>, vector<16xf32>,
        %add3A_3195 = arith.addf %add3A_3187, %get3A_3194 : vector<16xf32>
        %mul3A_3196 = arith.mulf %get3A_3194, %get3A_3194 : vector<16xf32>
        %add3A_3197 = arith.addf %add3A_3189, %mul3A_3196 : vector<16xf32>
        %add3A_3198 = arith.constant 11 : i32
        %add3A_3199 = arith.addi %mul3A_3113, %add3A_3198 : i32
        %get3A_3200 = arith.index_cast %add3A_3199 : i32 to index
        %get3A_3201 = arith.constant 0 : index
        %get3A_3202 = tpu.vector_load %arg19[%get3A_3200, %get3A_3201] {strides = array<i32>} : memref<1664x16xf32, #tpu.memory_space<vmem>>, vector<16xf32>,
        %add3A_3203 = arith.addf %add3A_3195, %get3A_3202 : vector<16xf32>
        %mul3A_3204 = arith.mulf %get3A_3202, %get3A_3202 : vector<16xf32>
        %add3A_3205 = arith.addf %add3A_3197, %mul3A_3204 : vector<16xf32>
        %add3A_3206 = arith.constant 12 : i32
        %add3A_3207 = arith.addi %mul3A_3113, %add3A_3206 : i32
        %get3A_3208 = arith.index_cast %add3A_3207 : i32 to index
        %get3A_3209 = arith.constant 0 : index
        %get3A_3210 = tpu.vector_load %arg19[%get3A_3208, %get3A_3209] {strides = array<i32>} : memref<1664x16xf32, #tpu.memory_space<vmem>>, vector<16xf32>,
        %add3A_3211 = arith.addf %add3A_3203, %get3A_3210 : vector<16xf32>
        %mul3A_3212 = arith.mulf %get3A_3210, %get3A_3210 : vector<16xf32>
        %add3A_3213 = arith.addf %add3A_3205, %mul3A_3212 : vector<16xf32>
        %add3A_3214 = arith.constant 13 : i32
        %add3A_3215 = arith.addi %mul3A_3113, %add3A_3214 : i32
        %get3A_3216 = arith.index_cast %add3A_3215 : i32 to index
        %get3A_3217 = arith.constant 0 : index
        %get3A_3218 = tpu.vector_load %arg19[%get3A_3216, %get3A_3217] {strides = array<i32>} : memref<1664x16xf32, #tpu.memory_space<vmem>>, vector<16xf32>,
        %add3A_3219 = arith.addf %add3A_3211, %get3A_3218 : vector<16xf32>
        %mul3A_3220 = arith.mulf %get3A_3218, %get3A_3218 : vector<16xf32>
        %add3A_3221 = arith.addf %add3A_3213, %mul3A_3220 : vector<16xf32>
        %add3A_3222 = arith.constant 14 : i32
        %add3A_3223 = arith.addi %mul3A_3113, %add3A_3222 : i32
        %get3A_3224 = arith.index_cast %add3A_3223 : i32 to index
        %get3A_3225 = arith.constant 0 : index
        %get3A_3226 = tpu.vector_load %arg19[%get3A_3224, %get3A_3225] {strides = array<i32>} : memref<1664x16xf32, #tpu.memory_space<vmem>>, vector<16xf32>,
        %add3A_3227 = arith.addf %add3A_3219, %get3A_3226 : vector<16xf32>
        %mul3A_3228 = arith.mulf %get3A_3226, %get3A_3226 : vector<16xf32>
        %add3A_3229 = arith.addf %add3A_3221, %mul3A_3228 : vector<16xf32>
        %add3A_3230 = arith.constant 15 : i32
        %add3A_3231 = arith.addi %mul3A_3113, %add3A_3230 : i32
        %get3A_3232 = arith.index_cast %add3A_3231 : i32 to index
        %get3A_3233 = arith.constant 0 : index
        %get3A_3234 = tpu.vector_load %arg19[%get3A_3232, %get3A_3233] {strides = array<i32>} : memref<1664x16xf32, #tpu.memory_space<vmem>>, vector<16xf32>,
        %add3A_3235 = arith.addf %add3A_3227, %get3A_3234 : vector<16xf32>
        %mul3A_3236 = arith.mulf %get3A_3234, %get3A_3234 : vector<16xf32>
        %add3A_3237 = arith.addf %add3A_3229, %mul3A_3236 : vector<16xf32>
        %add3A_3238 = arith.constant 16 : i32
        %add3A_3239 = arith.addi %mul3A_3113, %add3A_3238 : i32
        %get3A_3240 = arith.index_cast %add3A_3239 : i32 to index
        %get3A_3241 = arith.constant 0 : index
        %get3A_3242 = tpu.vector_load %arg19[%get3A_3240, %get3A_3241] {strides = array<i32>} : memref<1664x16xf32, #tpu.memory_space<vmem>>, vector<16xf32>,
        %add3A_3243 = arith.addf %add3A_3235, %get3A_3242 : vector<16xf32>
        %mul3A_3244 = arith.mulf %get3A_3242, %get3A_3242 : vector<16xf32>
        %add3A_3245 = arith.addf %add3A_3237, %mul3A_3244 : vector<16xf32>
        %add3A_3246 = arith.constant 17 : i32
        %add3A_3247 = arith.addi %mul3A_3113, %add3A_3246 : i32
        %get3A_3248 = arith.index_cast %add3A_3247 : i32 to index
        %get3A_3249 = arith.constant 0 : index
        %get3A_3250 = tpu.vector_load %arg19[%get3A_3248, %get3A_3249] {strides = array<i32>} : memref<1664x16xf32, #tpu.memory_space<vmem>>, vector<16xf32>,
        %add3A_3251 = arith.addf %add3A_3243, %get3A_3250 : vector<16xf32>
        %mul3A_3252 = arith.mulf %get3A_3250, %get3A_3250 : vector<16xf32>
        %add3A_3253 = arith.addf %add3A_3245, %mul3A_3252 : vector<16xf32>
        %add3A_3254 = arith.constant 18 : i32
        %add3A_3255 = arith.addi %mul3A_3113, %add3A_3254 : i32
        %get3A_3256 = arith.index_cast %add3A_3255 : i32 to index
        %get3A_3257 = arith.constant 0 : index
        %get3A_3258 = tpu.vector_load %arg19[%get3A_3256, %get3A_3257] {strides = array<i32>} : memref<1664x16xf32, #tpu.memory_space<vmem>>, vector<16xf32>,
        %add3A_3259 = arith.addf %add3A_3251, %get3A_3258 : vector<16xf32>
        %mul3A_3260 = arith.mulf %get3A_3258, %get3A_3258 : vector<16xf32>
        %add3A_3261 = arith.addf %add3A_3253, %mul3A_3260 : vector<16xf32>
        %add3A_3262 = arith.constant 19 : i32
        %add3A_3263 = arith.addi %mul3A_3113, %add3A_3262 : i32
        %get3A_3264 = arith.index_cast %add3A_3263 : i32 to index
        %get3A_3265 = arith.constant 0 : index
        %get3A_3266 = tpu.vector_load %arg19[%get3A_3264, %get3A_3265] {strides = array<i32>} : memref<1664x16xf32, #tpu.memory_space<vmem>>, vector<16xf32>,
        %add3A_3267 = arith.addf %add3A_3259, %get3A_3266 : vector<16xf32>
        %mul3A_3268 = arith.mulf %get3A_3266, %get3A_3266 : vector<16xf32>
        %add3A_3269 = arith.addf %add3A_3261, %mul3A_3268 : vector<16xf32>
        %add3A_3270 = arith.constant 20 : i32
        %add3A_3271 = arith.addi %mul3A_3113, %add3A_3270 : i32
        %get3A_3272 = arith.index_cast %add3A_3271 : i32 to index
        %get3A_3273 = arith.constant 0 : index
        %get3A_3274 = tpu.vector_load %arg19[%get3A_3272, %get3A_3273] {strides = array<i32>} : memref<1664x16xf32, #tpu.memory_space<vmem>>, vector<16xf32>,
        %add3A_3275 = arith.addf %add3A_3267, %get3A_3274 : vector<16xf32>
        %mul3A_3276 = arith.mulf %get3A_3274, %get3A_3274 : vector<16xf32>
        %add3A_3277 = arith.addf %add3A_3269, %mul3A_3276 : vector<16xf32>
        %add3A_3278 = arith.constant 21 : i32
        %add3A_3279 = arith.addi %mul3A_3113, %add3A_3278 : i32
        %get3A_3280 = arith.index_cast %add3A_3279 : i32 to index
        %get3A_3281 = arith.constant 0 : index
        %get3A_3282 = tpu.vector_load %arg19[%get3A_3280, %get3A_3281] {strides = array<i32>} : memref<1664x16xf32, #tpu.memory_space<vmem>>, vector<16xf32>,
        %add3A_3283 = arith.addf %add3A_3275, %get3A_3282 : vector<16xf32>
        %mul3A_3284 = arith.mulf %get3A_3282, %get3A_3282 : vector<16xf32>
        %add3A_3285 = arith.addf %add3A_3277, %mul3A_3284 : vector<16xf32>
        %add3A_3286 = arith.constant 22 : i32
        %add3A_3287 = arith.addi %mul3A_3113, %add3A_3286 : i32
        %get3A_3288 = arith.index_cast %add3A_3287 : i32 to index
        %get3A_3289 = arith.constant 0 : index
        %get3A_3290 = tpu.vector_load %arg19[%get3A_3288, %get3A_3289] {strides = array<i32>} : memref<1664x16xf32, #tpu.memory_space<vmem>>, vector<16xf32>,
        %add3A_3291 = arith.addf %add3A_3283, %get3A_3290 : vector<16xf32>
        %mul3A_3292 = arith.mulf %get3A_3290, %get3A_3290 : vector<16xf32>
        %add3A_3293 = arith.addf %add3A_3285, %mul3A_3292 : vector<16xf32>
        %add3A_3294 = arith.constant 23 : i32
        %add3A_3295 = arith.addi %mul3A_3113, %add3A_3294 : i32
        %get3A_3296 = arith.index_cast %add3A_3295 : i32 to index
        %get3A_3297 = arith.constant 0 : index
        %get3A_3298 = tpu.vector_load %arg19[%get3A_3296, %get3A_3297] {strides = array<i32>} : memref<1664x16xf32, #tpu.memory_space<vmem>>, vector<16xf32>,
        %add3A_3299 = arith.addf %add3A_3291, %get3A_3298 : vector<16xf32>
        %mul3A_3300 = arith.mulf %get3A_3298, %get3A_3298 : vector<16xf32>
        %add3A_3301 = arith.addf %add3A_3293, %mul3A_3300 : vector<16xf32>
        %add3A_3302 = arith.constant 24 : i32
        %add3A_3303 = arith.addi %mul3A_3113, %add3A_3302 : i32
        %get3A_3304 = arith.index_cast %add3A_3303 : i32 to index
        %get3A_3305 = arith.constant 0 : index
        %get3A_3306 = tpu.vector_load %arg19[%get3A_3304, %get3A_3305] {strides = array<i32>} : memref<1664x16xf32, #tpu.memory_space<vmem>>, vector<16xf32>,
        %add3A_3307 = arith.addf %add3A_3299, %get3A_3306 : vector<16xf32>
        %mul3A_3308 = arith.mulf %get3A_3306, %get3A_3306 : vector<16xf32>
        %add3A_3309 = arith.addf %add3A_3301, %mul3A_3308 : vector<16xf32>
        %add3A_3310 = arith.constant 25 : i32
        %add3A_3311 = arith.addi %mul3A_3113, %add3A_3310 : i32
        %get3A_3312 = arith.index_cast %add3A_3311 : i32 to index
        %get3A_3313 = arith.constant 0 : index
        %get3A_3314 = tpu.vector_load %arg19[%get3A_3312, %get3A_3313] {strides = array<i32>} : memref<1664x16xf32, #tpu.memory_space<vmem>>, vector<16xf32>,
        %add3A_3315 = arith.addf %add3A_3307, %get3A_3314 : vector<16xf32>
        %mul3A_3316 = arith.mulf %get3A_3314, %get3A_3314 : vector<16xf32>
        %add3A_3317 = arith.addf %add3A_3309, %mul3A_3316 : vector<16xf32>
        %mul3A_3318 = arith.mulf %add3A_3315, %add3A_3315 : vector<16xf32>
        %sub3A_3319 = arith.subf %mul3A_3318, %add3A_3317 : vector<16xf32>
        %mul3A_3320 = arith.constant 5.000000e-01 : f32
        %mul3A_3321 = vector.broadcast %mul3A_3320 : f32 to vector<16xf32>
        %mul3A_3322 = arith.mulf %mul3A_3321, %sub3A_3319 : vector<16xf32>
        %slice3A_3323 = vector.extract_strided_slice %get3A_169 {offsets = [11], sizes = [1], strides = [1]} : vector<16xi32> to vector<1xi32>
        %squeeze3A_3324 = vector.extract %slice3A_3323[0] : i32 from vector<1xi32>
        %slice3A_3325 = vector.extract_strided_slice %get3A_173 {offsets = [11], sizes = [1], strides = [1]} : vector<16xi32> to vector<1xi32>
        %squeeze3A_3326 = vector.extract %slice3A_3325[0] : i32 from vector<1xi32>
        %get3A_3327 = arith.index_cast %add3A_3111 : i32 to index
        %get3A_3328 = arith.index_cast %squeeze3A_3324 : i32 to index
        %get3A_3329 = tpu.vector_load %arg21[%get3A_3327, %get3A_3328] {strides = array<i32>} : memref<64x128xf32, #tpu.memory_space<vmem>>, vector<16xf32>,
        %mul3A_3330 = arith.constant 32 : i32
        %mul3A_3331 = arith.muli %add3A_3111, %mul3A_3330 : i32
        %get3A_3332 = arith.index_cast %mul3A_3331 : i32 to index
        %get3A_3333 = tpu.vector_load %arg23[%get3A_3332] {strides = array<i32>} : memref<2048xf32, #tpu.memory_space<vmem>>, vector<16xf32>,
        %mul3A_3334 = arith.mulf %get3A_3329, %get3A_3333 : vector<16xf32>
        %add3A_3335 = arith.addf %mul3A_3322, %mul3A_3334 : vector<16xf32>
        %add3A_3336 = arith.constant 16 : i32
        %add3A_3337 = arith.addi %squeeze3A_3324, %add3A_3336 : i32
        %get3A_3338 = arith.index_cast %add3A_3111 : i32 to index
        %get3A_3339 = arith.index_cast %add3A_3337 : i32 to index
        %get3A_3340 = tpu.vector_load %arg21[%get3A_3338, %get3A_3339] {strides = array<i32>} : memref<64x128xf32, #tpu.memory_space<vmem>>, vector<16xf32>,
        %mul3A_3341 = arith.constant 32 : i32
        %mul3A_3342 = arith.muli %add3A_3111, %mul3A_3341 : i32
        %add3A_3343 = arith.constant 16 : i32
        %add3A_3344 = arith.addi %mul3A_3342, %add3A_3343 : i32
        %get3A_3345 = arith.index_cast %add3A_3344 : i32 to index
        %get3A_3346 = tpu.vector_load %arg23[%get3A_3345] {strides = array<i32>} : memref<2048xf32, #tpu.memory_space<vmem>>, vector<16xf32>,
        %mul3A_3347 = arith.mulf %get3A_3340, %get3A_3346 : vector<16xf32>
        %add3A_3348 = arith.addf %add3A_3335, %mul3A_3347 : vector<16xf32>
        %get3A_3349 = arith.index_cast %add3A_3111 : i32 to index
        %get3A_3350 = arith.index_cast %squeeze3A_3326 : i32 to index
        %get3A_3351 = tpu.vector_load %arg22[%get3A_3349, %get3A_3350] {strides = array<i32>} : memref<64x128xf32, #tpu.memory_space<vmem>>, vector<16xf32>,
        %mul3A_3352 = arith.constant 32 : i32
        %mul3A_3353 = arith.muli %add3A_3111, %mul3A_3352 : i32
        %get3A_3354 = arith.index_cast %mul3A_3353 : i32 to index
        %get3A_3355 = tpu.vector_load %arg24[%get3A_3354] {strides = array<i32>} : memref<2048xf32, #tpu.memory_space<vmem>>, vector<16xf32>,
        %mul3A_3356 = arith.mulf %get3A_3351, %get3A_3355 : vector<16xf32>
        %add3A_3357 = arith.addf %add3A_3348, %mul3A_3356 : vector<16xf32>
        %add3A_3358 = arith.constant 16 : i32
        %add3A_3359 = arith.addi %squeeze3A_3326, %add3A_3358 : i32
        %get3A_3360 = arith.index_cast %add3A_3111 : i32 to index
        %get3A_3361 = arith.index_cast %add3A_3359 : i32 to index
        %get3A_3362 = tpu.vector_load %arg22[%get3A_3360, %get3A_3361] {strides = array<i32>} : memref<64x128xf32, #tpu.memory_space<vmem>>, vector<16xf32>,
        %mul3A_3363 = arith.constant 32 : i32
        %mul3A_3364 = arith.muli %add3A_3111, %mul3A_3363 : i32
        %add3A_3365 = arith.constant 16 : i32
        %add3A_3366 = arith.addi %mul3A_3364, %add3A_3365 : i32
        %get3A_3367 = arith.index_cast %add3A_3366 : i32 to index
        %get3A_3368 = tpu.vector_load %arg24[%get3A_3367] {strides = array<i32>} : memref<2048xf32, #tpu.memory_space<vmem>>, vector<16xf32>,
        %mul3A_3369 = arith.mulf %get3A_3362, %get3A_3368 : vector<16xf32>
        %add3A_3370 = arith.addf %add3A_3357, %mul3A_3369 : vector<16xf32>
        %swap3A_3371 = arith.constant 11 : i32
        %swap3A_3372 = arith.index_cast %swap3A_3371 : i32 to index
        %swap3A_3373 = arith.constant 0 : index
        %swap3A_3374 = tpu.vector_load %arg26[%swap3A_3372, %swap3A_3373] {strides = array<i32>} : memref<16x16xf32, #tpu.memory_space<vmem>>, vector<16xf32>,
        tpu.vector_store %arg26[%swap3A_3372, %swap3A_3373], %add3A_3370 {strides = array<i32>} : memref<16x16xf32, #tpu.memory_space<vmem>>, vector<16xf32>,
        %mul3A_3375 = arith.constant 16 : i32
        %mul3A_3376 = arith.muli %scan3A_164, %mul3A_3375 : i32
        %add3A_3377 = arith.constant 12 : i32
        %add3A_3378 = arith.addi %mul3A_3376, %add3A_3377 : i32
        %mul3A_3379 = arith.constant 26 : i32
        %mul3A_3380 = arith.muli %add3A_3378, %mul3A_3379 : i32
        %get3A_3381 = arith.index_cast %mul3A_3380 : i32 to index
        %get3A_3382 = arith.constant 0 : index
        %get3A_3383 = tpu.vector_load %arg19[%get3A_3381, %get3A_3382] {strides = array<i32>} : memref<1664x16xf32, #tpu.memory_space<vmem>>, vector<16xf32>,
        %mul3A_3384 = arith.mulf %get3A_3383, %get3A_3383 : vector<16xf32>
        %add3A_3385 = arith.constant 1 : i32
        %add3A_3386 = arith.addi %mul3A_3380, %add3A_3385 : i32
        %get3A_3387 = arith.index_cast %add3A_3386 : i32 to index
        %get3A_3388 = arith.constant 0 : index
        %get3A_3389 = tpu.vector_load %arg19[%get3A_3387, %get3A_3388] {strides = array<i32>} : memref<1664x16xf32, #tpu.memory_space<vmem>>, vector<16xf32>,
        %add3A_3390 = arith.addf %get3A_3383, %get3A_3389 : vector<16xf32>
        %mul3A_3391 = arith.mulf %get3A_3389, %get3A_3389 : vector<16xf32>
        %add3A_3392 = arith.addf %mul3A_3384, %mul3A_3391 : vector<16xf32>
        %add3A_3393 = arith.constant 2 : i32
        %add3A_3394 = arith.addi %mul3A_3380, %add3A_3393 : i32
        %get3A_3395 = arith.index_cast %add3A_3394 : i32 to index
        %get3A_3396 = arith.constant 0 : index
        %get3A_3397 = tpu.vector_load %arg19[%get3A_3395, %get3A_3396] {strides = array<i32>} : memref<1664x16xf32, #tpu.memory_space<vmem>>, vector<16xf32>,
        %add3A_3398 = arith.addf %add3A_3390, %get3A_3397 : vector<16xf32>
        %mul3A_3399 = arith.mulf %get3A_3397, %get3A_3397 : vector<16xf32>
        %add3A_3400 = arith.addf %add3A_3392, %mul3A_3399 : vector<16xf32>
        %add3A_3401 = arith.constant 3 : i32
        %add3A_3402 = arith.addi %mul3A_3380, %add3A_3401 : i32
        %get3A_3403 = arith.index_cast %add3A_3402 : i32 to index
        %get3A_3404 = arith.constant 0 : index
        %get3A_3405 = tpu.vector_load %arg19[%get3A_3403, %get3A_3404] {strides = array<i32>} : memref<1664x16xf32, #tpu.memory_space<vmem>>, vector<16xf32>,
        %add3A_3406 = arith.addf %add3A_3398, %get3A_3405 : vector<16xf32>
        %mul3A_3407 = arith.mulf %get3A_3405, %get3A_3405 : vector<16xf32>
        %add3A_3408 = arith.addf %add3A_3400, %mul3A_3407 : vector<16xf32>
        %add3A_3409 = arith.constant 4 : i32
        %add3A_3410 = arith.addi %mul3A_3380, %add3A_3409 : i32
        %get3A_3411 = arith.index_cast %add3A_3410 : i32 to index
        %get3A_3412 = arith.constant 0 : index
        %get3A_3413 = tpu.vector_load %arg19[%get3A_3411, %get3A_3412] {strides = array<i32>} : memref<1664x16xf32, #tpu.memory_space<vmem>>, vector<16xf32>,
        %add3A_3414 = arith.addf %add3A_3406, %get3A_3413 : vector<16xf32>
        %mul3A_3415 = arith.mulf %get3A_3413, %get3A_3413 : vector<16xf32>
        %add3A_3416 = arith.addf %add3A_3408, %mul3A_3415 : vector<16xf32>
        %add3A_3417 = arith.constant 5 : i32
        %add3A_3418 = arith.addi %mul3A_3380, %add3A_3417 : i32
        %get3A_3419 = arith.index_cast %add3A_3418 : i32 to index
        %get3A_3420 = arith.constant 0 : index
        %get3A_3421 = tpu.vector_load %arg19[%get3A_3419, %get3A_3420] {strides = array<i32>} : memref<1664x16xf32, #tpu.memory_space<vmem>>, vector<16xf32>,
        %add3A_3422 = arith.addf %add3A_3414, %get3A_3421 : vector<16xf32>
        %mul3A_3423 = arith.mulf %get3A_3421, %get3A_3421 : vector<16xf32>
        %add3A_3424 = arith.addf %add3A_3416, %mul3A_3423 : vector<16xf32>
        %add3A_3425 = arith.constant 6 : i32
        %add3A_3426 = arith.addi %mul3A_3380, %add3A_3425 : i32
        %get3A_3427 = arith.index_cast %add3A_3426 : i32 to index
        %get3A_3428 = arith.constant 0 : index
        %get3A_3429 = tpu.vector_load %arg19[%get3A_3427, %get3A_3428] {strides = array<i32>} : memref<1664x16xf32, #tpu.memory_space<vmem>>, vector<16xf32>,
        %add3A_3430 = arith.addf %add3A_3422, %get3A_3429 : vector<16xf32>
        %mul3A_3431 = arith.mulf %get3A_3429, %get3A_3429 : vector<16xf32>
        %add3A_3432 = arith.addf %add3A_3424, %mul3A_3431 : vector<16xf32>
        %add3A_3433 = arith.constant 7 : i32
        %add3A_3434 = arith.addi %mul3A_3380, %add3A_3433 : i32
        %get3A_3435 = arith.index_cast %add3A_3434 : i32 to index
        %get3A_3436 = arith.constant 0 : index
        %get3A_3437 = tpu.vector_load %arg19[%get3A_3435, %get3A_3436] {strides = array<i32>} : memref<1664x16xf32, #tpu.memory_space<vmem>>, vector<16xf32>,
        %add3A_3438 = arith.addf %add3A_3430, %get3A_3437 : vector<16xf32>
        %mul3A_3439 = arith.mulf %get3A_3437, %get3A_3437 : vector<16xf32>
        %add3A_3440 = arith.addf %add3A_3432, %mul3A_3439 : vector<16xf32>
        %add3A_3441 = arith.constant 8 : i32
        %add3A_3442 = arith.addi %mul3A_3380, %add3A_3441 : i32
        %get3A_3443 = arith.index_cast %add3A_3442 : i32 to index
        %get3A_3444 = arith.constant 0 : index
        %get3A_3445 = tpu.vector_load %arg19[%get3A_3443, %get3A_3444] {strides = array<i32>} : memref<1664x16xf32, #tpu.memory_space<vmem>>, vector<16xf32>,
        %add3A_3446 = arith.addf %add3A_3438, %get3A_3445 : vector<16xf32>
        %mul3A_3447 = arith.mulf %get3A_3445, %get3A_3445 : vector<16xf32>
        %add3A_3448 = arith.addf %add3A_3440, %mul3A_3447 : vector<16xf32>
        %add3A_3449 = arith.constant 9 : i32
        %add3A_3450 = arith.addi %mul3A_3380, %add3A_3449 : i32
        %get3A_3451 = arith.index_cast %add3A_3450 : i32 to index
        %get3A_3452 = arith.constant 0 : index
        %get3A_3453 = tpu.vector_load %arg19[%get3A_3451, %get3A_3452] {strides = array<i32>} : memref<1664x16xf32, #tpu.memory_space<vmem>>, vector<16xf32>,
        %add3A_3454 = arith.addf %add3A_3446, %get3A_3453 : vector<16xf32>
        %mul3A_3455 = arith.mulf %get3A_3453, %get3A_3453 : vector<16xf32>
        %add3A_3456 = arith.addf %add3A_3448, %mul3A_3455 : vector<16xf32>
        %add3A_3457 = arith.constant 10 : i32
        %add3A_3458 = arith.addi %mul3A_3380, %add3A_3457 : i32
        %get3A_3459 = arith.index_cast %add3A_3458 : i32 to index
        %get3A_3460 = arith.constant 0 : index
        %get3A_3461 = tpu.vector_load %arg19[%get3A_3459, %get3A_3460] {strides = array<i32>} : memref<1664x16xf32, #tpu.memory_space<vmem>>, vector<16xf32>,
        %add3A_3462 = arith.addf %add3A_3454, %get3A_3461 : vector<16xf32>
        %mul3A_3463 = arith.mulf %get3A_3461, %get3A_3461 : vector<16xf32>
        %add3A_3464 = arith.addf %add3A_3456, %mul3A_3463 : vector<16xf32>
        %add3A_3465 = arith.constant 11 : i32
        %add3A_3466 = arith.addi %mul3A_3380, %add3A_3465 : i32
        %get3A_3467 = arith.index_cast %add3A_3466 : i32 to index
        %get3A_3468 = arith.constant 0 : index
        %get3A_3469 = tpu.vector_load %arg19[%get3A_3467, %get3A_3468] {strides = array<i32>} : memref<1664x16xf32, #tpu.memory_space<vmem>>, vector<16xf32>,
        %add3A_3470 = arith.addf %add3A_3462, %get3A_3469 : vector<16xf32>
        %mul3A_3471 = arith.mulf %get3A_3469, %get3A_3469 : vector<16xf32>
        %add3A_3472 = arith.addf %add3A_3464, %mul3A_3471 : vector<16xf32>
        %add3A_3473 = arith.constant 12 : i32
        %add3A_3474 = arith.addi %mul3A_3380, %add3A_3473 : i32
        %get3A_3475 = arith.index_cast %add3A_3474 : i32 to index
        %get3A_3476 = arith.constant 0 : index
        %get3A_3477 = tpu.vector_load %arg19[%get3A_3475, %get3A_3476] {strides = array<i32>} : memref<1664x16xf32, #tpu.memory_space<vmem>>, vector<16xf32>,
        %add3A_3478 = arith.addf %add3A_3470, %get3A_3477 : vector<16xf32>
        %mul3A_3479 = arith.mulf %get3A_3477, %get3A_3477 : vector<16xf32>
        %add3A_3480 = arith.addf %add3A_3472, %mul3A_3479 : vector<16xf32>
        %add3A_3481 = arith.constant 13 : i32
        %add3A_3482 = arith.addi %mul3A_3380, %add3A_3481 : i32
        %get3A_3483 = arith.index_cast %add3A_3482 : i32 to index
        %get3A_3484 = arith.constant 0 : index
        %get3A_3485 = tpu.vector_load %arg19[%get3A_3483, %get3A_3484] {strides = array<i32>} : memref<1664x16xf32, #tpu.memory_space<vmem>>, vector<16xf32>,
        %add3A_3486 = arith.addf %add3A_3478, %get3A_3485 : vector<16xf32>
        %mul3A_3487 = arith.mulf %get3A_3485, %get3A_3485 : vector<16xf32>
        %add3A_3488 = arith.addf %add3A_3480, %mul3A_3487 : vector<16xf32>
        %add3A_3489 = arith.constant 14 : i32
        %add3A_3490 = arith.addi %mul3A_3380, %add3A_3489 : i32
        %get3A_3491 = arith.index_cast %add3A_3490 : i32 to index
        %get3A_3492 = arith.constant 0 : index
        %get3A_3493 = tpu.vector_load %arg19[%get3A_3491, %get3A_3492] {strides = array<i32>} : memref<1664x16xf32, #tpu.memory_space<vmem>>, vector<16xf32>,
        %add3A_3494 = arith.addf %add3A_3486, %get3A_3493 : vector<16xf32>
        %mul3A_3495 = arith.mulf %get3A_3493, %get3A_3493 : vector<16xf32>
        %add3A_3496 = arith.addf %add3A_3488, %mul3A_3495 : vector<16xf32>
        %add3A_3497 = arith.constant 15 : i32
        %add3A_3498 = arith.addi %mul3A_3380, %add3A_3497 : i32
        %get3A_3499 = arith.index_cast %add3A_3498 : i32 to index
        %get3A_3500 = arith.constant 0 : index
        %get3A_3501 = tpu.vector_load %arg19[%get3A_3499, %get3A_3500] {strides = array<i32>} : memref<1664x16xf32, #tpu.memory_space<vmem>>, vector<16xf32>,
        %add3A_3502 = arith.addf %add3A_3494, %get3A_3501 : vector<16xf32>
        %mul3A_3503 = arith.mulf %get3A_3501, %get3A_3501 : vector<16xf32>
        %add3A_3504 = arith.addf %add3A_3496, %mul3A_3503 : vector<16xf32>
        %add3A_3505 = arith.constant 16 : i32
        %add3A_3506 = arith.addi %mul3A_3380, %add3A_3505 : i32
        %get3A_3507 = arith.index_cast %add3A_3506 : i32 to index
        %get3A_3508 = arith.constant 0 : index
        %get3A_3509 = tpu.vector_load %arg19[%get3A_3507, %get3A_3508] {strides = array<i32>} : memref<1664x16xf32, #tpu.memory_space<vmem>>, vector<16xf32>,
        %add3A_3510 = arith.addf %add3A_3502, %get3A_3509 : vector<16xf32>
        %mul3A_3511 = arith.mulf %get3A_3509, %get3A_3509 : vector<16xf32>
        %add3A_3512 = arith.addf %add3A_3504, %mul3A_3511 : vector<16xf32>
        %add3A_3513 = arith.constant 17 : i32
        %add3A_3514 = arith.addi %mul3A_3380, %add3A_3513 : i32
        %get3A_3515 = arith.index_cast %add3A_3514 : i32 to index
        %get3A_3516 = arith.constant 0 : index
        %get3A_3517 = tpu.vector_load %arg19[%get3A_3515, %get3A_3516] {strides = array<i32>} : memref<1664x16xf32, #tpu.memory_space<vmem>>, vector<16xf32>,
        %add3A_3518 = arith.addf %add3A_3510, %get3A_3517 : vector<16xf32>
        %mul3A_3519 = arith.mulf %get3A_3517, %get3A_3517 : vector<16xf32>
        %add3A_3520 = arith.addf %add3A_3512, %mul3A_3519 : vector<16xf32>
        %add3A_3521 = arith.constant 18 : i32
        %add3A_3522 = arith.addi %mul3A_3380, %add3A_3521 : i32
        %get3A_3523 = arith.index_cast %add3A_3522 : i32 to index
        %get3A_3524 = arith.constant 0 : index
        %get3A_3525 = tpu.vector_load %arg19[%get3A_3523, %get3A_3524] {strides = array<i32>} : memref<1664x16xf32, #tpu.memory_space<vmem>>, vector<16xf32>,
        %add3A_3526 = arith.addf %add3A_3518, %get3A_3525 : vector<16xf32>
        %mul3A_3527 = arith.mulf %get3A_3525, %get3A_3525 : vector<16xf32>
        %add3A_3528 = arith.addf %add3A_3520, %mul3A_3527 : vector<16xf32>
        %add3A_3529 = arith.constant 19 : i32
        %add3A_3530 = arith.addi %mul3A_3380, %add3A_3529 : i32
        %get3A_3531 = arith.index_cast %add3A_3530 : i32 to index
        %get3A_3532 = arith.constant 0 : index
        %get3A_3533 = tpu.vector_load %arg19[%get3A_3531, %get3A_3532] {strides = array<i32>} : memref<1664x16xf32, #tpu.memory_space<vmem>>, vector<16xf32>,
        %add3A_3534 = arith.addf %add3A_3526, %get3A_3533 : vector<16xf32>
        %mul3A_3535 = arith.mulf %get3A_3533, %get3A_3533 : vector<16xf32>
        %add3A_3536 = arith.addf %add3A_3528, %mul3A_3535 : vector<16xf32>
        %add3A_3537 = arith.constant 20 : i32
        %add3A_3538 = arith.addi %mul3A_3380, %add3A_3537 : i32
        %get3A_3539 = arith.index_cast %add3A_3538 : i32 to index
        %get3A_3540 = arith.constant 0 : index
        %get3A_3541 = tpu.vector_load %arg19[%get3A_3539, %get3A_3540] {strides = array<i32>} : memref<1664x16xf32, #tpu.memory_space<vmem>>, vector<16xf32>,
        %add3A_3542 = arith.addf %add3A_3534, %get3A_3541 : vector<16xf32>
        %mul3A_3543 = arith.mulf %get3A_3541, %get3A_3541 : vector<16xf32>
        %add3A_3544 = arith.addf %add3A_3536, %mul3A_3543 : vector<16xf32>
        %add3A_3545 = arith.constant 21 : i32
        %add3A_3546 = arith.addi %mul3A_3380, %add3A_3545 : i32
        %get3A_3547 = arith.index_cast %add3A_3546 : i32 to index
        %get3A_3548 = arith.constant 0 : index
        %get3A_3549 = tpu.vector_load %arg19[%get3A_3547, %get3A_3548] {strides = array<i32>} : memref<1664x16xf32, #tpu.memory_space<vmem>>, vector<16xf32>,
        %add3A_3550 = arith.addf %add3A_3542, %get3A_3549 : vector<16xf32>
        %mul3A_3551 = arith.mulf %get3A_3549, %get3A_3549 : vector<16xf32>
        %add3A_3552 = arith.addf %add3A_3544, %mul3A_3551 : vector<16xf32>
        %add3A_3553 = arith.constant 22 : i32
        %add3A_3554 = arith.addi %mul3A_3380, %add3A_3553 : i32
        %get3A_3555 = arith.index_cast %add3A_3554 : i32 to index
        %get3A_3556 = arith.constant 0 : index
        %get3A_3557 = tpu.vector_load %arg19[%get3A_3555, %get3A_3556] {strides = array<i32>} : memref<1664x16xf32, #tpu.memory_space<vmem>>, vector<16xf32>,
        %add3A_3558 = arith.addf %add3A_3550, %get3A_3557 : vector<16xf32>
        %mul3A_3559 = arith.mulf %get3A_3557, %get3A_3557 : vector<16xf32>
        %add3A_3560 = arith.addf %add3A_3552, %mul3A_3559 : vector<16xf32>
        %add3A_3561 = arith.constant 23 : i32
        %add3A_3562 = arith.addi %mul3A_3380, %add3A_3561 : i32
        %get3A_3563 = arith.index_cast %add3A_3562 : i32 to index
        %get3A_3564 = arith.constant 0 : index
        %get3A_3565 = tpu.vector_load %arg19[%get3A_3563, %get3A_3564] {strides = array<i32>} : memref<1664x16xf32, #tpu.memory_space<vmem>>, vector<16xf32>,
        %add3A_3566 = arith.addf %add3A_3558, %get3A_3565 : vector<16xf32>
        %mul3A_3567 = arith.mulf %get3A_3565, %get3A_3565 : vector<16xf32>
        %add3A_3568 = arith.addf %add3A_3560, %mul3A_3567 : vector<16xf32>
        %add3A_3569 = arith.constant 24 : i32
        %add3A_3570 = arith.addi %mul3A_3380, %add3A_3569 : i32
        %get3A_3571 = arith.index_cast %add3A_3570 : i32 to index
        %get3A_3572 = arith.constant 0 : index
        %get3A_3573 = tpu.vector_load %arg19[%get3A_3571, %get3A_3572] {strides = array<i32>} : memref<1664x16xf32, #tpu.memory_space<vmem>>, vector<16xf32>,
        %add3A_3574 = arith.addf %add3A_3566, %get3A_3573 : vector<16xf32>
        %mul3A_3575 = arith.mulf %get3A_3573, %get3A_3573 : vector<16xf32>
        %add3A_3576 = arith.addf %add3A_3568, %mul3A_3575 : vector<16xf32>
        %add3A_3577 = arith.constant 25 : i32
        %add3A_3578 = arith.addi %mul3A_3380, %add3A_3577 : i32
        %get3A_3579 = arith.index_cast %add3A_3578 : i32 to index
        %get3A_3580 = arith.constant 0 : index
        %get3A_3581 = tpu.vector_load %arg19[%get3A_3579, %get3A_3580] {strides = array<i32>} : memref<1664x16xf32, #tpu.memory_space<vmem>>, vector<16xf32>,
        %add3A_3582 = arith.addf %add3A_3574, %get3A_3581 : vector<16xf32>
        %mul3A_3583 = arith.mulf %get3A_3581, %get3A_3581 : vector<16xf32>
        %add3A_3584 = arith.addf %add3A_3576, %mul3A_3583 : vector<16xf32>
        %mul3A_3585 = arith.mulf %add3A_3582, %add3A_3582 : vector<16xf32>
        %sub3A_3586 = arith.subf %mul3A_3585, %add3A_3584 : vector<16xf32>
        %mul3A_3587 = arith.constant 5.000000e-01 : f32
        %mul3A_3588 = vector.broadcast %mul3A_3587 : f32 to vector<16xf32>
        %mul3A_3589 = arith.mulf %mul3A_3588, %sub3A_3586 : vector<16xf32>
        %slice3A_3590 = vector.extract_strided_slice %get3A_169 {offsets = [12], sizes = [1], strides = [1]} : vector<16xi32> to vector<1xi32>
        %squeeze3A_3591 = vector.extract %slice3A_3590[0] : i32 from vector<1xi32>
        %slice3A_3592 = vector.extract_strided_slice %get3A_173 {offsets = [12], sizes = [1], strides = [1]} : vector<16xi32> to vector<1xi32>
        %squeeze3A_3593 = vector.extract %slice3A_3592[0] : i32 from vector<1xi32>
        %get3A_3594 = arith.index_cast %add3A_3378 : i32 to index
        %get3A_3595 = arith.index_cast %squeeze3A_3591 : i32 to index
        %get3A_3596 = tpu.vector_load %arg21[%get3A_3594, %get3A_3595] {strides = array<i32>} : memref<64x128xf32, #tpu.memory_space<vmem>>, vector<16xf32>,
        %mul3A_3597 = arith.constant 32 : i32
        %mul3A_3598 = arith.muli %add3A_3378, %mul3A_3597 : i32
        %get3A_3599 = arith.index_cast %mul3A_3598 : i32 to index
        %get3A_3600 = tpu.vector_load %arg23[%get3A_3599] {strides = array<i32>} : memref<2048xf32, #tpu.memory_space<vmem>>, vector<16xf32>,
        %mul3A_3601 = arith.mulf %get3A_3596, %get3A_3600 : vector<16xf32>
        %add3A_3602 = arith.addf %mul3A_3589, %mul3A_3601 : vector<16xf32>
        %add3A_3603 = arith.constant 16 : i32
        %add3A_3604 = arith.addi %squeeze3A_3591, %add3A_3603 : i32
        %get3A_3605 = arith.index_cast %add3A_3378 : i32 to index
        %get3A_3606 = arith.index_cast %add3A_3604 : i32 to index
        %get3A_3607 = tpu.vector_load %arg21[%get3A_3605, %get3A_3606] {strides = array<i32>} : memref<64x128xf32, #tpu.memory_space<vmem>>, vector<16xf32>,
        %mul3A_3608 = arith.constant 32 : i32
        %mul3A_3609 = arith.muli %add3A_3378, %mul3A_3608 : i32
        %add3A_3610 = arith.constant 16 : i32
        %add3A_3611 = arith.addi %mul3A_3609, %add3A_3610 : i32
        %get3A_3612 = arith.index_cast %add3A_3611 : i32 to index
        %get3A_3613 = tpu.vector_load %arg23[%get3A_3612] {strides = array<i32>} : memref<2048xf32, #tpu.memory_space<vmem>>, vector<16xf32>,
        %mul3A_3614 = arith.mulf %get3A_3607, %get3A_3613 : vector<16xf32>
        %add3A_3615 = arith.addf %add3A_3602, %mul3A_3614 : vector<16xf32>
        %get3A_3616 = arith.index_cast %add3A_3378 : i32 to index
        %get3A_3617 = arith.index_cast %squeeze3A_3593 : i32 to index
        %get3A_3618 = tpu.vector_load %arg22[%get3A_3616, %get3A_3617] {strides = array<i32>} : memref<64x128xf32, #tpu.memory_space<vmem>>, vector<16xf32>,
        %mul3A_3619 = arith.constant 32 : i32
        %mul3A_3620 = arith.muli %add3A_3378, %mul3A_3619 : i32
        %get3A_3621 = arith.index_cast %mul3A_3620 : i32 to index
        %get3A_3622 = tpu.vector_load %arg24[%get3A_3621] {strides = array<i32>} : memref<2048xf32, #tpu.memory_space<vmem>>, vector<16xf32>,
        %mul3A_3623 = arith.mulf %get3A_3618, %get3A_3622 : vector<16xf32>
        %add3A_3624 = arith.addf %add3A_3615, %mul3A_3623 : vector<16xf32>
        %add3A_3625 = arith.constant 16 : i32
        %add3A_3626 = arith.addi %squeeze3A_3593, %add3A_3625 : i32
        %get3A_3627 = arith.index_cast %add3A_3378 : i32 to index
        %get3A_3628 = arith.index_cast %add3A_3626 : i32 to index
        %get3A_3629 = tpu.vector_load %arg22[%get3A_3627, %get3A_3628] {strides = array<i32>} : memref<64x128xf32, #tpu.memory_space<vmem>>, vector<16xf32>,
        %mul3A_3630 = arith.constant 32 : i32
        %mul3A_3631 = arith.muli %add3A_3378, %mul3A_3630 : i32
        %add3A_3632 = arith.constant 16 : i32
        %add3A_3633 = arith.addi %mul3A_3631, %add3A_3632 : i32
        %get3A_3634 = arith.index_cast %add3A_3633 : i32 to index
        %get3A_3635 = tpu.vector_load %arg24[%get3A_3634] {strides = array<i32>} : memref<2048xf32, #tpu.memory_space<vmem>>, vector<16xf32>,
        %mul3A_3636 = arith.mulf %get3A_3629, %get3A_3635 : vector<16xf32>
        %add3A_3637 = arith.addf %add3A_3624, %mul3A_3636 : vector<16xf32>
        %swap3A_3638 = arith.constant 12 : i32
        %swap3A_3639 = arith.index_cast %swap3A_3638 : i32 to index
        %swap3A_3640 = arith.constant 0 : index
        %swap3A_3641 = tpu.vector_load %arg26[%swap3A_3639, %swap3A_3640] {strides = array<i32>} : memref<16x16xf32, #tpu.memory_space<vmem>>, vector<16xf32>,
        tpu.vector_store %arg26[%swap3A_3639, %swap3A_3640], %add3A_3637 {strides = array<i32>} : memref<16x16xf32, #tpu.memory_space<vmem>>, vector<16xf32>,
        %mul3A_3642 = arith.constant 16 : i32
        %mul3A_3643 = arith.muli %scan3A_164, %mul3A_3642 : i32
        %add3A_3644 = arith.constant 13 : i32
        %add3A_3645 = arith.addi %mul3A_3643, %add3A_3644 : i32
        %mul3A_3646 = arith.constant 26 : i32
        %mul3A_3647 = arith.muli %add3A_3645, %mul3A_3646 : i32
        %get3A_3648 = arith.index_cast %mul3A_3647 : i32 to index
        %get3A_3649 = arith.constant 0 : index
        %get3A_3650 = tpu.vector_load %arg19[%get3A_3648, %get3A_3649] {strides = array<i32>} : memref<1664x16xf32, #tpu.memory_space<vmem>>, vector<16xf32>,
        %mul3A_3651 = arith.mulf %get3A_3650, %get3A_3650 : vector<16xf32>
        %add3A_3652 = arith.constant 1 : i32
        %add3A_3653 = arith.addi %mul3A_3647, %add3A_3652 : i32
        %get3A_3654 = arith.index_cast %add3A_3653 : i32 to index
        %get3A_3655 = arith.constant 0 : index
        %get3A_3656 = tpu.vector_load %arg19[%get3A_3654, %get3A_3655] {strides = array<i32>} : memref<1664x16xf32, #tpu.memory_space<vmem>>, vector<16xf32>,
        %add3A_3657 = arith.addf %get3A_3650, %get3A_3656 : vector<16xf32>
        %mul3A_3658 = arith.mulf %get3A_3656, %get3A_3656 : vector<16xf32>
        %add3A_3659 = arith.addf %mul3A_3651, %mul3A_3658 : vector<16xf32>
        %add3A_3660 = arith.constant 2 : i32
        %add3A_3661 = arith.addi %mul3A_3647, %add3A_3660 : i32
        %get3A_3662 = arith.index_cast %add3A_3661 : i32 to index
        %get3A_3663 = arith.constant 0 : index
        %get3A_3664 = tpu.vector_load %arg19[%get3A_3662, %get3A_3663] {strides = array<i32>} : memref<1664x16xf32, #tpu.memory_space<vmem>>, vector<16xf32>,
        %add3A_3665 = arith.addf %add3A_3657, %get3A_3664 : vector<16xf32>
        %mul3A_3666 = arith.mulf %get3A_3664, %get3A_3664 : vector<16xf32>
        %add3A_3667 = arith.addf %add3A_3659, %mul3A_3666 : vector<16xf32>
        %add3A_3668 = arith.constant 3 : i32
        %add3A_3669 = arith.addi %mul3A_3647, %add3A_3668 : i32
        %get3A_3670 = arith.index_cast %add3A_3669 : i32 to index
        %get3A_3671 = arith.constant 0 : index
        %get3A_3672 = tpu.vector_load %arg19[%get3A_3670, %get3A_3671] {strides = array<i32>} : memref<1664x16xf32, #tpu.memory_space<vmem>>, vector<16xf32>,
        %add3A_3673 = arith.addf %add3A_3665, %get3A_3672 : vector<16xf32>
        %mul3A_3674 = arith.mulf %get3A_3672, %get3A_3672 : vector<16xf32>
        %add3A_3675 = arith.addf %add3A_3667, %mul3A_3674 : vector<16xf32>
        %add3A_3676 = arith.constant 4 : i32
        %add3A_3677 = arith.addi %mul3A_3647, %add3A_3676 : i32
        %get3A_3678 = arith.index_cast %add3A_3677 : i32 to index
        %get3A_3679 = arith.constant 0 : index
        %get3A_3680 = tpu.vector_load %arg19[%get3A_3678, %get3A_3679] {strides = array<i32>} : memref<1664x16xf32, #tpu.memory_space<vmem>>, vector<16xf32>,
        %add3A_3681 = arith.addf %add3A_3673, %get3A_3680 : vector<16xf32>
        %mul3A_3682 = arith.mulf %get3A_3680, %get3A_3680 : vector<16xf32>
        %add3A_3683 = arith.addf %add3A_3675, %mul3A_3682 : vector<16xf32>
        %add3A_3684 = arith.constant 5 : i32
        %add3A_3685 = arith.addi %mul3A_3647, %add3A_3684 : i32
        %get3A_3686 = arith.index_cast %add3A_3685 : i32 to index
        %get3A_3687 = arith.constant 0 : index
        %get3A_3688 = tpu.vector_load %arg19[%get3A_3686, %get3A_3687] {strides = array<i32>} : memref<1664x16xf32, #tpu.memory_space<vmem>>, vector<16xf32>,
        %add3A_3689 = arith.addf %add3A_3681, %get3A_3688 : vector<16xf32>
        %mul3A_3690 = arith.mulf %get3A_3688, %get3A_3688 : vector<16xf32>
        %add3A_3691 = arith.addf %add3A_3683, %mul3A_3690 : vector<16xf32>
        %add3A_3692 = arith.constant 6 : i32
        %add3A_3693 = arith.addi %mul3A_3647, %add3A_3692 : i32
        %get3A_3694 = arith.index_cast %add3A_3693 : i32 to index
        %get3A_3695 = arith.constant 0 : index
        %get3A_3696 = tpu.vector_load %arg19[%get3A_3694, %get3A_3695] {strides = array<i32>} : memref<1664x16xf32, #tpu.memory_space<vmem>>, vector<16xf32>,
        %add3A_3697 = arith.addf %add3A_3689, %get3A_3696 : vector<16xf32>
        %mul3A_3698 = arith.mulf %get3A_3696, %get3A_3696 : vector<16xf32>
        %add3A_3699 = arith.addf %add3A_3691, %mul3A_3698 : vector<16xf32>
        %add3A_3700 = arith.constant 7 : i32
        %add3A_3701 = arith.addi %mul3A_3647, %add3A_3700 : i32
        %get3A_3702 = arith.index_cast %add3A_3701 : i32 to index
        %get3A_3703 = arith.constant 0 : index
        %get3A_3704 = tpu.vector_load %arg19[%get3A_3702, %get3A_3703] {strides = array<i32>} : memref<1664x16xf32, #tpu.memory_space<vmem>>, vector<16xf32>,
        %add3A_3705 = arith.addf %add3A_3697, %get3A_3704 : vector<16xf32>
        %mul3A_3706 = arith.mulf %get3A_3704, %get3A_3704 : vector<16xf32>
        %add3A_3707 = arith.addf %add3A_3699, %mul3A_3706 : vector<16xf32>
        %add3A_3708 = arith.constant 8 : i32
        %add3A_3709 = arith.addi %mul3A_3647, %add3A_3708 : i32
        %get3A_3710 = arith.index_cast %add3A_3709 : i32 to index
        %get3A_3711 = arith.constant 0 : index
        %get3A_3712 = tpu.vector_load %arg19[%get3A_3710, %get3A_3711] {strides = array<i32>} : memref<1664x16xf32, #tpu.memory_space<vmem>>, vector<16xf32>,
        %add3A_3713 = arith.addf %add3A_3705, %get3A_3712 : vector<16xf32>
        %mul3A_3714 = arith.mulf %get3A_3712, %get3A_3712 : vector<16xf32>
        %add3A_3715 = arith.addf %add3A_3707, %mul3A_3714 : vector<16xf32>
        %add3A_3716 = arith.constant 9 : i32
        %add3A_3717 = arith.addi %mul3A_3647, %add3A_3716 : i32
        %get3A_3718 = arith.index_cast %add3A_3717 : i32 to index
        %get3A_3719 = arith.constant 0 : index
        %get3A_3720 = tpu.vector_load %arg19[%get3A_3718, %get3A_3719] {strides = array<i32>} : memref<1664x16xf32, #tpu.memory_space<vmem>>, vector<16xf32>,
        %add3A_3721 = arith.addf %add3A_3713, %get3A_3720 : vector<16xf32>
        %mul3A_3722 = arith.mulf %get3A_3720, %get3A_3720 : vector<16xf32>
        %add3A_3723 = arith.addf %add3A_3715, %mul3A_3722 : vector<16xf32>
        %add3A_3724 = arith.constant 10 : i32
        %add3A_3725 = arith.addi %mul3A_3647, %add3A_3724 : i32
        %get3A_3726 = arith.index_cast %add3A_3725 : i32 to index
        %get3A_3727 = arith.constant 0 : index
        %get3A_3728 = tpu.vector_load %arg19[%get3A_3726, %get3A_3727] {strides = array<i32>} : memref<1664x16xf32, #tpu.memory_space<vmem>>, vector<16xf32>,
        %add3A_3729 = arith.addf %add3A_3721, %get3A_3728 : vector<16xf32>
        %mul3A_3730 = arith.mulf %get3A_3728, %get3A_3728 : vector<16xf32>
        %add3A_3731 = arith.addf %add3A_3723, %mul3A_3730 : vector<16xf32>
        %add3A_3732 = arith.constant 11 : i32
        %add3A_3733 = arith.addi %mul3A_3647, %add3A_3732 : i32
        %get3A_3734 = arith.index_cast %add3A_3733 : i32 to index
        %get3A_3735 = arith.constant 0 : index
        %get3A_3736 = tpu.vector_load %arg19[%get3A_3734, %get3A_3735] {strides = array<i32>} : memref<1664x16xf32, #tpu.memory_space<vmem>>, vector<16xf32>,
        %add3A_3737 = arith.addf %add3A_3729, %get3A_3736 : vector<16xf32>
        %mul3A_3738 = arith.mulf %get3A_3736, %get3A_3736 : vector<16xf32>
        %add3A_3739 = arith.addf %add3A_3731, %mul3A_3738 : vector<16xf32>
        %add3A_3740 = arith.constant 12 : i32
        %add3A_3741 = arith.addi %mul3A_3647, %add3A_3740 : i32
        %get3A_3742 = arith.index_cast %add3A_3741 : i32 to index
        %get3A_3743 = arith.constant 0 : index
        %get3A_3744 = tpu.vector_load %arg19[%get3A_3742, %get3A_3743] {strides = array<i32>} : memref<1664x16xf32, #tpu.memory_space<vmem>>, vector<16xf32>,
        %add3A_3745 = arith.addf %add3A_3737, %get3A_3744 : vector<16xf32>
        %mul3A_3746 = arith.mulf %get3A_3744, %get3A_3744 : vector<16xf32>
        %add3A_3747 = arith.addf %add3A_3739, %mul3A_3746 : vector<16xf32>
        %add3A_3748 = arith.constant 13 : i32
        %add3A_3749 = arith.addi %mul3A_3647, %add3A_3748 : i32
        %get3A_3750 = arith.index_cast %add3A_3749 : i32 to index
        %get3A_3751 = arith.constant 0 : index
        %get3A_3752 = tpu.vector_load %arg19[%get3A_3750, %get3A_3751] {strides = array<i32>} : memref<1664x16xf32, #tpu.memory_space<vmem>>, vector<16xf32>,
        %add3A_3753 = arith.addf %add3A_3745, %get3A_3752 : vector<16xf32>
        %mul3A_3754 = arith.mulf %get3A_3752, %get3A_3752 : vector<16xf32>
        %add3A_3755 = arith.addf %add3A_3747, %mul3A_3754 : vector<16xf32>
        %add3A_3756 = arith.constant 14 : i32
        %add3A_3757 = arith.addi %mul3A_3647, %add3A_3756 : i32
        %get3A_3758 = arith.index_cast %add3A_3757 : i32 to index
        %get3A_3759 = arith.constant 0 : index
        %get3A_3760 = tpu.vector_load %arg19[%get3A_3758, %get3A_3759] {strides = array<i32>} : memref<1664x16xf32, #tpu.memory_space<vmem>>, vector<16xf32>,
        %add3A_3761 = arith.addf %add3A_3753, %get3A_3760 : vector<16xf32>
        %mul3A_3762 = arith.mulf %get3A_3760, %get3A_3760 : vector<16xf32>
        %add3A_3763 = arith.addf %add3A_3755, %mul3A_3762 : vector<16xf32>
        %add3A_3764 = arith.constant 15 : i32
        %add3A_3765 = arith.addi %mul3A_3647, %add3A_3764 : i32
        %get3A_3766 = arith.index_cast %add3A_3765 : i32 to index
        %get3A_3767 = arith.constant 0 : index
        %get3A_3768 = tpu.vector_load %arg19[%get3A_3766, %get3A_3767] {strides = array<i32>} : memref<1664x16xf32, #tpu.memory_space<vmem>>, vector<16xf32>,
        %add3A_3769 = arith.addf %add3A_3761, %get3A_3768 : vector<16xf32>
        %mul3A_3770 = arith.mulf %get3A_3768, %get3A_3768 : vector<16xf32>
        %add3A_3771 = arith.addf %add3A_3763, %mul3A_3770 : vector<16xf32>
        %add3A_3772 = arith.constant 16 : i32
        %add3A_3773 = arith.addi %mul3A_3647, %add3A_3772 : i32
        %get3A_3774 = arith.index_cast %add3A_3773 : i32 to index
        %get3A_3775 = arith.constant 0 : index
        %get3A_3776 = tpu.vector_load %arg19[%get3A_3774, %get3A_3775] {strides = array<i32>} : memref<1664x16xf32, #tpu.memory_space<vmem>>, vector<16xf32>,
        %add3A_3777 = arith.addf %add3A_3769, %get3A_3776 : vector<16xf32>
        %mul3A_3778 = arith.mulf %get3A_3776, %get3A_3776 : vector<16xf32>
        %add3A_3779 = arith.addf %add3A_3771, %mul3A_3778 : vector<16xf32>
        %add3A_3780 = arith.constant 17 : i32
        %add3A_3781 = arith.addi %mul3A_3647, %add3A_3780 : i32
        %get3A_3782 = arith.index_cast %add3A_3781 : i32 to index
        %get3A_3783 = arith.constant 0 : index
        %get3A_3784 = tpu.vector_load %arg19[%get3A_3782, %get3A_3783] {strides = array<i32>} : memref<1664x16xf32, #tpu.memory_space<vmem>>, vector<16xf32>,
        %add3A_3785 = arith.addf %add3A_3777, %get3A_3784 : vector<16xf32>
        %mul3A_3786 = arith.mulf %get3A_3784, %get3A_3784 : vector<16xf32>
        %add3A_3787 = arith.addf %add3A_3779, %mul3A_3786 : vector<16xf32>
        %add3A_3788 = arith.constant 18 : i32
        %add3A_3789 = arith.addi %mul3A_3647, %add3A_3788 : i32
        %get3A_3790 = arith.index_cast %add3A_3789 : i32 to index
        %get3A_3791 = arith.constant 0 : index
        %get3A_3792 = tpu.vector_load %arg19[%get3A_3790, %get3A_3791] {strides = array<i32>} : memref<1664x16xf32, #tpu.memory_space<vmem>>, vector<16xf32>,
        %add3A_3793 = arith.addf %add3A_3785, %get3A_3792 : vector<16xf32>
        %mul3A_3794 = arith.mulf %get3A_3792, %get3A_3792 : vector<16xf32>
        %add3A_3795 = arith.addf %add3A_3787, %mul3A_3794 : vector<16xf32>
        %add3A_3796 = arith.constant 19 : i32
        %add3A_3797 = arith.addi %mul3A_3647, %add3A_3796 : i32
        %get3A_3798 = arith.index_cast %add3A_3797 : i32 to index
        %get3A_3799 = arith.constant 0 : index
        %get3A_3800 = tpu.vector_load %arg19[%get3A_3798, %get3A_3799] {strides = array<i32>} : memref<1664x16xf32, #tpu.memory_space<vmem>>, vector<16xf32>,
        %add3A_3801 = arith.addf %add3A_3793, %get3A_3800 : vector<16xf32>
        %mul3A_3802 = arith.mulf %get3A_3800, %get3A_3800 : vector<16xf32>
        %add3A_3803 = arith.addf %add3A_3795, %mul3A_3802 : vector<16xf32>
        %add3A_3804 = arith.constant 20 : i32
        %add3A_3805 = arith.addi %mul3A_3647, %add3A_3804 : i32
        %get3A_3806 = arith.index_cast %add3A_3805 : i32 to index
        %get3A_3807 = arith.constant 0 : index
        %get3A_3808 = tpu.vector_load %arg19[%get3A_3806, %get3A_3807] {strides = array<i32>} : memref<1664x16xf32, #tpu.memory_space<vmem>>, vector<16xf32>,
        %add3A_3809 = arith.addf %add3A_3801, %get3A_3808 : vector<16xf32>
        %mul3A_3810 = arith.mulf %get3A_3808, %get3A_3808 : vector<16xf32>
        %add3A_3811 = arith.addf %add3A_3803, %mul3A_3810 : vector<16xf32>
        %add3A_3812 = arith.constant 21 : i32
        %add3A_3813 = arith.addi %mul3A_3647, %add3A_3812 : i32
        %get3A_3814 = arith.index_cast %add3A_3813 : i32 to index
        %get3A_3815 = arith.constant 0 : index
        %get3A_3816 = tpu.vector_load %arg19[%get3A_3814, %get3A_3815] {strides = array<i32>} : memref<1664x16xf32, #tpu.memory_space<vmem>>, vector<16xf32>,
        %add3A_3817 = arith.addf %add3A_3809, %get3A_3816 : vector<16xf32>
        %mul3A_3818 = arith.mulf %get3A_3816, %get3A_3816 : vector<16xf32>
        %add3A_3819 = arith.addf %add3A_3811, %mul3A_3818 : vector<16xf32>
        %add3A_3820 = arith.constant 22 : i32
        %add3A_3821 = arith.addi %mul3A_3647, %add3A_3820 : i32
        %get3A_3822 = arith.index_cast %add3A_3821 : i32 to index
        %get3A_3823 = arith.constant 0 : index
        %get3A_3824 = tpu.vector_load %arg19[%get3A_3822, %get3A_3823] {strides = array<i32>} : memref<1664x16xf32, #tpu.memory_space<vmem>>, vector<16xf32>,
        %add3A_3825 = arith.addf %add3A_3817, %get3A_3824 : vector<16xf32>
        %mul3A_3826 = arith.mulf %get3A_3824, %get3A_3824 : vector<16xf32>
        %add3A_3827 = arith.addf %add3A_3819, %mul3A_3826 : vector<16xf32>
        %add3A_3828 = arith.constant 23 : i32
        %add3A_3829 = arith.addi %mul3A_3647, %add3A_3828 : i32
        %get3A_3830 = arith.index_cast %add3A_3829 : i32 to index
        %get3A_3831 = arith.constant 0 : index
        %get3A_3832 = tpu.vector_load %arg19[%get3A_3830, %get3A_3831] {strides = array<i32>} : memref<1664x16xf32, #tpu.memory_space<vmem>>, vector<16xf32>,
        %add3A_3833 = arith.addf %add3A_3825, %get3A_3832 : vector<16xf32>
        %mul3A_3834 = arith.mulf %get3A_3832, %get3A_3832 : vector<16xf32>
        %add3A_3835 = arith.addf %add3A_3827, %mul3A_3834 : vector<16xf32>
        %add3A_3836 = arith.constant 24 : i32
        %add3A_3837 = arith.addi %mul3A_3647, %add3A_3836 : i32
        %get3A_3838 = arith.index_cast %add3A_3837 : i32 to index
        %get3A_3839 = arith.constant 0 : index
        %get3A_3840 = tpu.vector_load %arg19[%get3A_3838, %get3A_3839] {strides = array<i32>} : memref<1664x16xf32, #tpu.memory_space<vmem>>, vector<16xf32>,
        %add3A_3841 = arith.addf %add3A_3833, %get3A_3840 : vector<16xf32>
        %mul3A_3842 = arith.mulf %get3A_3840, %get3A_3840 : vector<16xf32>
        %add3A_3843 = arith.addf %add3A_3835, %mul3A_3842 : vector<16xf32>
        %add3A_3844 = arith.constant 25 : i32
        %add3A_3845 = arith.addi %mul3A_3647, %add3A_3844 : i32
        %get3A_3846 = arith.index_cast %add3A_3845 : i32 to index
        %get3A_3847 = arith.constant 0 : index
        %get3A_3848 = tpu.vector_load %arg19[%get3A_3846, %get3A_3847] {strides = array<i32>} : memref<1664x16xf32, #tpu.memory_space<vmem>>, vector<16xf32>,
        %add3A_3849 = arith.addf %add3A_3841, %get3A_3848 : vector<16xf32>
        %mul3A_3850 = arith.mulf %get3A_3848, %get3A_3848 : vector<16xf32>
        %add3A_3851 = arith.addf %add3A_3843, %mul3A_3850 : vector<16xf32>
        %mul3A_3852 = arith.mulf %add3A_3849, %add3A_3849 : vector<16xf32>
        %sub3A_3853 = arith.subf %mul3A_3852, %add3A_3851 : vector<16xf32>
        %mul3A_3854 = arith.constant 5.000000e-01 : f32
        %mul3A_3855 = vector.broadcast %mul3A_3854 : f32 to vector<16xf32>
        %mul3A_3856 = arith.mulf %mul3A_3855, %sub3A_3853 : vector<16xf32>
        %slice3A_3857 = vector.extract_strided_slice %get3A_169 {offsets = [13], sizes = [1], strides = [1]} : vector<16xi32> to vector<1xi32>
        %squeeze3A_3858 = vector.extract %slice3A_3857[0] : i32 from vector<1xi32>
        %slice3A_3859 = vector.extract_strided_slice %get3A_173 {offsets = [13], sizes = [1], strides = [1]} : vector<16xi32> to vector<1xi32>
        %squeeze3A_3860 = vector.extract %slice3A_3859[0] : i32 from vector<1xi32>
        %get3A_3861 = arith.index_cast %add3A_3645 : i32 to index
        %get3A_3862 = arith.index_cast %squeeze3A_3858 : i32 to index
        %get3A_3863 = tpu.vector_load %arg21[%get3A_3861, %get3A_3862] {strides = array<i32>} : memref<64x128xf32, #tpu.memory_space<vmem>>, vector<16xf32>,
        %mul3A_3864 = arith.constant 32 : i32
        %mul3A_3865 = arith.muli %add3A_3645, %mul3A_3864 : i32
        %get3A_3866 = arith.index_cast %mul3A_3865 : i32 to index
        %get3A_3867 = tpu.vector_load %arg23[%get3A_3866] {strides = array<i32>} : memref<2048xf32, #tpu.memory_space<vmem>>, vector<16xf32>,
        %mul3A_3868 = arith.mulf %get3A_3863, %get3A_3867 : vector<16xf32>
        %add3A_3869 = arith.addf %mul3A_3856, %mul3A_3868 : vector<16xf32>
        %add3A_3870 = arith.constant 16 : i32
        %add3A_3871 = arith.addi %squeeze3A_3858, %add3A_3870 : i32
        %get3A_3872 = arith.index_cast %add3A_3645 : i32 to index
        %get3A_3873 = arith.index_cast %add3A_3871 : i32 to index
        %get3A_3874 = tpu.vector_load %arg21[%get3A_3872, %get3A_3873] {strides = array<i32>} : memref<64x128xf32, #tpu.memory_space<vmem>>, vector<16xf32>,
        %mul3A_3875 = arith.constant 32 : i32
        %mul3A_3876 = arith.muli %add3A_3645, %mul3A_3875 : i32
        %add3A_3877 = arith.constant 16 : i32
        %add3A_3878 = arith.addi %mul3A_3876, %add3A_3877 : i32
        %get3A_3879 = arith.index_cast %add3A_3878 : i32 to index
        %get3A_3880 = tpu.vector_load %arg23[%get3A_3879] {strides = array<i32>} : memref<2048xf32, #tpu.memory_space<vmem>>, vector<16xf32>,
        %mul3A_3881 = arith.mulf %get3A_3874, %get3A_3880 : vector<16xf32>
        %add3A_3882 = arith.addf %add3A_3869, %mul3A_3881 : vector<16xf32>
        %get3A_3883 = arith.index_cast %add3A_3645 : i32 to index
        %get3A_3884 = arith.index_cast %squeeze3A_3860 : i32 to index
        %get3A_3885 = tpu.vector_load %arg22[%get3A_3883, %get3A_3884] {strides = array<i32>} : memref<64x128xf32, #tpu.memory_space<vmem>>, vector<16xf32>,
        %mul3A_3886 = arith.constant 32 : i32
        %mul3A_3887 = arith.muli %add3A_3645, %mul3A_3886 : i32
        %get3A_3888 = arith.index_cast %mul3A_3887 : i32 to index
        %get3A_3889 = tpu.vector_load %arg24[%get3A_3888] {strides = array<i32>} : memref<2048xf32, #tpu.memory_space<vmem>>, vector<16xf32>,
        %mul3A_3890 = arith.mulf %get3A_3885, %get3A_3889 : vector<16xf32>
        %add3A_3891 = arith.addf %add3A_3882, %mul3A_3890 : vector<16xf32>
        %add3A_3892 = arith.constant 16 : i32
        %add3A_3893 = arith.addi %squeeze3A_3860, %add3A_3892 : i32
        %get3A_3894 = arith.index_cast %add3A_3645 : i32 to index
        %get3A_3895 = arith.index_cast %add3A_3893 : i32 to index
        %get3A_3896 = tpu.vector_load %arg22[%get3A_3894, %get3A_3895] {strides = array<i32>} : memref<64x128xf32, #tpu.memory_space<vmem>>, vector<16xf32>,
        %mul3A_3897 = arith.constant 32 : i32
        %mul3A_3898 = arith.muli %add3A_3645, %mul3A_3897 : i32
        %add3A_3899 = arith.constant 16 : i32
        %add3A_3900 = arith.addi %mul3A_3898, %add3A_3899 : i32
        %get3A_3901 = arith.index_cast %add3A_3900 : i32 to index
        %get3A_3902 = tpu.vector_load %arg24[%get3A_3901] {strides = array<i32>} : memref<2048xf32, #tpu.memory_space<vmem>>, vector<16xf32>,
        %mul3A_3903 = arith.mulf %get3A_3896, %get3A_3902 : vector<16xf32>
        %add3A_3904 = arith.addf %add3A_3891, %mul3A_3903 : vector<16xf32>
        %swap3A_3905 = arith.constant 13 : i32
        %swap3A_3906 = arith.index_cast %swap3A_3905 : i32 to index
        %swap3A_3907 = arith.constant 0 : index
        %swap3A_3908 = tpu.vector_load %arg26[%swap3A_3906, %swap3A_3907] {strides = array<i32>} : memref<16x16xf32, #tpu.memory_space<vmem>>, vector<16xf32>,
        tpu.vector_store %arg26[%swap3A_3906, %swap3A_3907], %add3A_3904 {strides = array<i32>} : memref<16x16xf32, #tpu.memory_space<vmem>>, vector<16xf32>,
        %mul3A_3909 = arith.constant 16 : i32
        %mul3A_3910 = arith.muli %scan3A_164, %mul3A_3909 : i32
        %add3A_3911 = arith.constant 14 : i32
        %add3A_3912 = arith.addi %mul3A_3910, %add3A_3911 : i32
        %mul3A_3913 = arith.constant 26 : i32
        %mul3A_3914 = arith.muli %add3A_3912, %mul3A_3913 : i32
        %get3A_3915 = arith.index_cast %mul3A_3914 : i32 to index
        %get3A_3916 = arith.constant 0 : index
        %get3A_3917 = tpu.vector_load %arg19[%get3A_3915, %get3A_3916] {strides = array<i32>} : memref<1664x16xf32, #tpu.memory_space<vmem>>, vector<16xf32>,
        %mul3A_3918 = arith.mulf %get3A_3917, %get3A_3917 : vector<16xf32>
        %add3A_3919 = arith.constant 1 : i32
        %add3A_3920 = arith.addi %mul3A_3914, %add3A_3919 : i32
        %get3A_3921 = arith.index_cast %add3A_3920 : i32 to index
        %get3A_3922 = arith.constant 0 : index
        %get3A_3923 = tpu.vector_load %arg19[%get3A_3921, %get3A_3922] {strides = array<i32>} : memref<1664x16xf32, #tpu.memory_space<vmem>>, vector<16xf32>,
        %add3A_3924 = arith.addf %get3A_3917, %get3A_3923 : vector<16xf32>
        %mul3A_3925 = arith.mulf %get3A_3923, %get3A_3923 : vector<16xf32>
        %add3A_3926 = arith.addf %mul3A_3918, %mul3A_3925 : vector<16xf32>
        %add3A_3927 = arith.constant 2 : i32
        %add3A_3928 = arith.addi %mul3A_3914, %add3A_3927 : i32
        %get3A_3929 = arith.index_cast %add3A_3928 : i32 to index
        %get3A_3930 = arith.constant 0 : index
        %get3A_3931 = tpu.vector_load %arg19[%get3A_3929, %get3A_3930] {strides = array<i32>} : memref<1664x16xf32, #tpu.memory_space<vmem>>, vector<16xf32>,
        %add3A_3932 = arith.addf %add3A_3924, %get3A_3931 : vector<16xf32>
        %mul3A_3933 = arith.mulf %get3A_3931, %get3A_3931 : vector<16xf32>
        %add3A_3934 = arith.addf %add3A_3926, %mul3A_3933 : vector<16xf32>
        %add3A_3935 = arith.constant 3 : i32
        %add3A_3936 = arith.addi %mul3A_3914, %add3A_3935 : i32
        %get3A_3937 = arith.index_cast %add3A_3936 : i32 to index
        %get3A_3938 = arith.constant 0 : index
        %get3A_3939 = tpu.vector_load %arg19[%get3A_3937, %get3A_3938] {strides = array<i32>} : memref<1664x16xf32, #tpu.memory_space<vmem>>, vector<16xf32>,
        %add3A_3940 = arith.addf %add3A_3932, %get3A_3939 : vector<16xf32>
        %mul3A_3941 = arith.mulf %get3A_3939, %get3A_3939 : vector<16xf32>
        %add3A_3942 = arith.addf %add3A_3934, %mul3A_3941 : vector<16xf32>
        %add3A_3943 = arith.constant 4 : i32
        %add3A_3944 = arith.addi %mul3A_3914, %add3A_3943 : i32
        %get3A_3945 = arith.index_cast %add3A_3944 : i32 to index
        %get3A_3946 = arith.constant 0 : index
        %get3A_3947 = tpu.vector_load %arg19[%get3A_3945, %get3A_3946] {strides = array<i32>} : memref<1664x16xf32, #tpu.memory_space<vmem>>, vector<16xf32>,
        %add3A_3948 = arith.addf %add3A_3940, %get3A_3947 : vector<16xf32>
        %mul3A_3949 = arith.mulf %get3A_3947, %get3A_3947 : vector<16xf32>
        %add3A_3950 = arith.addf %add3A_3942, %mul3A_3949 : vector<16xf32>
        %add3A_3951 = arith.constant 5 : i32
        %add3A_3952 = arith.addi %mul3A_3914, %add3A_3951 : i32
        %get3A_3953 = arith.index_cast %add3A_3952 : i32 to index
        %get3A_3954 = arith.constant 0 : index
        %get3A_3955 = tpu.vector_load %arg19[%get3A_3953, %get3A_3954] {strides = array<i32>} : memref<1664x16xf32, #tpu.memory_space<vmem>>, vector<16xf32>,
        %add3A_3956 = arith.addf %add3A_3948, %get3A_3955 : vector<16xf32>
        %mul3A_3957 = arith.mulf %get3A_3955, %get3A_3955 : vector<16xf32>
        %add3A_3958 = arith.addf %add3A_3950, %mul3A_3957 : vector<16xf32>
        %add3A_3959 = arith.constant 6 : i32
        %add3A_3960 = arith.addi %mul3A_3914, %add3A_3959 : i32
        %get3A_3961 = arith.index_cast %add3A_3960 : i32 to index
        %get3A_3962 = arith.constant 0 : index
        %get3A_3963 = tpu.vector_load %arg19[%get3A_3961, %get3A_3962] {strides = array<i32>} : memref<1664x16xf32, #tpu.memory_space<vmem>>, vector<16xf32>,
        %add3A_3964 = arith.addf %add3A_3956, %get3A_3963 : vector<16xf32>
        %mul3A_3965 = arith.mulf %get3A_3963, %get3A_3963 : vector<16xf32>
        %add3A_3966 = arith.addf %add3A_3958, %mul3A_3965 : vector<16xf32>
        %add3A_3967 = arith.constant 7 : i32
        %add3A_3968 = arith.addi %mul3A_3914, %add3A_3967 : i32
        %get3A_3969 = arith.index_cast %add3A_3968 : i32 to index
        %get3A_3970 = arith.constant 0 : index
        %get3A_3971 = tpu.vector_load %arg19[%get3A_3969, %get3A_3970] {strides = array<i32>} : memref<1664x16xf32, #tpu.memory_space<vmem>>, vector<16xf32>,
        %add3A_3972 = arith.addf %add3A_3964, %get3A_3971 : vector<16xf32>
        %mul3A_3973 = arith.mulf %get3A_3971, %get3A_3971 : vector<16xf32>
        %add3A_3974 = arith.addf %add3A_3966, %mul3A_3973 : vector<16xf32>
        %add3A_3975 = arith.constant 8 : i32
        %add3A_3976 = arith.addi %mul3A_3914, %add3A_3975 : i32
        %get3A_3977 = arith.index_cast %add3A_3976 : i32 to index
        %get3A_3978 = arith.constant 0 : index
        %get3A_3979 = tpu.vector_load %arg19[%get3A_3977, %get3A_3978] {strides = array<i32>} : memref<1664x16xf32, #tpu.memory_space<vmem>>, vector<16xf32>,
        %add3A_3980 = arith.addf %add3A_3972, %get3A_3979 : vector<16xf32>
        %mul3A_3981 = arith.mulf %get3A_3979, %get3A_3979 : vector<16xf32>
        %add3A_3982 = arith.addf %add3A_3974, %mul3A_3981 : vector<16xf32>
        %add3A_3983 = arith.constant 9 : i32
        %add3A_3984 = arith.addi %mul3A_3914, %add3A_3983 : i32
        %get3A_3985 = arith.index_cast %add3A_3984 : i32 to index
        %get3A_3986 = arith.constant 0 : index
        %get3A_3987 = tpu.vector_load %arg19[%get3A_3985, %get3A_3986] {strides = array<i32>} : memref<1664x16xf32, #tpu.memory_space<vmem>>, vector<16xf32>,
        %add3A_3988 = arith.addf %add3A_3980, %get3A_3987 : vector<16xf32>
        %mul3A_3989 = arith.mulf %get3A_3987, %get3A_3987 : vector<16xf32>
        %add3A_3990 = arith.addf %add3A_3982, %mul3A_3989 : vector<16xf32>
        %add3A_3991 = arith.constant 10 : i32
        %add3A_3992 = arith.addi %mul3A_3914, %add3A_3991 : i32
        %get3A_3993 = arith.index_cast %add3A_3992 : i32 to index
        %get3A_3994 = arith.constant 0 : index
        %get3A_3995 = tpu.vector_load %arg19[%get3A_3993, %get3A_3994] {strides = array<i32>} : memref<1664x16xf32, #tpu.memory_space<vmem>>, vector<16xf32>,
        %add3A_3996 = arith.addf %add3A_3988, %get3A_3995 : vector<16xf32>
        %mul3A_3997 = arith.mulf %get3A_3995, %get3A_3995 : vector<16xf32>
        %add3A_3998 = arith.addf %add3A_3990, %mul3A_3997 : vector<16xf32>
        %add3A_3999 = arith.constant 11 : i32
        %add3A_4000 = arith.addi %mul3A_3914, %add3A_3999 : i32
        %get3A_4001 = arith.index_cast %add3A_4000 : i32 to index
        %get3A_4002 = arith.constant 0 : index
        %get3A_4003 = tpu.vector_load %arg19[%get3A_4001, %get3A_4002] {strides = array<i32>} : memref<1664x16xf32, #tpu.memory_space<vmem>>, vector<16xf32>,
        %add3A_4004 = arith.addf %add3A_3996, %get3A_4003 : vector<16xf32>
        %mul3A_4005 = arith.mulf %get3A_4003, %get3A_4003 : vector<16xf32>
        %add3A_4006 = arith.addf %add3A_3998, %mul3A_4005 : vector<16xf32>
        %add3A_4007 = arith.constant 12 : i32
        %add3A_4008 = arith.addi %mul3A_3914, %add3A_4007 : i32
        %get3A_4009 = arith.index_cast %add3A_4008 : i32 to index
        %get3A_4010 = arith.constant 0 : index
        %get3A_4011 = tpu.vector_load %arg19[%get3A_4009, %get3A_4010] {strides = array<i32>} : memref<1664x16xf32, #tpu.memory_space<vmem>>, vector<16xf32>,
        %add3A_4012 = arith.addf %add3A_4004, %get3A_4011 : vector<16xf32>
        %mul3A_4013 = arith.mulf %get3A_4011, %get3A_4011 : vector<16xf32>
        %add3A_4014 = arith.addf %add3A_4006, %mul3A_4013 : vector<16xf32>
        %add3A_4015 = arith.constant 13 : i32
        %add3A_4016 = arith.addi %mul3A_3914, %add3A_4015 : i32
        %get3A_4017 = arith.index_cast %add3A_4016 : i32 to index
        %get3A_4018 = arith.constant 0 : index
        %get3A_4019 = tpu.vector_load %arg19[%get3A_4017, %get3A_4018] {strides = array<i32>} : memref<1664x16xf32, #tpu.memory_space<vmem>>, vector<16xf32>,
        %add3A_4020 = arith.addf %add3A_4012, %get3A_4019 : vector<16xf32>
        %mul3A_4021 = arith.mulf %get3A_4019, %get3A_4019 : vector<16xf32>
        %add3A_4022 = arith.addf %add3A_4014, %mul3A_4021 : vector<16xf32>
        %add3A_4023 = arith.constant 14 : i32
        %add3A_4024 = arith.addi %mul3A_3914, %add3A_4023 : i32
        %get3A_4025 = arith.index_cast %add3A_4024 : i32 to index
        %get3A_4026 = arith.constant 0 : index
        %get3A_4027 = tpu.vector_load %arg19[%get3A_4025, %get3A_4026] {strides = array<i32>} : memref<1664x16xf32, #tpu.memory_space<vmem>>, vector<16xf32>,
        %add3A_4028 = arith.addf %add3A_4020, %get3A_4027 : vector<16xf32>
        %mul3A_4029 = arith.mulf %get3A_4027, %get3A_4027 : vector<16xf32>
        %add3A_4030 = arith.addf %add3A_4022, %mul3A_4029 : vector<16xf32>
        %add3A_4031 = arith.constant 15 : i32
        %add3A_4032 = arith.addi %mul3A_3914, %add3A_4031 : i32
        %get3A_4033 = arith.index_cast %add3A_4032 : i32 to index
        %get3A_4034 = arith.constant 0 : index
        %get3A_4035 = tpu.vector_load %arg19[%get3A_4033, %get3A_4034] {strides = array<i32>} : memref<1664x16xf32, #tpu.memory_space<vmem>>, vector<16xf32>,
        %add3A_4036 = arith.addf %add3A_4028, %get3A_4035 : vector<16xf32>
        %mul3A_4037 = arith.mulf %get3A_4035, %get3A_4035 : vector<16xf32>
        %add3A_4038 = arith.addf %add3A_4030, %mul3A_4037 : vector<16xf32>
        %add3A_4039 = arith.constant 16 : i32
        %add3A_4040 = arith.addi %mul3A_3914, %add3A_4039 : i32
        %get3A_4041 = arith.index_cast %add3A_4040 : i32 to index
        %get3A_4042 = arith.constant 0 : index
        %get3A_4043 = tpu.vector_load %arg19[%get3A_4041, %get3A_4042] {strides = array<i32>} : memref<1664x16xf32, #tpu.memory_space<vmem>>, vector<16xf32>,
        %add3A_4044 = arith.addf %add3A_4036, %get3A_4043 : vector<16xf32>
        %mul3A_4045 = arith.mulf %get3A_4043, %get3A_4043 : vector<16xf32>
        %add3A_4046 = arith.addf %add3A_4038, %mul3A_4045 : vector<16xf32>
        %add3A_4047 = arith.constant 17 : i32
        %add3A_4048 = arith.addi %mul3A_3914, %add3A_4047 : i32
        %get3A_4049 = arith.index_cast %add3A_4048 : i32 to index
        %get3A_4050 = arith.constant 0 : index
        %get3A_4051 = tpu.vector_load %arg19[%get3A_4049, %get3A_4050] {strides = array<i32>} : memref<1664x16xf32, #tpu.memory_space<vmem>>, vector<16xf32>,
        %add3A_4052 = arith.addf %add3A_4044, %get3A_4051 : vector<16xf32>
        %mul3A_4053 = arith.mulf %get3A_4051, %get3A_4051 : vector<16xf32>
        %add3A_4054 = arith.addf %add3A_4046, %mul3A_4053 : vector<16xf32>
        %add3A_4055 = arith.constant 18 : i32
        %add3A_4056 = arith.addi %mul3A_3914, %add3A_4055 : i32
        %get3A_4057 = arith.index_cast %add3A_4056 : i32 to index
        %get3A_4058 = arith.constant 0 : index
        %get3A_4059 = tpu.vector_load %arg19[%get3A_4057, %get3A_4058] {strides = array<i32>} : memref<1664x16xf32, #tpu.memory_space<vmem>>, vector<16xf32>,
        %add3A_4060 = arith.addf %add3A_4052, %get3A_4059 : vector<16xf32>
        %mul3A_4061 = arith.mulf %get3A_4059, %get3A_4059 : vector<16xf32>
        %add3A_4062 = arith.addf %add3A_4054, %mul3A_4061 : vector<16xf32>
        %add3A_4063 = arith.constant 19 : i32
        %add3A_4064 = arith.addi %mul3A_3914, %add3A_4063 : i32
        %get3A_4065 = arith.index_cast %add3A_4064 : i32 to index
        %get3A_4066 = arith.constant 0 : index
        %get3A_4067 = tpu.vector_load %arg19[%get3A_4065, %get3A_4066] {strides = array<i32>} : memref<1664x16xf32, #tpu.memory_space<vmem>>, vector<16xf32>,
        %add3A_4068 = arith.addf %add3A_4060, %get3A_4067 : vector<16xf32>
        %mul3A_4069 = arith.mulf %get3A_4067, %get3A_4067 : vector<16xf32>
        %add3A_4070 = arith.addf %add3A_4062, %mul3A_4069 : vector<16xf32>
        %add3A_4071 = arith.constant 20 : i32
        %add3A_4072 = arith.addi %mul3A_3914, %add3A_4071 : i32
        %get3A_4073 = arith.index_cast %add3A_4072 : i32 to index
        %get3A_4074 = arith.constant 0 : index
        %get3A_4075 = tpu.vector_load %arg19[%get3A_4073, %get3A_4074] {strides = array<i32>} : memref<1664x16xf32, #tpu.memory_space<vmem>>, vector<16xf32>,
        %add3A_4076 = arith.addf %add3A_4068, %get3A_4075 : vector<16xf32>
        %mul3A_4077 = arith.mulf %get3A_4075, %get3A_4075 : vector<16xf32>
        %add3A_4078 = arith.addf %add3A_4070, %mul3A_4077 : vector<16xf32>
        %add3A_4079 = arith.constant 21 : i32
        %add3A_4080 = arith.addi %mul3A_3914, %add3A_4079 : i32
        %get3A_4081 = arith.index_cast %add3A_4080 : i32 to index
        %get3A_4082 = arith.constant 0 : index
        %get3A_4083 = tpu.vector_load %arg19[%get3A_4081, %get3A_4082] {strides = array<i32>} : memref<1664x16xf32, #tpu.memory_space<vmem>>, vector<16xf32>,
        %add3A_4084 = arith.addf %add3A_4076, %get3A_4083 : vector<16xf32>
        %mul3A_4085 = arith.mulf %get3A_4083, %get3A_4083 : vector<16xf32>
        %add3A_4086 = arith.addf %add3A_4078, %mul3A_4085 : vector<16xf32>
        %add3A_4087 = arith.constant 22 : i32
        %add3A_4088 = arith.addi %mul3A_3914, %add3A_4087 : i32
        %get3A_4089 = arith.index_cast %add3A_4088 : i32 to index
        %get3A_4090 = arith.constant 0 : index
        %get3A_4091 = tpu.vector_load %arg19[%get3A_4089, %get3A_4090] {strides = array<i32>} : memref<1664x16xf32, #tpu.memory_space<vmem>>, vector<16xf32>,
        %add3A_4092 = arith.addf %add3A_4084, %get3A_4091 : vector<16xf32>
        %mul3A_4093 = arith.mulf %get3A_4091, %get3A_4091 : vector<16xf32>
        %add3A_4094 = arith.addf %add3A_4086, %mul3A_4093 : vector<16xf32>
        %add3A_4095 = arith.constant 23 : i32
        %add3A_4096 = arith.addi %mul3A_3914, %add3A_4095 : i32
        %get3A_4097 = arith.index_cast %add3A_4096 : i32 to index
        %get3A_4098 = arith.constant 0 : index
        %get3A_4099 = tpu.vector_load %arg19[%get3A_4097, %get3A_4098] {strides = array<i32>} : memref<1664x16xf32, #tpu.memory_space<vmem>>, vector<16xf32>,
        %add3A_4100 = arith.addf %add3A_4092, %get3A_4099 : vector<16xf32>
        %mul3A_4101 = arith.mulf %get3A_4099, %get3A_4099 : vector<16xf32>
        %add3A_4102 = arith.addf %add3A_4094, %mul3A_4101 : vector<16xf32>
        %add3A_4103 = arith.constant 24 : i32
        %add3A_4104 = arith.addi %mul3A_3914, %add3A_4103 : i32
        %get3A_4105 = arith.index_cast %add3A_4104 : i32 to index
        %get3A_4106 = arith.constant 0 : index
        %get3A_4107 = tpu.vector_load %arg19[%get3A_4105, %get3A_4106] {strides = array<i32>} : memref<1664x16xf32, #tpu.memory_space<vmem>>, vector<16xf32>,
        %add3A_4108 = arith.addf %add3A_4100, %get3A_4107 : vector<16xf32>
        %mul3A_4109 = arith.mulf %get3A_4107, %get3A_4107 : vector<16xf32>
        %add3A_4110 = arith.addf %add3A_4102, %mul3A_4109 : vector<16xf32>
        %add3A_4111 = arith.constant 25 : i32
        %add3A_4112 = arith.addi %mul3A_3914, %add3A_4111 : i32
        %get3A_4113 = arith.index_cast %add3A_4112 : i32 to index
        %get3A_4114 = arith.constant 0 : index
        %get3A_4115 = tpu.vector_load %arg19[%get3A_4113, %get3A_4114] {strides = array<i32>} : memref<1664x16xf32, #tpu.memory_space<vmem>>, vector<16xf32>,
        %add3A_4116 = arith.addf %add3A_4108, %get3A_4115 : vector<16xf32>
        %mul3A_4117 = arith.mulf %get3A_4115, %get3A_4115 : vector<16xf32>
        %add3A_4118 = arith.addf %add3A_4110, %mul3A_4117 : vector<16xf32>
        %mul3A_4119 = arith.mulf %add3A_4116, %add3A_4116 : vector<16xf32>
        %sub3A_4120 = arith.subf %mul3A_4119, %add3A_4118 : vector<16xf32>
        %mul3A_4121 = arith.constant 5.000000e-01 : f32
        %mul3A_4122 = vector.broadcast %mul3A_4121 : f32 to vector<16xf32>
        %mul3A_4123 = arith.mulf %mul3A_4122, %sub3A_4120 : vector<16xf32>
        %slice3A_4124 = vector.extract_strided_slice %get3A_169 {offsets = [14], sizes = [1], strides = [1]} : vector<16xi32> to vector<1xi32>
        %squeeze3A_4125 = vector.extract %slice3A_4124[0] : i32 from vector<1xi32>
        %slice3A_4126 = vector.extract_strided_slice %get3A_173 {offsets = [14], sizes = [1], strides = [1]} : vector<16xi32> to vector<1xi32>
        %squeeze3A_4127 = vector.extract %slice3A_4126[0] : i32 from vector<1xi32>
        %get3A_4128 = arith.index_cast %add3A_3912 : i32 to index
        %get3A_4129 = arith.index_cast %squeeze3A_4125 : i32 to index
        %get3A_4130 = tpu.vector_load %arg21[%get3A_4128, %get3A_4129] {strides = array<i32>} : memref<64x128xf32, #tpu.memory_space<vmem>>, vector<16xf32>,
        %mul3A_4131 = arith.constant 32 : i32
        %mul3A_4132 = arith.muli %add3A_3912, %mul3A_4131 : i32
        %get3A_4133 = arith.index_cast %mul3A_4132 : i32 to index
        %get3A_4134 = tpu.vector_load %arg23[%get3A_4133] {strides = array<i32>} : memref<2048xf32, #tpu.memory_space<vmem>>, vector<16xf32>,
        %mul3A_4135 = arith.mulf %get3A_4130, %get3A_4134 : vector<16xf32>
        %add3A_4136 = arith.addf %mul3A_4123, %mul3A_4135 : vector<16xf32>
        %add3A_4137 = arith.constant 16 : i32
        %add3A_4138 = arith.addi %squeeze3A_4125, %add3A_4137 : i32
        %get3A_4139 = arith.index_cast %add3A_3912 : i32 to index
        %get3A_4140 = arith.index_cast %add3A_4138 : i32 to index
        %get3A_4141 = tpu.vector_load %arg21[%get3A_4139, %get3A_4140] {strides = array<i32>} : memref<64x128xf32, #tpu.memory_space<vmem>>, vector<16xf32>,
        %mul3A_4142 = arith.constant 32 : i32
        %mul3A_4143 = arith.muli %add3A_3912, %mul3A_4142 : i32
        %add3A_4144 = arith.constant 16 : i32
        %add3A_4145 = arith.addi %mul3A_4143, %add3A_4144 : i32
        %get3A_4146 = arith.index_cast %add3A_4145 : i32 to index
        %get3A_4147 = tpu.vector_load %arg23[%get3A_4146] {strides = array<i32>} : memref<2048xf32, #tpu.memory_space<vmem>>, vector<16xf32>,
        %mul3A_4148 = arith.mulf %get3A_4141, %get3A_4147 : vector<16xf32>
        %add3A_4149 = arith.addf %add3A_4136, %mul3A_4148 : vector<16xf32>
        %get3A_4150 = arith.index_cast %add3A_3912 : i32 to index
        %get3A_4151 = arith.index_cast %squeeze3A_4127 : i32 to index
        %get3A_4152 = tpu.vector_load %arg22[%get3A_4150, %get3A_4151] {strides = array<i32>} : memref<64x128xf32, #tpu.memory_space<vmem>>, vector<16xf32>,
        %mul3A_4153 = arith.constant 32 : i32
        %mul3A_4154 = arith.muli %add3A_3912, %mul3A_4153 : i32
        %get3A_4155 = arith.index_cast %mul3A_4154 : i32 to index
        %get3A_4156 = tpu.vector_load %arg24[%get3A_4155] {strides = array<i32>} : memref<2048xf32, #tpu.memory_space<vmem>>, vector<16xf32>,
        %mul3A_4157 = arith.mulf %get3A_4152, %get3A_4156 : vector<16xf32>
        %add3A_4158 = arith.addf %add3A_4149, %mul3A_4157 : vector<16xf32>
        %add3A_4159 = arith.constant 16 : i32
        %add3A_4160 = arith.addi %squeeze3A_4127, %add3A_4159 : i32
        %get3A_4161 = arith.index_cast %add3A_3912 : i32 to index
        %get3A_4162 = arith.index_cast %add3A_4160 : i32 to index
        %get3A_4163 = tpu.vector_load %arg22[%get3A_4161, %get3A_4162] {strides = array<i32>} : memref<64x128xf32, #tpu.memory_space<vmem>>, vector<16xf32>,
        %mul3A_4164 = arith.constant 32 : i32
        %mul3A_4165 = arith.muli %add3A_3912, %mul3A_4164 : i32
        %add3A_4166 = arith.constant 16 : i32
        %add3A_4167 = arith.addi %mul3A_4165, %add3A_4166 : i32
        %get3A_4168 = arith.index_cast %add3A_4167 : i32 to index
        %get3A_4169 = tpu.vector_load %arg24[%get3A_4168] {strides = array<i32>} : memref<2048xf32, #tpu.memory_space<vmem>>, vector<16xf32>,
        %mul3A_4170 = arith.mulf %get3A_4163, %get3A_4169 : vector<16xf32>
        %add3A_4171 = arith.addf %add3A_4158, %mul3A_4170 : vector<16xf32>
        %swap3A_4172 = arith.constant 14 : i32
        %swap3A_4173 = arith.index_cast %swap3A_4172 : i32 to index
        %swap3A_4174 = arith.constant 0 : index
        %swap3A_4175 = tpu.vector_load %arg26[%swap3A_4173, %swap3A_4174] {strides = array<i32>} : memref<16x16xf32, #tpu.memory_space<vmem>>, vector<16xf32>,
        tpu.vector_store %arg26[%swap3A_4173, %swap3A_4174], %add3A_4171 {strides = array<i32>} : memref<16x16xf32, #tpu.memory_space<vmem>>, vector<16xf32>,
        %mul3A_4176 = arith.constant 16 : i32
        %mul3A_4177 = arith.muli %scan3A_164, %mul3A_4176 : i32
        %add3A_4178 = arith.constant 15 : i32
        %add3A_4179 = arith.addi %mul3A_4177, %add3A_4178 : i32
        %mul3A_4180 = arith.constant 26 : i32
        %mul3A_4181 = arith.muli %add3A_4179, %mul3A_4180 : i32
        %get3A_4182 = arith.index_cast %mul3A_4181 : i32 to index
        %get3A_4183 = arith.constant 0 : index
        %get3A_4184 = tpu.vector_load %arg19[%get3A_4182, %get3A_4183] {strides = array<i32>} : memref<1664x16xf32, #tpu.memory_space<vmem>>, vector<16xf32>,
        %mul3A_4185 = arith.mulf %get3A_4184, %get3A_4184 : vector<16xf32>
        %add3A_4186 = arith.constant 1 : i32
        %add3A_4187 = arith.addi %mul3A_4181, %add3A_4186 : i32
        %get3A_4188 = arith.index_cast %add3A_4187 : i32 to index
        %get3A_4189 = arith.constant 0 : index
        %get3A_4190 = tpu.vector_load %arg19[%get3A_4188, %get3A_4189] {strides = array<i32>} : memref<1664x16xf32, #tpu.memory_space<vmem>>, vector<16xf32>,
        %add3A_4191 = arith.addf %get3A_4184, %get3A_4190 : vector<16xf32>
        %mul3A_4192 = arith.mulf %get3A_4190, %get3A_4190 : vector<16xf32>
        %add3A_4193 = arith.addf %mul3A_4185, %mul3A_4192 : vector<16xf32>
        %add3A_4194 = arith.constant 2 : i32
        %add3A_4195 = arith.addi %mul3A_4181, %add3A_4194 : i32
        %get3A_4196 = arith.index_cast %add3A_4195 : i32 to index
        %get3A_4197 = arith.constant 0 : index
        %get3A_4198 = tpu.vector_load %arg19[%get3A_4196, %get3A_4197] {strides = array<i32>} : memref<1664x16xf32, #tpu.memory_space<vmem>>, vector<16xf32>,
        %add3A_4199 = arith.addf %add3A_4191, %get3A_4198 : vector<16xf32>
        %mul3A_4200 = arith.mulf %get3A_4198, %get3A_4198 : vector<16xf32>
        %add3A_4201 = arith.addf %add3A_4193, %mul3A_4200 : vector<16xf32>
        %add3A_4202 = arith.constant 3 : i32
        %add3A_4203 = arith.addi %mul3A_4181, %add3A_4202 : i32
        %get3A_4204 = arith.index_cast %add3A_4203 : i32 to index
        %get3A_4205 = arith.constant 0 : index
        %get3A_4206 = tpu.vector_load %arg19[%get3A_4204, %get3A_4205] {strides = array<i32>} : memref<1664x16xf32, #tpu.memory_space<vmem>>, vector<16xf32>,
        %add3A_4207 = arith.addf %add3A_4199, %get3A_4206 : vector<16xf32>
        %mul3A_4208 = arith.mulf %get3A_4206, %get3A_4206 : vector<16xf32>
        %add3A_4209 = arith.addf %add3A_4201, %mul3A_4208 : vector<16xf32>
        %add3A_4210 = arith.constant 4 : i32
        %add3A_4211 = arith.addi %mul3A_4181, %add3A_4210 : i32
        %get3A_4212 = arith.index_cast %add3A_4211 : i32 to index
        %get3A_4213 = arith.constant 0 : index
        %get3A_4214 = tpu.vector_load %arg19[%get3A_4212, %get3A_4213] {strides = array<i32>} : memref<1664x16xf32, #tpu.memory_space<vmem>>, vector<16xf32>,
        %add3A_4215 = arith.addf %add3A_4207, %get3A_4214 : vector<16xf32>
        %mul3A_4216 = arith.mulf %get3A_4214, %get3A_4214 : vector<16xf32>
        %add3A_4217 = arith.addf %add3A_4209, %mul3A_4216 : vector<16xf32>
        %add3A_4218 = arith.constant 5 : i32
        %add3A_4219 = arith.addi %mul3A_4181, %add3A_4218 : i32
        %get3A_4220 = arith.index_cast %add3A_4219 : i32 to index
        %get3A_4221 = arith.constant 0 : index
        %get3A_4222 = tpu.vector_load %arg19[%get3A_4220, %get3A_4221] {strides = array<i32>} : memref<1664x16xf32, #tpu.memory_space<vmem>>, vector<16xf32>,
        %add3A_4223 = arith.addf %add3A_4215, %get3A_4222 : vector<16xf32>
        %mul3A_4224 = arith.mulf %get3A_4222, %get3A_4222 : vector<16xf32>
        %add3A_4225 = arith.addf %add3A_4217, %mul3A_4224 : vector<16xf32>
        %add3A_4226 = arith.constant 6 : i32
        %add3A_4227 = arith.addi %mul3A_4181, %add3A_4226 : i32
        %get3A_4228 = arith.index_cast %add3A_4227 : i32 to index
        %get3A_4229 = arith.constant 0 : index
        %get3A_4230 = tpu.vector_load %arg19[%get3A_4228, %get3A_4229] {strides = array<i32>} : memref<1664x16xf32, #tpu.memory_space<vmem>>, vector<16xf32>,
        %add3A_4231 = arith.addf %add3A_4223, %get3A_4230 : vector<16xf32>
        %mul3A_4232 = arith.mulf %get3A_4230, %get3A_4230 : vector<16xf32>
        %add3A_4233 = arith.addf %add3A_4225, %mul3A_4232 : vector<16xf32>
        %add3A_4234 = arith.constant 7 : i32
        %add3A_4235 = arith.addi %mul3A_4181, %add3A_4234 : i32
        %get3A_4236 = arith.index_cast %add3A_4235 : i32 to index
        %get3A_4237 = arith.constant 0 : index
        %get3A_4238 = tpu.vector_load %arg19[%get3A_4236, %get3A_4237] {strides = array<i32>} : memref<1664x16xf32, #tpu.memory_space<vmem>>, vector<16xf32>,
        %add3A_4239 = arith.addf %add3A_4231, %get3A_4238 : vector<16xf32>
        %mul3A_4240 = arith.mulf %get3A_4238, %get3A_4238 : vector<16xf32>
        %add3A_4241 = arith.addf %add3A_4233, %mul3A_4240 : vector<16xf32>
        %add3A_4242 = arith.constant 8 : i32
        %add3A_4243 = arith.addi %mul3A_4181, %add3A_4242 : i32
        %get3A_4244 = arith.index_cast %add3A_4243 : i32 to index
        %get3A_4245 = arith.constant 0 : index
        %get3A_4246 = tpu.vector_load %arg19[%get3A_4244, %get3A_4245] {strides = array<i32>} : memref<1664x16xf32, #tpu.memory_space<vmem>>, vector<16xf32>,
        %add3A_4247 = arith.addf %add3A_4239, %get3A_4246 : vector<16xf32>
        %mul3A_4248 = arith.mulf %get3A_4246, %get3A_4246 : vector<16xf32>
        %add3A_4249 = arith.addf %add3A_4241, %mul3A_4248 : vector<16xf32>
        %add3A_4250 = arith.constant 9 : i32
        %add3A_4251 = arith.addi %mul3A_4181, %add3A_4250 : i32
        %get3A_4252 = arith.index_cast %add3A_4251 : i32 to index
        %get3A_4253 = arith.constant 0 : index
        %get3A_4254 = tpu.vector_load %arg19[%get3A_4252, %get3A_4253] {strides = array<i32>} : memref<1664x16xf32, #tpu.memory_space<vmem>>, vector<16xf32>,
        %add3A_4255 = arith.addf %add3A_4247, %get3A_4254 : vector<16xf32>
        %mul3A_4256 = arith.mulf %get3A_4254, %get3A_4254 : vector<16xf32>
        %add3A_4257 = arith.addf %add3A_4249, %mul3A_4256 : vector<16xf32>
        %add3A_4258 = arith.constant 10 : i32
        %add3A_4259 = arith.addi %mul3A_4181, %add3A_4258 : i32
        %get3A_4260 = arith.index_cast %add3A_4259 : i32 to index
        %get3A_4261 = arith.constant 0 : index
        %get3A_4262 = tpu.vector_load %arg19[%get3A_4260, %get3A_4261] {strides = array<i32>} : memref<1664x16xf32, #tpu.memory_space<vmem>>, vector<16xf32>,
        %add3A_4263 = arith.addf %add3A_4255, %get3A_4262 : vector<16xf32>
        %mul3A_4264 = arith.mulf %get3A_4262, %get3A_4262 : vector<16xf32>
        %add3A_4265 = arith.addf %add3A_4257, %mul3A_4264 : vector<16xf32>
        %add3A_4266 = arith.constant 11 : i32
        %add3A_4267 = arith.addi %mul3A_4181, %add3A_4266 : i32
        %get3A_4268 = arith.index_cast %add3A_4267 : i32 to index
        %get3A_4269 = arith.constant 0 : index
        %get3A_4270 = tpu.vector_load %arg19[%get3A_4268, %get3A_4269] {strides = array<i32>} : memref<1664x16xf32, #tpu.memory_space<vmem>>, vector<16xf32>,
        %add3A_4271 = arith.addf %add3A_4263, %get3A_4270 : vector<16xf32>
        %mul3A_4272 = arith.mulf %get3A_4270, %get3A_4270 : vector<16xf32>
        %add3A_4273 = arith.addf %add3A_4265, %mul3A_4272 : vector<16xf32>
        %add3A_4274 = arith.constant 12 : i32
        %add3A_4275 = arith.addi %mul3A_4181, %add3A_4274 : i32
        %get3A_4276 = arith.index_cast %add3A_4275 : i32 to index
        %get3A_4277 = arith.constant 0 : index
        %get3A_4278 = tpu.vector_load %arg19[%get3A_4276, %get3A_4277] {strides = array<i32>} : memref<1664x16xf32, #tpu.memory_space<vmem>>, vector<16xf32>,
        %add3A_4279 = arith.addf %add3A_4271, %get3A_4278 : vector<16xf32>
        %mul3A_4280 = arith.mulf %get3A_4278, %get3A_4278 : vector<16xf32>
        %add3A_4281 = arith.addf %add3A_4273, %mul3A_4280 : vector<16xf32>
        %add3A_4282 = arith.constant 13 : i32
        %add3A_4283 = arith.addi %mul3A_4181, %add3A_4282 : i32
        %get3A_4284 = arith.index_cast %add3A_4283 : i32 to index
        %get3A_4285 = arith.constant 0 : index
        %get3A_4286 = tpu.vector_load %arg19[%get3A_4284, %get3A_4285] {strides = array<i32>} : memref<1664x16xf32, #tpu.memory_space<vmem>>, vector<16xf32>,
        %add3A_4287 = arith.addf %add3A_4279, %get3A_4286 : vector<16xf32>
        %mul3A_4288 = arith.mulf %get3A_4286, %get3A_4286 : vector<16xf32>
        %add3A_4289 = arith.addf %add3A_4281, %mul3A_4288 : vector<16xf32>
        %add3A_4290 = arith.constant 14 : i32
        %add3A_4291 = arith.addi %mul3A_4181, %add3A_4290 : i32
        %get3A_4292 = arith.index_cast %add3A_4291 : i32 to index
        %get3A_4293 = arith.constant 0 : index
        %get3A_4294 = tpu.vector_load %arg19[%get3A_4292, %get3A_4293] {strides = array<i32>} : memref<1664x16xf32, #tpu.memory_space<vmem>>, vector<16xf32>,
        %add3A_4295 = arith.addf %add3A_4287, %get3A_4294 : vector<16xf32>
        %mul3A_4296 = arith.mulf %get3A_4294, %get3A_4294 : vector<16xf32>
        %add3A_4297 = arith.addf %add3A_4289, %mul3A_4296 : vector<16xf32>
        %add3A_4298 = arith.constant 15 : i32
        %add3A_4299 = arith.addi %mul3A_4181, %add3A_4298 : i32
        %get3A_4300 = arith.index_cast %add3A_4299 : i32 to index
        %get3A_4301 = arith.constant 0 : index
        %get3A_4302 = tpu.vector_load %arg19[%get3A_4300, %get3A_4301] {strides = array<i32>} : memref<1664x16xf32, #tpu.memory_space<vmem>>, vector<16xf32>,
        %add3A_4303 = arith.addf %add3A_4295, %get3A_4302 : vector<16xf32>
        %mul3A_4304 = arith.mulf %get3A_4302, %get3A_4302 : vector<16xf32>
        %add3A_4305 = arith.addf %add3A_4297, %mul3A_4304 : vector<16xf32>
        %add3A_4306 = arith.constant 16 : i32
        %add3A_4307 = arith.addi %mul3A_4181, %add3A_4306 : i32
        %get3A_4308 = arith.index_cast %add3A_4307 : i32 to index
        %get3A_4309 = arith.constant 0 : index
        %get3A_4310 = tpu.vector_load %arg19[%get3A_4308, %get3A_4309] {strides = array<i32>} : memref<1664x16xf32, #tpu.memory_space<vmem>>, vector<16xf32>,
        %add3A_4311 = arith.addf %add3A_4303, %get3A_4310 : vector<16xf32>
        %mul3A_4312 = arith.mulf %get3A_4310, %get3A_4310 : vector<16xf32>
        %add3A_4313 = arith.addf %add3A_4305, %mul3A_4312 : vector<16xf32>
        %add3A_4314 = arith.constant 17 : i32
        %add3A_4315 = arith.addi %mul3A_4181, %add3A_4314 : i32
        %get3A_4316 = arith.index_cast %add3A_4315 : i32 to index
        %get3A_4317 = arith.constant 0 : index
        %get3A_4318 = tpu.vector_load %arg19[%get3A_4316, %get3A_4317] {strides = array<i32>} : memref<1664x16xf32, #tpu.memory_space<vmem>>, vector<16xf32>,
        %add3A_4319 = arith.addf %add3A_4311, %get3A_4318 : vector<16xf32>
        %mul3A_4320 = arith.mulf %get3A_4318, %get3A_4318 : vector<16xf32>
        %add3A_4321 = arith.addf %add3A_4313, %mul3A_4320 : vector<16xf32>
        %add3A_4322 = arith.constant 18 : i32
        %add3A_4323 = arith.addi %mul3A_4181, %add3A_4322 : i32
        %get3A_4324 = arith.index_cast %add3A_4323 : i32 to index
        %get3A_4325 = arith.constant 0 : index
        %get3A_4326 = tpu.vector_load %arg19[%get3A_4324, %get3A_4325] {strides = array<i32>} : memref<1664x16xf32, #tpu.memory_space<vmem>>, vector<16xf32>,
        %add3A_4327 = arith.addf %add3A_4319, %get3A_4326 : vector<16xf32>
        %mul3A_4328 = arith.mulf %get3A_4326, %get3A_4326 : vector<16xf32>
        %add3A_4329 = arith.addf %add3A_4321, %mul3A_4328 : vector<16xf32>
        %add3A_4330 = arith.constant 19 : i32
        %add3A_4331 = arith.addi %mul3A_4181, %add3A_4330 : i32
        %get3A_4332 = arith.index_cast %add3A_4331 : i32 to index
        %get3A_4333 = arith.constant 0 : index
        %get3A_4334 = tpu.vector_load %arg19[%get3A_4332, %get3A_4333] {strides = array<i32>} : memref<1664x16xf32, #tpu.memory_space<vmem>>, vector<16xf32>,
        %add3A_4335 = arith.addf %add3A_4327, %get3A_4334 : vector<16xf32>
        %mul3A_4336 = arith.mulf %get3A_4334, %get3A_4334 : vector<16xf32>
        %add3A_4337 = arith.addf %add3A_4329, %mul3A_4336 : vector<16xf32>
        %add3A_4338 = arith.constant 20 : i32
        %add3A_4339 = arith.addi %mul3A_4181, %add3A_4338 : i32
        %get3A_4340 = arith.index_cast %add3A_4339 : i32 to index
        %get3A_4341 = arith.constant 0 : index
        %get3A_4342 = tpu.vector_load %arg19[%get3A_4340, %get3A_4341] {strides = array<i32>} : memref<1664x16xf32, #tpu.memory_space<vmem>>, vector<16xf32>,
        %add3A_4343 = arith.addf %add3A_4335, %get3A_4342 : vector<16xf32>
        %mul3A_4344 = arith.mulf %get3A_4342, %get3A_4342 : vector<16xf32>
        %add3A_4345 = arith.addf %add3A_4337, %mul3A_4344 : vector<16xf32>
        %add3A_4346 = arith.constant 21 : i32
        %add3A_4347 = arith.addi %mul3A_4181, %add3A_4346 : i32
        %get3A_4348 = arith.index_cast %add3A_4347 : i32 to index
        %get3A_4349 = arith.constant 0 : index
        %get3A_4350 = tpu.vector_load %arg19[%get3A_4348, %get3A_4349] {strides = array<i32>} : memref<1664x16xf32, #tpu.memory_space<vmem>>, vector<16xf32>,
        %add3A_4351 = arith.addf %add3A_4343, %get3A_4350 : vector<16xf32>
        %mul3A_4352 = arith.mulf %get3A_4350, %get3A_4350 : vector<16xf32>
        %add3A_4353 = arith.addf %add3A_4345, %mul3A_4352 : vector<16xf32>
        %add3A_4354 = arith.constant 22 : i32
        %add3A_4355 = arith.addi %mul3A_4181, %add3A_4354 : i32
        %get3A_4356 = arith.index_cast %add3A_4355 : i32 to index
        %get3A_4357 = arith.constant 0 : index
        %get3A_4358 = tpu.vector_load %arg19[%get3A_4356, %get3A_4357] {strides = array<i32>} : memref<1664x16xf32, #tpu.memory_space<vmem>>, vector<16xf32>,
        %add3A_4359 = arith.addf %add3A_4351, %get3A_4358 : vector<16xf32>
        %mul3A_4360 = arith.mulf %get3A_4358, %get3A_4358 : vector<16xf32>
        %add3A_4361 = arith.addf %add3A_4353, %mul3A_4360 : vector<16xf32>
        %add3A_4362 = arith.constant 23 : i32
        %add3A_4363 = arith.addi %mul3A_4181, %add3A_4362 : i32
        %get3A_4364 = arith.index_cast %add3A_4363 : i32 to index
        %get3A_4365 = arith.constant 0 : index
        %get3A_4366 = tpu.vector_load %arg19[%get3A_4364, %get3A_4365] {strides = array<i32>} : memref<1664x16xf32, #tpu.memory_space<vmem>>, vector<16xf32>,
        %add3A_4367 = arith.addf %add3A_4359, %get3A_4366 : vector<16xf32>
        %mul3A_4368 = arith.mulf %get3A_4366, %get3A_4366 : vector<16xf32>
        %add3A_4369 = arith.addf %add3A_4361, %mul3A_4368 : vector<16xf32>
        %add3A_4370 = arith.constant 24 : i32
        %add3A_4371 = arith.addi %mul3A_4181, %add3A_4370 : i32
        %get3A_4372 = arith.index_cast %add3A_4371 : i32 to index
        %get3A_4373 = arith.constant 0 : index
        %get3A_4374 = tpu.vector_load %arg19[%get3A_4372, %get3A_4373] {strides = array<i32>} : memref<1664x16xf32, #tpu.memory_space<vmem>>, vector<16xf32>,
        %add3A_4375 = arith.addf %add3A_4367, %get3A_4374 : vector<16xf32>
        %mul3A_4376 = arith.mulf %get3A_4374, %get3A_4374 : vector<16xf32>
        %add3A_4377 = arith.addf %add3A_4369, %mul3A_4376 : vector<16xf32>
        %add3A_4378 = arith.constant 25 : i32
        %add3A_4379 = arith.addi %mul3A_4181, %add3A_4378 : i32
        %get3A_4380 = arith.index_cast %add3A_4379 : i32 to index
        %get3A_4381 = arith.constant 0 : index
        %get3A_4382 = tpu.vector_load %arg19[%get3A_4380, %get3A_4381] {strides = array<i32>} : memref<1664x16xf32, #tpu.memory_space<vmem>>, vector<16xf32>,
        %add3A_4383 = arith.addf %add3A_4375, %get3A_4382 : vector<16xf32>
        %mul3A_4384 = arith.mulf %get3A_4382, %get3A_4382 : vector<16xf32>
        %add3A_4385 = arith.addf %add3A_4377, %mul3A_4384 : vector<16xf32>
        %mul3A_4386 = arith.mulf %add3A_4383, %add3A_4383 : vector<16xf32>
        %sub3A_4387 = arith.subf %mul3A_4386, %add3A_4385 : vector<16xf32>
        %mul3A_4388 = arith.constant 5.000000e-01 : f32
        %mul3A_4389 = vector.broadcast %mul3A_4388 : f32 to vector<16xf32>
        %mul3A_4390 = arith.mulf %mul3A_4389, %sub3A_4387 : vector<16xf32>
        %slice3A_4391 = vector.extract_strided_slice %get3A_169 {offsets = [15], sizes = [1], strides = [1]} : vector<16xi32> to vector<1xi32>
        %squeeze3A_4392 = vector.extract %slice3A_4391[0] : i32 from vector<1xi32>
        %slice3A_4393 = vector.extract_strided_slice %get3A_173 {offsets = [15], sizes = [1], strides = [1]} : vector<16xi32> to vector<1xi32>
        %squeeze3A_4394 = vector.extract %slice3A_4393[0] : i32 from vector<1xi32>
        %get3A_4395 = arith.index_cast %add3A_4179 : i32 to index
        %get3A_4396 = arith.index_cast %squeeze3A_4392 : i32 to index
        %get3A_4397 = tpu.vector_load %arg21[%get3A_4395, %get3A_4396] {strides = array<i32>} : memref<64x128xf32, #tpu.memory_space<vmem>>, vector<16xf32>,
        %mul3A_4398 = arith.constant 32 : i32
        %mul3A_4399 = arith.muli %add3A_4179, %mul3A_4398 : i32
        %get3A_4400 = arith.index_cast %mul3A_4399 : i32 to index
        %get3A_4401 = tpu.vector_load %arg23[%get3A_4400] {strides = array<i32>} : memref<2048xf32, #tpu.memory_space<vmem>>, vector<16xf32>,
        %mul3A_4402 = arith.mulf %get3A_4397, %get3A_4401 : vector<16xf32>
        %add3A_4403 = arith.addf %mul3A_4390, %mul3A_4402 : vector<16xf32>
        %add3A_4404 = arith.constant 16 : i32
        %add3A_4405 = arith.addi %squeeze3A_4392, %add3A_4404 : i32
        %get3A_4406 = arith.index_cast %add3A_4179 : i32 to index
        %get3A_4407 = arith.index_cast %add3A_4405 : i32 to index
        %get3A_4408 = tpu.vector_load %arg21[%get3A_4406, %get3A_4407] {strides = array<i32>} : memref<64x128xf32, #tpu.memory_space<vmem>>, vector<16xf32>,
        %mul3A_4409 = arith.constant 32 : i32
        %mul3A_4410 = arith.muli %add3A_4179, %mul3A_4409 : i32
        %add3A_4411 = arith.constant 16 : i32
        %add3A_4412 = arith.addi %mul3A_4410, %add3A_4411 : i32
        %get3A_4413 = arith.index_cast %add3A_4412 : i32 to index
        %get3A_4414 = tpu.vector_load %arg23[%get3A_4413] {strides = array<i32>} : memref<2048xf32, #tpu.memory_space<vmem>>, vector<16xf32>,
        %mul3A_4415 = arith.mulf %get3A_4408, %get3A_4414 : vector<16xf32>
        %add3A_4416 = arith.addf %add3A_4403, %mul3A_4415 : vector<16xf32>
        %get3A_4417 = arith.index_cast %add3A_4179 : i32 to index
        %get3A_4418 = arith.index_cast %squeeze3A_4394 : i32 to index
        %get3A_4419 = tpu.vector_load %arg22[%get3A_4417, %get3A_4418] {strides = array<i32>} : memref<64x128xf32, #tpu.memory_space<vmem>>, vector<16xf32>,
        %mul3A_4420 = arith.constant 32 : i32
        %mul3A_4421 = arith.muli %add3A_4179, %mul3A_4420 : i32
        %get3A_4422 = arith.index_cast %mul3A_4421 : i32 to index
        %get3A_4423 = tpu.vector_load %arg24[%get3A_4422] {strides = array<i32>} : memref<2048xf32, #tpu.memory_space<vmem>>, vector<16xf32>,
        %mul3A_4424 = arith.mulf %get3A_4419, %get3A_4423 : vector<16xf32>
        %add3A_4425 = arith.addf %add3A_4416, %mul3A_4424 : vector<16xf32>
        %add3A_4426 = arith.constant 16 : i32
        %add3A_4427 = arith.addi %squeeze3A_4394, %add3A_4426 : i32
        %get3A_4428 = arith.index_cast %add3A_4179 : i32 to index
        %get3A_4429 = arith.index_cast %add3A_4427 : i32 to index
        %get3A_4430 = tpu.vector_load %arg22[%get3A_4428, %get3A_4429] {strides = array<i32>} : memref<64x128xf32, #tpu.memory_space<vmem>>, vector<16xf32>,
        %mul3A_4431 = arith.constant 32 : i32
        %mul3A_4432 = arith.muli %add3A_4179, %mul3A_4431 : i32
        %add3A_4433 = arith.constant 16 : i32
        %add3A_4434 = arith.addi %mul3A_4432, %add3A_4433 : i32
        %get3A_4435 = arith.index_cast %add3A_4434 : i32 to index
        %get3A_4436 = tpu.vector_load %arg24[%get3A_4435] {strides = array<i32>} : memref<2048xf32, #tpu.memory_space<vmem>>, vector<16xf32>,
        %mul3A_4437 = arith.mulf %get3A_4430, %get3A_4436 : vector<16xf32>
        %add3A_4438 = arith.addf %add3A_4425, %mul3A_4437 : vector<16xf32>
        %swap3A_4439 = arith.constant 15 : i32
        %swap3A_4440 = arith.index_cast %swap3A_4439 : i32 to index
        %swap3A_4441 = arith.constant 0 : index
        %swap3A_4442 = tpu.vector_load %arg26[%swap3A_4440, %swap3A_4441] {strides = array<i32>} : memref<16x16xf32, #tpu.memory_space<vmem>>, vector<16xf32>,
        tpu.vector_store %arg26[%swap3A_4440, %swap3A_4441], %add3A_4438 {strides = array<i32>} : memref<16x16xf32, #tpu.memory_space<vmem>>, vector<16xf32>,
        %gather3A = tpu.vector_load_idx %arg26[%iota3A, %broadcast_in_dim3A_3] : memref<16x16xf32, #tpu.memory_space<vmem>>[vector<16xi32>, vector<16xi32>], vector<16xf32>,
        %add3A_4443 = arith.constant 1 : i32
        %add3A_4444 = vector.broadcast %add3A_4443 : i32 to vector<16xi32>
        %add3A_4445 = arith.addi %broadcast_in_dim3A_3, %add3A_4444 : vector<16xi32>
        %gather3A_4446 = tpu.vector_load_idx %arg26[%iota3A, %add3A_4445] : memref<16x16xf32, #tpu.memory_space<vmem>>[vector<16xi32>, vector<16xi32>], vector<16xf32>,
        %add3A_4447 = arith.addf %gather3A, %gather3A_4446 : vector<16xf32>
        %add3A_4448 = arith.constant 2 : i32
        %add3A_4449 = vector.broadcast %add3A_4448 : i32 to vector<16xi32>
        %add3A_4450 = arith.addi %broadcast_in_dim3A_3, %add3A_4449 : vector<16xi32>
        %gather3A_4451 = tpu.vector_load_idx %arg26[%iota3A, %add3A_4450] : memref<16x16xf32, #tpu.memory_space<vmem>>[vector<16xi32>, vector<16xi32>], vector<16xf32>,
        %add3A_4452 = arith.addf %add3A_4447, %gather3A_4451 : vector<16xf32>
        %add3A_4453 = arith.constant 3 : i32
        %add3A_4454 = vector.broadcast %add3A_4453 : i32 to vector<16xi32>
        %add3A_4455 = arith.addi %broadcast_in_dim3A_3, %add3A_4454 : vector<16xi32>
        %gather3A_4456 = tpu.vector_load_idx %arg26[%iota3A, %add3A_4455] : memref<16x16xf32, #tpu.memory_space<vmem>>[vector<16xi32>, vector<16xi32>], vector<16xf32>,
        %add3A_4457 = arith.addf %add3A_4452, %gather3A_4456 : vector<16xf32>
        %add3A_4458 = arith.constant 4 : i32
        %add3A_4459 = vector.broadcast %add3A_4458 : i32 to vector<16xi32>
        %add3A_4460 = arith.addi %broadcast_in_dim3A_3, %add3A_4459 : vector<16xi32>
        %gather3A_4461 = tpu.vector_load_idx %arg26[%iota3A, %add3A_4460] : memref<16x16xf32, #tpu.memory_space<vmem>>[vector<16xi32>, vector<16xi32>], vector<16xf32>,
        %add3A_4462 = arith.addf %add3A_4457, %gather3A_4461 : vector<16xf32>
        %add3A_4463 = arith.constant 5 : i32
        %add3A_4464 = vector.broadcast %add3A_4463 : i32 to vector<16xi32>
        %add3A_4465 = arith.addi %broadcast_in_dim3A_3, %add3A_4464 : vector<16xi32>
        %gather3A_4466 = tpu.vector_load_idx %arg26[%iota3A, %add3A_4465] : memref<16x16xf32, #tpu.memory_space<vmem>>[vector<16xi32>, vector<16xi32>], vector<16xf32>,
        %add3A_4467 = arith.addf %add3A_4462, %gather3A_4466 : vector<16xf32>
        %add3A_4468 = arith.constant 6 : i32
        %add3A_4469 = vector.broadcast %add3A_4468 : i32 to vector<16xi32>
        %add3A_4470 = arith.addi %broadcast_in_dim3A_3, %add3A_4469 : vector<16xi32>
        %gather3A_4471 = tpu.vector_load_idx %arg26[%iota3A, %add3A_4470] : memref<16x16xf32, #tpu.memory_space<vmem>>[vector<16xi32>, vector<16xi32>], vector<16xf32>,
        %add3A_4472 = arith.addf %add3A_4467, %gather3A_4471 : vector<16xf32>
        %add3A_4473 = arith.constant 7 : i32
        %add3A_4474 = vector.broadcast %add3A_4473 : i32 to vector<16xi32>
        %add3A_4475 = arith.addi %broadcast_in_dim3A_3, %add3A_4474 : vector<16xi32>
        %gather3A_4476 = tpu.vector_load_idx %arg26[%iota3A, %add3A_4475] : memref<16x16xf32, #tpu.memory_space<vmem>>[vector<16xi32>, vector<16xi32>], vector<16xf32>,
        %add3A_4477 = arith.addf %add3A_4472, %gather3A_4476 : vector<16xf32>
        %add3A_4478 = arith.constant 8 : i32
        %add3A_4479 = vector.broadcast %add3A_4478 : i32 to vector<16xi32>
        %add3A_4480 = arith.addi %broadcast_in_dim3A_3, %add3A_4479 : vector<16xi32>
        %gather3A_4481 = tpu.vector_load_idx %arg26[%iota3A, %add3A_4480] : memref<16x16xf32, #tpu.memory_space<vmem>>[vector<16xi32>, vector<16xi32>], vector<16xf32>,
        %add3A_4482 = arith.addf %add3A_4477, %gather3A_4481 : vector<16xf32>
        %add3A_4483 = arith.constant 9 : i32
        %add3A_4484 = vector.broadcast %add3A_4483 : i32 to vector<16xi32>
        %add3A_4485 = arith.addi %broadcast_in_dim3A_3, %add3A_4484 : vector<16xi32>
        %gather3A_4486 = tpu.vector_load_idx %arg26[%iota3A, %add3A_4485] : memref<16x16xf32, #tpu.memory_space<vmem>>[vector<16xi32>, vector<16xi32>], vector<16xf32>,
        %add3A_4487 = arith.addf %add3A_4482, %gather3A_4486 : vector<16xf32>
        %add3A_4488 = arith.constant 10 : i32
        %add3A_4489 = vector.broadcast %add3A_4488 : i32 to vector<16xi32>
        %add3A_4490 = arith.addi %broadcast_in_dim3A_3, %add3A_4489 : vector<16xi32>
        %gather3A_4491 = tpu.vector_load_idx %arg26[%iota3A, %add3A_4490] : memref<16x16xf32, #tpu.memory_space<vmem>>[vector<16xi32>, vector<16xi32>], vector<16xf32>,
        %add3A_4492 = arith.addf %add3A_4487, %gather3A_4491 : vector<16xf32>
        %add3A_4493 = arith.constant 11 : i32
        %add3A_4494 = vector.broadcast %add3A_4493 : i32 to vector<16xi32>
        %add3A_4495 = arith.addi %broadcast_in_dim3A_3, %add3A_4494 : vector<16xi32>
        %gather3A_4496 = tpu.vector_load_idx %arg26[%iota3A, %add3A_4495] : memref<16x16xf32, #tpu.memory_space<vmem>>[vector<16xi32>, vector<16xi32>], vector<16xf32>,
        %add3A_4497 = arith.addf %add3A_4492, %gather3A_4496 : vector<16xf32>
        %add3A_4498 = arith.constant 12 : i32
        %add3A_4499 = vector.broadcast %add3A_4498 : i32 to vector<16xi32>
        %add3A_4500 = arith.addi %broadcast_in_dim3A_3, %add3A_4499 : vector<16xi32>
        %gather3A_4501 = tpu.vector_load_idx %arg26[%iota3A, %add3A_4500] : memref<16x16xf32, #tpu.memory_space<vmem>>[vector<16xi32>, vector<16xi32>], vector<16xf32>,
        %add3A_4502 = arith.addf %add3A_4497, %gather3A_4501 : vector<16xf32>
        %add3A_4503 = arith.constant 13 : i32
        %add3A_4504 = vector.broadcast %add3A_4503 : i32 to vector<16xi32>
        %add3A_4505 = arith.addi %broadcast_in_dim3A_3, %add3A_4504 : vector<16xi32>
        %gather3A_4506 = tpu.vector_load_idx %arg26[%iota3A, %add3A_4505] : memref<16x16xf32, #tpu.memory_space<vmem>>[vector<16xi32>, vector<16xi32>], vector<16xf32>,
        %add3A_4507 = arith.addf %add3A_4502, %gather3A_4506 : vector<16xf32>
        %add3A_4508 = arith.constant 14 : i32
        %add3A_4509 = vector.broadcast %add3A_4508 : i32 to vector<16xi32>
        %add3A_4510 = arith.addi %broadcast_in_dim3A_3, %add3A_4509 : vector<16xi32>
        %gather3A_4511 = tpu.vector_load_idx %arg26[%iota3A, %add3A_4510] : memref<16x16xf32, #tpu.memory_space<vmem>>[vector<16xi32>, vector<16xi32>], vector<16xf32>,
        %add3A_4512 = arith.addf %add3A_4507, %gather3A_4511 : vector<16xf32>
        %add3A_4513 = arith.constant 15 : i32
        %add3A_4514 = vector.broadcast %add3A_4513 : i32 to vector<16xi32>
        %add3A_4515 = arith.addi %broadcast_in_dim3A_3, %add3A_4514 : vector<16xi32>
        %gather3A_4516 = tpu.vector_load_idx %arg26[%iota3A, %add3A_4515] : memref<16x16xf32, #tpu.memory_space<vmem>>[vector<16xi32>, vector<16xi32>], vector<16xf32>,
        %add3A_4517 = arith.addf %add3A_4512, %gather3A_4516 : vector<16xf32>
        %mul3A_4518 = arith.constant 16 : i32
        %mul3A_4519 = arith.muli %scan3A_164, %mul3A_4518 : i32
        %add3A_4520 = vector.broadcast %mul3A_4519 : i32 to vector<16xi32>
        %add3A_4521 = arith.addi %add3A_4520, %iota3A : vector<16xi32>
        %mul3A_4522 = arith.constant 26 : i32
        %mul3A_4523 = vector.broadcast %mul3A_4522 : i32 to vector<16xi32>
        %mul3A_4524 = arith.muli %add3A_4521, %mul3A_4523 : vector<16xi32>
        %add3A_4525 = arith.constant 0 : i32
        %add3A_4526 = vector.broadcast %add3A_4525 : i32 to vector<16xi32>
        %add3A_4527 = arith.addi %mul3A_4524, %add3A_4526 : vector<16xi32>
        %gather3A_4528 = tpu.vector_load_idx %arg20[%add3A_4527] : memref<1664xf32, #tpu.memory_space<vmem>>[vector<16xi32>], vector<16xf32>,
        %add3A_4529 = arith.addf %add3A_4517, %gather3A_4528 : vector<16xf32>
        %add3A_4530 = arith.constant 1 : i32
        %add3A_4531 = vector.broadcast %add3A_4530 : i32 to vector<16xi32>
        %add3A_4532 = arith.addi %mul3A_4524, %add3A_4531 : vector<16xi32>
        %gather3A_4533 = tpu.vector_load_idx %arg20[%add3A_4532] : memref<1664xf32, #tpu.memory_space<vmem>>[vector<16xi32>], vector<16xf32>,
        %add3A_4534 = arith.addf %add3A_4529, %gather3A_4533 : vector<16xf32>
        %add3A_4535 = arith.constant 2 : i32
        %add3A_4536 = vector.broadcast %add3A_4535 : i32 to vector<16xi32>
        %add3A_4537 = arith.addi %mul3A_4524, %add3A_4536 : vector<16xi32>
        %gather3A_4538 = tpu.vector_load_idx %arg20[%add3A_4537] : memref<1664xf32, #tpu.memory_space<vmem>>[vector<16xi32>], vector<16xf32>,
        %add3A_4539 = arith.addf %add3A_4534, %gather3A_4538 : vector<16xf32>
        %add3A_4540 = arith.constant 3 : i32
        %add3A_4541 = vector.broadcast %add3A_4540 : i32 to vector<16xi32>
        %add3A_4542 = arith.addi %mul3A_4524, %add3A_4541 : vector<16xi32>
        %gather3A_4543 = tpu.vector_load_idx %arg20[%add3A_4542] : memref<1664xf32, #tpu.memory_space<vmem>>[vector<16xi32>], vector<16xf32>,
        %add3A_4544 = arith.addf %add3A_4539, %gather3A_4543 : vector<16xf32>
        %add3A_4545 = arith.constant 4 : i32
        %add3A_4546 = vector.broadcast %add3A_4545 : i32 to vector<16xi32>
        %add3A_4547 = arith.addi %mul3A_4524, %add3A_4546 : vector<16xi32>
        %gather3A_4548 = tpu.vector_load_idx %arg20[%add3A_4547] : memref<1664xf32, #tpu.memory_space<vmem>>[vector<16xi32>], vector<16xf32>,
        %add3A_4549 = arith.addf %add3A_4544, %gather3A_4548 : vector<16xf32>
        %add3A_4550 = arith.constant 5 : i32
        %add3A_4551 = vector.broadcast %add3A_4550 : i32 to vector<16xi32>
        %add3A_4552 = arith.addi %mul3A_4524, %add3A_4551 : vector<16xi32>
        %gather3A_4553 = tpu.vector_load_idx %arg20[%add3A_4552] : memref<1664xf32, #tpu.memory_space<vmem>>[vector<16xi32>], vector<16xf32>,
        %add3A_4554 = arith.addf %add3A_4549, %gather3A_4553 : vector<16xf32>
        %add3A_4555 = arith.constant 6 : i32
        %add3A_4556 = vector.broadcast %add3A_4555 : i32 to vector<16xi32>
        %add3A_4557 = arith.addi %mul3A_4524, %add3A_4556 : vector<16xi32>
        %gather3A_4558 = tpu.vector_load_idx %arg20[%add3A_4557] : memref<1664xf32, #tpu.memory_space<vmem>>[vector<16xi32>], vector<16xf32>,
        %add3A_4559 = arith.addf %add3A_4554, %gather3A_4558 : vector<16xf32>
        %add3A_4560 = arith.constant 7 : i32
        %add3A_4561 = vector.broadcast %add3A_4560 : i32 to vector<16xi32>
        %add3A_4562 = arith.addi %mul3A_4524, %add3A_4561 : vector<16xi32>
        %gather3A_4563 = tpu.vector_load_idx %arg20[%add3A_4562] : memref<1664xf32, #tpu.memory_space<vmem>>[vector<16xi32>], vector<16xf32>,
        %add3A_4564 = arith.addf %add3A_4559, %gather3A_4563 : vector<16xf32>
        %add3A_4565 = arith.constant 8 : i32
        %add3A_4566 = vector.broadcast %add3A_4565 : i32 to vector<16xi32>
        %add3A_4567 = arith.addi %mul3A_4524, %add3A_4566 : vector<16xi32>
        %gather3A_4568 = tpu.vector_load_idx %arg20[%add3A_4567] : memref<1664xf32, #tpu.memory_space<vmem>>[vector<16xi32>], vector<16xf32>,
        %add3A_4569 = arith.addf %add3A_4564, %gather3A_4568 : vector<16xf32>
        %add3A_4570 = arith.constant 9 : i32
        %add3A_4571 = vector.broadcast %add3A_4570 : i32 to vector<16xi32>
        %add3A_4572 = arith.addi %mul3A_4524, %add3A_4571 : vector<16xi32>
        %gather3A_4573 = tpu.vector_load_idx %arg20[%add3A_4572] : memref<1664xf32, #tpu.memory_space<vmem>>[vector<16xi32>], vector<16xf32>,
        %add3A_4574 = arith.addf %add3A_4569, %gather3A_4573 : vector<16xf32>
        %add3A_4575 = arith.constant 10 : i32
        %add3A_4576 = vector.broadcast %add3A_4575 : i32 to vector<16xi32>
        %add3A_4577 = arith.addi %mul3A_4524, %add3A_4576 : vector<16xi32>
        %gather3A_4578 = tpu.vector_load_idx %arg20[%add3A_4577] : memref<1664xf32, #tpu.memory_space<vmem>>[vector<16xi32>], vector<16xf32>,
        %add3A_4579 = arith.addf %add3A_4574, %gather3A_4578 : vector<16xf32>
        %add3A_4580 = arith.constant 11 : i32
        %add3A_4581 = vector.broadcast %add3A_4580 : i32 to vector<16xi32>
        %add3A_4582 = arith.addi %mul3A_4524, %add3A_4581 : vector<16xi32>
        %gather3A_4583 = tpu.vector_load_idx %arg20[%add3A_4582] : memref<1664xf32, #tpu.memory_space<vmem>>[vector<16xi32>], vector<16xf32>,
        %add3A_4584 = arith.addf %add3A_4579, %gather3A_4583 : vector<16xf32>
        %add3A_4585 = arith.constant 12 : i32
        %add3A_4586 = vector.broadcast %add3A_4585 : i32 to vector<16xi32>
        %add3A_4587 = arith.addi %mul3A_4524, %add3A_4586 : vector<16xi32>
        %gather3A_4588 = tpu.vector_load_idx %arg20[%add3A_4587] : memref<1664xf32, #tpu.memory_space<vmem>>[vector<16xi32>], vector<16xf32>,
        %add3A_4589 = arith.addf %add3A_4584, %gather3A_4588 : vector<16xf32>
        %add3A_4590 = arith.constant 13 : i32
        %add3A_4591 = vector.broadcast %add3A_4590 : i32 to vector<16xi32>
        %add3A_4592 = arith.addi %mul3A_4524, %add3A_4591 : vector<16xi32>
        %gather3A_4593 = tpu.vector_load_idx %arg20[%add3A_4592] : memref<1664xf32, #tpu.memory_space<vmem>>[vector<16xi32>], vector<16xf32>,
        %add3A_4594 = arith.addf %add3A_4589, %gather3A_4593 : vector<16xf32>
        %add3A_4595 = arith.constant 14 : i32
        %add3A_4596 = vector.broadcast %add3A_4595 : i32 to vector<16xi32>
        %add3A_4597 = arith.addi %mul3A_4524, %add3A_4596 : vector<16xi32>
        %gather3A_4598 = tpu.vector_load_idx %arg20[%add3A_4597] : memref<1664xf32, #tpu.memory_space<vmem>>[vector<16xi32>], vector<16xf32>,
        %add3A_4599 = arith.addf %add3A_4594, %gather3A_4598 : vector<16xf32>
        %add3A_4600 = arith.constant 15 : i32
        %add3A_4601 = vector.broadcast %add3A_4600 : i32 to vector<16xi32>
        %add3A_4602 = arith.addi %mul3A_4524, %add3A_4601 : vector<16xi32>
        %gather3A_4603 = tpu.vector_load_idx %arg20[%add3A_4602] : memref<1664xf32, #tpu.memory_space<vmem>>[vector<16xi32>], vector<16xf32>,
        %add3A_4604 = arith.addf %add3A_4599, %gather3A_4603 : vector<16xf32>
        %add3A_4605 = arith.constant 16 : i32
        %add3A_4606 = vector.broadcast %add3A_4605 : i32 to vector<16xi32>
        %add3A_4607 = arith.addi %mul3A_4524, %add3A_4606 : vector<16xi32>
        %gather3A_4608 = tpu.vector_load_idx %arg20[%add3A_4607] : memref<1664xf32, #tpu.memory_space<vmem>>[vector<16xi32>], vector<16xf32>,
        %add3A_4609 = arith.addf %add3A_4604, %gather3A_4608 : vector<16xf32>
        %add3A_4610 = arith.constant 17 : i32
        %add3A_4611 = vector.broadcast %add3A_4610 : i32 to vector<16xi32>
        %add3A_4612 = arith.addi %mul3A_4524, %add3A_4611 : vector<16xi32>
        %gather3A_4613 = tpu.vector_load_idx %arg20[%add3A_4612] : memref<1664xf32, #tpu.memory_space<vmem>>[vector<16xi32>], vector<16xf32>,
        %add3A_4614 = arith.addf %add3A_4609, %gather3A_4613 : vector<16xf32>
        %add3A_4615 = arith.constant 18 : i32
        %add3A_4616 = vector.broadcast %add3A_4615 : i32 to vector<16xi32>
        %add3A_4617 = arith.addi %mul3A_4524, %add3A_4616 : vector<16xi32>
        %gather3A_4618 = tpu.vector_load_idx %arg20[%add3A_4617] : memref<1664xf32, #tpu.memory_space<vmem>>[vector<16xi32>], vector<16xf32>,
        %add3A_4619 = arith.addf %add3A_4614, %gather3A_4618 : vector<16xf32>
        %add3A_4620 = arith.constant 19 : i32
        %add3A_4621 = vector.broadcast %add3A_4620 : i32 to vector<16xi32>
        %add3A_4622 = arith.addi %mul3A_4524, %add3A_4621 : vector<16xi32>
        %gather3A_4623 = tpu.vector_load_idx %arg20[%add3A_4622] : memref<1664xf32, #tpu.memory_space<vmem>>[vector<16xi32>], vector<16xf32>,
        %add3A_4624 = arith.addf %add3A_4619, %gather3A_4623 : vector<16xf32>
        %add3A_4625 = arith.constant 20 : i32
        %add3A_4626 = vector.broadcast %add3A_4625 : i32 to vector<16xi32>
        %add3A_4627 = arith.addi %mul3A_4524, %add3A_4626 : vector<16xi32>
        %gather3A_4628 = tpu.vector_load_idx %arg20[%add3A_4627] : memref<1664xf32, #tpu.memory_space<vmem>>[vector<16xi32>], vector<16xf32>,
        %add3A_4629 = arith.addf %add3A_4624, %gather3A_4628 : vector<16xf32>
        %add3A_4630 = arith.constant 21 : i32
        %add3A_4631 = vector.broadcast %add3A_4630 : i32 to vector<16xi32>
        %add3A_4632 = arith.addi %mul3A_4524, %add3A_4631 : vector<16xi32>
        %gather3A_4633 = tpu.vector_load_idx %arg20[%add3A_4632] : memref<1664xf32, #tpu.memory_space<vmem>>[vector<16xi32>], vector<16xf32>,
        %add3A_4634 = arith.addf %add3A_4629, %gather3A_4633 : vector<16xf32>
        %add3A_4635 = arith.constant 22 : i32
        %add3A_4636 = vector.broadcast %add3A_4635 : i32 to vector<16xi32>
        %add3A_4637 = arith.addi %mul3A_4524, %add3A_4636 : vector<16xi32>
        %gather3A_4638 = tpu.vector_load_idx %arg20[%add3A_4637] : memref<1664xf32, #tpu.memory_space<vmem>>[vector<16xi32>], vector<16xf32>,
        %add3A_4639 = arith.addf %add3A_4634, %gather3A_4638 : vector<16xf32>
        %add3A_4640 = arith.constant 23 : i32
        %add3A_4641 = vector.broadcast %add3A_4640 : i32 to vector<16xi32>
        %add3A_4642 = arith.addi %mul3A_4524, %add3A_4641 : vector<16xi32>
        %gather3A_4643 = tpu.vector_load_idx %arg20[%add3A_4642] : memref<1664xf32, #tpu.memory_space<vmem>>[vector<16xi32>], vector<16xf32>,
        %add3A_4644 = arith.addf %add3A_4639, %gather3A_4643 : vector<16xf32>
        %add3A_4645 = arith.constant 24 : i32
        %add3A_4646 = vector.broadcast %add3A_4645 : i32 to vector<16xi32>
        %add3A_4647 = arith.addi %mul3A_4524, %add3A_4646 : vector<16xi32>
        %gather3A_4648 = tpu.vector_load_idx %arg20[%add3A_4647] : memref<1664xf32, #tpu.memory_space<vmem>>[vector<16xi32>], vector<16xf32>,
        %add3A_4649 = arith.addf %add3A_4644, %gather3A_4648 : vector<16xf32>
        %add3A_4650 = arith.constant 25 : i32
        %add3A_4651 = vector.broadcast %add3A_4650 : i32 to vector<16xi32>
        %add3A_4652 = arith.addi %mul3A_4524, %add3A_4651 : vector<16xi32>
        %gather3A_4653 = tpu.vector_load_idx %arg20[%add3A_4652] : memref<1664xf32, #tpu.memory_space<vmem>>[vector<16xi32>], vector<16xf32>,
        %add3A_4654 = arith.addf %add3A_4649, %gather3A_4653 : vector<16xf32>
        %neg3A = arith.constant 0.000000e+00 : f32
        %neg3A_4655 = vector.broadcast %neg3A : f32 to vector<16xf32>
        %neg3A_4656 = arith.subf %neg3A_4655, %add3A_4654 : vector<16xf32>
        %exp3A = math.exp %neg3A_4656 : vector<16xf32>
        %add3A_4657 = arith.constant 1.000000e+00 : f32
        %add3A_4658 = vector.broadcast %add3A_4657 : f32 to vector<16xf32>
        %add3A_4659 = arith.addf %add3A_4658, %exp3A : vector<16xf32>
        %div3A = arith.constant 1.000000e+00 : f32
        %div3A_4660 = vector.broadcast %div3A : f32 to vector<16xf32>
        %div3A_4661 = arith.divf %div3A_4660, %add3A_4659 : vector<16xf32>
        %mul3A_4662 = arith.constant 16 : i32
        %mul3A_4663 = arith.muli %scan3A_164, %mul3A_4662 : i32
        %swap3A_4664 = arith.index_cast %mul3A_4663 : i32 to index
        %swap3A_4665 = tpu.vector_load %arg25[%swap3A_4664] {strides = array<i32>} : memref<64xf32, #tpu.memory_space<vmem>>, vector<16xf32>,
        tpu.vector_store %arg25[%swap3A_4664], %div3A_4661 {strides = array<i32>} : memref<64xf32, #tpu.memory_space<vmem>>, vector<16xf32>,
        %scan3A_4666 = arith.constant 0 : i32
        scf.yield %scan3A_4666 : i32
      }
      %scan3A_162 = arith.constant 4 : i32
      "tpu.region"() ({
        %run_scoped3A = tpu.sem_alloc : memref<!tpu.dma_semaphore, #tpu.memory_space<semaphore_mem>>
        %dma_start3A_164 = tpu.memref_slice %arg11[%add3A_14] : memref<16384xf32, #tpu.memory_space<hbm>> -> memref<64xf32, #tpu.memory_space<hbm>>
        %dma_start3A_165 = tpu.memref_slice %arg11[%add3A_14] : memref<16384xf32, #tpu.memory_space<hbm>> -> memref<64xf32, #tpu.memory_space<hbm>>
        tpu.enqueue_dma source(%arg25 : memref<64xf32, #tpu.memory_space<vmem>>) target(%dma_start3A_165 : memref<64xf32, #tpu.memory_space<hbm>>) target_semaphore(%run_scoped3A : memref<!tpu.dma_semaphore, #tpu.memory_space<semaphore_mem>>)
        %dma_wait3A_166 = tpu.memref_slice %arg11[%add3A_14] : memref<16384xf32, #tpu.memory_space<hbm>> -> memref<64xf32, #tpu.memory_space<hbm>>
        %dma_wait3A_167 = tpu.memref_slice %arg11[%add3A_14] : memref<16384xf32, #tpu.memory_space<hbm>> -> memref<64xf32, #tpu.memory_space<hbm>>
        tpu.wait_dma2 semaphore(%run_scoped3A : memref<!tpu.dma_semaphore, #tpu.memory_space<semaphore_mem>>) src(%arg25 : memref<64xf32, #tpu.memory_space<vmem>>) dst(%dma_wait3A_167 : memref<64xf32, #tpu.memory_space<hbm>>)
        tpu.yield
      }) : () -> ()
      %scan3A_163 = arith.constant 0 : i32
      scf.yield %scan3A_163 : i32
    }
    %scan3A_9 = arith.constant 8 : i32
    return
  }
}

</mosaic_0001>

<sc_bundles>
// kernel: _sc_call.3.cloned.1.call-start
scs
__scs_entry_jumppad:
0x0: {  	(pc) =	sbr.rel $0x88, $3  }
0x1: {  	(tag) =	ssettag $0x0;
	lr =	simm.s32 $0x1  }
0x2: {  	[smem:$0x3F98] =	sst lr;
	_ =	strace $0xD0000000  }
0x3: {  	_ = 	snop  }
0x4: {  	_ = 	snop  }
0x5: {  	_ = 	snop  }
0x6: {  	_ = 	snop  }
0x7: {  	_ = 	snop  }
__scs_overlays_trampoline_lowered:
0x8: {  	[smem:$0x3FA7] =	sst s0  }
0x9: {  	[smem:$0x3FA8] =	sst s1  }
0xa: {  	[smem:$0x3FA9] =	sst s2  }
0xb: {  	[smem:$0x3FAA] =	sst s3  }
0xc: {  	[smem:$0x3FAB] =	sst s4  }
0xd: {  	[smem:$0x3FAC] =	sst s5  }
0xe: {  	[smem:$0x3FAD] =	sst s6  }
0xf: {  	[smem:$0x3FAE] =	sst s7  }
0x10: {  	[smem:$0x3FAF] =	sst s8  }
0x11: {  	[smem:$0x3FB0] =	sst s9;
	s0 =	simm.s32 @!p0 $0x0  }
0x12: {  	s1 =	sld [smem:$0x3F96];
	s0 =	simm.s32 @p0 $0x1  }
0x13: {  	[smem:$0x3FB1] =	sst s0;
	s0 =	simm.s32 @!p1 $0x0  }
0x14: {  	s2 =	sld [smem:$0x3F95];
	s0 =	simm.s32 @p1 $0x1  }
0x15: {  	[smem:$0x3FB2] =	sst s0;
	s0 =	simm.s32 @!p2 $0x0  }
0x16: {  	s3 =	sld [smem:$0x3FDB];
	s0 =	simm.s32 @p2 $0x1  }
0x17: {  	s4 =	simm.s32 $0x1BF5;
	[smem:$0x3FB4] =	sst s0  }
0x18: {  	s0 =	sld [smem:$0x3F97];
	_ =	swait.ge [sflag:s4], $0x0  }
0x19: {  	s7 =	sld [smem:$0x3F98]  }
0x1a: {  	s8 =	sadd.s32 $0xFFFFE003, lr  }
0x1b: {  	s9 =	sadd.s32 $0xFFFFFEF7, lr;
	s5 =	simm.s32 $0xFFFFFFFF;
	p2 =	slt.u32 s8, $0xFFFFF086  }
0x1c: {  	p1 =	slt.u32 s9, $0xF7A;
	s5 =	simm.s32 @!p2 $0x0  }
0x1d: {  	s5 =	simm.s32 @p1 $0x1;
	p0 =	seq.s32 s7, s2  }
0x1e: {  	s7 =	smul.u32 @!p0 $0xF7A, s2;
	p2 =	seq.s32 @!p0 s5, $0x0  }
0x1f: {  	s9 =	smul.u32 $0xF7A, s1;
	s8 =	simm.s32 @!p0 $0x1BF5;
	p2 =	por !p2, p0  }
0x20: {  	[sflag:s8] =	ssyncset.s32 @!p0 $0xFFFFF086;
	s6 =	sadd.s32 @!p0 s3, s7;
	s7 =	simm.s32 @!p0 $0x108  }
0x21: {  	s3 =	sadd.s32 s3, s9;
	s6 =	sadd.s32 @!p0 $0x88, s6;
	s7 =	simm.s32 @p2 $0x1082  }
0x22: {  	[simem:s7], [sflag:s8] =	dma.local @!p0 [hbm:s6], $0xF7A  }
0x23: {  	s9 =	sor.u32 $0xD0000000, s2;
	s6 =	simm.s32 $0x108;
	_ =	swait.ge @!p0 [sflag:s8], $0x0  }
0x24: {  	s3 =	sadd.s32 $0x88, s3;
	s6 =	simm.s32 @!p1 $0x1082;
	[sflag:s4] =	ssyncset.s32 $0xFFFFF086  }
0x25: {  	[simem:s6], [sflag:s4] =	dma.local [hbm:s3], $0xF7A  }
0x26: {  	[smem:$0x3F98] =	sst s1;
	(tag) =	ssettag s2;
	_ =	strace s9  }
0x27: {  	s1 =	sld [smem:$0x3FA8]  }
0x28: {  	s2 =	sld [smem:$0x3FA9]  }
0x29: {  	s4 =	sld [smem:$0x3FAB]  }
0x2a: {  	p0 =	seq.s32 s5, $0x0;
	s5 =	sld [smem:$0x3FAC]  }
0x2b: {  	s6 =	sld [smem:$0x3FAD]  }
0x2c: {  	s7 =	sld [smem:$0x3FAE]  }
0x2d: {  	s3 =	simm.s32 $0x108;
	s8 =	sld [smem:$0x3FAF]  }
0x2e: {  	s3 =	simm.s32 @!p0 $0x1082;
	s9 =	sld [smem:$0x3FB0]  }
0x2f: {  	lr =	sadd.s32 s0, s3;
	s0 =	sld [smem:$0x3FA7]  }
0x30: {  	s3 =	sld [smem:$0x3FAA]  }
0x31: {  	[smem:$0x3FB3] =	sst s10  }
0x32: {  	s10 =	sld [smem:$0x3FB1];
	_ =	sdelay $0x3  }
0x33: {  	p0 =	seq.s32 s10, $0x1;
	s10 =	sld [smem:$0x3FB3];
	_ =	sdelay $0x3  }
0x34: {  	[smem:$0x3FB3] =	sst s10  }
0x35: {  	s10 =	sld [smem:$0x3FB2];
	_ =	sdelay $0x3  }
0x36: {  	p1 =	seq.s32 s10, $0x1;
	s10 =	sld [smem:$0x3FB3];
	_ =	sdelay $0x3  }
0x37: {  	[smem:$0x3FB3] =	sst s10  }
0x38: {  	s10 =	sld [smem:$0x3FB4]  }
0x39: {  	_ = 	snop;
	(pc) =	sbr.ind lr, $3  }
0x3a: {  	_ = 	snop  }
0x3b: {  	_ = 	snop  }
0x3c: {  	p2 =	seq.s32 s10, $0x1;
	s10 =	sld [smem:$0x3FB3]  }
0x3d: {  	_ =	shalt  }
0x3e: {  	_ =	shalt  }
0x3f: {  	_ =	shalt  }
0x40: {  	_ =	shalt  }
0x41: {  	_ =	shalt  }
0x42: {  	_ =	shalt  }
0x43: {  	_ =	shalt  }
0x44: {  	_ =	shalt  }
0x45: {  	_ =	shalt  }
0x46: {  	_ =	shalt  }
0x47: {  	_ =	shalt  }
0x48: {  	_ =	shalt  }
0x49: {  	_ =	shalt  }
0x4a: {  	_ =	shalt  }
0x4b: {  	_ =	shalt  }
0x4c: {  	_ =	shalt  }
0x4d: {  	_ =	shalt  }
0x4e: {  	_ =	shalt  }
0x4f: {  	_ =	shalt  }
0x50: {  	_ =	shalt  }
0x51: {  	_ =	shalt  }
0x52: {  	_ =	shalt  }
0x53: {  	_ =	shalt  }
0x54: {  	_ =	shalt  }
0x55: {  	_ =	shalt  }
0x56: {  	_ =	shalt  }
0x57: {  	_ =	shalt  }
0x58: {  	_ =	shalt  }
0x59: {  	_ =	shalt  }
0x5a: {  	_ =	shalt  }
0x5b: {  	_ =	shalt  }
0x5c: {  	_ =	shalt  }
0x5d: {  	_ =	shalt  }
0x5e: {  	_ =	shalt  }
0x5f: {  	_ =	shalt  }
0x60: {  	_ =	shalt  }
0x61: {  	_ =	shalt  }
0x62: {  	_ =	shalt  }
0x63: {  	_ =	shalt  }
0x64: {  	_ =	shalt  }
0x65: {  	_ =	shalt  }
0x66: {  	_ =	shalt  }
0x67: {  	_ =	shalt  }
0x68: {  	_ =	shalt  }
0x69: {  	_ =	shalt  }
0x6a: {  	_ =	shalt  }
0x6b: {  	_ =	shalt  }
0x6c: {  	_ =	shalt  }
0x6d: {  	_ =	shalt  }
0x6e: {  	_ =	shalt  }
0x6f: {  	_ =	shalt  }
0x70: {  	_ =	shalt  }
0x71: {  	_ =	shalt  }
0x72: {  	_ =	shalt  }
0x73: {  	_ =	shalt  }
0x74: {  	_ =	shalt  }
0x75: {  	_ =	shalt  }
0x76: {  	_ =	shalt  }
0x77: {  	_ =	shalt  }
0x78: {  	_ =	shalt  }
0x79: {  	_ =	shalt  }
0x7a: {  	_ =	shalt  }
0x7b: {  	_ =	shalt  }
0x7c: {  	_ =	shalt  }
0x7d: {  	_ =	shalt  }
0x7e: {  	_ =	shalt  }
0x7f: {  	_ =	shalt  }
0x80: {  	_ =	shalt  }
0x81: {  	_ =	shalt  }
0x82: {  	_ =	shalt  }
0x83: {  	_ =	shalt  }
0x84: {  	_ =	shalt  }
0x85: {  	_ =	shalt  }
0x86: {  	_ =	shalt  }
0x87: {  	_ =	shalt  }
.Lfunc_end0:
.L_simem_size_0:
called_computation_lowered:
.L_overlay_start_0:
0x88: {  	s2 =	sld [smem:$0x3FD9]  }
0x89: {  	s3 =	sld [smem:$0x3FFE];
	_ =	sdelay $0x1  }
0x8a: {  	s1 =	srdreg.scid  }
0x8b: {  	s0 =	sand.u32 $0x1, s1  }
0x8c: {  	s17 =	sshll.u32 s0, $0xA;
	s2 =	sadd.s32 s3, s2  }
0x8d: {  	s2 =	sadd.s32 s2, s17  }
0x8e: {  	[smem:$0x3FBF] =	sst s2  }
0x8f: {  	_ = 	snop  }
0x90: {  	s2 =	sld [smem:$0x3FC9]  }
0x91: {  	s18 =	sld [smem:$0x3FC8]  }
0x92: {  	s4 =	sld [smem:$0x3FC7]  }
0x93: {  	s5 =	sld [smem:$0x3FC6]  }
0x94: {  	s6 =	sld [smem:$0x3FC5]  }
0x95: {  	s7 =	sld [smem:$0x3FC3]  }
0x96: {  	s8 =	sld [smem:$0x3FC2]  }
0x97: {  	s9 =	sld [smem:$0x3FC1]  }
0x98: {  	s10 =	sld [smem:$0x3FD0];
	(tm) =	ssettm $0x1  }
0x99: {  	s11 =	sld [smem:$0x3FFB];
	_ =	sdelay $0x3  }
0x9a: {  	_ =	strace s11  }
0x9b: {  	s11 =	sld [smem:$0x3FFC];
	_ =	sdelay $0x3  }
0x9c: {  	_ =	strace s11  }
0x9d: {  	s11 =	sld [smem:$0x3FFD];
	_ =	sdelay $0x3  }
0x9e: {  	_ =	strace s11  }
0x9f: {  	_ =	strace $0x8FFFFFFF  }
0xa0: {  	s19 =	sld [smem:$0x3FDB];
	_ =	sdelay $0x1  }
0xa1: {  	s12 =	simm.s32 $_scs_section_size  }
0xa2: {  	s13 =	simm.s32 $_size__tile_overlayer_lowered;
	s14 =	simm.s32 $_tile_overlayer_lowered  }
0xa3: {  	s22 =	simm.s32 $0x1BFF;
	s21 =	sshll.u32 s14, $0x1;
	s11 =	sadd.s32 s12, s19  }
0xa4: {  	s15 =	simm.s32 $0x0;
	s20 =	sshll.u32 s13, $0x1;
	s13 =	sadd.s32 s21, s11  }
0xa5: {  	[timem:s15], [sflag:s22] =	dma.local [hbm:s13], s20  }
0xa6: {  	_ =	swait.ge [sflag:s22], s20  }
0xa7: {  	s12 =	ssub.s32 $0x0, s20;
	[sflag:s22] =	ssyncset.done $0x0  }
0xa8: {  	[sflag:s22] =	ssyncadd.s32 s12;
	_ =	sdelay $0x1  }
0xa9: {  	s23 =	simm.s32 $0x1B8B  }
0xaa: {  	_ =	swait.ge [sflag:s23], $0x1  }
0xab: {  	[sflag:s23] =	ssyncset.done $0x0  }
0xac: {  	s25 =	simm.s32 $0x1B8E;
	s24 =	sld [smem:$0x3FFE];
	[sflag:s23] =	ssyncadd.s32 $0xFFFFFFFF  }
0xad: {  	s26 =	simm.s32 $execute0_lowered;
	[smem:$0x3FD2] =	sst s25  }
0xae: {  	s13 =	sshll.u32 s26, $0x1;
	_ =	strace $0x80000046;
	[dreg:$0x1] =	wrdreg $0xFFFFFFFF  }
0xaf: {  	s28 =	simm.s32 $_size_execute0_lowered;
	s11 =	sadd.s32 s11, s13;
	[dreg:$0x0] =	wrdreg $0x0  }
0xb0: {  	s13 =	sshll.u32 s28, $0x1;
	[dreg:$0x2] =	wrdreg s11  }
0xb1: {  	[dreg:$0x3] =	wrdreg s13  }
0xb2: {  	[dreg:$0x4] =	wrdreg $0xC0  }
0xb3: {  	_ =	task [dreg:s15], $0x5FFFF  }
0xb4: {  	[dreg:$0x1] =	wrdreg $0xFFFFFFFF  }
0xb5: {  	[dreg:$0x0] =	wrdreg $0x60  }
0xb6: {  	[dreg:$0x2] =	wrdreg s2  }
0xb7: {  	[dreg:$0x3] =	wrdreg s18  }
0xb8: {  	[dreg:$0x4] =	wrdreg s4  }
0xb9: {  	[dreg:$0x5] =	wrdreg s5  }
0xba: {  	[dreg:$0x6] =	wrdreg s6  }
0xbb: {  	[dreg:$0x7] =	wrdreg s24  }
0xbc: {  	[dreg:$0x8] =	wrdreg s7  }
0xbd: {  	[dreg:$0x9] =	wrdreg s8  }
0xbe: {  	[dreg:$0xa] =	wrdreg s9  }
0xbf: {  	[dreg:$0xb] =	wrdreg s10  }
0xc0: {  	[dreg:$0xc] =	wrdreg $0x9  }
0xc1: {  	_ =	task.clear_ibuf [dreg:s15], $0xDFFFF;
	_ =	strace $0x90000046  }
0xc2: {  	s29 =	simm.s32 $0x9;
	_ =	strace $0x80000048  }
0xc3: {  	_ =	swait.ge [sflag:s29], $0x1  }
0xc4: {  	[sflag:s29] =	ssyncadd.s32 $0xFFFFFFFF  }
0xc5: {  	_ =	strace $0x90000048  }
0xc6: {  	_ =	sfence  }
0xc7: {  	s30 =	sld [smem:$0x0];
	_ =	sdelay $0x2  }
0xc8: {  	s31 =	sshll.u32 s1, $0xD;
	s1 =	sshrl.u32 s1, $0x2  }
0xc9: {  	s3 =	sand.u32 $0x4000, s31;
	s1 =	sadd.s32 s1, s30  }
0xca: {  	s0 =	sor.u32 s3, s0;
	s1 =	sshll.u32 s1, $0x11  }
0xcb: {  	s0 =	sor.u32 s1, s0  }
0xcc: {  	s0 =	sadd.s32 $0x8F2B, s0  }
0xcd: {  	[sflag:s0] =	ssyncadd.remote.s32 $0x1  }
0xce: {  	_ =	sfence.sel $0xFFFF  }
0xcf: {  	[dreg:$0x0] =	wrdreg $0xFFFFFFFF;
	(pc) =	sbr.abs _section_cstart, $3  }
0xd0: {  	[dreg:$0x1] =	wrdreg $0xFFFFFFFF  }
0xd1: {  	_ =	task.clear_ibuf [dreg:s15], $0x2FFFF;
	_ =	strace $0x9FFFFFFF  }
0xd2: {  	(tm) =	ssettm $0x7FFFFFFF  }
0xd3: {  	_ =	shalt  }
tec
execute0_lowered:
.L_overlay_start_1:
0x0: {  	(tag) =	ssettag $0x1  }
0x1: {  	v12 =	vlaneseq.u32  }
0x2: {  	v21 =	vimm.s32 $0x60402;
	v23 =	vimm.s32 $0x1070503;
	v25 =	vimm.s32 $0x2000604  }
0x3: {  	v27 =	vimm.s32 $0x3010705;
	v29 =	vimm.s32 $0x4020006;
	v31 =	vimm.s32 $0x5030107  }
0x4: {  	v0 =	vmul.u32 $0x10, v12;
	v13 =	vand.u32 $0x3, v12;
	v12 =	vmul.u32 $0x1A, v12  }
0x5: {  	v21 =	vunpack.c.0.s8.s32 v21;
	v23 =	vunpack.c.0.s8.s32 v23;
	v25 =	vunpack.c.0.s8.s32 v25  }
0x6: {  	v27 =	vunpack.c.0.s8.s32 v27;
	v29 =	vunpack.c.0.s8.s32 v29;
	v31 =	vunpack.c.0.s8.s32 v31  }
0x7: {  	v13 =	vmul.u32 $0x2, v13;
	v1 =	vor.u32 $0x1, v0;
	v2 =	vor.u32 $0x2, v0  }
0x8: {  	s0 =	rddreg [dreg:$0x5];
	v3 =	vor.u32 $0x3, v0;
	v4 =	vor.u32 $0x4, v0;
	v5 =	vor.u32 $0x5, v0  }
0x9: {  	s9 =	rddreg [dreg:$0x9];
	s10 =	simm.s32 $0x0;
	v6 =	vor.u32 $0x6, v0;
	v7 =	vor.u32 $0x7, v0;
	v8 =	vor.u32 $0x8, v0  }
0xa: {  	s1 =	srdreg.scid;
	s3 =	stileid.u32;
	s15 =	simm.s32 $0x5;
	v9 =	vor.u32 $0x9, v0;
	v10 =	vor.u32 $0xA, v0;
	v11 =	vor.u32 $0xB, v0  }
0xb: {  	s16 =	simm.s32 $0x680;
	s17 =	simm.s32 $0x6C0;
	s18 =	simm.s32 $0xB680;
	v14 =	vor.u32 $0xC, v0;
	v15 =	vor.u32 $0xD, v0;
	v16 =	vor.u32 $0xE, v0  }
0xc: {  	s19 =	simm.s32 $0xBE80;
	s20 =	simm.s32 $0x800;
	s21 =	simm.s32 $0x7000;
	v17 =	vor.u32 $0xF, v0;
	v18 =	vor.u32 $0x1, v12;
	v20 =	vadd.s32 $0x2, v12  }
0xd: {  	s22 =	simm.s32 $0x40;
	s23 =	simm.s32 $0x700;
	s24 =	simm.s32 $0x7680;
	v22 =	vadd.s32 $0x3, v12;
	v24 =	vadd.s32 $0x4, v12;
	v26 =	vadd.s32 $0x5, v12  }
0xe: {  	s28 =	simm.s32 $0x1;
	s29 =	simm.s32 $0x2;
	s30 =	simm.s32 $0x3;
	v28 =	vadd.s32 $0x6, v12;
	v30 =	vadd.s32 $0x7, v12;
	v32 =	vadd.s32 $0x8, v12  }
0xf: {  	s31 =	simm.s32 $0x4;
	s8 =	simm.s32 $0xC6C0;
	s1 =	sand.u32 $0x1, s1;
	v33 =	vadd.s32 $0x9, v12;
	v34 =	vadd.s32 $0xA, v12;
	v35 =	vadd.s32 $0xB, v12  }
0x10: {  	s11 =	simm.s32 $0xC680;
	[smem:$0x7FF] =	sst s10;
	s2 =	ssub.s32 $0x2, s1;
	v36 =	vadd.s32 $0xC, v12;
	v37 =	vadd.s32 $0xD, v12;
	v38 =	vadd.s32 $0xE, v12  }
0x11: {  	s12 =	sadd.s32 $0x27AC800, s0;
	s26 =	sshll.u32 s3, $0xA;
	s25 =	sshrl.u32 s2, $0x1;
	v39 =	vadd.s32 $0xF, v12;
	v40 =	vadd.s32 $0x10, v12;
	v41 =	vadd.s32 $0x11, v12  }
0x12: {  	_ =	strace $0x80000047;
	s1 =	sshll.u32 s1, $0x9;
	v42 =	vadd.s32 $0x12, v12;
	v43 =	vadd.s32 $0x13, v12;
	v44 =	vadd.s32 $0x14, v12;
	s0 =	ssub.s32 s2, s25  }
0x13: {  	s13 =	sor.u32 s1, s26;
	s26 =	simm.s32 $0x9680;
	v45 =	vadd.s32 $0x15, v12;
	v46 =	vadd.s32 $0x16, v12;
	v47 =	vadd.s32 $0x17, v12;
	s0 =	smax.u32 s0, $0x1  }
0x14: {  	v48 =	vadd.s32 $0x18, v12;
	v49 =	vadd.s32 $0x19, v12;
	s1 =	simm.s32 $0x0;
	v19 =	vor.u32 $0x1, v13;
	s25 =	simm.s32 $0x780;
	[dreg:$0xb] =	wrdreg s0  }
.LBB2_1:
0x15: {  	[dreg:$0xc] =	wrdreg s1;
	s14 =	simm.s32 $0x0  }
.LBB2_2:
0x16: {  	s0 =	sshll.u32 s14, $0x6  }
0x17: {  	s2 =	sadd.s32 s13, s0  }
0x18: {  	s0 =	smul.u32 $0x1A, s2;
	_ =	sdelay $0x1  }
0x19: {  	s1 =	rddreg [dreg:$0x0];
	s0 =	sshrl.u32 s0, $0x3  }
0x1a: {  	s1 =	sadd.s32 s1, s0;
	s0 =	simm.s32 $0x0  }
0x1b: {  	[tilespmem:s0], [sflag:$0x5] =	stream.linear.gather [hbm4b:s1+s0], $0x680, $0x38;
	[tilespmem:$0xC7C0] =	vst v63  }
0x1c: {  	_ =	swait.ge [sflag:s15], $0x680  }
0x1d: {  	[sflag:s15] =	ssyncset.done $0x0  }
0x1e: {  	[sflag:s15] =	ssyncadd.s32 $0xFFFFF980  }
0x1f: {  	s1 =	sshrl.u32 s2, $0x3;
	s3 =	rddreg [dreg:$0x1]  }
0x20: {  	s3 =	sadd.s32 s3, s1  }
0x21: {  	[tilespmem:s16], [sflag:$0x5] =	stream.linear.gather [hbm4b:s3+s0], $0x40, $0x38;
	[tilespmem:$0xC7C0] =	vst v63  }
0x22: {  	_ =	swait.ge [sflag:s15], $0x40  }
0x23: {  	[sflag:s15] =	ssyncset.done $0x0  }
0x24: {  	[sflag:s15] =	ssyncadd.s32 $0xFFFFFFC0  }
0x25: {  	s6 =	rddreg [dreg:$0x2]  }
0x26: {  	s3 =	sadd.s32 s6, s1  }
0x27: {  	[tilespmem:s17], [sflag:$0x5] =	stream.linear.gather [hbm4b:s3+s0], $0x40, $0x38;
	[tilespmem:$0xC7C0] =	vst v63  }
0x28: {  	_ =	swait.ge [sflag:s15], $0x40  }
0x29: {  	[sflag:s15] =	ssyncset.done $0x0  }
0x2a: {  	[sflag:s15] =	ssyncadd.s32 $0xFFFFFFC0  }
0x2b: {  	s2 =	sshll.u32 s2, $0x2;
	s7 =	rddreg [dreg:$0x3]  }
0x2c: {  	s3 =	sadd.s32 s7, s2  }
0x2d: {  	[tilespmem:s18], [sflag:$0x5] =	stream.linear.gather [hbm4b:s3+s0], $0x800, $0x38;
	[tilespmem:$0xC7C0] =	vst v63  }
0x2e: {  	_ =	swait.ge [sflag:s15], $0x800  }
0x2f: {  	[sflag:s15] =	ssyncset.done $0x0  }
0x30: {  	[sflag:s15] =	ssyncadd.s32 $0xFFFFF800  }
0x31: {  	s4 =	rddreg [dreg:$0x4]  }
0x32: {  	s2 =	sadd.s32 s4, s2  }
0x33: {  	[tilespmem:s19], [sflag:$0x5] =	stream.linear.gather [hbm4b:s2+s0], $0x800, $0x38;
	[tilespmem:$0xC7C0] =	vst v63  }
0x34: {  	_ =	swait.ge [sflag:s15], $0x800  }
0x35: {  	[sflag:s15] =	ssyncset.done $0x0  }
0x36: {  	[sflag:s15] =	ssyncadd.s32 $0xFFFFF800  }
0x37: {  	v50 =	vld [tilespmem:$0x680]  }
0x38: {  	v51 =	vld [tilespmem:$0x6C0]  }
0x39: {  	v52 =	vld [tilespmem:$0x690]  }
0x3a: {  	v63 =	vld [tilespmem:$0x6D0]  }
0x3b: {  	v57 =	vld [tilespmem:$0x6A0]  }
0x3c: {  	v53 =	vshra.s32 v50, $0x2  }
0x3d: {  	v55 =	vshra.s32 v51, $0x2;
	[tilespmem:$0x700] =	vst v53  }
0x3e: {  	v58 =	vshra.s32 v52, $0x2;
	[tilespmem:$0x780] =	vst v55  }
0x3f: {  	v60 =	vld [tilespmem:$0x6E0];
	v61 =	vshra.s32 v63, $0x2;
	[tilespmem:$0x710] =	vst v58  }
0x40: {  	v50 =	vshll.u32 v50, $0x5;
	v54 =	vshra.s32 v57, $0x2;
	[tilespmem:$0x790] =	vst v61  }
0x41: {  	v51 =	vshll.u32 v51, $0x5;
	v50 =	vand.u32 $0x60, v50;
	[tilespmem:$0x720] =	vst v54  }
0x42: {  	v52 =	vshll.u32 v52, $0x5;
	v56 =	vand.u32 $0x60, v51;
	[tilespmem:$0x740] =	vst v50  }
0x43: {  	v59 =	vand.u32 $0x60, v52;
	v53 =	vshll.u32 v63, $0x5;
	v63 =	vld [tilespmem:$0x6B0];
	[tilespmem:$0x7C0] =	vst v56  }
0x44: {  	v51 =	vshll.u32 v57, $0x5;
	v57 =	vshra.s32 v60, $0x2;
	[tilespmem:$0x750] =	vst v59  }
0x45: {  	v62 =	vand.u32 $0x60, v53;
	v56 =	vld [tilespmem:$0x6F0];
	[tilespmem:$0x7A0] =	vst v57  }
0x46: {  	v52 =	vshll.u32 v60, $0x5;
	v55 =	vand.u32 $0x60, v51;
	[tilespmem:$0x7D0] =	vst v62  }
0x47: {  	v58 =	vand.u32 $0x60, v52;
	[tilespmem:$0x760] =	vst v55  }
0x48: {  	[tilespmem:$0x7E0] =	vst v58;
	v59 =	vshra.s32 v63, $0x2;
	v60 =	vshll.u32 v63, $0x5  }
0x49: {  	[tilespmem:$0x730] =	vst v59;
	v61 =	vand.u32 $0x60, v60  }
0x4a: {  	v62 =	vshra.s32 v56, $0x2;
	v51 =	vshll.u32 v56, $0x5;
	[tilespmem:$0x770] =	vst v61  }
0x4b: {  	[tilespmem:$0x7B0] =	vst v62;
	v63 =	vand.u32 $0x60, v51  }
0x4c: {  	[tilespmem:$0x7F0] =	vst v63  }
0x4d: {  	[tilespmem:s20], [sflag:$0x1] =	stream.indirect.gather [hbm4b:s12+s16], $0x10, s0, s16, $0xb8;
	[tilespmem:$0xC7C0] =	vst v63  }
0x4e: {  	s5 =	rddreg [dreg:$0x6]  }
0x4f: {  	[tilespmem:s21], [sflag:$0x2] =	stream.indirect.gather [hbm4b:s5+s16], $0x1, s0, s16, $0xb8;
	[tilespmem:$0xC7C0] =	vst v63  }
0x50: {  	s6 =	rddreg [dreg:$0x7]  }
0x51: {  	[tilespmem:s24], [sflag:$0x3] =	stream.indirect.gather [hbm4b:s6+s22], $0x80, s23, s22, $0xb8;
	[tilespmem:$0xC7C0] =	vst v63  }
0x52: {  	s7 =	rddreg [dreg:$0x8]  }
0x53: {  	[tilespmem:s26], [sflag:$0x4] =	stream.indirect.gather [hbm4b:s7+s22], $0x80, s25, s22, $0xb8;
	[tilespmem:$0xC7C0] =	vst v63  }
0x54: {  	_ =	swait.ge [sflag:s28], $0x6800  }
0x55: {  	[sflag:s28] =	ssyncset.done $0x0  }
0x56: {  	[sflag:s28] =	ssyncadd.s32 $0xFFFF9800  }
0x57: {  	_ =	swait.ge [sflag:s29], $0x680  }
0x58: {  	[sflag:s29] =	ssyncset.done $0x0  }
0x59: {  	[sflag:s29] =	ssyncadd.s32 $0xFFFFF980  }
0x5a: {  	_ =	swait.ge [sflag:s30], $0x2000  }
0x5b: {  	[sflag:s30] =	ssyncset.done $0x0  }
0x5c: {  	[sflag:s30] =	ssyncadd.s32 $0xFFFFE000  }
0x5d: {  	_ =	swait.ge [sflag:s31], $0x2000  }
0x5e: {  	[sflag:s31] =	ssyncset.done $0x0  }
0x5f: {  	[sflag:s31] =	ssyncadd.s32 $0xFFFFE000  }
.LBB2_3:
0x60: {  	s2 =	smul.u32 $0x6800, s0;
	_ =	sdelay $0x1  }
0x61: {  	s3 =	sshra.s32 s2, $0x2  }
0x62: {  	v50 =	vld [tilespmem:s3+$0x800]  }
0x63: {  	v51 =	vld [tilespmem:s3+$0x810];
	_ =	sdelay $0x1  }
0x64: {  	v52 =	vld [tilespmem:s3+$0x820];
	_ =	sdelay $0x1  }
0x65: {  	v53 =	vld [tilespmem:s3+$0x830]  }
0x66: {  	v54 =	vmul.f32 v50, v50;
	v50 =	vadd.f32 v51, v50;
	v51 =	vmul.f32 v51, v51  }
0x67: {  	v55 =	vld [tilespmem:s3+$0x840]  }
0x68: {  	v51 =	vadd.f32 v51, v54;
	v50 =	vadd.f32 v52, v50;
	v52 =	vmul.f32 v52, v52  }
0x69: {  	v58 =	vld [tilespmem:s3+$0x850]  }
0x6a: {  	v59 =	vmul.f32 v53, v53;
	v51 =	vadd.f32 v52, v51;
	v50 =	vadd.f32 v53, v50  }
0x6b: {  	v60 =	vld [tilespmem:s3+$0x860]  }
0x6c: {  	v61 =	vmul.f32 v55, v55;
	v51 =	vadd.f32 v59, v51;
	v50 =	vadd.f32 v55, v50  }
0x6d: {  	v62 =	vld [tilespmem:s3+$0x870]  }
0x6e: {  	v63 =	vmul.f32 v58, v58;
	v51 =	vadd.f32 v61, v51;
	v50 =	vadd.f32 v58, v50  }
0x6f: {  	v57 =	vld [tilespmem:s3+$0x880]  }
0x70: {  	v58 =	vmul.f32 v60, v60;
	v51 =	vadd.f32 v63, v51;
	v50 =	vadd.f32 v60, v50  }
0x71: {  	v59 =	vld [tilespmem:s3+$0x890]  }
0x72: {  	v60 =	vmul.f32 v62, v62;
	v51 =	vadd.f32 v58, v51;
	v50 =	vadd.f32 v62, v50  }
0x73: {  	v61 =	vld [tilespmem:s3+$0x8A0]  }
0x74: {  	v62 =	vmul.f32 v57, v57;
	v51 =	vadd.f32 v60, v51;
	v50 =	vadd.f32 v57, v50  }
0x75: {  	v63 =	vld [tilespmem:s3+$0x8B0]  }
0x76: {  	v57 =	vmul.f32 v59, v59;
	v51 =	vadd.f32 v62, v51;
	v50 =	vadd.f32 v59, v50  }
0x77: {  	v58 =	vld [tilespmem:s3+$0x8C0]  }
0x78: {  	v59 =	vmul.f32 v61, v61;
	v51 =	vadd.f32 v57, v51;
	v50 =	vadd.f32 v61, v50  }
0x79: {  	v60 =	vld [tilespmem:s3+$0x8D0]  }
0x7a: {  	v61 =	vmul.f32 v63, v63;
	v51 =	vadd.f32 v59, v51;
	v50 =	vadd.f32 v63, v50  }
0x7b: {  	v62 =	vld [tilespmem:s3+$0x8E0]  }
0x7c: {  	v53 =	vmul.f32 v58, v58;
	v51 =	vadd.f32 v61, v51;
	v63 =	vadd.f32 v58, v50  }
0x7d: {  	s2 =	sshll.u32 s0, $0x4;
	v56 =	vld [tilespmem:s3+$0x8F0]  }
0x7e: {  	v50 =	vld [tilespmem:s2+$0x740];
	v51 =	vadd.f32 v53, v51;
	v52 =	vadd.f32 v60, v63;
	v60 =	vmul.f32 v60, v60  }
0x7f: {  	v61 =	vld [tilespmem:s3+$0x900]  }
0x80: {  	v54 =	vmul.f32 v62, v62;
	v53 =	vadd.f32 v60, v51;
	v52 =	vadd.f32 v62, v52  }
0x81: {  	v57 =	vld [tilespmem:s3+$0x910]  }
0x82: {  	v51 =	vld [tilespmem:s2+$0x7C0];
	v62 =	vmul.f32 v56, v56;
	v53 =	vadd.f32 v54, v53;
	v52 =	vadd.f32 v56, v52  }
0x83: {  	v63 =	vld [tilespmem:s3+$0x920];
	(v2sf) =	vpush v50, $0x0  }
0x84: {  	v59 =	vmul.f32 v61, v61;
	v53 =	vadd.f32 v62, v53;
	v52 =	vadd.f32 v61, v52  }
0x85: {  	v55 =	vld [tilespmem:s3+$0x930]  }
0x86: {  	v60 =	vmul.f32 v57, v57;
	v53 =	vadd.f32 v59, v53;
	v52 =	vadd.f32 v57, v52  }
0x87: {  	v61 =	vld [tilespmem:s3+$0x940];
	(v2sf) =	vpush v51, $0x0  }
0x88: {  	v62 =	vmul.f32 v63, v63;
	v53 =	vadd.f32 v60, v53;
	v52 =	vadd.f32 v63, v52  }
0x89: {  	v63 =	vld [tilespmem:s3+$0x950]  }
0x8a: {  	v59 =	vmul.f32 v55, v55;
	v53 =	vadd.f32 v62, v53;
	v52 =	vadd.f32 v55, v52  }
0x8b: {  	v55 =	vld [tilespmem:s3+$0x960]  }
0x8c: {  	v60 =	vmul.f32 v61, v61;
	v53 =	vadd.f32 v59, v53;
	v52 =	vadd.f32 v61, v52  }
0x8d: {  	v61 =	vld [tilespmem:s3+$0x970]  }
0x8e: {  	v62 =	vmul.f32 v63, v63;
	v53 =	vadd.f32 v60, v53;
	v52 =	vadd.f32 v63, v52  }
0x8f: {  	v63 =	vld [tilespmem:s3+$0x980]  }
0x90: {  	v59 =	vmul.f32 v55, v55;
	v53 =	vadd.f32 v62, v53;
	v52 =	vadd.f32 v55, v52  }
0x91: {  	v60 =	vld [tilespmem:s3+$0x990]  }
0x92: {  	s7 =	spop (v2sf);
	v53 =	vadd.f32 v59, v53;
	v52 =	vadd.f32 v61, v52;
	v61 =	vmul.f32 v61, v61  }
0x93: {  	s5 =	sshll.u32 s0, $0xB;
	s4 =	sand.u32 $0xFFFFFFF8, s7  }
0x94: {  	s3 =	sand.u32 $0x7, s7;
	s4 =	sadd.s32 s4, s5;
	v62 =	vmul.f32 v63, v63;
	v53 =	vadd.f32 v61, v53;
	v52 =	vadd.f32 v63, v52  }
0x95: {  	s3 =	sor.u32 s3, s4  }
0x96: {  	s6 =	sshll.u32 s0, $0x9;
	v63 =	vmul.f32 v60, v60;
	v55 =	vld [tilespmem:s3+$0x7680];
	v53 =	vadd.f32 v62, v53;
	v52 =	vadd.f32 v60, v52  }
0x97: {  	s4 =	spop (v2sf);
	v60 =	vld [tilespmem:s6+$0xB680]  }
0x98: {  	v61 =	vld [tilespmem:s3+$0x7690];
	s7 =	sand.u32 $0xFFFFFFF8, s4;
	v53 =	vadd.f32 v63, v53;
	v52 =	vmul.f32 v52, v52  }
0x99: {  	s4 =	sand.u32 $0x7, s4;
	s5 =	sadd.s32 s7, s5;
	v62 =	vld [tilespmem:s6+$0xB690]  }
0x9a: {  	v58 =	vld [tilespmem:s6+$0xBE80];
	s3 =	sor.u32 s4, s5;
	v52 =	vsub.f32 v52, v53  }
0x9b: {  	v63 =	vld [tilespmem:s3+$0x9680]  }
0x9c: {  	v59 =	vld [tilespmem:s6+$0xBE90];
	v55 =	vmul.f32 v60, v55;
	v52 =	vmul.f32 $5.000000000e-01, v52  }
0x9d: {  	v60 =	vld [tilespmem:s3+$0x9690]  }
0x9e: {  	v54 =	vmul.f32 v62, v61;
	v52 =	vadd.f32 v52, v55;
	_ =	sdelay $0x1  }
0x9f: {  	v53 =	vmul.f32 v58, v63;
	v52 =	vadd.f32 v54, v52;
	_ =	sdelay $0x1  }
0xa0: {  	v61 =	vmul.f32 v59, v60;
	v52 =	vadd.f32 v53, v52  }
0xa1: {  	s3 =	sor.u32 $0x1, s2  }
0xa2: {  	s7 =	smul.u32 $0x680, s3;
	v52 =	vadd.f32 v61, v52;
	_ =	sdelay $0x1  }
0xa3: {  	s4 =	sshra.s32 s7, $0x2;
	[tilespmem:$0xC6C0] =	vst v52  }
0xa4: {  	v52 =	vld [tilespmem:s4+$0x800]  }
0xa5: {  	v62 =	vld [tilespmem:s4+$0x810];
	_ =	sdelay $0x1  }
0xa6: {  	v63 =	vld [tilespmem:s4+$0x820];
	_ =	sdelay $0x1  }
0xa7: {  	v60 =	vld [tilespmem:s4+$0x830]  }
0xa8: {  	v61 =	vmul.f32 v52, v52;
	v52 =	vadd.f32 v62, v52;
	v53 =	vmul.f32 v62, v62  }
0xa9: {  	v62 =	vld [tilespmem:s4+$0x840]  }
0xaa: {  	v54 =	vmul.f32 v63, v63;
	v53 =	vadd.f32 v53, v61;
	v52 =	vadd.f32 v63, v52  }
0xab: {  	v63 =	vld [tilespmem:s4+$0x850]  }
0xac: {  	v59 =	vmul.f32 v60, v60;
	v53 =	vadd.f32 v54, v53;
	v52 =	vadd.f32 v60, v52  }
0xad: {  	v55 =	vld [tilespmem:s4+$0x860]  }
0xae: {  	v60 =	vmul.f32 v62, v62;
	v53 =	vadd.f32 v59, v53;
	v52 =	vadd.f32 v62, v52  }
0xaf: {  	v61 =	vld [tilespmem:s4+$0x870]  }
0xb0: {  	v62 =	vmul.f32 v63, v63;
	v53 =	vadd.f32 v60, v53;
	v52 =	vadd.f32 v63, v52  }
0xb1: {  	v63 =	vld [tilespmem:s4+$0x880]  }
0xb2: {  	v59 =	vmul.f32 v55, v55;
	v53 =	vadd.f32 v62, v53;
	v52 =	vadd.f32 v55, v52  }
0xb3: {  	v55 =	vld [tilespmem:s4+$0x890]  }
0xb4: {  	v60 =	vmul.f32 v61, v61;
	v53 =	vadd.f32 v59, v53;
	v52 =	vadd.f32 v61, v52  }
0xb5: {  	v61 =	vld [tilespmem:s4+$0x8A0]  }
0xb6: {  	v62 =	vmul.f32 v63, v63;
	v53 =	vadd.f32 v60, v53;
	v52 =	vadd.f32 v63, v52  }
0xb7: {  	v63 =	vld [tilespmem:s4+$0x8B0]  }
0xb8: {  	v59 =	vmul.f32 v55, v55;
	v53 =	vadd.f32 v62, v53;
	v52 =	vadd.f32 v55, v52  }
0xb9: {  	v55 =	vld [tilespmem:s4+$0x8C0]  }
0xba: {  	v60 =	vmul.f32 v61, v61;
	v53 =	vadd.f32 v59, v53;
	v52 =	vadd.f32 v61, v52  }
0xbb: {  	v61 =	vld [tilespmem:s4+$0x8D0]  }
0xbc: {  	v62 =	vmul.f32 v63, v63;
	v53 =	vadd.f32 v60, v53;
	v52 =	vadd.f32 v63, v52  }
0xbd: {  	v63 =	vld [tilespmem:s4+$0x8E0]  }
0xbe: {  	v59 =	vmul.f32 v55, v55;
	v53 =	vadd.f32 v62, v53;
	v52 =	vadd.f32 v55, v52  }
0xbf: {  	v55 =	vld [tilespmem:s4+$0x8F0]  }
0xc0: {  	v60 =	vmul.f32 v61, v61;
	v53 =	vadd.f32 v59, v53;
	v52 =	vadd.f32 v61, v52  }
0xc1: {  	v61 =	vld [tilespmem:s4+$0x900]  }
0xc2: {  	v62 =	vmul.f32 v63, v63;
	v53 =	vadd.f32 v60, v53;
	v52 =	vadd.f32 v63, v52  }
0xc3: {  	v63 =	vld [tilespmem:s4+$0x910]  }
0xc4: {  	v59 =	vmul.f32 v55, v55;
	v53 =	vadd.f32 v62, v53;
	v52 =	vadd.f32 v55, v52  }
0xc5: {  	(v2sf) =	vpush v50, $0x1;
	v55 =	vld [tilespmem:s4+$0x920]  }
0xc6: {  	v60 =	vmul.f32 v61, v61;
	v53 =	vadd.f32 v59, v53;
	v52 =	vadd.f32 v61, v52  }
0xc7: {  	v61 =	vld [tilespmem:s4+$0x930]  }
0xc8: {  	v62 =	vmul.f32 v63, v63;
	v53 =	vadd.f32 v60, v53;
	v52 =	vadd.f32 v63, v52  }
0xc9: {  	(v2sf) =	vpush v51, $0x1;
	v63 =	vld [tilespmem:s4+$0x940]  }
0xca: {  	v59 =	vmul.f32 v55, v55;
	v53 =	vadd.f32 v62, v53;
	v52 =	vadd.f32 v55, v52  }
0xcb: {  	v60 =	vld [tilespmem:s4+$0x950]  }
0xcc: {  	v53 =	vadd.f32 v59, v53;
	v52 =	vadd.f32 v61, v52;
	v61 =	vmul.f32 v61, v61  }
0xcd: {  	v62 =	vld [tilespmem:s4+$0x960]  }
0xce: {  	v53 =	vadd.f32 v61, v53;
	v52 =	vadd.f32 v63, v52;
	v63 =	vmul.f32 v63, v63  }
0xcf: {  	v56 =	vld [tilespmem:s4+$0x970]  }
0xd0: {  	v53 =	vadd.f32 v63, v53;
	v52 =	vadd.f32 v60, v52;
	v60 =	vmul.f32 v60, v60  }
0xd1: {  	v61 =	vld [tilespmem:s4+$0x980]  }
0xd2: {  	v53 =	vadd.f32 v60, v53;
	v52 =	vadd.f32 v62, v52;
	v62 =	vmul.f32 v62, v62  }
0xd3: {  	v63 =	vld [tilespmem:s4+$0x990]  }
0xd4: {  	v60 =	vmul.f32 v56, v56;
	v53 =	vadd.f32 v62, v53;
	v52 =	vadd.f32 v56, v52  }
0xd5: {  	s5 =	spop (v2sf)  }
0xd6: {  	s6 =	sshll.u32 s3, $0x7;
	s7 =	sand.u32 $0xFFFFFFF8, s5;
	v53 =	vadd.f32 v60, v53;
	v52 =	vadd.f32 v61, v52;
	v61 =	vmul.f32 v61, v61  }
0xd7: {  	s3 =	sshll.u32 s3, $0x5;
	s4 =	sand.u32 $0x7, s5;
	s5 =	sadd.s32 s7, s6  }
0xd8: {  	s4 =	sor.u32 s4, s5;
	s5 =	spop (v2sf);
	v62 =	vmul.f32 v63, v63;
	v60 =	vld [tilespmem:s3+$0xB680];
	v53 =	vadd.f32 v61, v53;
	v52 =	vadd.f32 v63, v52  }
0xd9: {  	s7 =	sand.u32 $0xFFFFFFF8, s5;
	v63 =	vld [tilespmem:s4+$0x7680]  }
0xda: {  	v57 =	vld [tilespmem:s3+$0xB690];
	s5 =	sand.u32 $0x7, s5;
	s6 =	sadd.s32 s7, s6;
	v53 =	vadd.f32 v62, v53;
	v52 =	vmul.f32 v52, v52  }
0xdb: {  	v54 =	vld [tilespmem:s4+$0x7690];
	s4 =	sor.u32 s5, s6  }
0xdc: {  	v61 =	vld [tilespmem:s4+$0x9680];
	v52 =	vsub.f32 v52, v53  }
0xdd: {  	v62 =	vld [tilespmem:s3+$0xBE80]  }
0xde: {  	v55 =	vmul.f32 v60, v63;
	v63 =	vld [tilespmem:s4+$0x9690];
	v52 =	vmul.f32 $5.000000000e-01, v52  }
0xdf: {  	v60 =	vld [tilespmem:s3+$0xBE90]  }
0xe0: {  	v54 =	vmul.f32 v57, v54;
	v52 =	vadd.f32 v52, v55;
	_ =	sdelay $0x1  }
0xe1: {  	v53 =	vmul.f32 v62, v61;
	v52 =	vadd.f32 v54, v52;
	_ =	sdelay $0x1  }
0xe2: {  	v61 =	vmul.f32 v60, v63;
	v52 =	vadd.f32 v53, v52  }
0xe3: {  	s3 =	sor.u32 $0x2, s2  }
0xe4: {  	s7 =	smul.u32 $0x680, s3;
	v52 =	vadd.f32 v61, v52;
	_ =	sdelay $0x1  }
0xe5: {  	s4 =	sshra.s32 s7, $0x2;
	[tilespmem:$0xC6D0] =	vst v52  }
0xe6: {  	v52 =	vld [tilespmem:s4+$0x800]  }
0xe7: {  	v62 =	vld [tilespmem:s4+$0x810];
	_ =	sdelay $0x1  }
0xe8: {  	v63 =	vld [tilespmem:s4+$0x820];
	_ =	sdelay $0x1  }
0xe9: {  	v60 =	vld [tilespmem:s4+$0x830]  }
0xea: {  	v61 =	vmul.f32 v52, v52;
	v52 =	vadd.f32 v62, v52;
	v53 =	vmul.f32 v62, v62  }
0xeb: {  	v62 =	vld [tilespmem:s4+$0x840]  }
0xec: {  	v54 =	vmul.f32 v63, v63;
	v53 =	vadd.f32 v53, v61;
	v52 =	vadd.f32 v63, v52  }
0xed: {  	v63 =	vld [tilespmem:s4+$0x850]  }
0xee: {  	v59 =	vmul.f32 v60, v60;
	v53 =	vadd.f32 v54, v53;
	v52 =	vadd.f32 v60, v52  }
0xef: {  	v55 =	vld [tilespmem:s4+$0x860]  }
0xf0: {  	v60 =	vmul.f32 v62, v62;
	v53 =	vadd.f32 v59, v53;
	v52 =	vadd.f32 v62, v52  }
0xf1: {  	v61 =	vld [tilespmem:s4+$0x870]  }
0xf2: {  	v62 =	vmul.f32 v63, v63;
	v53 =	vadd.f32 v60, v53;
	v52 =	vadd.f32 v63, v52  }
0xf3: {  	v63 =	vld [tilespmem:s4+$0x880]  }
0xf4: {  	v59 =	vmul.f32 v55, v55;
	v53 =	vadd.f32 v62, v53;
	v52 =	vadd.f32 v55, v52  }
0xf5: {  	v55 =	vld [tilespmem:s4+$0x890]  }
0xf6: {  	v60 =	vmul.f32 v61, v61;
	v53 =	vadd.f32 v59, v53;
	v52 =	vadd.f32 v61, v52  }
0xf7: {  	v61 =	vld [tilespmem:s4+$0x8A0]  }
0xf8: {  	v62 =	vmul.f32 v63, v63;
	v53 =	vadd.f32 v60, v53;
	v52 =	vadd.f32 v63, v52  }
0xf9: {  	v63 =	vld [tilespmem:s4+$0x8B0]  }
0xfa: {  	v59 =	vmul.f32 v55, v55;
	v53 =	vadd.f32 v62, v53;
	v52 =	vadd.f32 v55, v52  }
0xfb: {  	v55 =	vld [tilespmem:s4+$0x8C0]  }
0xfc: {  	v60 =	vmul.f32 v61, v61;
	v53 =	vadd.f32 v59, v53;
	v52 =	vadd.f32 v61, v52  }
0xfd: {  	v61 =	vld [tilespmem:s4+$0x8D0]  }
0xfe: {  	v62 =	vmul.f32 v63, v63;
	v53 =	vadd.f32 v60, v53;
	v52 =	vadd.f32 v63, v52  }
0xff: {  	v63 =	vld [tilespmem:s4+$0x8E0]  }
0x100: {  	v59 =	vmul.f32 v55, v55;
	v53 =	vadd.f32 v62, v53;
	v52 =	vadd.f32 v55, v52  }
0x101: {  	v55 =	vld [tilespmem:s4+$0x8F0]  }
0x102: {  	v60 =	vmul.f32 v61, v61;
	v53 =	vadd.f32 v59, v53;
	v52 =	vadd.f32 v61, v52  }
0x103: {  	v61 =	vld [tilespmem:s4+$0x900]  }
0x104: {  	v62 =	vmul.f32 v63, v63;
	v53 =	vadd.f32 v60, v53;
	v52 =	vadd.f32 v63, v52  }
0x105: {  	v63 =	vld [tilespmem:s4+$0x910]  }
0x106: {  	v59 =	vmul.f32 v55, v55;
	v53 =	vadd.f32 v62, v53;
	v52 =	vadd.f32 v55, v52  }
0x107: {  	(v2sf) =	vpush v50, $0x2;
	v55 =	vld [tilespmem:s4+$0x920]  }
0x108: {  	v60 =	vmul.f32 v61, v61;
	v53 =	vadd.f32 v59, v53;
	v52 =	vadd.f32 v61, v52  }
0x109: {  	v61 =	vld [tilespmem:s4+$0x930]  }
0x10a: {  	v62 =	vmul.f32 v63, v63;
	v53 =	vadd.f32 v60, v53;
	v52 =	vadd.f32 v63, v52  }
0x10b: {  	(v2sf) =	vpush v51, $0x2;
	v63 =	vld [tilespmem:s4+$0x940]  }
0x10c: {  	v59 =	vmul.f32 v55, v55;
	v53 =	vadd.f32 v62, v53;
	v52 =	vadd.f32 v55, v52  }
0x10d: {  	v60 =	vld [tilespmem:s4+$0x950]  }
0x10e: {  	v53 =	vadd.f32 v59, v53;
	v52 =	vadd.f32 v61, v52;
	v61 =	vmul.f32 v61, v61  }
0x10f: {  	v62 =	vld [tilespmem:s4+$0x960]  }
0x110: {  	v53 =	vadd.f32 v61, v53;
	v52 =	vadd.f32 v63, v52;
	v63 =	vmul.f32 v63, v63  }
0x111: {  	v56 =	vld [tilespmem:s4+$0x970]  }
0x112: {  	v53 =	vadd.f32 v63, v53;
	v52 =	vadd.f32 v60, v52;
	v60 =	vmul.f32 v60, v60  }
0x113: {  	v61 =	vld [tilespmem:s4+$0x980]  }
0x114: {  	v53 =	vadd.f32 v60, v53;
	v52 =	vadd.f32 v62, v52;
	v62 =	vmul.f32 v62, v62  }
0x115: {  	v63 =	vld [tilespmem:s4+$0x990]  }
0x116: {  	v60 =	vmul.f32 v56, v56;
	v53 =	vadd.f32 v62, v53;
	v52 =	vadd.f32 v56, v52  }
0x117: {  	s5 =	spop (v2sf)  }
0x118: {  	s6 =	sshll.u32 s3, $0x7;
	s7 =	sand.u32 $0xFFFFFFF8, s5;
	v53 =	vadd.f32 v60, v53;
	v52 =	vadd.f32 v61, v52;
	v61 =	vmul.f32 v61, v61  }
0x119: {  	s3 =	sshll.u32 s3, $0x5;
	s4 =	sand.u32 $0x7, s5;
	s5 =	sadd.s32 s7, s6  }
0x11a: {  	s4 =	sor.u32 s4, s5;
	s5 =	spop (v2sf);
	v62 =	vmul.f32 v63, v63;
	v60 =	vld [tilespmem:s3+$0xB680];
	v53 =	vadd.f32 v61, v53;
	v52 =	vadd.f32 v63, v52  }
0x11b: {  	s7 =	sand.u32 $0xFFFFFFF8, s5;
	v63 =	vld [tilespmem:s4+$0x7680]  }
0x11c: {  	v57 =	vld [tilespmem:s3+$0xB690];
	s5 =	sand.u32 $0x7, s5;
	s6 =	sadd.s32 s7, s6;
	v53 =	vadd.f32 v62, v53;
	v52 =	vmul.f32 v52, v52  }
0x11d: {  	v54 =	vld [tilespmem:s4+$0x7690];
	s4 =	sor.u32 s5, s6  }
0x11e: {  	v61 =	vld [tilespmem:s4+$0x9680];
	v52 =	vsub.f32 v52, v53  }
0x11f: {  	v62 =	vld [tilespmem:s3+$0xBE80]  }
0x120: {  	v55 =	vmul.f32 v60, v63;
	v63 =	vld [tilespmem:s4+$0x9690];
	v52 =	vmul.f32 $5.000000000e-01, v52  }
0x121: {  	v60 =	vld [tilespmem:s3+$0xBE90]  }
0x122: {  	v54 =	vmul.f32 v57, v54;
	v52 =	vadd.f32 v52, v55;
	_ =	sdelay $0x1  }
0x123: {  	v53 =	vmul.f32 v62, v61;
	v52 =	vadd.f32 v54, v52;
	_ =	sdelay $0x1  }
0x124: {  	v61 =	vmul.f32 v60, v63;
	v52 =	vadd.f32 v53, v52  }
0x125: {  	s3 =	sor.u32 $0x3, s2  }
0x126: {  	s7 =	smul.u32 $0x680, s3;
	v52 =	vadd.f32 v61, v52;
	_ =	sdelay $0x1  }
0x127: {  	s4 =	sshra.s32 s7, $0x2;
	[tilespmem:$0xC6E0] =	vst v52  }
0x128: {  	v52 =	vld [tilespmem:s4+$0x800]  }
0x129: {  	v62 =	vld [tilespmem:s4+$0x810];
	_ =	sdelay $0x1  }
0x12a: {  	v63 =	vld [tilespmem:s4+$0x820];
	_ =	sdelay $0x1  }
0x12b: {  	v60 =	vld [tilespmem:s4+$0x830]  }
0x12c: {  	v61 =	vmul.f32 v52, v52;
	v52 =	vadd.f32 v62, v52;
	v53 =	vmul.f32 v62, v62  }
0x12d: {  	v62 =	vld [tilespmem:s4+$0x840]  }
0x12e: {  	v54 =	vmul.f32 v63, v63;
	v53 =	vadd.f32 v53, v61;
	v52 =	vadd.f32 v63, v52  }
0x12f: {  	v63 =	vld [tilespmem:s4+$0x850]  }
0x130: {  	v59 =	vmul.f32 v60, v60;
	v53 =	vadd.f32 v54, v53;
	v52 =	vadd.f32 v60, v52  }
0x131: {  	v55 =	vld [tilespmem:s4+$0x860]  }
0x132: {  	v60 =	vmul.f32 v62, v62;
	v53 =	vadd.f32 v59, v53;
	v52 =	vadd.f32 v62, v52  }
0x133: {  	v61 =	vld [tilespmem:s4+$0x870]  }
0x134: {  	v62 =	vmul.f32 v63, v63;
	v53 =	vadd.f32 v60, v53;
	v52 =	vadd.f32 v63, v52  }
0x135: {  	v63 =	vld [tilespmem:s4+$0x880]  }
0x136: {  	v59 =	vmul.f32 v55, v55;
	v53 =	vadd.f32 v62, v53;
	v52 =	vadd.f32 v55, v52  }
0x137: {  	v55 =	vld [tilespmem:s4+$0x890]  }
0x138: {  	v60 =	vmul.f32 v61, v61;
	v53 =	vadd.f32 v59, v53;
	v52 =	vadd.f32 v61, v52  }
0x139: {  	v61 =	vld [tilespmem:s4+$0x8A0]  }
0x13a: {  	v62 =	vmul.f32 v63, v63;
	v53 =	vadd.f32 v60, v53;
	v52 =	vadd.f32 v63, v52  }
0x13b: {  	v63 =	vld [tilespmem:s4+$0x8B0]  }
0x13c: {  	v59 =	vmul.f32 v55, v55;
	v53 =	vadd.f32 v62, v53;
	v52 =	vadd.f32 v55, v52  }
0x13d: {  	v55 =	vld [tilespmem:s4+$0x8C0]  }
0x13e: {  	v60 =	vmul.f32 v61, v61;
	v53 =	vadd.f32 v59, v53;
	v52 =	vadd.f32 v61, v52  }
0x13f: {  	v61 =	vld [tilespmem:s4+$0x8D0]  }
0x140: {  	v62 =	vmul.f32 v63, v63;
	v53 =	vadd.f32 v60, v53;
	v52 =	vadd.f32 v63, v52  }
0x141: {  	v63 =	vld [tilespmem:s4+$0x8E0]  }
0x142: {  	v59 =	vmul.f32 v55, v55;
	v53 =	vadd.f32 v62, v53;
	v52 =	vadd.f32 v55, v52  }
0x143: {  	v55 =	vld [tilespmem:s4+$0x8F0]  }
0x144: {  	v60 =	vmul.f32 v61, v61;
	v53 =	vadd.f32 v59, v53;
	v52 =	vadd.f32 v61, v52  }
0x145: {  	v61 =	vld [tilespmem:s4+$0x900]  }
0x146: {  	v62 =	vmul.f32 v63, v63;
	v53 =	vadd.f32 v60, v53;
	v52 =	vadd.f32 v63, v52  }
0x147: {  	v63 =	vld [tilespmem:s4+$0x910]  }
0x148: {  	v59 =	vmul.f32 v55, v55;
	v53 =	vadd.f32 v62, v53;
	v52 =	vadd.f32 v55, v52  }
0x149: {  	(v2sf) =	vpush v50, $0x3;
	v55 =	vld [tilespmem:s4+$0x920]  }
0x14a: {  	v60 =	vmul.f32 v61, v61;
	v53 =	vadd.f32 v59, v53;
	v52 =	vadd.f32 v61, v52  }
0x14b: {  	v61 =	vld [tilespmem:s4+$0x930]  }
0x14c: {  	v62 =	vmul.f32 v63, v63;
	v53 =	vadd.f32 v60, v53;
	v52 =	vadd.f32 v63, v52  }
0x14d: {  	(v2sf) =	vpush v51, $0x3;
	v63 =	vld [tilespmem:s4+$0x940]  }
0x14e: {  	v59 =	vmul.f32 v55, v55;
	v53 =	vadd.f32 v62, v53;
	v52 =	vadd.f32 v55, v52  }
0x14f: {  	v60 =	vld [tilespmem:s4+$0x950]  }
0x150: {  	v53 =	vadd.f32 v59, v53;
	v52 =	vadd.f32 v61, v52;
	v61 =	vmul.f32 v61, v61  }
0x151: {  	v62 =	vld [tilespmem:s4+$0x960]  }
0x152: {  	v53 =	vadd.f32 v61, v53;
	v52 =	vadd.f32 v63, v52;
	v63 =	vmul.f32 v63, v63  }
0x153: {  	v56 =	vld [tilespmem:s4+$0x970]  }
0x154: {  	v53 =	vadd.f32 v63, v53;
	v52 =	vadd.f32 v60, v52;
	v60 =	vmul.f32 v60, v60  }
0x155: {  	v61 =	vld [tilespmem:s4+$0x980]  }
0x156: {  	v53 =	vadd.f32 v60, v53;
	v52 =	vadd.f32 v62, v52;
	v62 =	vmul.f32 v62, v62  }
0x157: {  	v63 =	vld [tilespmem:s4+$0x990]  }
0x158: {  	v60 =	vmul.f32 v56, v56;
	v53 =	vadd.f32 v62, v53;
	v52 =	vadd.f32 v56, v52  }
0x159: {  	s5 =	spop (v2sf)  }
0x15a: {  	s6 =	sshll.u32 s3, $0x7;
	s7 =	sand.u32 $0xFFFFFFF8, s5;
	v53 =	vadd.f32 v60, v53;
	v52 =	vadd.f32 v61, v52;
	v61 =	vmul.f32 v61, v61  }
0x15b: {  	s3 =	sshll.u32 s3, $0x5;
	s4 =	sand.u32 $0x7, s5;
	s5 =	sadd.s32 s7, s6  }
0x15c: {  	s4 =	sor.u32 s4, s5;
	s5 =	spop (v2sf);
	v62 =	vmul.f32 v63, v63;
	v60 =	vld [tilespmem:s3+$0xB680];
	v53 =	vadd.f32 v61, v53;
	v52 =	vadd.f32 v63, v52  }
0x15d: {  	s7 =	sand.u32 $0xFFFFFFF8, s5;
	v63 =	vld [tilespmem:s4+$0x7680]  }
0x15e: {  	v57 =	vld [tilespmem:s3+$0xB690];
	s5 =	sand.u32 $0x7, s5;
	s6 =	sadd.s32 s7, s6;
	v53 =	vadd.f32 v62, v53;
	v52 =	vmul.f32 v52, v52  }
0x15f: {  	v54 =	vld [tilespmem:s4+$0x7690];
	s4 =	sor.u32 s5, s6  }
0x160: {  	v61 =	vld [tilespmem:s4+$0x9680];
	v52 =	vsub.f32 v52, v53  }
0x161: {  	v62 =	vld [tilespmem:s3+$0xBE80]  }
0x162: {  	v55 =	vmul.f32 v60, v63;
	v63 =	vld [tilespmem:s4+$0x9690];
	v52 =	vmul.f32 $5.000000000e-01, v52  }
0x163: {  	v60 =	vld [tilespmem:s3+$0xBE90]  }
0x164: {  	v54 =	vmul.f32 v57, v54;
	v52 =	vadd.f32 v52, v55;
	_ =	sdelay $0x1  }
0x165: {  	v53 =	vmul.f32 v62, v61;
	v52 =	vadd.f32 v54, v52;
	_ =	sdelay $0x1  }
0x166: {  	v61 =	vmul.f32 v60, v63;
	v52 =	vadd.f32 v53, v52  }
0x167: {  	s3 =	sor.u32 $0x4, s2  }
0x168: {  	s7 =	smul.u32 $0x680, s3;
	v52 =	vadd.f32 v61, v52;
	_ =	sdelay $0x1  }
0x169: {  	s4 =	sshra.s32 s7, $0x2;
	[tilespmem:$0xC6F0] =	vst v52  }
0x16a: {  	v52 =	vld [tilespmem:s4+$0x800]  }
0x16b: {  	v62 =	vld [tilespmem:s4+$0x810];
	_ =	sdelay $0x1  }
0x16c: {  	v63 =	vld [tilespmem:s4+$0x820];
	_ =	sdelay $0x1  }
0x16d: {  	v60 =	vld [tilespmem:s4+$0x830]  }
0x16e: {  	v61 =	vmul.f32 v52, v52;
	v52 =	vadd.f32 v62, v52;
	v53 =	vmul.f32 v62, v62  }
0x16f: {  	v62 =	vld [tilespmem:s4+$0x840]  }
0x170: {  	v54 =	vmul.f32 v63, v63;
	v53 =	vadd.f32 v53, v61;
	v52 =	vadd.f32 v63, v52  }
0x171: {  	v63 =	vld [tilespmem:s4+$0x850]  }
0x172: {  	v59 =	vmul.f32 v60, v60;
	v53 =	vadd.f32 v54, v53;
	v52 =	vadd.f32 v60, v52  }
0x173: {  	v55 =	vld [tilespmem:s4+$0x860]  }
0x174: {  	v60 =	vmul.f32 v62, v62;
	v53 =	vadd.f32 v59, v53;
	v52 =	vadd.f32 v62, v52  }
0x175: {  	v61 =	vld [tilespmem:s4+$0x870]  }
0x176: {  	v62 =	vmul.f32 v63, v63;
	v53 =	vadd.f32 v60, v53;
	v52 =	vadd.f32 v63, v52  }
0x177: {  	v63 =	vld [tilespmem:s4+$0x880]  }
0x178: {  	v59 =	vmul.f32 v55, v55;
	v53 =	vadd.f32 v62, v53;
	v52 =	vadd.f32 v55, v52  }
0x179: {  	v55 =	vld [tilespmem:s4+$0x890]  }
0x17a: {  	v60 =	vmul.f32 v61, v61;
	v53 =	vadd.f32 v59, v53;
	v52 =	vadd.f32 v61, v52  }
0x17b: {  	v61 =	vld [tilespmem:s4+$0x8A0]  }
0x17c: {  	v62 =	vmul.f32 v63, v63;
	v53 =	vadd.f32 v60, v53;
	v52 =	vadd.f32 v63, v52  }
0x17d: {  	v63 =	vld [tilespmem:s4+$0x8B0]  }
0x17e: {  	v59 =	vmul.f32 v55, v55;
	v53 =	vadd.f32 v62, v53;
	v52 =	vadd.f32 v55, v52  }
0x17f: {  	v55 =	vld [tilespmem:s4+$0x8C0]  }
0x180: {  	v60 =	vmul.f32 v61, v61;
	v53 =	vadd.f32 v59, v53;
	v52 =	vadd.f32 v61, v52  }
0x181: {  	v61 =	vld [tilespmem:s4+$0x8D0]  }
0x182: {  	v62 =	vmul.f32 v63, v63;
	v53 =	vadd.f32 v60, v53;
	v52 =	vadd.f32 v63, v52  }
0x183: {  	v63 =	vld [tilespmem:s4+$0x8E0]  }
0x184: {  	v59 =	vmul.f32 v55, v55;
	v53 =	vadd.f32 v62, v53;
	v52 =	vadd.f32 v55, v52  }
0x185: {  	v55 =	vld [tilespmem:s4+$0x8F0]  }
0x186: {  	v60 =	vmul.f32 v61, v61;
	v53 =	vadd.f32 v59, v53;
	v52 =	vadd.f32 v61, v52  }
0x187: {  	v61 =	vld [tilespmem:s4+$0x900]  }
0x188: {  	v62 =	vmul.f32 v63, v63;
	v53 =	vadd.f32 v60, v53;
	v52 =	vadd.f32 v63, v52  }
0x189: {  	v63 =	vld [tilespmem:s4+$0x910]  }
0x18a: {  	v59 =	vmul.f32 v55, v55;
	v53 =	vadd.f32 v62, v53;
	v52 =	vadd.f32 v55, v52  }
0x18b: {  	(v2sf) =	vpush v50, $0x4;
	v55 =	vld [tilespmem:s4+$0x920]  }
0x18c: {  	v60 =	vmul.f32 v61, v61;
	v53 =	vadd.f32 v59, v53;
	v52 =	vadd.f32 v61, v52  }
0x18d: {  	v61 =	vld [tilespmem:s4+$0x930]  }
0x18e: {  	v62 =	vmul.f32 v63, v63;
	v53 =	vadd.f32 v60, v53;
	v52 =	vadd.f32 v63, v52  }
0x18f: {  	(v2sf) =	vpush v51, $0x4;
	v63 =	vld [tilespmem:s4+$0x940]  }
0x190: {  	v59 =	vmul.f32 v55, v55;
	v53 =	vadd.f32 v62, v53;
	v52 =	vadd.f32 v55, v52  }
0x191: {  	v60 =	vld [tilespmem:s4+$0x950]  }
0x192: {  	v53 =	vadd.f32 v59, v53;
	v52 =	vadd.f32 v61, v52;
	v61 =	vmul.f32 v61, v61  }
0x193: {  	v62 =	vld [tilespmem:s4+$0x960]  }
0x194: {  	v53 =	vadd.f32 v61, v53;
	v52 =	vadd.f32 v63, v52;
	v63 =	vmul.f32 v63, v63  }
0x195: {  	v56 =	vld [tilespmem:s4+$0x970]  }
0x196: {  	v53 =	vadd.f32 v63, v53;
	v52 =	vadd.f32 v60, v52;
	v60 =	vmul.f32 v60, v60  }
0x197: {  	v61 =	vld [tilespmem:s4+$0x980]  }
0x198: {  	v53 =	vadd.f32 v60, v53;
	v52 =	vadd.f32 v62, v52;
	v62 =	vmul.f32 v62, v62  }
0x199: {  	v63 =	vld [tilespmem:s4+$0x990]  }
0x19a: {  	v60 =	vmul.f32 v56, v56;
	v53 =	vadd.f32 v62, v53;
	v52 =	vadd.f32 v56, v52  }
0x19b: {  	s5 =	spop (v2sf)  }
0x19c: {  	s6 =	sshll.u32 s3, $0x7;
	s7 =	sand.u32 $0xFFFFFFF8, s5;
	v53 =	vadd.f32 v60, v53;
	v52 =	vadd.f32 v61, v52;
	v61 =	vmul.f32 v61, v61  }
0x19d: {  	s3 =	sshll.u32 s3, $0x5;
	s4 =	sand.u32 $0x7, s5;
	s5 =	sadd.s32 s7, s6  }
0x19e: {  	s4 =	sor.u32 s4, s5;
	s5 =	spop (v2sf);
	v62 =	vmul.f32 v63, v63;
	v60 =	vld [tilespmem:s3+$0xB680];
	v53 =	vadd.f32 v61, v53;
	v52 =	vadd.f32 v63, v52  }
0x19f: {  	s7 =	sand.u32 $0xFFFFFFF8, s5;
	v63 =	vld [tilespmem:s4+$0x7680]  }
0x1a0: {  	v57 =	vld [tilespmem:s3+$0xB690];
	s5 =	sand.u32 $0x7, s5;
	s6 =	sadd.s32 s7, s6;
	v53 =	vadd.f32 v62, v53;
	v52 =	vmul.f32 v52, v52  }
0x1a1: {  	v54 =	vld [tilespmem:s4+$0x7690];
	s4 =	sor.u32 s5, s6  }
0x1a2: {  	v61 =	vld [tilespmem:s4+$0x9680];
	v52 =	vsub.f32 v52, v53  }
0x1a3: {  	v62 =	vld [tilespmem:s3+$0xBE80]  }
0x1a4: {  	v55 =	vmul.f32 v60, v63;
	v63 =	vld [tilespmem:s4+$0x9690];
	v52 =	vmul.f32 $5.000000000e-01, v52  }
0x1a5: {  	v60 =	vld [tilespmem:s3+$0xBE90]  }
0x1a6: {  	v54 =	vmul.f32 v57, v54;
	v52 =	vadd.f32 v52, v55;
	_ =	sdelay $0x1  }
0x1a7: {  	v53 =	vmul.f32 v62, v61;
	v52 =	vadd.f32 v54, v52;
	_ =	sdelay $0x1  }
0x1a8: {  	v61 =	vmul.f32 v60, v63;
	v52 =	vadd.f32 v53, v52  }
0x1a9: {  	s3 =	sor.u32 $0x5, s2  }
0x1aa: {  	s7 =	smul.u32 $0x680, s3;
	v52 =	vadd.f32 v61, v52;
	_ =	sdelay $0x1  }
0x1ab: {  	s4 =	sshra.s32 s7, $0x2;
	[tilespmem:$0xC700] =	vst v52  }
0x1ac: {  	v52 =	vld [tilespmem:s4+$0x800]  }
0x1ad: {  	v62 =	vld [tilespmem:s4+$0x810];
	_ =	sdelay $0x1  }
0x1ae: {  	v63 =	vld [tilespmem:s4+$0x820];
	_ =	sdelay $0x1  }
0x1af: {  	v60 =	vld [tilespmem:s4+$0x830]  }
0x1b0: {  	v61 =	vmul.f32 v52, v52;
	v52 =	vadd.f32 v62, v52;
	v53 =	vmul.f32 v62, v62  }
0x1b1: {  	v62 =	vld [tilespmem:s4+$0x840]  }
0x1b2: {  	v54 =	vmul.f32 v63, v63;
	v53 =	vadd.f32 v53, v61;
	v52 =	vadd.f32 v63, v52  }
0x1b3: {  	v63 =	vld [tilespmem:s4+$0x850]  }
0x1b4: {  	v59 =	vmul.f32 v60, v60;
	v53 =	vadd.f32 v54, v53;
	v52 =	vadd.f32 v60, v52  }
0x1b5: {  	v55 =	vld [tilespmem:s4+$0x860]  }
0x1b6: {  	v60 =	vmul.f32 v62, v62;
	v53 =	vadd.f32 v59, v53;
	v52 =	vadd.f32 v62, v52  }
0x1b7: {  	v61 =	vld [tilespmem:s4+$0x870]  }
0x1b8: {  	v62 =	vmul.f32 v63, v63;
	v53 =	vadd.f32 v60, v53;
	v52 =	vadd.f32 v63, v52  }
0x1b9: {  	v63 =	vld [tilespmem:s4+$0x880]  }
0x1ba: {  	v59 =	vmul.f32 v55, v55;
	v53 =	vadd.f32 v62, v53;
	v52 =	vadd.f32 v55, v52  }
0x1bb: {  	v55 =	vld [tilespmem:s4+$0x890]  }
0x1bc: {  	v60 =	vmul.f32 v61, v61;
	v53 =	vadd.f32 v59, v53;
	v52 =	vadd.f32 v61, v52  }
0x1bd: {  	v61 =	vld [tilespmem:s4+$0x8A0]  }
0x1be: {  	v62 =	vmul.f32 v63, v63;
	v53 =	vadd.f32 v60, v53;
	v52 =	vadd.f32 v63, v52  }
0x1bf: {  	v63 =	vld [tilespmem:s4+$0x8B0]  }
0x1c0: {  	v59 =	vmul.f32 v55, v55;
	v53 =	vadd.f32 v62, v53;
	v52 =	vadd.f32 v55, v52  }
0x1c1: {  	v55 =	vld [tilespmem:s4+$0x8C0]  }
0x1c2: {  	v60 =	vmul.f32 v61, v61;
	v53 =	vadd.f32 v59, v53;
	v52 =	vadd.f32 v61, v52  }
0x1c3: {  	v61 =	vld [tilespmem:s4+$0x8D0]  }
0x1c4: {  	v62 =	vmul.f32 v63, v63;
	v53 =	vadd.f32 v60, v53;
	v52 =	vadd.f32 v63, v52  }
0x1c5: {  	v63 =	vld [tilespmem:s4+$0x8E0]  }
0x1c6: {  	v59 =	vmul.f32 v55, v55;
	v53 =	vadd.f32 v62, v53;
	v52 =	vadd.f32 v55, v52  }
0x1c7: {  	v55 =	vld [tilespmem:s4+$0x8F0]  }
0x1c8: {  	v60 =	vmul.f32 v61, v61;
	v53 =	vadd.f32 v59, v53;
	v52 =	vadd.f32 v61, v52  }
0x1c9: {  	v61 =	vld [tilespmem:s4+$0x900]  }
0x1ca: {  	v62 =	vmul.f32 v63, v63;
	v53 =	vadd.f32 v60, v53;
	v52 =	vadd.f32 v63, v52  }
0x1cb: {  	v63 =	vld [tilespmem:s4+$0x910]  }
0x1cc: {  	v59 =	vmul.f32 v55, v55;
	v53 =	vadd.f32 v62, v53;
	v52 =	vadd.f32 v55, v52  }
0x1cd: {  	(v2sf) =	vpush v50, $0x5;
	v55 =	vld [tilespmem:s4+$0x920]  }
0x1ce: {  	v60 =	vmul.f32 v61, v61;
	v53 =	vadd.f32 v59, v53;
	v52 =	vadd.f32 v61, v52  }
0x1cf: {  	v61 =	vld [tilespmem:s4+$0x930]  }
0x1d0: {  	v62 =	vmul.f32 v63, v63;
	v53 =	vadd.f32 v60, v53;
	v52 =	vadd.f32 v63, v52  }
0x1d1: {  	(v2sf) =	vpush v51, $0x5;
	v63 =	vld [tilespmem:s4+$0x940]  }
0x1d2: {  	v59 =	vmul.f32 v55, v55;
	v53 =	vadd.f32 v62, v53;
	v52 =	vadd.f32 v55, v52  }
0x1d3: {  	v60 =	vld [tilespmem:s4+$0x950]  }
0x1d4: {  	v53 =	vadd.f32 v59, v53;
	v52 =	vadd.f32 v61, v52;
	v61 =	vmul.f32 v61, v61  }
0x1d5: {  	v62 =	vld [tilespmem:s4+$0x960]  }
0x1d6: {  	v53 =	vadd.f32 v61, v53;
	v52 =	vadd.f32 v63, v52;
	v63 =	vmul.f32 v63, v63  }
0x1d7: {  	v56 =	vld [tilespmem:s4+$0x970]  }
0x1d8: {  	v53 =	vadd.f32 v63, v53;
	v52 =	vadd.f32 v60, v52;
	v60 =	vmul.f32 v60, v60  }
0x1d9: {  	v61 =	vld [tilespmem:s4+$0x980]  }
0x1da: {  	v53 =	vadd.f32 v60, v53;
	v52 =	vadd.f32 v62, v52;
	v62 =	vmul.f32 v62, v62  }
0x1db: {  	v63 =	vld [tilespmem:s4+$0x990]  }
0x1dc: {  	v60 =	vmul.f32 v56, v56;
	v53 =	vadd.f32 v62, v53;
	v52 =	vadd.f32 v56, v52  }
0x1dd: {  	s5 =	spop (v2sf)  }
0x1de: {  	s6 =	sshll.u32 s3, $0x7;
	s7 =	sand.u32 $0xFFFFFFF8, s5;
	v53 =	vadd.f32 v60, v53;
	v52 =	vadd.f32 v61, v52;
	v61 =	vmul.f32 v61, v61  }
0x1df: {  	s3 =	sshll.u32 s3, $0x5;
	s4 =	sand.u32 $0x7, s5;
	s5 =	sadd.s32 s7, s6  }
0x1e0: {  	s4 =	sor.u32 s4, s5;
	s5 =	spop (v2sf);
	v62 =	vmul.f32 v63, v63;
	v60 =	vld [tilespmem:s3+$0xB680];
	v53 =	vadd.f32 v61, v53;
	v52 =	vadd.f32 v63, v52  }
0x1e1: {  	s7 =	sand.u32 $0xFFFFFFF8, s5;
	v63 =	vld [tilespmem:s4+$0x7680]  }
0x1e2: {  	v57 =	vld [tilespmem:s3+$0xB690];
	s5 =	sand.u32 $0x7, s5;
	s6 =	sadd.s32 s7, s6;
	v53 =	vadd.f32 v62, v53;
	v52 =	vmul.f32 v52, v52  }
0x1e3: {  	v54 =	vld [tilespmem:s4+$0x7690];
	s4 =	sor.u32 s5, s6  }
0x1e4: {  	v61 =	vld [tilespmem:s4+$0x9680];
	v52 =	vsub.f32 v52, v53  }
0x1e5: {  	v62 =	vld [tilespmem:s3+$0xBE80]  }
0x1e6: {  	v55 =	vmul.f32 v60, v63;
	v63 =	vld [tilespmem:s4+$0x9690];
	v52 =	vmul.f32 $5.000000000e-01, v52  }
0x1e7: {  	v60 =	vld [tilespmem:s3+$0xBE90]  }
0x1e8: {  	v54 =	vmul.f32 v57, v54;
	v52 =	vadd.f32 v52, v55;
	_ =	sdelay $0x1  }
0x1e9: {  	v53 =	vmul.f32 v62, v61;
	v52 =	vadd.f32 v54, v52;
	_ =	sdelay $0x1  }
0x1ea: {  	v61 =	vmul.f32 v60, v63;
	v52 =	vadd.f32 v53, v52  }
0x1eb: {  	s3 =	sor.u32 $0x6, s2  }
0x1ec: {  	s7 =	smul.u32 $0x680, s3;
	v52 =	vadd.f32 v61, v52;
	_ =	sdelay $0x1  }
0x1ed: {  	s4 =	sshra.s32 s7, $0x2;
	[tilespmem:$0xC710] =	vst v52  }
0x1ee: {  	v52 =	vld [tilespmem:s4+$0x800]  }
0x1ef: {  	v62 =	vld [tilespmem:s4+$0x810];
	_ =	sdelay $0x1  }
0x1f0: {  	v63 =	vld [tilespmem:s4+$0x820];
	_ =	sdelay $0x1  }
0x1f1: {  	v60 =	vld [tilespmem:s4+$0x830]  }
0x1f2: {  	v61 =	vmul.f32 v52, v52;
	v52 =	vadd.f32 v62, v52;
	v53 =	vmul.f32 v62, v62  }
0x1f3: {  	v62 =	vld [tilespmem:s4+$0x840]  }
0x1f4: {  	v54 =	vmul.f32 v63, v63;
	v53 =	vadd.f32 v53, v61;
	v52 =	vadd.f32 v63, v52  }
0x1f5: {  	v63 =	vld [tilespmem:s4+$0x850]  }
0x1f6: {  	v59 =	vmul.f32 v60, v60;
	v53 =	vadd.f32 v54, v53;
	v52 =	vadd.f32 v60, v52  }
0x1f7: {  	v55 =	vld [tilespmem:s4+$0x860]  }
0x1f8: {  	v60 =	vmul.f32 v62, v62;
	v53 =	vadd.f32 v59, v53;
	v52 =	vadd.f32 v62, v52  }
0x1f9: {  	v61 =	vld [tilespmem:s4+$0x870]  }
0x1fa: {  	v62 =	vmul.f32 v63, v63;
	v53 =	vadd.f32 v60, v53;
	v52 =	vadd.f32 v63, v52  }
0x1fb: {  	v63 =	vld [tilespmem:s4+$0x880]  }
0x1fc: {  	v59 =	vmul.f32 v55, v55;
	v53 =	vadd.f32 v62, v53;
	v52 =	vadd.f32 v55, v52  }
0x1fd: {  	v55 =	vld [tilespmem:s4+$0x890]  }
0x1fe: {  	v60 =	vmul.f32 v61, v61;
	v53 =	vadd.f32 v59, v53;
	v52 =	vadd.f32 v61, v52  }
0x1ff: {  	v61 =	vld [tilespmem:s4+$0x8A0]  }
0x200: {  	v62 =	vmul.f32 v63, v63;
	v53 =	vadd.f32 v60, v53;
	v52 =	vadd.f32 v63, v52  }
0x201: {  	v63 =	vld [tilespmem:s4+$0x8B0]  }
0x202: {  	v59 =	vmul.f32 v55, v55;
	v53 =	vadd.f32 v62, v53;
	v52 =	vadd.f32 v55, v52  }
0x203: {  	v55 =	vld [tilespmem:s4+$0x8C0]  }
0x204: {  	v60 =	vmul.f32 v61, v61;
	v53 =	vadd.f32 v59, v53;
	v52 =	vadd.f32 v61, v52  }
0x205: {  	v61 =	vld [tilespmem:s4+$0x8D0]  }
0x206: {  	v62 =	vmul.f32 v63, v63;
	v53 =	vadd.f32 v60, v53;
	v52 =	vadd.f32 v63, v52  }
0x207: {  	v63 =	vld [tilespmem:s4+$0x8E0]  }
0x208: {  	v59 =	vmul.f32 v55, v55;
	v53 =	vadd.f32 v62, v53;
	v52 =	vadd.f32 v55, v52  }
0x209: {  	v55 =	vld [tilespmem:s4+$0x8F0]  }
0x20a: {  	v60 =	vmul.f32 v61, v61;
	v53 =	vadd.f32 v59, v53;
	v52 =	vadd.f32 v61, v52  }
0x20b: {  	v61 =	vld [tilespmem:s4+$0x900]  }
0x20c: {  	v62 =	vmul.f32 v63, v63;
	v53 =	vadd.f32 v60, v53;
	v52 =	vadd.f32 v63, v52  }
0x20d: {  	v63 =	vld [tilespmem:s4+$0x910]  }
0x20e: {  	v59 =	vmul.f32 v55, v55;
	v53 =	vadd.f32 v62, v53;
	v52 =	vadd.f32 v55, v52  }
0x20f: {  	(v2sf) =	vpush v50, $0x6;
	v55 =	vld [tilespmem:s4+$0x920]  }
0x210: {  	v60 =	vmul.f32 v61, v61;
	v53 =	vadd.f32 v59, v53;
	v52 =	vadd.f32 v61, v52  }
0x211: {  	v61 =	vld [tilespmem:s4+$0x930]  }
0x212: {  	v62 =	vmul.f32 v63, v63;
	v53 =	vadd.f32 v60, v53;
	v52 =	vadd.f32 v63, v52  }
0x213: {  	(v2sf) =	vpush v51, $0x6;
	v63 =	vld [tilespmem:s4+$0x940]  }
0x214: {  	v59 =	vmul.f32 v55, v55;
	v53 =	vadd.f32 v62, v53;
	v52 =	vadd.f32 v55, v52  }
0x215: {  	v60 =	vld [tilespmem:s4+$0x950]  }
0x216: {  	v53 =	vadd.f32 v59, v53;
	v52 =	vadd.f32 v61, v52;
	v61 =	vmul.f32 v61, v61  }
0x217: {  	v62 =	vld [tilespmem:s4+$0x960]  }
0x218: {  	v53 =	vadd.f32 v61, v53;
	v52 =	vadd.f32 v63, v52;
	v63 =	vmul.f32 v63, v63  }
0x219: {  	v56 =	vld [tilespmem:s4+$0x970]  }
0x21a: {  	v53 =	vadd.f32 v63, v53;
	v52 =	vadd.f32 v60, v52;
	v60 =	vmul.f32 v60, v60  }
0x21b: {  	v61 =	vld [tilespmem:s4+$0x980]  }
0x21c: {  	v53 =	vadd.f32 v60, v53;
	v52 =	vadd.f32 v62, v52;
	v62 =	vmul.f32 v62, v62  }
0x21d: {  	v63 =	vld [tilespmem:s4+$0x990]  }
0x21e: {  	v60 =	vmul.f32 v56, v56;
	v53 =	vadd.f32 v62, v53;
	v52 =	vadd.f32 v56, v52  }
0x21f: {  	s5 =	spop (v2sf)  }
0x220: {  	s6 =	sshll.u32 s3, $0x7;
	s7 =	sand.u32 $0xFFFFFFF8, s5;
	v53 =	vadd.f32 v60, v53;
	v52 =	vadd.f32 v61, v52;
	v61 =	vmul.f32 v61, v61  }
0x221: {  	s3 =	sshll.u32 s3, $0x5;
	s4 =	sand.u32 $0x7, s5;
	s5 =	sadd.s32 s7, s6  }
0x222: {  	s4 =	sor.u32 s4, s5;
	s5 =	spop (v2sf);
	v62 =	vmul.f32 v63, v63;
	v60 =	vld [tilespmem:s3+$0xB680];
	v53 =	vadd.f32 v61, v53;
	v52 =	vadd.f32 v63, v52  }
0x223: {  	s7 =	sand.u32 $0xFFFFFFF8, s5;
	v63 =	vld [tilespmem:s4+$0x7680]  }
0x224: {  	v57 =	vld [tilespmem:s3+$0xB690];
	s5 =	sand.u32 $0x7, s5;
	s6 =	sadd.s32 s7, s6;
	v53 =	vadd.f32 v62, v53;
	v52 =	vmul.f32 v52, v52  }
0x225: {  	v54 =	vld [tilespmem:s4+$0x7690];
	s4 =	sor.u32 s5, s6  }
0x226: {  	v61 =	vld [tilespmem:s4+$0x9680];
	v52 =	vsub.f32 v52, v53  }
0x227: {  	v62 =	vld [tilespmem:s3+$0xBE80]  }
0x228: {  	v55 =	vmul.f32 v60, v63;
	v63 =	vld [tilespmem:s4+$0x9690];
	v52 =	vmul.f32 $5.000000000e-01, v52  }
0x229: {  	v60 =	vld [tilespmem:s3+$0xBE90]  }
0x22a: {  	v54 =	vmul.f32 v57, v54;
	v52 =	vadd.f32 v52, v55;
	_ =	sdelay $0x1  }
0x22b: {  	v53 =	vmul.f32 v62, v61;
	v52 =	vadd.f32 v54, v52;
	_ =	sdelay $0x1  }
0x22c: {  	v61 =	vmul.f32 v60, v63;
	v52 =	vadd.f32 v53, v52  }
0x22d: {  	s3 =	sor.u32 $0x7, s2  }
0x22e: {  	s7 =	smul.u32 $0x680, s3;
	v52 =	vadd.f32 v61, v52;
	_ =	sdelay $0x1  }
0x22f: {  	s4 =	sshra.s32 s7, $0x2;
	[tilespmem:$0xC720] =	vst v52  }
0x230: {  	v52 =	vld [tilespmem:s4+$0x800]  }
0x231: {  	v62 =	vld [tilespmem:s4+$0x810];
	_ =	sdelay $0x1  }
0x232: {  	v63 =	vld [tilespmem:s4+$0x820];
	_ =	sdelay $0x1  }
0x233: {  	v60 =	vld [tilespmem:s4+$0x830]  }
0x234: {  	v61 =	vmul.f32 v52, v52;
	v52 =	vadd.f32 v62, v52;
	v53 =	vmul.f32 v62, v62  }
0x235: {  	v62 =	vld [tilespmem:s4+$0x840]  }
0x236: {  	v54 =	vmul.f32 v63, v63;
	v53 =	vadd.f32 v53, v61;
	v52 =	vadd.f32 v63, v52  }
0x237: {  	v63 =	vld [tilespmem:s4+$0x850]  }
0x238: {  	v59 =	vmul.f32 v60, v60;
	v53 =	vadd.f32 v54, v53;
	v52 =	vadd.f32 v60, v52  }
0x239: {  	v55 =	vld [tilespmem:s4+$0x860]  }
0x23a: {  	v60 =	vmul.f32 v62, v62;
	v53 =	vadd.f32 v59, v53;
	v52 =	vadd.f32 v62, v52  }
0x23b: {  	v61 =	vld [tilespmem:s4+$0x870]  }
0x23c: {  	v62 =	vmul.f32 v63, v63;
	v53 =	vadd.f32 v60, v53;
	v52 =	vadd.f32 v63, v52  }
0x23d: {  	v63 =	vld [tilespmem:s4+$0x880]  }
0x23e: {  	v59 =	vmul.f32 v55, v55;
	v53 =	vadd.f32 v62, v53;
	v52 =	vadd.f32 v55, v52  }
0x23f: {  	v55 =	vld [tilespmem:s4+$0x890]  }
0x240: {  	v60 =	vmul.f32 v61, v61;
	v53 =	vadd.f32 v59, v53;
	v52 =	vadd.f32 v61, v52  }
0x241: {  	v61 =	vld [tilespmem:s4+$0x8A0]  }
0x242: {  	v62 =	vmul.f32 v63, v63;
	v53 =	vadd.f32 v60, v53;
	v52 =	vadd.f32 v63, v52  }
0x243: {  	v63 =	vld [tilespmem:s4+$0x8B0]  }
0x244: {  	v59 =	vmul.f32 v55, v55;
	v53 =	vadd.f32 v62, v53;
	v52 =	vadd.f32 v55, v52  }
0x245: {  	v55 =	vld [tilespmem:s4+$0x8C0]  }
0x246: {  	v60 =	vmul.f32 v61, v61;
	v53 =	vadd.f32 v59, v53;
	v52 =	vadd.f32 v61, v52  }
0x247: {  	v61 =	vld [tilespmem:s4+$0x8D0]  }
0x248: {  	v62 =	vmul.f32 v63, v63;
	v53 =	vadd.f32 v60, v53;
	v52 =	vadd.f32 v63, v52  }
0x249: {  	v63 =	vld [tilespmem:s4+$0x8E0]  }
0x24a: {  	v59 =	vmul.f32 v55, v55;
	v53 =	vadd.f32 v62, v53;
	v52 =	vadd.f32 v55, v52  }
0x24b: {  	v55 =	vld [tilespmem:s4+$0x8F0]  }
0x24c: {  	v60 =	vmul.f32 v61, v61;
	v53 =	vadd.f32 v59, v53;
	v52 =	vadd.f32 v61, v52  }
0x24d: {  	v61 =	vld [tilespmem:s4+$0x900]  }
0x24e: {  	v62 =	vmul.f32 v63, v63;
	v53 =	vadd.f32 v60, v53;
	v52 =	vadd.f32 v63, v52  }
0x24f: {  	v63 =	vld [tilespmem:s4+$0x910]  }
0x250: {  	v59 =	vmul.f32 v55, v55;
	v53 =	vadd.f32 v62, v53;
	v52 =	vadd.f32 v55, v52  }
0x251: {  	(v2sf) =	vpush v50, $0x7;
	v55 =	vld [tilespmem:s4+$0x920]  }
0x252: {  	v60 =	vmul.f32 v61, v61;
	v53 =	vadd.f32 v59, v53;
	v52 =	vadd.f32 v61, v52  }
0x253: {  	v61 =	vld [tilespmem:s4+$0x930]  }
0x254: {  	v62 =	vmul.f32 v63, v63;
	v53 =	vadd.f32 v60, v53;
	v52 =	vadd.f32 v63, v52  }
0x255: {  	(v2sf) =	vpush v51, $0x7;
	v63 =	vld [tilespmem:s4+$0x940]  }
0x256: {  	v59 =	vmul.f32 v55, v55;
	v53 =	vadd.f32 v62, v53;
	v52 =	vadd.f32 v55, v52  }
0x257: {  	v60 =	vld [tilespmem:s4+$0x950]  }
0x258: {  	v53 =	vadd.f32 v59, v53;
	v52 =	vadd.f32 v61, v52;
	v61 =	vmul.f32 v61, v61  }
0x259: {  	v62 =	vld [tilespmem:s4+$0x960]  }
0x25a: {  	v53 =	vadd.f32 v61, v53;
	v52 =	vadd.f32 v63, v52;
	v63 =	vmul.f32 v63, v63  }
0x25b: {  	v56 =	vld [tilespmem:s4+$0x970]  }
0x25c: {  	v53 =	vadd.f32 v63, v53;
	v52 =	vadd.f32 v60, v52;
	v60 =	vmul.f32 v60, v60  }
0x25d: {  	v61 =	vld [tilespmem:s4+$0x980]  }
0x25e: {  	v53 =	vadd.f32 v60, v53;
	v52 =	vadd.f32 v62, v52;
	v62 =	vmul.f32 v62, v62  }
0x25f: {  	v63 =	vld [tilespmem:s4+$0x990]  }
0x260: {  	v60 =	vmul.f32 v56, v56;
	v53 =	vadd.f32 v62, v53;
	v52 =	vadd.f32 v56, v52  }
0x261: {  	s5 =	spop (v2sf)  }
0x262: {  	s6 =	sshll.u32 s3, $0x7;
	s7 =	sand.u32 $0xFFFFFFF8, s5;
	v53 =	vadd.f32 v60, v53;
	v52 =	vadd.f32 v61, v52;
	v61 =	vmul.f32 v61, v61  }
0x263: {  	s3 =	sshll.u32 s3, $0x5;
	s4 =	sand.u32 $0x7, s5;
	s5 =	sadd.s32 s7, s6  }
0x264: {  	s4 =	sor.u32 s4, s5;
	s5 =	spop (v2sf);
	v62 =	vmul.f32 v63, v63;
	v60 =	vld [tilespmem:s3+$0xB680];
	v53 =	vadd.f32 v61, v53;
	v52 =	vadd.f32 v63, v52  }
0x265: {  	s7 =	sand.u32 $0xFFFFFFF8, s5;
	v63 =	vld [tilespmem:s4+$0x7680]  }
0x266: {  	v57 =	vld [tilespmem:s3+$0xB690];
	s5 =	sand.u32 $0x7, s5;
	s6 =	sadd.s32 s7, s6;
	v53 =	vadd.f32 v62, v53;
	v52 =	vmul.f32 v52, v52  }
0x267: {  	v54 =	vld [tilespmem:s4+$0x7690];
	s4 =	sor.u32 s5, s6  }
0x268: {  	v61 =	vld [tilespmem:s4+$0x9680];
	v52 =	vsub.f32 v52, v53  }
0x269: {  	v62 =	vld [tilespmem:s3+$0xBE80]  }
0x26a: {  	v55 =	vmul.f32 v60, v63;
	v63 =	vld [tilespmem:s4+$0x9690];
	v52 =	vmul.f32 $5.000000000e-01, v52  }
0x26b: {  	v60 =	vld [tilespmem:s3+$0xBE90]  }
0x26c: {  	v54 =	vmul.f32 v57, v54;
	v52 =	vadd.f32 v52, v55;
	_ =	sdelay $0x1  }
0x26d: {  	v53 =	vmul.f32 v62, v61;
	v52 =	vadd.f32 v54, v52;
	_ =	sdelay $0x1  }
0x26e: {  	v61 =	vmul.f32 v60, v63;
	v52 =	vadd.f32 v53, v52  }
0x26f: {  	s3 =	sor.u32 $0x8, s2  }
0x270: {  	s7 =	smul.u32 $0x680, s3;
	v52 =	vadd.f32 v61, v52;
	_ =	sdelay $0x1  }
0x271: {  	s4 =	sshra.s32 s7, $0x2;
	[tilespmem:$0xC730] =	vst v52  }
0x272: {  	v52 =	vld [tilespmem:s4+$0x800]  }
0x273: {  	v62 =	vld [tilespmem:s4+$0x810];
	_ =	sdelay $0x1  }
0x274: {  	v63 =	vld [tilespmem:s4+$0x820];
	_ =	sdelay $0x1  }
0x275: {  	v60 =	vld [tilespmem:s4+$0x830]  }
0x276: {  	v61 =	vmul.f32 v52, v52;
	v52 =	vadd.f32 v62, v52;
	v53 =	vmul.f32 v62, v62  }
0x277: {  	v62 =	vld [tilespmem:s4+$0x840]  }
0x278: {  	v54 =	vmul.f32 v63, v63;
	v53 =	vadd.f32 v53, v61;
	v52 =	vadd.f32 v63, v52  }
0x279: {  	v63 =	vld [tilespmem:s4+$0x850]  }
0x27a: {  	v59 =	vmul.f32 v60, v60;
	v53 =	vadd.f32 v54, v53;
	v52 =	vadd.f32 v60, v52  }
0x27b: {  	v55 =	vld [tilespmem:s4+$0x860]  }
0x27c: {  	v60 =	vmul.f32 v62, v62;
	v53 =	vadd.f32 v59, v53;
	v52 =	vadd.f32 v62, v52  }
0x27d: {  	v61 =	vld [tilespmem:s4+$0x870]  }
0x27e: {  	v62 =	vmul.f32 v63, v63;
	v53 =	vadd.f32 v60, v53;
	v52 =	vadd.f32 v63, v52  }
0x27f: {  	v63 =	vld [tilespmem:s4+$0x880]  }
0x280: {  	v59 =	vmul.f32 v55, v55;
	v53 =	vadd.f32 v62, v53;
	v52 =	vadd.f32 v55, v52  }
0x281: {  	v55 =	vld [tilespmem:s4+$0x890]  }
0x282: {  	v60 =	vmul.f32 v61, v61;
	v53 =	vadd.f32 v59, v53;
	v52 =	vadd.f32 v61, v52  }
0x283: {  	v61 =	vld [tilespmem:s4+$0x8A0]  }
0x284: {  	v62 =	vmul.f32 v63, v63;
	v53 =	vadd.f32 v60, v53;
	v52 =	vadd.f32 v63, v52  }
0x285: {  	v63 =	vld [tilespmem:s4+$0x8B0]  }
0x286: {  	v59 =	vmul.f32 v55, v55;
	v53 =	vadd.f32 v62, v53;
	v52 =	vadd.f32 v55, v52  }
0x287: {  	v55 =	vld [tilespmem:s4+$0x8C0]  }
0x288: {  	v60 =	vmul.f32 v61, v61;
	v53 =	vadd.f32 v59, v53;
	v52 =	vadd.f32 v61, v52  }
0x289: {  	v61 =	vld [tilespmem:s4+$0x8D0]  }
0x28a: {  	v62 =	vmul.f32 v63, v63;
	v53 =	vadd.f32 v60, v53;
	v52 =	vadd.f32 v63, v52  }
0x28b: {  	v63 =	vld [tilespmem:s4+$0x8E0]  }
0x28c: {  	v59 =	vmul.f32 v55, v55;
	v53 =	vadd.f32 v62, v53;
	v52 =	vadd.f32 v55, v52  }
0x28d: {  	v55 =	vld [tilespmem:s4+$0x8F0]  }
0x28e: {  	v60 =	vmul.f32 v61, v61;
	v53 =	vadd.f32 v59, v53;
	v52 =	vadd.f32 v61, v52  }
0x28f: {  	v61 =	vld [tilespmem:s4+$0x900]  }
0x290: {  	v62 =	vmul.f32 v63, v63;
	v53 =	vadd.f32 v60, v53;
	v52 =	vadd.f32 v63, v52  }
0x291: {  	v63 =	vld [tilespmem:s4+$0x910]  }
0x292: {  	v59 =	vmul.f32 v55, v55;
	v53 =	vadd.f32 v62, v53;
	v52 =	vadd.f32 v55, v52  }
0x293: {  	(v2sf) =	vpush v50, $0x8;
	v55 =	vld [tilespmem:s4+$0x920]  }
0x294: {  	v60 =	vmul.f32 v61, v61;
	v53 =	vadd.f32 v59, v53;
	v52 =	vadd.f32 v61, v52  }
0x295: {  	v61 =	vld [tilespmem:s4+$0x930]  }
0x296: {  	v62 =	vmul.f32 v63, v63;
	v53 =	vadd.f32 v60, v53;
	v52 =	vadd.f32 v63, v52  }
0x297: {  	(v2sf) =	vpush v51, $0x8;
	v63 =	vld [tilespmem:s4+$0x940]  }
0x298: {  	v59 =	vmul.f32 v55, v55;
	v53 =	vadd.f32 v62, v53;
	v52 =	vadd.f32 v55, v52  }
0x299: {  	v60 =	vld [tilespmem:s4+$0x950]  }
0x29a: {  	v53 =	vadd.f32 v59, v53;
	v52 =	vadd.f32 v61, v52;
	v61 =	vmul.f32 v61, v61  }
0x29b: {  	v62 =	vld [tilespmem:s4+$0x960]  }
0x29c: {  	v53 =	vadd.f32 v61, v53;
	v52 =	vadd.f32 v63, v52;
	v63 =	vmul.f32 v63, v63  }
0x29d: {  	v56 =	vld [tilespmem:s4+$0x970]  }
0x29e: {  	v53 =	vadd.f32 v63, v53;
	v52 =	vadd.f32 v60, v52;
	v60 =	vmul.f32 v60, v60  }
0x29f: {  	v61 =	vld [tilespmem:s4+$0x980]  }
0x2a0: {  	v53 =	vadd.f32 v60, v53;
	v52 =	vadd.f32 v62, v52;
	v62 =	vmul.f32 v62, v62  }
0x2a1: {  	v63 =	vld [tilespmem:s4+$0x990]  }
0x2a2: {  	v60 =	vmul.f32 v56, v56;
	v53 =	vadd.f32 v62, v53;
	v52 =	vadd.f32 v56, v52  }
0x2a3: {  	s5 =	spop (v2sf)  }
0x2a4: {  	s6 =	sshll.u32 s3, $0x7;
	s7 =	sand.u32 $0xFFFFFFF8, s5;
	v53 =	vadd.f32 v60, v53;
	v52 =	vadd.f32 v61, v52;
	v61 =	vmul.f32 v61, v61  }
0x2a5: {  	s3 =	sshll.u32 s3, $0x5;
	s4 =	sand.u32 $0x7, s5;
	s5 =	sadd.s32 s7, s6  }
0x2a6: {  	s4 =	sor.u32 s4, s5;
	s5 =	spop (v2sf);
	v62 =	vmul.f32 v63, v63;
	v60 =	vld [tilespmem:s3+$0xB680];
	v53 =	vadd.f32 v61, v53;
	v52 =	vadd.f32 v63, v52  }
0x2a7: {  	s7 =	sand.u32 $0xFFFFFFF8, s5;
	v63 =	vld [tilespmem:s4+$0x7680]  }
0x2a8: {  	v57 =	vld [tilespmem:s3+$0xB690];
	s5 =	sand.u32 $0x7, s5;
	s6 =	sadd.s32 s7, s6;
	v53 =	vadd.f32 v62, v53;
	v52 =	vmul.f32 v52, v52  }
0x2a9: {  	v54 =	vld [tilespmem:s4+$0x7690];
	s4 =	sor.u32 s5, s6  }
0x2aa: {  	v61 =	vld [tilespmem:s4+$0x9680];
	v52 =	vsub.f32 v52, v53  }
0x2ab: {  	v62 =	vld [tilespmem:s3+$0xBE80]  }
0x2ac: {  	v55 =	vmul.f32 v60, v63;
	v63 =	vld [tilespmem:s4+$0x9690];
	v52 =	vmul.f32 $5.000000000e-01, v52  }
0x2ad: {  	v60 =	vld [tilespmem:s3+$0xBE90]  }
0x2ae: {  	v54 =	vmul.f32 v57, v54;
	v52 =	vadd.f32 v52, v55;
	_ =	sdelay $0x1  }
0x2af: {  	v53 =	vmul.f32 v62, v61;
	v52 =	vadd.f32 v54, v52;
	_ =	sdelay $0x1  }
0x2b0: {  	v61 =	vmul.f32 v60, v63;
	v52 =	vadd.f32 v53, v52  }
0x2b1: {  	s3 =	sor.u32 $0x9, s2  }
0x2b2: {  	s7 =	smul.u32 $0x680, s3;
	v52 =	vadd.f32 v61, v52;
	_ =	sdelay $0x1  }
0x2b3: {  	s4 =	sshra.s32 s7, $0x2;
	[tilespmem:$0xC740] =	vst v52  }
0x2b4: {  	v52 =	vld [tilespmem:s4+$0x800]  }
0x2b5: {  	v62 =	vld [tilespmem:s4+$0x810];
	_ =	sdelay $0x1  }
0x2b6: {  	v63 =	vld [tilespmem:s4+$0x820];
	_ =	sdelay $0x1  }
0x2b7: {  	v60 =	vld [tilespmem:s4+$0x830]  }
0x2b8: {  	v61 =	vmul.f32 v52, v52;
	v52 =	vadd.f32 v62, v52;
	v53 =	vmul.f32 v62, v62  }
0x2b9: {  	v62 =	vld [tilespmem:s4+$0x840]  }
0x2ba: {  	v54 =	vmul.f32 v63, v63;
	v53 =	vadd.f32 v53, v61;
	v52 =	vadd.f32 v63, v52  }
0x2bb: {  	v63 =	vld [tilespmem:s4+$0x850]  }
0x2bc: {  	v59 =	vmul.f32 v60, v60;
	v53 =	vadd.f32 v54, v53;
	v52 =	vadd.f32 v60, v52  }
0x2bd: {  	v55 =	vld [tilespmem:s4+$0x860]  }
0x2be: {  	v60 =	vmul.f32 v62, v62;
	v53 =	vadd.f32 v59, v53;
	v52 =	vadd.f32 v62, v52  }
0x2bf: {  	v61 =	vld [tilespmem:s4+$0x870]  }
0x2c0: {  	v62 =	vmul.f32 v63, v63;
	v53 =	vadd.f32 v60, v53;
	v52 =	vadd.f32 v63, v52  }
0x2c1: {  	v63 =	vld [tilespmem:s4+$0x880]  }
0x2c2: {  	v59 =	vmul.f32 v55, v55;
	v53 =	vadd.f32 v62, v53;
	v52 =	vadd.f32 v55, v52  }
0x2c3: {  	v55 =	vld [tilespmem:s4+$0x890]  }
0x2c4: {  	v60 =	vmul.f32 v61, v61;
	v53 =	vadd.f32 v59, v53;
	v52 =	vadd.f32 v61, v52  }
0x2c5: {  	v61 =	vld [tilespmem:s4+$0x8A0]  }
0x2c6: {  	v62 =	vmul.f32 v63, v63;
	v53 =	vadd.f32 v60, v53;
	v52 =	vadd.f32 v63, v52  }
0x2c7: {  	v63 =	vld [tilespmem:s4+$0x8B0]  }
0x2c8: {  	v59 =	vmul.f32 v55, v55;
	v53 =	vadd.f32 v62, v53;
	v52 =	vadd.f32 v55, v52  }
0x2c9: {  	v55 =	vld [tilespmem:s4+$0x8C0]  }
0x2ca: {  	v60 =	vmul.f32 v61, v61;
	v53 =	vadd.f32 v59, v53;
	v52 =	vadd.f32 v61, v52  }
0x2cb: {  	v61 =	vld [tilespmem:s4+$0x8D0]  }
0x2cc: {  	v62 =	vmul.f32 v63, v63;
	v53 =	vadd.f32 v60, v53;
	v52 =	vadd.f32 v63, v52  }
0x2cd: {  	v63 =	vld [tilespmem:s4+$0x8E0]  }
0x2ce: {  	v59 =	vmul.f32 v55, v55;
	v53 =	vadd.f32 v62, v53;
	v52 =	vadd.f32 v55, v52  }
0x2cf: {  	v55 =	vld [tilespmem:s4+$0x8F0]  }
0x2d0: {  	v60 =	vmul.f32 v61, v61;
	v53 =	vadd.f32 v59, v53;
	v52 =	vadd.f32 v61, v52  }
0x2d1: {  	v61 =	vld [tilespmem:s4+$0x900]  }
0x2d2: {  	v62 =	vmul.f32 v63, v63;
	v53 =	vadd.f32 v60, v53;
	v52 =	vadd.f32 v63, v52  }
0x2d3: {  	v63 =	vld [tilespmem:s4+$0x910]  }
0x2d4: {  	v59 =	vmul.f32 v55, v55;
	v53 =	vadd.f32 v62, v53;
	v52 =	vadd.f32 v55, v52  }
0x2d5: {  	(v2sf) =	vpush v50, $0x9;
	v55 =	vld [tilespmem:s4+$0x920]  }
0x2d6: {  	v60 =	vmul.f32 v61, v61;
	v53 =	vadd.f32 v59, v53;
	v52 =	vadd.f32 v61, v52  }
0x2d7: {  	v61 =	vld [tilespmem:s4+$0x930]  }
0x2d8: {  	v62 =	vmul.f32 v63, v63;
	v53 =	vadd.f32 v60, v53;
	v52 =	vadd.f32 v63, v52  }
0x2d9: {  	(v2sf) =	vpush v51, $0x9;
	v63 =	vld [tilespmem:s4+$0x940]  }
0x2da: {  	v59 =	vmul.f32 v55, v55;
	v53 =	vadd.f32 v62, v53;
	v52 =	vadd.f32 v55, v52  }
0x2db: {  	v60 =	vld [tilespmem:s4+$0x950]  }
0x2dc: {  	v53 =	vadd.f32 v59, v53;
	v52 =	vadd.f32 v61, v52;
	v61 =	vmul.f32 v61, v61  }
0x2dd: {  	v62 =	vld [tilespmem:s4+$0x960]  }
0x2de: {  	v53 =	vadd.f32 v61, v53;
	v52 =	vadd.f32 v63, v52;
	v63 =	vmul.f32 v63, v63  }
0x2df: {  	v56 =	vld [tilespmem:s4+$0x970]  }
0x2e0: {  	v53 =	vadd.f32 v63, v53;
	v52 =	vadd.f32 v60, v52;
	v60 =	vmul.f32 v60, v60  }
0x2e1: {  	v61 =	vld [tilespmem:s4+$0x980]  }
0x2e2: {  	v53 =	vadd.f32 v60, v53;
	v52 =	vadd.f32 v62, v52;
	v62 =	vmul.f32 v62, v62  }
0x2e3: {  	v63 =	vld [tilespmem:s4+$0x990]  }
0x2e4: {  	v60 =	vmul.f32 v56, v56;
	v53 =	vadd.f32 v62, v53;
	v52 =	vadd.f32 v56, v52  }
0x2e5: {  	s5 =	spop (v2sf)  }
0x2e6: {  	s6 =	sshll.u32 s3, $0x7;
	s7 =	sand.u32 $0xFFFFFFF8, s5;
	v53 =	vadd.f32 v60, v53;
	v52 =	vadd.f32 v61, v52;
	v61 =	vmul.f32 v61, v61  }
0x2e7: {  	s3 =	sshll.u32 s3, $0x5;
	s4 =	sand.u32 $0x7, s5;
	s5 =	sadd.s32 s7, s6  }
0x2e8: {  	s4 =	sor.u32 s4, s5;
	s5 =	spop (v2sf);
	v62 =	vmul.f32 v63, v63;
	v60 =	vld [tilespmem:s3+$0xB680];
	v53 =	vadd.f32 v61, v53;
	v52 =	vadd.f32 v63, v52  }
0x2e9: {  	s7 =	sand.u32 $0xFFFFFFF8, s5;
	v63 =	vld [tilespmem:s4+$0x7680]  }
0x2ea: {  	v57 =	vld [tilespmem:s3+$0xB690];
	s5 =	sand.u32 $0x7, s5;
	s6 =	sadd.s32 s7, s6;
	v53 =	vadd.f32 v62, v53;
	v52 =	vmul.f32 v52, v52  }
0x2eb: {  	v54 =	vld [tilespmem:s4+$0x7690];
	s4 =	sor.u32 s5, s6  }
0x2ec: {  	v61 =	vld [tilespmem:s4+$0x9680];
	v52 =	vsub.f32 v52, v53  }
0x2ed: {  	v62 =	vld [tilespmem:s3+$0xBE80]  }
0x2ee: {  	v55 =	vmul.f32 v60, v63;
	v63 =	vld [tilespmem:s4+$0x9690];
	v52 =	vmul.f32 $5.000000000e-01, v52  }
0x2ef: {  	v60 =	vld [tilespmem:s3+$0xBE90]  }
0x2f0: {  	v54 =	vmul.f32 v57, v54;
	v52 =	vadd.f32 v52, v55;
	_ =	sdelay $0x1  }
0x2f1: {  	v53 =	vmul.f32 v62, v61;
	v52 =	vadd.f32 v54, v52;
	_ =	sdelay $0x1  }
0x2f2: {  	v61 =	vmul.f32 v60, v63;
	v52 =	vadd.f32 v53, v52  }
0x2f3: {  	s3 =	sor.u32 $0xA, s2  }
0x2f4: {  	s7 =	smul.u32 $0x680, s3;
	v52 =	vadd.f32 v61, v52;
	_ =	sdelay $0x1  }
0x2f5: {  	s4 =	sshra.s32 s7, $0x2;
	[tilespmem:$0xC750] =	vst v52  }
0x2f6: {  	v52 =	vld [tilespmem:s4+$0x800]  }
0x2f7: {  	v62 =	vld [tilespmem:s4+$0x810];
	_ =	sdelay $0x1  }
0x2f8: {  	v63 =	vld [tilespmem:s4+$0x820];
	_ =	sdelay $0x1  }
0x2f9: {  	v60 =	vld [tilespmem:s4+$0x830]  }
0x2fa: {  	v61 =	vmul.f32 v52, v52;
	v52 =	vadd.f32 v62, v52;
	v53 =	vmul.f32 v62, v62  }
0x2fb: {  	v62 =	vld [tilespmem:s4+$0x840]  }
0x2fc: {  	v54 =	vmul.f32 v63, v63;
	v53 =	vadd.f32 v53, v61;
	v52 =	vadd.f32 v63, v52  }
0x2fd: {  	v63 =	vld [tilespmem:s4+$0x850]  }
0x2fe: {  	v59 =	vmul.f32 v60, v60;
	v53 =	vadd.f32 v54, v53;
	v52 =	vadd.f32 v60, v52  }
0x2ff: {  	v55 =	vld [tilespmem:s4+$0x860]  }
0x300: {  	v60 =	vmul.f32 v62, v62;
	v53 =	vadd.f32 v59, v53;
	v52 =	vadd.f32 v62, v52  }
0x301: {  	v61 =	vld [tilespmem:s4+$0x870]  }
0x302: {  	v62 =	vmul.f32 v63, v63;
	v53 =	vadd.f32 v60, v53;
	v52 =	vadd.f32 v63, v52  }
0x303: {  	v63 =	vld [tilespmem:s4+$0x880]  }
0x304: {  	v59 =	vmul.f32 v55, v55;
	v53 =	vadd.f32 v62, v53;
	v52 =	vadd.f32 v55, v52  }
0x305: {  	v55 =	vld [tilespmem:s4+$0x890]  }
0x306: {  	v60 =	vmul.f32 v61, v61;
	v53 =	vadd.f32 v59, v53;
	v52 =	vadd.f32 v61, v52  }
0x307: {  	v61 =	vld [tilespmem:s4+$0x8A0]  }
0x308: {  	v62 =	vmul.f32 v63, v63;
	v53 =	vadd.f32 v60, v53;
	v52 =	vadd.f32 v63, v52  }
0x309: {  	v63 =	vld [tilespmem:s4+$0x8B0]  }
0x30a: {  	v59 =	vmul.f32 v55, v55;
	v53 =	vadd.f32 v62, v53;
	v52 =	vadd.f32 v55, v52  }
0x30b: {  	v55 =	vld [tilespmem:s4+$0x8C0]  }
0x30c: {  	v60 =	vmul.f32 v61, v61;
	v53 =	vadd.f32 v59, v53;
	v52 =	vadd.f32 v61, v52  }
0x30d: {  	v61 =	vld [tilespmem:s4+$0x8D0]  }
0x30e: {  	v62 =	vmul.f32 v63, v63;
	v53 =	vadd.f32 v60, v53;
	v52 =	vadd.f32 v63, v52  }
0x30f: {  	v63 =	vld [tilespmem:s4+$0x8E0]  }
0x310: {  	v59 =	vmul.f32 v55, v55;
	v53 =	vadd.f32 v62, v53;
	v52 =	vadd.f32 v55, v52  }
0x311: {  	v55 =	vld [tilespmem:s4+$0x8F0]  }
0x312: {  	v60 =	vmul.f32 v61, v61;
	v53 =	vadd.f32 v59, v53;
	v52 =	vadd.f32 v61, v52  }
0x313: {  	v61 =	vld [tilespmem:s4+$0x900]  }
0x314: {  	v62 =	vmul.f32 v63, v63;
	v53 =	vadd.f32 v60, v53;
	v52 =	vadd.f32 v63, v52  }
0x315: {  	v63 =	vld [tilespmem:s4+$0x910]  }
0x316: {  	v59 =	vmul.f32 v55, v55;
	v53 =	vadd.f32 v62, v53;
	v52 =	vadd.f32 v55, v52  }
0x317: {  	(v2sf) =	vpush v50, $0xA;
	v55 =	vld [tilespmem:s4+$0x920]  }
0x318: {  	v60 =	vmul.f32 v61, v61;
	v53 =	vadd.f32 v59, v53;
	v52 =	vadd.f32 v61, v52  }
0x319: {  	v61 =	vld [tilespmem:s4+$0x930]  }
0x31a: {  	v62 =	vmul.f32 v63, v63;
	v53 =	vadd.f32 v60, v53;
	v52 =	vadd.f32 v63, v52  }
0x31b: {  	(v2sf) =	vpush v51, $0xA;
	v63 =	vld [tilespmem:s4+$0x940]  }
0x31c: {  	v59 =	vmul.f32 v55, v55;
	v53 =	vadd.f32 v62, v53;
	v52 =	vadd.f32 v55, v52  }
0x31d: {  	v60 =	vld [tilespmem:s4+$0x950]  }
0x31e: {  	v53 =	vadd.f32 v59, v53;
	v52 =	vadd.f32 v61, v52;
	v61 =	vmul.f32 v61, v61  }
0x31f: {  	v62 =	vld [tilespmem:s4+$0x960]  }
0x320: {  	v53 =	vadd.f32 v61, v53;
	v52 =	vadd.f32 v63, v52;
	v63 =	vmul.f32 v63, v63  }
0x321: {  	v56 =	vld [tilespmem:s4+$0x970]  }
0x322: {  	v53 =	vadd.f32 v63, v53;
	v52 =	vadd.f32 v60, v52;
	v60 =	vmul.f32 v60, v60  }
0x323: {  	v61 =	vld [tilespmem:s4+$0x980]  }
0x324: {  	v53 =	vadd.f32 v60, v53;
	v52 =	vadd.f32 v62, v52;
	v62 =	vmul.f32 v62, v62  }
0x325: {  	v63 =	vld [tilespmem:s4+$0x990]  }
0x326: {  	v60 =	vmul.f32 v56, v56;
	v53 =	vadd.f32 v62, v53;
	v52 =	vadd.f32 v56, v52  }
0x327: {  	s5 =	spop (v2sf)  }
0x328: {  	s6 =	sshll.u32 s3, $0x7;
	s7 =	sand.u32 $0xFFFFFFF8, s5;
	v53 =	vadd.f32 v60, v53;
	v52 =	vadd.f32 v61, v52;
	v61 =	vmul.f32 v61, v61  }
0x329: {  	s3 =	sshll.u32 s3, $0x5;
	s4 =	sand.u32 $0x7, s5;
	s5 =	sadd.s32 s7, s6  }
0x32a: {  	s4 =	sor.u32 s4, s5;
	s5 =	spop (v2sf);
	v62 =	vmul.f32 v63, v63;
	v60 =	vld [tilespmem:s3+$0xB680];
	v53 =	vadd.f32 v61, v53;
	v52 =	vadd.f32 v63, v52  }
0x32b: {  	s7 =	sand.u32 $0xFFFFFFF8, s5;
	v63 =	vld [tilespmem:s4+$0x7680]  }
0x32c: {  	v57 =	vld [tilespmem:s3+$0xB690];
	s5 =	sand.u32 $0x7, s5;
	s6 =	sadd.s32 s7, s6;
	v53 =	vadd.f32 v62, v53;
	v52 =	vmul.f32 v52, v52  }
0x32d: {  	v54 =	vld [tilespmem:s4+$0x7690];
	s4 =	sor.u32 s5, s6  }
0x32e: {  	v61 =	vld [tilespmem:s4+$0x9680];
	v52 =	vsub.f32 v52, v53  }
0x32f: {  	v62 =	vld [tilespmem:s3+$0xBE80]  }
0x330: {  	v55 =	vmul.f32 v60, v63;
	v63 =	vld [tilespmem:s4+$0x9690];
	v52 =	vmul.f32 $5.000000000e-01, v52  }
0x331: {  	v60 =	vld [tilespmem:s3+$0xBE90]  }
0x332: {  	v54 =	vmul.f32 v57, v54;
	v52 =	vadd.f32 v52, v55;
	_ =	sdelay $0x1  }
0x333: {  	v53 =	vmul.f32 v62, v61;
	v52 =	vadd.f32 v54, v52;
	_ =	sdelay $0x1  }
0x334: {  	v61 =	vmul.f32 v60, v63;
	v52 =	vadd.f32 v53, v52  }
0x335: {  	s3 =	sor.u32 $0xB, s2  }
0x336: {  	s7 =	smul.u32 $0x680, s3;
	v52 =	vadd.f32 v61, v52;
	_ =	sdelay $0x1  }
0x337: {  	s4 =	sshra.s32 s7, $0x2;
	[tilespmem:$0xC760] =	vst v52  }
0x338: {  	v52 =	vld [tilespmem:s4+$0x800]  }
0x339: {  	v62 =	vld [tilespmem:s4+$0x810];
	_ =	sdelay $0x1  }
0x33a: {  	v63 =	vld [tilespmem:s4+$0x820];
	_ =	sdelay $0x1  }
0x33b: {  	v60 =	vld [tilespmem:s4+$0x830]  }
0x33c: {  	v61 =	vmul.f32 v52, v52;
	v52 =	vadd.f32 v62, v52;
	v53 =	vmul.f32 v62, v62  }
0x33d: {  	v62 =	vld [tilespmem:s4+$0x840]  }
0x33e: {  	v54 =	vmul.f32 v63, v63;
	v53 =	vadd.f32 v53, v61;
	v52 =	vadd.f32 v63, v52  }
0x33f: {  	v63 =	vld [tilespmem:s4+$0x850]  }
0x340: {  	v59 =	vmul.f32 v60, v60;
	v53 =	vadd.f32 v54, v53;
	v52 =	vadd.f32 v60, v52  }
0x341: {  	v55 =	vld [tilespmem:s4+$0x860]  }
0x342: {  	v60 =	vmul.f32 v62, v62;
	v53 =	vadd.f32 v59, v53;
	v52 =	vadd.f32 v62, v52  }
0x343: {  	v61 =	vld [tilespmem:s4+$0x870]  }
0x344: {  	v62 =	vmul.f32 v63, v63;
	v53 =	vadd.f32 v60, v53;
	v52 =	vadd.f32 v63, v52  }
0x345: {  	v63 =	vld [tilespmem:s4+$0x880]  }
0x346: {  	v59 =	vmul.f32 v55, v55;
	v53 =	vadd.f32 v62, v53;
	v52 =	vadd.f32 v55, v52  }
0x347: {  	v55 =	vld [tilespmem:s4+$0x890]  }
0x348: {  	v60 =	vmul.f32 v61, v61;
	v53 =	vadd.f32 v59, v53;
	v52 =	vadd.f32 v61, v52  }
0x349: {  	v61 =	vld [tilespmem:s4+$0x8A0]  }
0x34a: {  	v62 =	vmul.f32 v63, v63;
	v53 =	vadd.f32 v60, v53;
	v52 =	vadd.f32 v63, v52  }
0x34b: {  	v63 =	vld [tilespmem:s4+$0x8B0]  }
0x34c: {  	v59 =	vmul.f32 v55, v55;
	v53 =	vadd.f32 v62, v53;
	v52 =	vadd.f32 v55, v52  }
0x34d: {  	v55 =	vld [tilespmem:s4+$0x8C0]  }
0x34e: {  	v60 =	vmul.f32 v61, v61;
	v53 =	vadd.f32 v59, v53;
	v52 =	vadd.f32 v61, v52  }
0x34f: {  	v61 =	vld [tilespmem:s4+$0x8D0]  }
0x350: {  	v62 =	vmul.f32 v63, v63;
	v53 =	vadd.f32 v60, v53;
	v52 =	vadd.f32 v63, v52  }
0x351: {  	v63 =	vld [tilespmem:s4+$0x8E0]  }
0x352: {  	v59 =	vmul.f32 v55, v55;
	v53 =	vadd.f32 v62, v53;
	v52 =	vadd.f32 v55, v52  }
0x353: {  	v55 =	vld [tilespmem:s4+$0x8F0]  }
0x354: {  	v60 =	vmul.f32 v61, v61;
	v53 =	vadd.f32 v59, v53;
	v52 =	vadd.f32 v61, v52  }
0x355: {  	v61 =	vld [tilespmem:s4+$0x900]  }
0x356: {  	v62 =	vmul.f32 v63, v63;
	v53 =	vadd.f32 v60, v53;
	v52 =	vadd.f32 v63, v52  }
0x357: {  	v63 =	vld [tilespmem:s4+$0x910]  }
0x358: {  	v59 =	vmul.f32 v55, v55;
	v53 =	vadd.f32 v62, v53;
	v52 =	vadd.f32 v55, v52  }
0x359: {  	(v2sf) =	vpush v50, $0xB;
	v55 =	vld [tilespmem:s4+$0x920]  }
0x35a: {  	v60 =	vmul.f32 v61, v61;
	v53 =	vadd.f32 v59, v53;
	v52 =	vadd.f32 v61, v52  }
0x35b: {  	v61 =	vld [tilespmem:s4+$0x930]  }
0x35c: {  	v62 =	vmul.f32 v63, v63;
	v53 =	vadd.f32 v60, v53;
	v52 =	vadd.f32 v63, v52  }
0x35d: {  	(v2sf) =	vpush v51, $0xB;
	v63 =	vld [tilespmem:s4+$0x940]  }
0x35e: {  	v59 =	vmul.f32 v55, v55;
	v53 =	vadd.f32 v62, v53;
	v52 =	vadd.f32 v55, v52  }
0x35f: {  	v60 =	vld [tilespmem:s4+$0x950]  }
0x360: {  	v53 =	vadd.f32 v59, v53;
	v52 =	vadd.f32 v61, v52;
	v61 =	vmul.f32 v61, v61  }
0x361: {  	v62 =	vld [tilespmem:s4+$0x960]  }
0x362: {  	v53 =	vadd.f32 v61, v53;
	v52 =	vadd.f32 v63, v52;
	v63 =	vmul.f32 v63, v63  }
0x363: {  	v56 =	vld [tilespmem:s4+$0x970]  }
0x364: {  	v53 =	vadd.f32 v63, v53;
	v52 =	vadd.f32 v60, v52;
	v60 =	vmul.f32 v60, v60  }
0x365: {  	v61 =	vld [tilespmem:s4+$0x980]  }
0x366: {  	v53 =	vadd.f32 v60, v53;
	v52 =	vadd.f32 v62, v52;
	v62 =	vmul.f32 v62, v62  }
0x367: {  	v63 =	vld [tilespmem:s4+$0x990]  }
0x368: {  	v60 =	vmul.f32 v56, v56;
	v53 =	vadd.f32 v62, v53;
	v52 =	vadd.f32 v56, v52  }
0x369: {  	s5 =	spop (v2sf)  }
0x36a: {  	s6 =	sshll.u32 s3, $0x7;
	s7 =	sand.u32 $0xFFFFFFF8, s5;
	v53 =	vadd.f32 v60, v53;
	v52 =	vadd.f32 v61, v52;
	v61 =	vmul.f32 v61, v61  }
0x36b: {  	s3 =	sshll.u32 s3, $0x5;
	s4 =	sand.u32 $0x7, s5;
	s5 =	sadd.s32 s7, s6  }
0x36c: {  	s4 =	sor.u32 s4, s5;
	s5 =	spop (v2sf);
	v62 =	vmul.f32 v63, v63;
	v60 =	vld [tilespmem:s3+$0xB680];
	v53 =	vadd.f32 v61, v53;
	v52 =	vadd.f32 v63, v52  }
0x36d: {  	s7 =	sand.u32 $0xFFFFFFF8, s5;
	v63 =	vld [tilespmem:s4+$0x7680]  }
0x36e: {  	v57 =	vld [tilespmem:s3+$0xB690];
	s5 =	sand.u32 $0x7, s5;
	s6 =	sadd.s32 s7, s6;
	v53 =	vadd.f32 v62, v53;
	v52 =	vmul.f32 v52, v52  }
0x36f: {  	v54 =	vld [tilespmem:s4+$0x7690];
	s4 =	sor.u32 s5, s6  }
0x370: {  	v61 =	vld [tilespmem:s4+$0x9680];
	v52 =	vsub.f32 v52, v53  }
0x371: {  	v62 =	vld [tilespmem:s3+$0xBE80]  }
0x372: {  	v55 =	vmul.f32 v60, v63;
	v63 =	vld [tilespmem:s4+$0x9690];
	v52 =	vmul.f32 $5.000000000e-01, v52  }
0x373: {  	v60 =	vld [tilespmem:s3+$0xBE90]  }
0x374: {  	v54 =	vmul.f32 v57, v54;
	v52 =	vadd.f32 v52, v55;
	_ =	sdelay $0x1  }
0x375: {  	v53 =	vmul.f32 v62, v61;
	v52 =	vadd.f32 v54, v52;
	_ =	sdelay $0x1  }
0x376: {  	v61 =	vmul.f32 v60, v63;
	v52 =	vadd.f32 v53, v52  }
0x377: {  	s3 =	sor.u32 $0xC, s2  }
0x378: {  	s7 =	smul.u32 $0x680, s3;
	v52 =	vadd.f32 v61, v52;
	_ =	sdelay $0x1  }
0x379: {  	s4 =	sshra.s32 s7, $0x2;
	[tilespmem:$0xC770] =	vst v52  }
0x37a: {  	v52 =	vld [tilespmem:s4+$0x800]  }
0x37b: {  	v62 =	vld [tilespmem:s4+$0x810];
	_ =	sdelay $0x1  }
0x37c: {  	v63 =	vld [tilespmem:s4+$0x820];
	_ =	sdelay $0x1  }
0x37d: {  	v60 =	vld [tilespmem:s4+$0x830]  }
0x37e: {  	v61 =	vmul.f32 v52, v52;
	v52 =	vadd.f32 v62, v52;
	v53 =	vmul.f32 v62, v62  }
0x37f: {  	v62 =	vld [tilespmem:s4+$0x840]  }
0x380: {  	v54 =	vmul.f32 v63, v63;
	v53 =	vadd.f32 v53, v61;
	v52 =	vadd.f32 v63, v52  }
0x381: {  	v63 =	vld [tilespmem:s4+$0x850]  }
0x382: {  	v59 =	vmul.f32 v60, v60;
	v53 =	vadd.f32 v54, v53;
	v52 =	vadd.f32 v60, v52  }
0x383: {  	v55 =	vld [tilespmem:s4+$0x860]  }
0x384: {  	v60 =	vmul.f32 v62, v62;
	v53 =	vadd.f32 v59, v53;
	v52 =	vadd.f32 v62, v52  }
0x385: {  	v61 =	vld [tilespmem:s4+$0x870]  }
0x386: {  	v62 =	vmul.f32 v63, v63;
	v53 =	vadd.f32 v60, v53;
	v52 =	vadd.f32 v63, v52  }
0x387: {  	v63 =	vld [tilespmem:s4+$0x880]  }
0x388: {  	v59 =	vmul.f32 v55, v55;
	v53 =	vadd.f32 v62, v53;
	v52 =	vadd.f32 v55, v52  }
0x389: {  	v55 =	vld [tilespmem:s4+$0x890]  }
0x38a: {  	v60 =	vmul.f32 v61, v61;
	v53 =	vadd.f32 v59, v53;
	v52 =	vadd.f32 v61, v52  }
0x38b: {  	v61 =	vld [tilespmem:s4+$0x8A0]  }
0x38c: {  	v62 =	vmul.f32 v63, v63;
	v53 =	vadd.f32 v60, v53;
	v52 =	vadd.f32 v63, v52  }
0x38d: {  	v63 =	vld [tilespmem:s4+$0x8B0]  }
0x38e: {  	v59 =	vmul.f32 v55, v55;
	v53 =	vadd.f32 v62, v53;
	v52 =	vadd.f32 v55, v52  }
0x38f: {  	v55 =	vld [tilespmem:s4+$0x8C0]  }
0x390: {  	v60 =	vmul.f32 v61, v61;
	v53 =	vadd.f32 v59, v53;
	v52 =	vadd.f32 v61, v52  }
0x391: {  	v61 =	vld [tilespmem:s4+$0x8D0]  }
0x392: {  	v62 =	vmul.f32 v63, v63;
	v53 =	vadd.f32 v60, v53;
	v52 =	vadd.f32 v63, v52  }
0x393: {  	v63 =	vld [tilespmem:s4+$0x8E0]  }
0x394: {  	v59 =	vmul.f32 v55, v55;
	v53 =	vadd.f32 v62, v53;
	v52 =	vadd.f32 v55, v52  }
0x395: {  	v55 =	vld [tilespmem:s4+$0x8F0]  }
0x396: {  	v60 =	vmul.f32 v61, v61;
	v53 =	vadd.f32 v59, v53;
	v52 =	vadd.f32 v61, v52  }
0x397: {  	v61 =	vld [tilespmem:s4+$0x900]  }
0x398: {  	v62 =	vmul.f32 v63, v63;
	v53 =	vadd.f32 v60, v53;
	v52 =	vadd.f32 v63, v52  }
0x399: {  	v63 =	vld [tilespmem:s4+$0x910]  }
0x39a: {  	v59 =	vmul.f32 v55, v55;
	v53 =	vadd.f32 v62, v53;
	v52 =	vadd.f32 v55, v52  }
0x39b: {  	(v2sf) =	vpush v50, $0xC;
	v55 =	vld [tilespmem:s4+$0x920]  }
0x39c: {  	v60 =	vmul.f32 v61, v61;
	v53 =	vadd.f32 v59, v53;
	v52 =	vadd.f32 v61, v52  }
0x39d: {  	v61 =	vld [tilespmem:s4+$0x930]  }
0x39e: {  	v62 =	vmul.f32 v63, v63;
	v53 =	vadd.f32 v60, v53;
	v52 =	vadd.f32 v63, v52  }
0x39f: {  	(v2sf) =	vpush v51, $0xC;
	v63 =	vld [tilespmem:s4+$0x940]  }
0x3a0: {  	v59 =	vmul.f32 v55, v55;
	v53 =	vadd.f32 v62, v53;
	v52 =	vadd.f32 v55, v52  }
0x3a1: {  	v60 =	vld [tilespmem:s4+$0x950]  }
0x3a2: {  	v53 =	vadd.f32 v59, v53;
	v52 =	vadd.f32 v61, v52;
	v61 =	vmul.f32 v61, v61  }
0x3a3: {  	v62 =	vld [tilespmem:s4+$0x960]  }
0x3a4: {  	v53 =	vadd.f32 v61, v53;
	v52 =	vadd.f32 v63, v52;
	v63 =	vmul.f32 v63, v63  }
0x3a5: {  	v56 =	vld [tilespmem:s4+$0x970]  }
0x3a6: {  	v53 =	vadd.f32 v63, v53;
	v52 =	vadd.f32 v60, v52;
	v60 =	vmul.f32 v60, v60  }
0x3a7: {  	v61 =	vld [tilespmem:s4+$0x980]  }
0x3a8: {  	v53 =	vadd.f32 v60, v53;
	v52 =	vadd.f32 v62, v52;
	v62 =	vmul.f32 v62, v62  }
0x3a9: {  	v63 =	vld [tilespmem:s4+$0x990]  }
0x3aa: {  	v60 =	vmul.f32 v56, v56;
	v53 =	vadd.f32 v62, v53;
	v52 =	vadd.f32 v56, v52  }
0x3ab: {  	s5 =	spop (v2sf)  }
0x3ac: {  	s6 =	sshll.u32 s3, $0x7;
	s7 =	sand.u32 $0xFFFFFFF8, s5;
	v53 =	vadd.f32 v60, v53;
	v52 =	vadd.f32 v61, v52;
	v61 =	vmul.f32 v61, v61  }
0x3ad: {  	s3 =	sshll.u32 s3, $0x5;
	s4 =	sand.u32 $0x7, s5;
	s5 =	sadd.s32 s7, s6  }
0x3ae: {  	s4 =	sor.u32 s4, s5;
	s5 =	spop (v2sf);
	v62 =	vmul.f32 v63, v63;
	v60 =	vld [tilespmem:s3+$0xB680];
	v53 =	vadd.f32 v61, v53;
	v52 =	vadd.f32 v63, v52  }
0x3af: {  	s7 =	sand.u32 $0xFFFFFFF8, s5;
	v63 =	vld [tilespmem:s4+$0x7680]  }
0x3b0: {  	v57 =	vld [tilespmem:s3+$0xB690];
	s5 =	sand.u32 $0x7, s5;
	s6 =	sadd.s32 s7, s6;
	v53 =	vadd.f32 v62, v53;
	v52 =	vmul.f32 v52, v52  }
0x3b1: {  	v54 =	vld [tilespmem:s4+$0x7690];
	s4 =	sor.u32 s5, s6  }
0x3b2: {  	v61 =	vld [tilespmem:s4+$0x9680];
	v52 =	vsub.f32 v52, v53  }
0x3b3: {  	v62 =	vld [tilespmem:s3+$0xBE80]  }
0x3b4: {  	v55 =	vmul.f32 v60, v63;
	v63 =	vld [tilespmem:s4+$0x9690];
	v52 =	vmul.f32 $5.000000000e-01, v52  }
0x3b5: {  	v60 =	vld [tilespmem:s3+$0xBE90]  }
0x3b6: {  	v54 =	vmul.f32 v57, v54;
	v52 =	vadd.f32 v52, v55;
	_ =	sdelay $0x1  }
0x3b7: {  	v53 =	vmul.f32 v62, v61;
	v52 =	vadd.f32 v54, v52;
	_ =	sdelay $0x1  }
0x3b8: {  	v61 =	vmul.f32 v60, v63;
	v52 =	vadd.f32 v53, v52  }
0x3b9: {  	s3 =	sor.u32 $0xD, s2  }
0x3ba: {  	s7 =	smul.u32 $0x680, s3;
	v52 =	vadd.f32 v61, v52;
	_ =	sdelay $0x1  }
0x3bb: {  	s4 =	sshra.s32 s7, $0x2;
	[tilespmem:$0xC780] =	vst v52  }
0x3bc: {  	v52 =	vld [tilespmem:s4+$0x800]  }
0x3bd: {  	v62 =	vld [tilespmem:s4+$0x810];
	_ =	sdelay $0x1  }
0x3be: {  	v63 =	vld [tilespmem:s4+$0x820];
	_ =	sdelay $0x1  }
0x3bf: {  	v60 =	vld [tilespmem:s4+$0x830]  }
0x3c0: {  	v61 =	vmul.f32 v52, v52;
	v52 =	vadd.f32 v62, v52;
	v53 =	vmul.f32 v62, v62  }
0x3c1: {  	v62 =	vld [tilespmem:s4+$0x840]  }
0x3c2: {  	v54 =	vmul.f32 v63, v63;
	v53 =	vadd.f32 v53, v61;
	v52 =	vadd.f32 v63, v52  }
0x3c3: {  	v63 =	vld [tilespmem:s4+$0x850]  }
0x3c4: {  	v59 =	vmul.f32 v60, v60;
	v53 =	vadd.f32 v54, v53;
	v52 =	vadd.f32 v60, v52  }
0x3c5: {  	v55 =	vld [tilespmem:s4+$0x860]  }
0x3c6: {  	v60 =	vmul.f32 v62, v62;
	v53 =	vadd.f32 v59, v53;
	v52 =	vadd.f32 v62, v52  }
0x3c7: {  	v61 =	vld [tilespmem:s4+$0x870]  }
0x3c8: {  	v62 =	vmul.f32 v63, v63;
	v53 =	vadd.f32 v60, v53;
	v52 =	vadd.f32 v63, v52  }
0x3c9: {  	v63 =	vld [tilespmem:s4+$0x880]  }
0x3ca: {  	v59 =	vmul.f32 v55, v55;
	v53 =	vadd.f32 v62, v53;
	v52 =	vadd.f32 v55, v52  }
0x3cb: {  	v55 =	vld [tilespmem:s4+$0x890]  }
0x3cc: {  	v60 =	vmul.f32 v61, v61;
	v53 =	vadd.f32 v59, v53;
	v52 =	vadd.f32 v61, v52  }
0x3cd: {  	v61 =	vld [tilespmem:s4+$0x8A0]  }
0x3ce: {  	v62 =	vmul.f32 v63, v63;
	v53 =	vadd.f32 v60, v53;
	v52 =	vadd.f32 v63, v52  }
0x3cf: {  	v63 =	vld [tilespmem:s4+$0x8B0]  }
0x3d0: {  	v59 =	vmul.f32 v55, v55;
	v53 =	vadd.f32 v62, v53;
	v52 =	vadd.f32 v55, v52  }
0x3d1: {  	v55 =	vld [tilespmem:s4+$0x8C0]  }
0x3d2: {  	v60 =	vmul.f32 v61, v61;
	v53 =	vadd.f32 v59, v53;
	v52 =	vadd.f32 v61, v52  }
0x3d3: {  	v61 =	vld [tilespmem:s4+$0x8D0]  }
0x3d4: {  	v62 =	vmul.f32 v63, v63;
	v53 =	vadd.f32 v60, v53;
	v52 =	vadd.f32 v63, v52  }
0x3d5: {  	v63 =	vld [tilespmem:s4+$0x8E0]  }
0x3d6: {  	v59 =	vmul.f32 v55, v55;
	v53 =	vadd.f32 v62, v53;
	v52 =	vadd.f32 v55, v52  }
0x3d7: {  	v55 =	vld [tilespmem:s4+$0x8F0]  }
0x3d8: {  	v60 =	vmul.f32 v61, v61;
	v53 =	vadd.f32 v59, v53;
	v52 =	vadd.f32 v61, v52  }
0x3d9: {  	v61 =	vld [tilespmem:s4+$0x900]  }
0x3da: {  	v62 =	vmul.f32 v63, v63;
	v53 =	vadd.f32 v60, v53;
	v52 =	vadd.f32 v63, v52  }
0x3db: {  	v63 =	vld [tilespmem:s4+$0x910]  }
0x3dc: {  	v59 =	vmul.f32 v55, v55;
	v53 =	vadd.f32 v62, v53;
	v52 =	vadd.f32 v55, v52  }
0x3dd: {  	(v2sf) =	vpush v50, $0xD;
	v55 =	vld [tilespmem:s4+$0x920]  }
0x3de: {  	v60 =	vmul.f32 v61, v61;
	v53 =	vadd.f32 v59, v53;
	v52 =	vadd.f32 v61, v52  }
0x3df: {  	v61 =	vld [tilespmem:s4+$0x930]  }
0x3e0: {  	v62 =	vmul.f32 v63, v63;
	v53 =	vadd.f32 v60, v53;
	v52 =	vadd.f32 v63, v52  }
0x3e1: {  	(v2sf) =	vpush v51, $0xD;
	v63 =	vld [tilespmem:s4+$0x940]  }
0x3e2: {  	v59 =	vmul.f32 v55, v55;
	v53 =	vadd.f32 v62, v53;
	v52 =	vadd.f32 v55, v52  }
0x3e3: {  	v60 =	vld [tilespmem:s4+$0x950]  }
0x3e4: {  	v53 =	vadd.f32 v59, v53;
	v52 =	vadd.f32 v61, v52;
	v61 =	vmul.f32 v61, v61  }
0x3e5: {  	v62 =	vld [tilespmem:s4+$0x960]  }
0x3e6: {  	v53 =	vadd.f32 v61, v53;
	v52 =	vadd.f32 v63, v52;
	v63 =	vmul.f32 v63, v63  }
0x3e7: {  	v56 =	vld [tilespmem:s4+$0x970]  }
0x3e8: {  	v53 =	vadd.f32 v63, v53;
	v52 =	vadd.f32 v60, v52;
	v60 =	vmul.f32 v60, v60  }
0x3e9: {  	v61 =	vld [tilespmem:s4+$0x980]  }
0x3ea: {  	v53 =	vadd.f32 v60, v53;
	v52 =	vadd.f32 v62, v52;
	v62 =	vmul.f32 v62, v62  }
0x3eb: {  	v63 =	vld [tilespmem:s4+$0x990]  }
0x3ec: {  	v60 =	vmul.f32 v56, v56;
	v53 =	vadd.f32 v62, v53;
	v52 =	vadd.f32 v56, v52  }
0x3ed: {  	s5 =	spop (v2sf)  }
0x3ee: {  	s6 =	sshll.u32 s3, $0x7;
	s7 =	sand.u32 $0xFFFFFFF8, s5;
	v53 =	vadd.f32 v60, v53;
	v52 =	vadd.f32 v61, v52;
	v61 =	vmul.f32 v61, v61  }
0x3ef: {  	s3 =	sshll.u32 s3, $0x5;
	s4 =	sand.u32 $0x7, s5;
	s5 =	sadd.s32 s7, s6  }
0x3f0: {  	s4 =	sor.u32 s4, s5;
	s5 =	spop (v2sf);
	v62 =	vmul.f32 v63, v63;
	v60 =	vld [tilespmem:s3+$0xB680];
	v53 =	vadd.f32 v61, v53;
	v52 =	vadd.f32 v63, v52  }
0x3f1: {  	s7 =	sand.u32 $0xFFFFFFF8, s5;
	v63 =	vld [tilespmem:s4+$0x7680]  }
0x3f2: {  	v57 =	vld [tilespmem:s3+$0xB690];
	s5 =	sand.u32 $0x7, s5;
	s6 =	sadd.s32 s7, s6;
	v53 =	vadd.f32 v62, v53;
	v52 =	vmul.f32 v52, v52  }
0x3f3: {  	v54 =	vld [tilespmem:s4+$0x7690];
	s4 =	sor.u32 s5, s6  }
0x3f4: {  	v61 =	vld [tilespmem:s4+$0x9680];
	v52 =	vsub.f32 v52, v53  }
0x3f5: {  	v62 =	vld [tilespmem:s3+$0xBE80]  }
0x3f6: {  	v55 =	vmul.f32 v60, v63;
	v63 =	vld [tilespmem:s4+$0x9690];
	v52 =	vmul.f32 $5.000000000e-01, v52  }
0x3f7: {  	v60 =	vld [tilespmem:s3+$0xBE90]  }
0x3f8: {  	v54 =	vmul.f32 v57, v54;
	v52 =	vadd.f32 v52, v55;
	_ =	sdelay $0x1  }
0x3f9: {  	v53 =	vmul.f32 v62, v61;
	v52 =	vadd.f32 v54, v52;
	_ =	sdelay $0x1  }
0x3fa: {  	v61 =	vmul.f32 v60, v63;
	v52 =	vadd.f32 v53, v52  }
0x3fb: {  	s3 =	sor.u32 $0xE, s2  }
0x3fc: {  	s7 =	smul.u32 $0x680, s3;
	v52 =	vadd.f32 v61, v52;
	_ =	sdelay $0x1  }
0x3fd: {  	s4 =	sshra.s32 s7, $0x2;
	[tilespmem:$0xC790] =	vst v52  }
0x3fe: {  	v52 =	vld [tilespmem:s4+$0x800]  }
0x3ff: {  	v62 =	vld [tilespmem:s4+$0x810];
	_ =	sdelay $0x1  }
0x400: {  	v63 =	vld [tilespmem:s4+$0x820];
	_ =	sdelay $0x1  }
0x401: {  	v60 =	vld [tilespmem:s4+$0x830]  }
0x402: {  	v61 =	vmul.f32 v52, v52;
	v52 =	vadd.f32 v62, v52;
	v53 =	vmul.f32 v62, v62  }
0x403: {  	v62 =	vld [tilespmem:s4+$0x840]  }
0x404: {  	v54 =	vmul.f32 v63, v63;
	v53 =	vadd.f32 v53, v61;
	v52 =	vadd.f32 v63, v52  }
0x405: {  	v63 =	vld [tilespmem:s4+$0x850]  }
0x406: {  	v59 =	vmul.f32 v60, v60;
	v53 =	vadd.f32 v54, v53;
	v52 =	vadd.f32 v60, v52  }
0x407: {  	v55 =	vld [tilespmem:s4+$0x860]  }
0x408: {  	v60 =	vmul.f32 v62, v62;
	v53 =	vadd.f32 v59, v53;
	v52 =	vadd.f32 v62, v52  }
0x409: {  	v61 =	vld [tilespmem:s4+$0x870]  }
0x40a: {  	v62 =	vmul.f32 v63, v63;
	v53 =	vadd.f32 v60, v53;
	v52 =	vadd.f32 v63, v52  }
0x40b: {  	v63 =	vld [tilespmem:s4+$0x880]  }
0x40c: {  	v59 =	vmul.f32 v55, v55;
	v53 =	vadd.f32 v62, v53;
	v52 =	vadd.f32 v55, v52  }
0x40d: {  	v55 =	vld [tilespmem:s4+$0x890]  }
0x40e: {  	v60 =	vmul.f32 v61, v61;
	v53 =	vadd.f32 v59, v53;
	v52 =	vadd.f32 v61, v52  }
0x40f: {  	v61 =	vld [tilespmem:s4+$0x8A0]  }
0x410: {  	v62 =	vmul.f32 v63, v63;
	v53 =	vadd.f32 v60, v53;
	v52 =	vadd.f32 v63, v52  }
0x411: {  	v63 =	vld [tilespmem:s4+$0x8B0]  }
0x412: {  	v59 =	vmul.f32 v55, v55;
	v53 =	vadd.f32 v62, v53;
	v52 =	vadd.f32 v55, v52  }
0x413: {  	v55 =	vld [tilespmem:s4+$0x8C0]  }
0x414: {  	v60 =	vmul.f32 v61, v61;
	v53 =	vadd.f32 v59, v53;
	v52 =	vadd.f32 v61, v52  }
0x415: {  	v61 =	vld [tilespmem:s4+$0x8D0]  }
0x416: {  	v62 =	vmul.f32 v63, v63;
	v53 =	vadd.f32 v60, v53;
	v52 =	vadd.f32 v63, v52  }
0x417: {  	v63 =	vld [tilespmem:s4+$0x8E0]  }
0x418: {  	v59 =	vmul.f32 v55, v55;
	v53 =	vadd.f32 v62, v53;
	v52 =	vadd.f32 v55, v52  }
0x419: {  	v55 =	vld [tilespmem:s4+$0x8F0]  }
0x41a: {  	v60 =	vmul.f32 v61, v61;
	v53 =	vadd.f32 v59, v53;
	v52 =	vadd.f32 v61, v52  }
0x41b: {  	v61 =	vld [tilespmem:s4+$0x900]  }
0x41c: {  	v62 =	vmul.f32 v63, v63;
	v53 =	vadd.f32 v60, v53;
	v52 =	vadd.f32 v63, v52  }
0x41d: {  	v63 =	vld [tilespmem:s4+$0x910]  }
0x41e: {  	v59 =	vmul.f32 v55, v55;
	v53 =	vadd.f32 v62, v53;
	v52 =	vadd.f32 v55, v52  }
0x41f: {  	(v2sf) =	vpush v50, $0xE;
	v55 =	vld [tilespmem:s4+$0x920]  }
0x420: {  	v60 =	vmul.f32 v61, v61;
	v53 =	vadd.f32 v59, v53;
	v52 =	vadd.f32 v61, v52  }
0x421: {  	v61 =	vld [tilespmem:s4+$0x930]  }
0x422: {  	v62 =	vmul.f32 v63, v63;
	v53 =	vadd.f32 v60, v53;
	v52 =	vadd.f32 v63, v52  }
0x423: {  	(v2sf) =	vpush v51, $0xE;
	v63 =	vld [tilespmem:s4+$0x940]  }
0x424: {  	v59 =	vmul.f32 v55, v55;
	v53 =	vadd.f32 v62, v53;
	v52 =	vadd.f32 v55, v52  }
0x425: {  	v60 =	vld [tilespmem:s4+$0x950]  }
0x426: {  	v53 =	vadd.f32 v59, v53;
	v52 =	vadd.f32 v61, v52;
	v61 =	vmul.f32 v61, v61  }
0x427: {  	v62 =	vld [tilespmem:s4+$0x960]  }
0x428: {  	v53 =	vadd.f32 v61, v53;
	v52 =	vadd.f32 v63, v52;
	v63 =	vmul.f32 v63, v63  }
0x429: {  	v56 =	vld [tilespmem:s4+$0x970]  }
0x42a: {  	v53 =	vadd.f32 v63, v53;
	v52 =	vadd.f32 v60, v52;
	v60 =	vmul.f32 v60, v60  }
0x42b: {  	v61 =	vld [tilespmem:s4+$0x980]  }
0x42c: {  	v53 =	vadd.f32 v60, v53;
	v52 =	vadd.f32 v62, v52;
	v62 =	vmul.f32 v62, v62  }
0x42d: {  	v63 =	vld [tilespmem:s4+$0x990]  }
0x42e: {  	v60 =	vmul.f32 v56, v56;
	v53 =	vadd.f32 v62, v53;
	v52 =	vadd.f32 v56, v52  }
0x42f: {  	s5 =	spop (v2sf)  }
0x430: {  	s6 =	sshll.u32 s3, $0x7;
	s7 =	sand.u32 $0xFFFFFFF8, s5;
	v53 =	vadd.f32 v60, v53;
	v52 =	vadd.f32 v61, v52;
	v61 =	vmul.f32 v61, v61  }
0x431: {  	s3 =	sshll.u32 s3, $0x5;
	s4 =	sand.u32 $0x7, s5;
	s5 =	sadd.s32 s7, s6  }
0x432: {  	s4 =	sor.u32 s4, s5;
	s5 =	spop (v2sf);
	v62 =	vmul.f32 v63, v63;
	v60 =	vld [tilespmem:s3+$0xB680];
	v53 =	vadd.f32 v61, v53;
	v52 =	vadd.f32 v63, v52  }
0x433: {  	s7 =	sand.u32 $0xFFFFFFF8, s5;
	v63 =	vld [tilespmem:s4+$0x7680]  }
0x434: {  	v57 =	vld [tilespmem:s3+$0xB690];
	s5 =	sand.u32 $0x7, s5;
	s6 =	sadd.s32 s7, s6;
	v53 =	vadd.f32 v62, v53;
	v52 =	vmul.f32 v52, v52  }
0x435: {  	v54 =	vld [tilespmem:s4+$0x7690];
	s4 =	sor.u32 s5, s6  }
0x436: {  	v61 =	vld [tilespmem:s4+$0x9680];
	v52 =	vsub.f32 v52, v53  }
0x437: {  	v62 =	vld [tilespmem:s3+$0xBE80]  }
0x438: {  	v55 =	vmul.f32 v60, v63;
	v63 =	vld [tilespmem:s4+$0x9690];
	v52 =	vmul.f32 $5.000000000e-01, v52  }
0x439: {  	v60 =	vld [tilespmem:s3+$0xBE90]  }
0x43a: {  	v54 =	vmul.f32 v57, v54;
	v52 =	vadd.f32 v52, v55;
	_ =	sdelay $0x1  }
0x43b: {  	v53 =	vmul.f32 v62, v61;
	v52 =	vadd.f32 v54, v52;
	_ =	sdelay $0x1  }
0x43c: {  	v61 =	vmul.f32 v60, v63;
	v52 =	vadd.f32 v53, v52  }
0x43d: {  	s3 =	sshllo.u32 s0, $0x4  }
0x43e: {  	s7 =	smul.u32 $0x680, s3;
	v52 =	vadd.f32 v61, v52;
	_ =	sdelay $0x1  }
0x43f: {  	s4 =	sshra.s32 s7, $0x2;
	[tilespmem:$0xC7A0] =	vst v52  }
0x440: {  	v52 =	vld [tilespmem:s4+$0x800]  }
0x441: {  	v62 =	vld [tilespmem:s4+$0x810];
	_ =	sdelay $0x1  }
0x442: {  	v63 =	vld [tilespmem:s4+$0x820];
	_ =	sdelay $0x1  }
0x443: {  	v60 =	vld [tilespmem:s4+$0x830]  }
0x444: {  	v61 =	vmul.f32 v52, v52;
	v52 =	vadd.f32 v62, v52;
	v53 =	vmul.f32 v62, v62  }
0x445: {  	v62 =	vld [tilespmem:s4+$0x840]  }
0x446: {  	v54 =	vmul.f32 v63, v63;
	v53 =	vadd.f32 v53, v61;
	v52 =	vadd.f32 v63, v52  }
0x447: {  	v63 =	vld [tilespmem:s4+$0x850]  }
0x448: {  	v59 =	vmul.f32 v60, v60;
	v53 =	vadd.f32 v54, v53;
	v52 =	vadd.f32 v60, v52  }
0x449: {  	v55 =	vld [tilespmem:s4+$0x860]  }
0x44a: {  	v60 =	vmul.f32 v62, v62;
	v53 =	vadd.f32 v59, v53;
	v52 =	vadd.f32 v62, v52  }
0x44b: {  	v61 =	vld [tilespmem:s4+$0x870]  }
0x44c: {  	v62 =	vmul.f32 v63, v63;
	v53 =	vadd.f32 v60, v53;
	v52 =	vadd.f32 v63, v52  }
0x44d: {  	v63 =	vld [tilespmem:s4+$0x880]  }
0x44e: {  	v59 =	vmul.f32 v55, v55;
	v53 =	vadd.f32 v62, v53;
	v52 =	vadd.f32 v55, v52  }
0x44f: {  	v55 =	vld [tilespmem:s4+$0x890]  }
0x450: {  	v60 =	vmul.f32 v61, v61;
	v53 =	vadd.f32 v59, v53;
	v52 =	vadd.f32 v61, v52  }
0x451: {  	v61 =	vld [tilespmem:s4+$0x8A0]  }
0x452: {  	v62 =	vmul.f32 v63, v63;
	v53 =	vadd.f32 v60, v53;
	v52 =	vadd.f32 v63, v52  }
0x453: {  	v63 =	vld [tilespmem:s4+$0x8B0]  }
0x454: {  	v59 =	vmul.f32 v55, v55;
	v53 =	vadd.f32 v62, v53;
	v52 =	vadd.f32 v55, v52  }
0x455: {  	v55 =	vld [tilespmem:s4+$0x8C0]  }
0x456: {  	v60 =	vmul.f32 v61, v61;
	v53 =	vadd.f32 v59, v53;
	v52 =	vadd.f32 v61, v52  }
0x457: {  	v61 =	vld [tilespmem:s4+$0x8D0]  }
0x458: {  	v62 =	vmul.f32 v63, v63;
	v53 =	vadd.f32 v60, v53;
	v52 =	vadd.f32 v63, v52  }
0x459: {  	v63 =	vld [tilespmem:s4+$0x8E0]  }
0x45a: {  	v59 =	vmul.f32 v55, v55;
	v53 =	vadd.f32 v62, v53;
	v52 =	vadd.f32 v55, v52  }
0x45b: {  	v60 =	vld [tilespmem:s4+$0x8F0]  }
0x45c: {  	v53 =	vadd.f32 v59, v53;
	v52 =	vadd.f32 v61, v52;
	v61 =	vmul.f32 v61, v61  }
0x45d: {  	v57 =	vld [tilespmem:s4+$0x900]  }
0x45e: {  	v62 =	vmul.f32 v63, v63;
	v53 =	vadd.f32 v61, v53;
	v52 =	vadd.f32 v63, v52  }
0x45f: {  	v63 =	vld [tilespmem:s4+$0x910]  }
0x460: {  	v53 =	vadd.f32 v62, v53;
	v52 =	vadd.f32 v60, v52;
	v60 =	vmul.f32 v60, v60  }
0x461: {  	(v2sf) =	vpush v50, $0xF;
	v55 =	vld [tilespmem:s4+$0x920]  }
0x462: {  	v62 =	vmul.f32 v57, v57;
	v61 =	vadd.f32 v60, v53;
	v52 =	vadd.f32 v57, v52  }
0x463: {  	v54 =	vld [tilespmem:s4+$0x930]  }
0x464: {  	v50 =	vadd.f32 v62, v61;
	v52 =	vadd.f32 v63, v52;
	v63 =	vmul.f32 v63, v63  }
0x465: {  	(v2sf) =	vpush v51, $0xF;
	v56 =	vld [tilespmem:s4+$0x940]  }
0x466: {  	v61 =	vmul.f32 v55, v55;
	v50 =	vadd.f32 v63, v50;
	v60 =	vadd.f32 v55, v52  }
0x467: {  	v62 =	vld [tilespmem:s4+$0x950]  }
0x468: {  	v63 =	vmul.f32 v54, v54;
	v50 =	vadd.f32 v61, v50;
	v51 =	vadd.f32 v54, v60  }
0x469: {  	v57 =	vld [tilespmem:s4+$0x960]  }
0x46a: {  	v58 =	vmul.f32 v56, v56;
	v50 =	vadd.f32 v63, v50;
	v51 =	vadd.f32 v56, v51  }
0x46b: {  	v59 =	vld [tilespmem:s4+$0x970]  }
0x46c: {  	v60 =	vmul.f32 v62, v62;
	v50 =	vadd.f32 v58, v50;
	v51 =	vadd.f32 v62, v51  }
0x46d: {  	v61 =	vld [tilespmem:s4+$0x980]  }
0x46e: {  	v62 =	vmul.f32 v57, v57;
	v50 =	vadd.f32 v60, v50;
	v51 =	vadd.f32 v57, v51  }
0x46f: {  	v63 =	vld [tilespmem:s4+$0x990]  }
0x470: {  	s5 =	spop (v2sf);
	v57 =	vmul.f32 v59, v59;
	v50 =	vadd.f32 v62, v50;
	v51 =	vadd.f32 v59, v51  }
0x471: {  	s6 =	sshll.u32 s3, $0x7;
	s7 =	sand.u32 $0xFFFFFFF8, s5  }
0x472: {  	s4 =	sand.u32 $0x7, s5;
	s5 =	sadd.s32 s7, s6;
	v58 =	vmul.f32 v61, v61;
	v50 =	vadd.f32 v57, v50;
	v51 =	vadd.f32 v61, v51  }
0x473: {  	s4 =	sor.u32 s4, s5  }
0x474: {  	s3 =	sshll.u32 s3, $0x5;
	s5 =	spop (v2sf);
	v60 =	vld [tilespmem:s4+$0x7680];
	v59 =	vmul.f32 v63, v63;
	v50 =	vadd.f32 v58, v50;
	v51 =	vadd.f32 v63, v51  }
0x475: {  	s7 =	sand.u32 $0xFFFFFFF8, s5;
	v61 =	vld [tilespmem:s3+$0xB680]  }
0x476: {  	v55 =	vld [tilespmem:s3+$0xB690];
	s5 =	sand.u32 $0x7, s5;
	s7 =	sadd.s32 s7, s6;
	v50 =	vadd.f32 v59, v50;
	v51 =	vmul.f32 v51, v51  }
0x477: {  	v52 =	vld [tilespmem:s4+$0x7690];
	s4 =	sor.u32 s5, s7  }
0x478: {  	v62 =	vld [tilespmem:s4+$0x9680];
	v50 =	vsub.f32 v51, v50  }
0x479: {  	v63 =	vld [tilespmem:s3+$0xBE80]  }
0x47a: {  	v53 =	vmul.f32 v61, v60;
	v60 =	vld [tilespmem:s4+$0x9690];
	v50 =	vmul.f32 $5.000000000e-01, v50  }
0x47b: {  	v61 =	vld [tilespmem:s3+$0xBE90]  }
0x47c: {  	v52 =	vmul.f32 v55, v52;
	v50 =	vadd.f32 v50, v53;
	_ =	sdelay $0x1  }
0x47d: {  	v51 =	vmul.f32 v63, v62;
	v50 =	vadd.f32 v52, v50;
	_ =	sdelay $0x1  }
0x47e: {  	v62 =	vmul.f32 v61, v60;
	v50 =	vadd.f32 v51, v50;
	_ =	sdelay $0x1  }
0x47f: {  	v50 =	vadd.f32 v62, v50;
	_ =	sdelay $0x1  }
0x480: {  	[tilespmem:$0xC7B0] =	vst v50  }
0x481: {  	v50 =	vld.idx.msk [tilespmem:v0+s8+$0x0], $0xffff  }
0x482: {  	v63 =	vld.idx.msk [tilespmem:v1+s8+$0x0], $0xffff;
	_ =	sdelay $0x1  }
0x483: {  	v56 =	vld.idx.msk [tilespmem:v2+s8+$0x0], $0xffff;
	_ =	sdelay $0x1  }
0x484: {  	v57 =	vld.idx.msk [tilespmem:v3+s8+$0x0], $0xffff  }
0x485: {  	v50 =	vadd.f32 v63, v50  }
0x486: {  	v58 =	vld.idx.msk [tilespmem:v4+s8+$0x0], $0xffff  }
0x487: {  	v50 =	vadd.f32 v56, v50  }
0x488: {  	v59 =	vld.idx.msk [tilespmem:v5+s8+$0x0], $0xffff  }
0x489: {  	v50 =	vadd.f32 v57, v50  }
0x48a: {  	v60 =	vld.idx.msk [tilespmem:v6+s8+$0x0], $0xffff  }
0x48b: {  	v50 =	vadd.f32 v58, v50  }
0x48c: {  	v61 =	vld.idx.msk [tilespmem:v7+s8+$0x0], $0xffff  }
0x48d: {  	v50 =	vadd.f32 v59, v50  }
0x48e: {  	v62 =	vld.idx.msk [tilespmem:v8+s8+$0x0], $0xffff  }
0x48f: {  	v50 =	vadd.f32 v60, v50  }
0x490: {  	v63 =	vld.idx.msk [tilespmem:v9+s8+$0x0], $0xffff  }
0x491: {  	v50 =	vadd.f32 v61, v50  }
0x492: {  	v57 =	vld.idx.msk [tilespmem:v10+s8+$0x0], $0xffff;
	v58 =	vmov s2  }
0x493: {  	v59 =	vmul.u32 $0x1A, v58;
	v50 =	vadd.f32 v62, v50  }
0x494: {  	v60 =	vld.idx.msk [tilespmem:v11+s8+$0x0], $0xffff  }
0x495: {  	v52 =	vbroadcast v59, $0x0;
	v50 =	vadd.f32 v63, v50  }
0x496: {  	v61 =	vld.idx.msk [tilespmem:v14+s8+$0x0], $0xffff  }
0x497: {  	v62 =	vadd.s32 v12, v52;
	v50 =	vadd.f32 v57, v50  }
0x498: {  	v55 =	vld.idx.msk [tilespmem:v15+s8+$0x0], $0xffff;
	v51 =	vand.u32 $0xFFFFFFF8, v62  }
0x499: {  	v51 =	vor.u32 v13, v51;
	v63 =	vadd.s32 v18, v52;
	v50 =	vadd.f32 v60, v50  }
0x49a: {  	v54 =	vand.u32 $0xFFFFFFF8, v63;
	v60 =	vld.idx.msk [tilespmem:v16+s8+$0x0], $0xffff  }
0x49b: {  	v62 =	vadd.s32 v20, v52;
	v50 =	vadd.f32 v61, v50;
	v61 =	vor.u32 v19, v54  }
0x49c: {  	v63 =	vld.idx.msk [tilespmem:v17+s8+$0x0], $0xffff;
	v54 =	vand.u32 $0xFFFFFFF8, v62  }
0x49d: {  	v59 =	vadd.s32 v22, v52;
	v54 =	vor.u32 v21, v54;
	v50 =	vadd.f32 v55, v50  }
0x49e: {  	v51 =	vld.idx.msk [tilespmem:v51+s21+$0x0], $0xffff;
	v55 =	vand.u32 $0xFFFFFFF8, v59  }
0x49f: {  	v55 =	vor.u32 v23, v55;
	v50 =	vadd.f32 v60, v50;
	v60 =	vadd.s32 v24, v52  }
0x4a0: {  	v53 =	vld.idx.msk [tilespmem:v61+s21+$0x0], $0xffff;
	v56 =	vand.u32 $0xFFFFFFF8, v60  }
0x4a1: {  	v61 =	vadd.s32 v26, v52;
	v50 =	vadd.f32 v63, v50;
	v56 =	vor.u32 v25, v56  }
0x4a2: {  	v54 =	vld.idx.msk [tilespmem:v54+s21+$0x0], $0xffff;
	v57 =	vand.u32 $0xFFFFFFF8, v61  }
0x4a3: {  	v63 =	vadd.s32 v28, v52;
	v62 =	vor.u32 v27, v57;
	v50 =	vadd.f32 v51, v50  }
0x4a4: {  	v57 =	vand.u32 $0xFFFFFFF8, v63;
	v55 =	vld.idx.msk [tilespmem:v55+s21+$0x0], $0xffff  }
0x4a5: {  	v60 =	vadd.s32 v30, v52;
	v50 =	vadd.f32 v53, v50;
	v53 =	vor.u32 v29, v57  }
0x4a6: {  	v57 =	vand.u32 $0xFFFFFFF8, v60;
	v56 =	vld.idx.msk [tilespmem:v56+s21+$0x0], $0xffff  }
0x4a7: {  	v61 =	vadd.s32 v32, v52;
	v50 =	vadd.f32 v54, v50;
	v54 =	vor.u32 v31, v57  }
0x4a8: {  	v51 =	vld.idx.msk [tilespmem:v62+s21+$0x0], $0xffff;
	v57 =	vand.u32 $0xFFFFFFF8, v61  }
0x4a9: {  	v63 =	vadd.s32 v33, v52;
	v62 =	vor.u32 v13, v57;
	v50 =	vadd.f32 v55, v50  }
0x4aa: {  	v57 =	vand.u32 $0xFFFFFFF8, v63;
	v53 =	vld.idx.msk [tilespmem:v53+s21+$0x0], $0xffff  }
0x4ab: {  	v60 =	vadd.s32 v34, v52;
	v50 =	vadd.f32 v56, v50;
	v56 =	vor.u32 v19, v57  }
0x4ac: {  	v57 =	vand.u32 $0xFFFFFFF8, v60;
	v54 =	vld.idx.msk [tilespmem:v54+s21+$0x0], $0xffff  }
0x4ad: {  	v61 =	vadd.s32 v35, v52;
	v50 =	vadd.f32 v51, v50;
	v51 =	vor.u32 v21, v57  }
0x4ae: {  	v55 =	vld.idx.msk [tilespmem:v62+s21+$0x0], $0xffff;
	v57 =	vand.u32 $0xFFFFFFF8, v61  }
0x4af: {  	v63 =	vadd.s32 v36, v52;
	v62 =	vor.u32 v23, v57;
	v50 =	vadd.f32 v53, v50  }
0x4b0: {  	v57 =	vand.u32 $0xFFFFFFF8, v63;
	v56 =	vld.idx.msk [tilespmem:v56+s21+$0x0], $0xffff  }
0x4b1: {  	v60 =	vadd.s32 v37, v52;
	v50 =	vadd.f32 v54, v50;
	v54 =	vor.u32 v25, v57  }
0x4b2: {  	v57 =	vand.u32 $0xFFFFFFF8, v60;
	v51 =	vld.idx.msk [tilespmem:v51+s21+$0x0], $0xffff  }
0x4b3: {  	v61 =	vadd.s32 v38, v52;
	v50 =	vadd.f32 v55, v50;
	v55 =	vor.u32 v27, v57  }
0x4b4: {  	v53 =	vld.idx.msk [tilespmem:v62+s21+$0x0], $0xffff;
	v57 =	vand.u32 $0xFFFFFFF8, v61  }
0x4b5: {  	v63 =	vadd.s32 v39, v52;
	v62 =	vor.u32 v29, v57;
	v50 =	vadd.f32 v56, v50  }
0x4b6: {  	v57 =	vand.u32 $0xFFFFFFF8, v63;
	v54 =	vld.idx.msk [tilespmem:v54+s21+$0x0], $0xffff  }
0x4b7: {  	v60 =	vadd.s32 v40, v52;
	v50 =	vadd.f32 v51, v50;
	v51 =	vor.u32 v31, v57  }
0x4b8: {  	v57 =	vand.u32 $0xFFFFFFF8, v60;
	v55 =	vld.idx.msk [tilespmem:v55+s21+$0x0], $0xffff  }
0x4b9: {  	v61 =	vadd.s32 v41, v52;
	v50 =	vadd.f32 v53, v50;
	v53 =	vor.u32 v13, v57  }
0x4ba: {  	v56 =	vld.idx.msk [tilespmem:v62+s21+$0x0], $0xffff;
	v57 =	vand.u32 $0xFFFFFFF8, v61  }
0x4bb: {  	v63 =	vadd.s32 v42, v52;
	v62 =	vor.u32 v19, v57;
	v50 =	vadd.f32 v54, v50  }
0x4bc: {  	v57 =	vand.u32 $0xFFFFFFF8, v63;
	v51 =	vld.idx.msk [tilespmem:v51+s21+$0x0], $0xffff  }
0x4bd: {  	v60 =	vadd.s32 v43, v52;
	v50 =	vadd.f32 v55, v50;
	v55 =	vor.u32 v21, v57  }
0x4be: {  	v57 =	vand.u32 $0xFFFFFFF8, v60;
	v53 =	vld.idx.msk [tilespmem:v53+s21+$0x0], $0xffff  }
0x4bf: {  	v61 =	vadd.s32 v44, v52;
	v50 =	vadd.f32 v56, v50;
	v56 =	vor.u32 v23, v57  }
0x4c0: {  	v54 =	vld.idx.msk [tilespmem:v62+s21+$0x0], $0xffff;
	v57 =	vand.u32 $0xFFFFFFF8, v61  }
0x4c1: {  	v63 =	vadd.s32 v45, v52;
	v62 =	vor.u32 v25, v57;
	v50 =	vadd.f32 v51, v50  }
0x4c2: {  	v57 =	vand.u32 $0xFFFFFFF8, v63;
	v55 =	vld.idx.msk [tilespmem:v55+s21+$0x0], $0xffff  }
0x4c3: {  	v60 =	vadd.s32 v46, v52;
	v50 =	vadd.f32 v53, v50;
	v53 =	vor.u32 v27, v57  }
0x4c4: {  	v57 =	vand.u32 $0xFFFFFFF8, v60;
	v56 =	vld.idx.msk [tilespmem:v56+s21+$0x0], $0xffff  }
0x4c5: {  	v61 =	vadd.s32 v47, v52;
	v50 =	vadd.f32 v54, v50;
	v54 =	vor.u32 v29, v57  }
0x4c6: {  	v51 =	vld.idx.msk [tilespmem:v62+s21+$0x0], $0xffff;
	v57 =	vand.u32 $0xFFFFFFF8, v61  }
0x4c7: {  	v63 =	vadd.s32 v48, v52;
	v62 =	vor.u32 v31, v57;
	v50 =	vadd.f32 v55, v50  }
0x4c8: {  	v57 =	vand.u32 $0xFFFFFFF8, v63;
	v53 =	vld.idx.msk [tilespmem:v53+s21+$0x0], $0xffff  }
0x4c9: {  	v52 =	vadd.s32 v49, v52;
	v60 =	vor.u32 v13, v57;
	v50 =	vadd.f32 v56, v50  }
0x4ca: {  	v52 =	vand.u32 $0xFFFFFFF8, v52;
	v54 =	vld.idx.msk [tilespmem:v54+s21+$0x0], $0xffff  }
0x4cb: {  	v61 =	vor.u32 v19, v52;
	v50 =	vadd.f32 v51, v50  }
0x4cc: {  	v62 =	vld.idx.msk [tilespmem:v62+s21+$0x0], $0xffff  }
0x4cd: {  	v50 =	vadd.f32 v53, v50  }
0x4ce: {  	v63 =	vld.idx.msk [tilespmem:v60+s21+$0x0], $0xffff  }
0x4cf: {  	v50 =	vadd.f32 v54, v50  }
0x4d0: {  	v51 =	vld.idx.msk [tilespmem:v61+s21+$0x0], $0xffff  }
0x4d1: {  	v50 =	vadd.f32 v62, v50;
	_ =	sdelay $0x1  }
0x4d2: {  	v50 =	vadd.f32 v63, v50;
	_ =	sdelay $0x1  }
0x4d3: {  	v50 =	vadd.f32 v51, v50;
	_ =	sdelay $0x1  }
0x4d4: {  	v50 =	vsub.f32 $0.0e+00, v50;
	_ =	sdelay $0x1  }
0x4d5: {  	v50 =	vmul.f32 $1.442695020e+00, v50;
	_ =	sdelay $0x1  }
0x4d6: {  	(erf) = vpow2.f32 v50;
	_ =	sdelay $0x8  }
0x4d7: {  	v50 =	vpop (erf)  }
0x4d8: {  	v50 =	vadd.f32 $1.000000000e+00, v50;
	_ =	sdelay $0x1  }
0x4d9: {  	(erf) = vrcp.f32 v50;
	_ =	sdelay $0x4  }
0x4da: {  	p0 =	sne.s32 s0, $0x3  }
.Ltmp0:
0x4db: {  	_ = 	snop;
	(pc) =	sbr.rel @p0 .LBB2_3-.Ltmp0, $3  }
0x4dc: {  	_ =	sdelay $0x1  }
0x4dd: {  	v50 =	vpop (erf)  }
0x4de: {  	s0 =	sadd.s32 $0x1, s0;
	[tilespmem:s2+$0xC680] =	vst v50  }
0x4df: {  	s14 =	sadd.s32 $0x1, s14  }
0x4e0: {  	p0 =	sne.s32 s14, $0x8  }
.Ltmp1:
0x4e1: {  	s0 =	sadd.s32 s9, s1;
	(pc) =	sbr.rel @p0 .LBB2_2-.Ltmp1, $4  }
0x4e2: {  	[hbm4b:s0+s10] =	stream.linear.scatter [tilespmem:s11], [sflag:$0x5], $0x40, $0x38;
	[tilespmem:$0xC7C0] =	vst v63  }
0x4e3: {  	_ =	swait.ge [sflag:s15], $0x40  }
0x4e4: {  	[sflag:s15] =	ssyncset.done $0x0  }
0x4e5: {  	[sflag:s15] =	ssyncadd.s32 $0xFFFFFFC0  }
0x4e6: {  	s1 =	rddreg [dreg:$0xc]  }
0x4e7: {  	s0 =	rddreg [dreg:$0xb];
	s1 =	sadd.s32 $0x1, s1  }
0x4e8: {  	p0 =	sne.s32 s1, s0  }
.Ltmp2:
0x4e9: {  	_ = 	snop;
	(pc) =	sbr.rel @p0 .LBB2_1-.Ltmp2, $1  }
0x4ea: {  	_ =	sdelay $0x3  }
0x4eb: {  	_ =	sfence.sel $0x180000  }
0x4ec: {  	[bflag:$0x0] =	sbarrier.arrive $0xFFFF  }
0x4ed: {  	_ =	strace $0x90000047  }
0x4ee: {  	s0 =	stileid.u32;
	[bflag:$0x2] =	sbarrier.arrive $0xFFFF  }
0x4ef: {  	p0 =	sne.s32 s0, $0x0;
	s0 =	rddreg [dreg:$0xa]  }
0x4f0: {  	s0 =	sadd.s32 @!p0 $0x100000, s0  }
0x4f1: {  	[sflag:s0] =	ssyncadd.tile.s32 @!p0 $0x1;
	_ =	shalt  }
.Lfunc_end2:
_tile_overlayer_lowered:
.L_overlay_start_2:
0x4f2: {  	(tag) =	ssettag $0x2  }
0x4f3: {  	s0 =	rddreg [dreg:$0x0];
	s2 =	stileid.u32  }
0x4f4: {  	s1 =	rddreg [dreg:$0x1];
	p0 =	sne.s32 s2, $0x0  }
0x4f5: {  	s3 =	rddreg [dreg:$0x2];
	[bflag:$0x3] =	sbarrier.arrive $0xFFFF;
	s2 =	simm.s32 @!p0 $0x1C05  }
0x4f6: {  	[timem:s3], [sflag:s2] =	dma.local @!p0 [hbm:s0], s1  }
0x4f7: {  	s0 =	simm.s32 @!p0 $0x5  }
0x4f8: {  	_ =	swait.ge @!p0 [sflag:s0], s1  }
0x4f9: {  	s1 =	ssub.s32 @!p0 $0x0, s1;
	[sflag:s0] =	ssyncset.done @!p0 $0x0  }
0x4fa: {  	[sflag:s0] =	ssyncadd.s32 @!p0 s1  }
0x4fb: {  	[bflag:$0x3] =	sbarrier.arrive $0xFFFF  }
0x4fc: {  	_ =	shalt  }

</sc_bundles>
